<compile_context>
chip_gen: v7x
topology: tpu7x:2x2x1
jax: 0.10.2.dev20260603
libtpu: 0.0.44.dev20260713+nightly
codegen_flags: <defaults>
</compile_context>

<pallas_src>
import functools

import jax
import jax.numpy as jnp
from jax import lax
from jax.experimental import pallas as pl
from jax.experimental.pallas import tpu as pltpu
from jax.experimental.pallas import tpu_sc as plsc

N = 10000
H = 128
E = 320000
EL = 100000
CW = 16

NC, NS = 2, 16
NW = NC * NS
ROWS = 2560
RPT = ROWS // NS
G = 32
NG = RPT // G
NPT = 624
TRASH = N
EL_PAD = 102400
DPW = EL_PAD // 128 // NW

_MESH = plsc.VectorSubcoreMesh(core_axis_name="c", subcore_axis_name="s")


def _writeout(s_id, shared, out, width):
  @pl.when(s_id < NS - 1)
  def _():
    base = s_id * NPT
    pltpu.sync_copy(shared.at[pl.ds(base, NPT)], out.at[pl.ds(base, NPT)])

  @pl.when(s_id == NS - 1)
  def _():
    last = (NS - 1) * NPT
    pltpu.sync_copy(shared.at[pl.ds(last, N - last)],
                    out.at[pl.ds(last, N - last)])


@functools.partial(
    pl.kernel,
    out_type=(jax.ShapeDtypeStruct((N, H), jnp.float32),
              jax.ShapeDtypeStruct((N, H), jnp.float32)),
    mesh=_MESH,
    scratch_types=[
        pltpu.VMEM((G, 128), jnp.int32),
        pltpu.VMEM((G, 128), jnp.int32),
        pltpu.VMEM((128, H), jnp.float32),
        pltpu.VMEM((128, H), jnp.float32),
        pltpu.VMEM_SHARED((N + 8, H), jnp.float32),
        pltpu.SemaphoreType.DMA,
        pltpu.SemaphoreType.DMA,
        pltpu.SemaphoreType.DMA,
        pltpu.SemaphoreType.DMA,
    ])
def _segsum(src_f, dst_f, table_f, src_r, dst_r, table_r, acc_f, acc_r,
            idx_all, dst_all, rows0, rows1, acc_s, g0, g1, s0, s1):
  c_id = lax.axis_index("c")
  s_id = lax.axis_index("s")
  base = s_id * NPT

  z16 = jnp.zeros((16,), jnp.float32)

  def zfill(r, carry):
    for k in range(H // 16):
      rows0[r, pl.ds(k * 16, 16)] = z16
    return carry
  lax.fori_loop(0, 128, zfill, 0)

  def zloop(j, carry):
    pltpu.sync_copy(rows0, acc_s.at[pl.ds(base + j * 128, 128)])
    return carry
  lax.fori_loop(0, 5, zloop, 0)

  plsc.subcore_barrier()

  def run(src2d, dst2d, table):
    lo = s_id * RPT

    def group(g, carry):
      gb = lo + g * G
      pltpu.sync_copy(src2d.at[pl.ds(gb, G)], idx_all)
      pltpu.sync_copy(dst2d.at[pl.ds(gb, G)], dst_all)
      pltpu.async_copy(table.at[idx_all.at[0]], rows0, g0)

      def body(i, carry2):
        j0 = 2 * i
        pltpu.async_copy(table.at[idx_all.at[j0 + 1]], rows1, g1)
        pltpu.make_async_copy(table.at[idx_all.at[j0]], rows0, g0).wait()
        pltpu.sync_copy(rows0, acc_s.at[dst_all.at[j0]], add=True)

        @pl.when(i < G // 2 - 1)
        def _():
          pltpu.async_copy(table.at[idx_all.at[j0 + 2]], rows0, g0)
        pltpu.make_async_copy(table.at[idx_all.at[j0 + 1]], rows1, g1).wait()
        pltpu.sync_copy(rows1, acc_s.at[dst_all.at[j0 + 1]], add=True)
        return carry2
      lax.fori_loop(0, G // 2, body, 0)
      return carry
    lax.fori_loop(0, NG, group, 0)

  @pl.when(c_id == 0)
  def _():
    run(src_f, dst_f, table_f)

  @pl.when(c_id == 1)
  def _():
    run(src_r, dst_r, table_r)

  plsc.subcore_barrier()

  @pl.when(c_id == 0)
  def _():
    _writeout(s_id, acc_s, acc_f, H)

  @pl.when(c_id == 1)
  def _():
    _writeout(s_id, acc_s, acc_r, H)


@functools.partial(
    pl.kernel,
    out_type=(jax.ShapeDtypeStruct((N, H), jnp.float32),
              jax.ShapeDtypeStruct((N, H), jnp.float32)),
    mesh=_MESH,
    scratch_types=[
        pltpu.VMEM((G, 128), jnp.int32),
        pltpu.VMEM((128, H), jnp.float32),
        pltpu.VMEM_SHARED((N + 8, H), jnp.float32),
        pltpu.SemaphoreType.DMA,
    ])
def _counts(dst_f, dst_r, cnt_f, cnt_r, dst_all, ones_v, cnt_s, s0):
  c_id = lax.axis_index("c")
  s_id = lax.axis_index("s")
  base = s_id * NPT

  z16 = jnp.zeros((16,), jnp.float32)
  o16 = jnp.ones((16,), jnp.float32)

  def zfill(r, carry):
    for k in range(H // 16):
      ones_v[r, pl.ds(k * 16, 16)] = z16
    return carry
  lax.fori_loop(0, 128, zfill, 0)

  def zloop(j, carry):
    pltpu.sync_copy(ones_v, cnt_s.at[pl.ds(base + j * 128, 128)])
    return carry
  lax.fori_loop(0, 5, zloop, 0)

  def ofill(r, carry):
    for k in range(H // 16):
      ones_v[r, pl.ds(k * 16, 16)] = o16
    return carry
  lax.fori_loop(0, 128, ofill, 0)

  plsc.subcore_barrier()

  def run(dst2d):
    lo = s_id * RPT

    def group(g, carry):
      pltpu.sync_copy(dst2d.at[pl.ds(lo + g * G, G)], dst_all)

      def body(j, carry2):
        pltpu.async_copy(ones_v, cnt_s.at[dst_all.at[j]], s0, add=True)
        return carry2
      lax.fori_loop(0, G, body, 0)

      def drain(j, carry2):
        pltpu.make_async_copy(ones_v, cnt_s.at[dst_all.at[0]], s0).wait()
        return carry2
      lax.fori_loop(0, G, drain, 0)
      return carry
    lax.fori_loop(0, NG, group, 0)

  @pl.when(c_id == 0)
  def _():
    run(dst_f)

  @pl.when(c_id == 1)
  def _():
    run(dst_r)

  plsc.subcore_barrier()

  @pl.when(c_id == 0)
  def _():
    _writeout(s_id, cnt_s, cnt_f, H)

  @pl.when(c_id == 1)
  def _():
    _writeout(s_id, cnt_s, cnt_r, H)


@functools.partial(
    pl.kernel,
    out_type=jax.ShapeDtypeStruct((EL_PAD, 16), jnp.float32),
    mesh=_MESH,
    scratch_types=[
        pltpu.VMEM((128,), jnp.int32),
        pltpu.VMEM((128,), jnp.int32),
        pltpu.VMEM((128,), jnp.int32),
        pltpu.VMEM((128,), jnp.int32),
        pltpu.VMEM((128, H), jnp.float32),
        pltpu.VMEM((128, H), jnp.float32),
        pltpu.VMEM((128, H), jnp.float32),
        pltpu.VMEM((128, H), jnp.float32),
        pltpu.VMEM((128, 16), jnp.float32),
        pltpu.SemaphoreType.DMA,
        pltpu.SemaphoreType.DMA,
        pltpu.SemaphoreType.DMA,
        pltpu.SemaphoreType.DMA,
    ])
def _decoder(el0, el1, oa, ob, res,
             ia0, ib0, ia1, ib1, ra0, rb0, ra1, rb1, rv,
             sa0, sb0, sa1, sb1):
  c_id = lax.axis_index("c")
  s_id = lax.axis_index("s")
  w = c_id * NS + s_id
  base = w * DPW

  def stage_fire(i, ia, ib, ra, rb, sa, sb):
    b0 = (base + i) * 128
    pltpu.sync_copy(el0.at[pl.ds(b0, 128)], ia)
    pltpu.sync_copy(el1.at[pl.ds(b0, 128)], ib)
    pltpu.async_copy(oa.at[ia], ra, sa)
    pltpu.async_copy(ob.at[ib], rb, sb)

  def finish(i, ia, ib, ra, rb, sa, sb):
    pltpu.make_async_copy(oa.at[ia], ra, sa).wait()
    pltpu.make_async_copy(ob.at[ib], rb, sb).wait()

    def row(r, carry):
      acc = ra[r, pl.ds(0, 16)] * rb[r, pl.ds(0, 16)]
      for k in range(1, H // 16):
        acc = acc + ra[r, pl.ds(16 * k, 16)] * rb[r, pl.ds(16 * k, 16)]
      rv[r, pl.ds(0, 16)] = acc
      return carry
    lax.fori_loop(0, 128, row, 0)
    pltpu.sync_copy(rv, res.at[pl.ds((base + i) * 128, 128)])

  stage_fire(0, ia0, ib0, ra0, rb0, sa0, sb0)

  def pair(i, carry):
    stage_fire(2 * i + 1, ia1, ib1, ra1, rb1, sa1, sb1)
    finish(2 * i, ia0, ib0, ra0, rb0, sa0, sb0)
    stage_fire(2 * i + 2, ia0, ib0, ra0, rb0, sa0, sb0)
    finish(2 * i + 1, ia1, ib1, ra1, rb1, sa1, sb1)
    return carry

  lax.fori_loop(0, DPW // 2, pair, 0)
  finish(DPW - 1, ia0, ib0, ra0, rb0, sa0, sb0)


def _lane_sum():
  BR = EL_PAD // 128 // 4

  def body(p_ref, o_ref):
    o_ref[...] = jnp.sum(p_ref[...], axis=2)

  return pl.pallas_call(
      body,
      grid=(4,),
      in_specs=[pl.BlockSpec((BR, 128, 16), lambda i: (i, 0, 0))],
      out_specs=pl.BlockSpec((BR, 128), lambda i: (i, 0)),
      out_shape=jax.ShapeDtypeStruct((EL_PAD // 128, 128), jnp.float32),
  )


_lane_sum_call = _lane_sum()


def _tc_layer(relu):
  BN = 1000

  def body(af_ref, cf_ref, xf_ref, wfl_ref, wfr_ref, bf_ref,
           ar_ref, cr_ref, xr_ref, wrl_ref, wrr_ref, br_ref,
           of_ref, or_ref):
    def one(a, c, x, wl, wr, b):
      mean = a / jnp.maximum(c[:, 0:1], 1.0)
      o = (jnp.dot(mean, wl, preferred_element_type=jnp.float32) + b
           + jnp.dot(x, wr, preferred_element_type=jnp.float32))
      return jnp.maximum(o, 0.0) if relu else o

    of_ref[...] = one(af_ref[...], cf_ref[...], xf_ref[...],
                      wfl_ref[...], wfr_ref[...], bf_ref[...])
    or_ref[...] = one(ar_ref[...], cr_ref[...], xr_ref[...],
                      wrl_ref[...], wrr_ref[...], br_ref[...])

  row_spec = pl.BlockSpec((BN, H), lambda i: (i, 0))
  cnt_spec = pl.BlockSpec((BN, H), lambda i: (i, 0))
  w_spec = pl.BlockSpec((H, H), lambda i: (0, 0))
  b_spec = pl.BlockSpec((1, H), lambda i: (0, 0))
  return pl.pallas_call(
      body,
      grid=(N // BN,),
      in_specs=[row_spec, cnt_spec, row_spec, w_spec, w_spec, b_spec,
                row_spec, cnt_spec, row_spec, w_spec, w_spec, b_spec],
      out_specs=[row_spec, row_spec],
      out_shape=[jax.ShapeDtypeStruct((N, H), jnp.float32),
                 jax.ShapeDtypeStruct((N, H), jnp.float32)],
  )


_tc_relu = _tc_layer(True)
_tc_lin = _tc_layer(False)


def kernel(src_node_id, tgt_node_id, edge_index_fwd, edge_index_rev,
           edge_label_index, emb_src, emb_tgt, W1f_l, W1f_r, W1r_l, W1r_r,
           W2f_l, W2f_r, W2r_l, W2r_r, b1f, b1r, b2f, b2r):
  ep = ROWS * 128 - E
  pad_src = jnp.zeros((ep,), jnp.int32)
  pad_dst = jnp.full((ep,), TRASH, jnp.int32)
  src_f = jnp.concatenate([edge_index_fwd[0], pad_src]).reshape(ROWS, 128)
  dst_f = jnp.concatenate([edge_index_fwd[1], pad_dst]).reshape(ROWS, 128)
  src_r = jnp.concatenate([edge_index_rev[0], pad_src]).reshape(ROWS, 128)
  dst_r = jnp.concatenate([edge_index_rev[1], pad_dst]).reshape(ROWS, 128)
  pad_el = jnp.zeros((EL_PAD - EL,), jnp.int32)
  el0 = jnp.concatenate([edge_label_index[0], pad_el])
  el1 = jnp.concatenate([edge_label_index[1], pad_el])

  cnt_f, cnt_r = _counts(dst_f, dst_r)
  acc1f, acc1r = _segsum(src_f, dst_f, emb_src, src_r, dst_r, emb_tgt)

  h_tgt, h_src = _tc_relu(acc1f, cnt_f, emb_tgt, W1f_l, W1f_r,
                          b1f.reshape(1, H),
                          acc1r, cnt_r, emb_src, W1r_l, W1r_r,
                          b1r.reshape(1, H))

  acc2f, acc2r = _segsum(src_f, dst_f, h_src, src_r, dst_r, h_tgt)

  o_tgt, o_src = _tc_lin(acc2f, cnt_f, h_tgt, W2f_l, W2f_r,
                         b2f.reshape(1, H),
                         acc2r, cnt_r, h_src, W2r_l, W2r_r,
                         b2r.reshape(1, H))

  partial = _decoder(el0, el1, o_src, o_tgt)
  out2d = _lane_sum_call(partial.reshape(EL_PAD // 128, 128, 16))
  return out2d.reshape(EL_PAD)[:EL]

# --- scband reference (transcript-rebuilt; emitter-appended) ---
"""Pipeline reference for scband-model-72112500899973 (READ-ONLY COPY).

The authoritative reference and input builder live on the scoring server;
editing this copy changes nothing except your own understanding.
"""

import jax, jax.numpy as jnp
import numpy as np

N_SRC = 10000
N_TGT = 10000
E = 320000
EL = 100000
H = 128

def _sage(x_src, x_dst, ei, Wl, bl, Wr):
    src, dst = ei[0], ei[1]
    msgs = jnp.take(x_src, src, axis=0)
    s = jax.ops.segment_sum(msgs, dst, num_segments=x_dst.shape[0])
    cnt = jax.ops.segment_sum(jnp.ones((ei.shape[1],), x_src.dtype), dst, num_segments=x_dst.shape[0])
    mean = s / jnp.clip(cnt, 1.0)[:, None]
    return mean @ Wl + bl + x_dst @ Wr

def setup_inputs(seed: int = 0):
    key = jax.random.key(seed)
    ks = jax.random.split(key, 20)
    sc = 1.0 / np.sqrt(H)
    inp = {}
    inp['src_node_id'] = jnp.arange(N_SRC, dtype=jnp.int32)
    inp['tgt_node_id'] = jnp.arange(N_TGT, dtype=jnp.int32)
    inp['edge_index_fwd'] = jax.random.randint(ks[0], (2, E), 0, N_TGT, dtype=jnp.int32)
    inp['edge_index_rev'] = jax.random.randint(ks[1], (2, E), 0, N_SRC, dtype=jnp.int32)
    inp['edge_label_index'] = jax.random.randint(ks[2], (2, EL), 0, N_SRC, dtype=jnp.int32)
    inp['emb_src'] = jax.random.normal(ks[3], (N_SRC, H), dtype=jnp.float32)
    inp['emb_tgt'] = jax.random.normal(ks[4], (N_TGT, H), dtype=jnp.float32)
    names = ['W1f_l', 'W1f_r', 'W1r_l', 'W1r_r', 'W2f_l', 'W2f_r', 'W2r_l', 'W2r_r']
    for i, n in enumerate(names):
        inp[n] = jax.random.normal(ks[5 + i], (H, H), dtype=jnp.float32) * sc
    inp['b1f'] = jnp.zeros((H,), jnp.float32)
    inp['b1r'] = jnp.zeros((H,), jnp.float32)
    inp['b2f'] = jnp.zeros((H,), jnp.float32)
    inp['b2r'] = jnp.zeros((H,), jnp.float32)
    return inp

def reference(src_node_id, tgt_node_id, edge_index_fwd, edge_index_rev, edge_label_index, emb_src, emb_tgt, W1f_l, W1f_r, W1r_l, W1r_r, W2f_l, W2f_r, W2r_l, W2r_r, b1f, b1r, b2f, b2r):
    x_src = jnp.take(emb_src, jnp.clip(src_node_id, 0, N_SRC - 1), axis=0)
    x_tgt = jnp.take(emb_tgt, jnp.clip(tgt_node_id, 0, N_TGT - 1), axis=0)
    h_tgt = jax.nn.relu(_sage(x_src, x_tgt, edge_index_fwd, W1f_l, b1f, W1f_r))
    h_src = jax.nn.relu(_sage(x_tgt, x_src, edge_index_rev, W1r_l, b1r, W1r_r))
    o_tgt = _sage(h_src, h_tgt, edge_index_fwd, W2f_l, b2f, W2f_r)
    o_src = _sage(h_tgt, h_src, edge_index_rev, W2r_l, b2r, W2r_r)
    ea = jnp.take(o_src, edge_label_index[0], axis=0)
    eb = jnp.take(o_tgt, edge_label_index[1], axis=0)
    return jnp.sum(ea * eb, axis=-1)

if __name__ == "__main__":
    import jax
    _d = setup_inputs()
    print(jax.jit(kernel)(*tuple(_d.values())))

</pallas_src>

<mosaic_0001>
#map = affine_map<(d0, d1) -> (0, 0)>
module attributes {stable_mosaic.version = 14 : i64} {
  func.func @_segsum(%arg0: i32, %arg1: i32, %arg2: memref<2560x128xi32, #tpu.memory_space<hbm>>, %arg3: memref<2560x128xi32, #tpu.memory_space<hbm>>, %arg4: memref<10000x128xf32, #tpu.memory_space<hbm>>, %arg5: memref<2560x128xi32, #tpu.memory_space<hbm>>, %arg6: memref<2560x128xi32, #tpu.memory_space<hbm>>, %arg7: memref<10000x128xf32, #tpu.memory_space<hbm>>, %arg8: memref<10000x128xf32, #tpu.memory_space<hbm>>, %arg9: memref<10000x128xf32, #tpu.memory_space<hbm>>, %arg10: memref<32x128xi32, #tpu.memory_space<vmem>>, %arg11: memref<32x128xi32, #tpu.memory_space<vmem>>, %arg12: memref<128x128xf32, #tpu.memory_space<vmem>>, %arg13: memref<128x128xf32, #tpu.memory_space<vmem>>, %arg14: memref<10008x128xf32, #tpu.memory_space<vmem_shared>>, %arg15: memref<!tpu.dma_semaphore, #tpu.memory_space<semaphore_mem>>, %arg16: memref<!tpu.dma_semaphore, #tpu.memory_space<semaphore_mem>>, %arg17: memref<!tpu.dma_semaphore, #tpu.memory_space<semaphore_mem>>, %arg18: memref<!tpu.dma_semaphore, #tpu.memory_space<semaphore_mem>>) attributes {dimension_semantics = [#tpu.dimension_semantics<core_parallel>, #tpu.dimension_semantics<subcore_parallel>], iteration_bounds = array<i64: 2, 16>, scalar_prefetch = 0 : i64, scratch_operands = 9 : i64, tpu.core_type = #tpu.core_type<sc_vector_subcore>, window_params = [{transform_indices = #map}, {transform_indices = #map}, {transform_indices = #map}, {transform_indices = #map}, {transform_indices = #map}, {transform_indices = #map}, {transform_indices = #map}, {transform_indices = #map}]} {
    %mul3A = arith.constant 624 : i32
    %mul3A_0 = arith.muli %arg1, %mul3A : i32
    %broadcast_in_dim3A = arith.constant 0.000000e+00 : f32
    %broadcast_in_dim3A_1 = vector.broadcast %broadcast_in_dim3A : f32 to vector<16xf32>
    %scan3A = arith.constant 0 : i32
    %scan3A_2 = arith.constant 0 : i32
    %scan3A_3 = arith.constant 128 : i32
    %scan3A_4 = arith.addi %scan3A_2, %scan3A_3 : i32
    %scan3A_5 = arith.constant 1 : i32
    scf.for %scan3A_31 = %scan3A_2 to %scan3A_4 step %scan3A_5  : i32 {
      %swap3A = arith.index_cast %scan3A_31 : i32 to index
      %swap3A_32 = arith.constant 0 : index
      %swap3A_33 = tpu.vector_load %arg12[%swap3A, %swap3A_32] {strides = array<i32>} : memref<128x128xf32, #tpu.memory_space<vmem>>, vector<1x16xf32>,
      %swap3A_34 = vector.shape_cast %swap3A_33 : vector<1x16xf32> to vector<16xf32>
      %swap3A_35 = vector.shape_cast %broadcast_in_dim3A_1 : vector<16xf32> to vector<1x16xf32>
      tpu.vector_store %arg12[%swap3A, %swap3A_32], %swap3A_35 {strides = array<i32>} : memref<128x128xf32, #tpu.memory_space<vmem>>, vector<1x16xf32>,
      %swap3A_36 = arith.index_cast %scan3A_31 : i32 to index
      %swap3A_37 = arith.constant 16 : index
      %swap3A_38 = tpu.vector_load %arg12[%swap3A_36, %swap3A_37] {strides = array<i32>} : memref<128x128xf32, #tpu.memory_space<vmem>>, vector<1x16xf32>,
      %swap3A_39 = vector.shape_cast %swap3A_38 : vector<1x16xf32> to vector<16xf32>
      %swap3A_40 = vector.shape_cast %broadcast_in_dim3A_1 : vector<16xf32> to vector<1x16xf32>
      tpu.vector_store %arg12[%swap3A_36, %swap3A_37], %swap3A_40 {strides = array<i32>} : memref<128x128xf32, #tpu.memory_space<vmem>>, vector<1x16xf32>,
      %swap3A_41 = arith.index_cast %scan3A_31 : i32 to index
      %swap3A_42 = arith.constant 32 : index
      %swap3A_43 = tpu.vector_load %arg12[%swap3A_41, %swap3A_42] {strides = array<i32>} : memref<128x128xf32, #tpu.memory_space<vmem>>, vector<1x16xf32>,
      %swap3A_44 = vector.shape_cast %swap3A_43 : vector<1x16xf32> to vector<16xf32>
      %swap3A_45 = vector.shape_cast %broadcast_in_dim3A_1 : vector<16xf32> to vector<1x16xf32>
      tpu.vector_store %arg12[%swap3A_41, %swap3A_42], %swap3A_45 {strides = array<i32>} : memref<128x128xf32, #tpu.memory_space<vmem>>, vector<1x16xf32>,
      %swap3A_46 = arith.index_cast %scan3A_31 : i32 to index
      %swap3A_47 = arith.constant 48 : index
      %swap3A_48 = tpu.vector_load %arg12[%swap3A_46, %swap3A_47] {strides = array<i32>} : memref<128x128xf32, #tpu.memory_space<vmem>>, vector<1x16xf32>,
      %swap3A_49 = vector.shape_cast %swap3A_48 : vector<1x16xf32> to vector<16xf32>
      %swap3A_50 = vector.shape_cast %broadcast_in_dim3A_1 : vector<16xf32> to vector<1x16xf32>
      tpu.vector_store %arg12[%swap3A_46, %swap3A_47], %swap3A_50 {strides = array<i32>} : memref<128x128xf32, #tpu.memory_space<vmem>>, vector<1x16xf32>,
      %swap3A_51 = arith.index_cast %scan3A_31 : i32 to index
      %swap3A_52 = arith.constant 64 : index
      %swap3A_53 = tpu.vector_load %arg12[%swap3A_51, %swap3A_52] {strides = array<i32>} : memref<128x128xf32, #tpu.memory_space<vmem>>, vector<1x16xf32>,
      %swap3A_54 = vector.shape_cast %swap3A_53 : vector<1x16xf32> to vector<16xf32>
      %swap3A_55 = vector.shape_cast %broadcast_in_dim3A_1 : vector<16xf32> to vector<1x16xf32>
      tpu.vector_store %arg12[%swap3A_51, %swap3A_52], %swap3A_55 {strides = array<i32>} : memref<128x128xf32, #tpu.memory_space<vmem>>, vector<1x16xf32>,
      %swap3A_56 = arith.index_cast %scan3A_31 : i32 to index
      %swap3A_57 = arith.constant 80 : index
      %swap3A_58 = tpu.vector_load %arg12[%swap3A_56, %swap3A_57] {strides = array<i32>} : memref<128x128xf32, #tpu.memory_space<vmem>>, vector<1x16xf32>,
      %swap3A_59 = vector.shape_cast %swap3A_58 : vector<1x16xf32> to vector<16xf32>
      %swap3A_60 = vector.shape_cast %broadcast_in_dim3A_1 : vector<16xf32> to vector<1x16xf32>
      tpu.vector_store %arg12[%swap3A_56, %swap3A_57], %swap3A_60 {strides = array<i32>} : memref<128x128xf32, #tpu.memory_space<vmem>>, vector<1x16xf32>,
      %swap3A_61 = arith.index_cast %scan3A_31 : i32 to index
      %swap3A_62 = arith.constant 96 : index
      %swap3A_63 = tpu.vector_load %arg12[%swap3A_61, %swap3A_62] {strides = array<i32>} : memref<128x128xf32, #tpu.memory_space<vmem>>, vector<1x16xf32>,
      %swap3A_64 = vector.shape_cast %swap3A_63 : vector<1x16xf32> to vector<16xf32>
      %swap3A_65 = vector.shape_cast %broadcast_in_dim3A_1 : vector<16xf32> to vector<1x16xf32>
      tpu.vector_store %arg12[%swap3A_61, %swap3A_62], %swap3A_65 {strides = array<i32>} : memref<128x128xf32, #tpu.memory_space<vmem>>, vector<1x16xf32>,
      %swap3A_66 = arith.index_cast %scan3A_31 : i32 to index
      %swap3A_67 = arith.constant 112 : index
      %swap3A_68 = tpu.vector_load %arg12[%swap3A_66, %swap3A_67] {strides = array<i32>} : memref<128x128xf32, #tpu.memory_space<vmem>>, vector<1x16xf32>,
      %swap3A_69 = vector.shape_cast %swap3A_68 : vector<1x16xf32> to vector<16xf32>
      %swap3A_70 = vector.shape_cast %broadcast_in_dim3A_1 : vector<16xf32> to vector<1x16xf32>
      tpu.vector_store %arg12[%swap3A_66, %swap3A_67], %swap3A_70 {strides = array<i32>} : memref<128x128xf32, #tpu.memory_space<vmem>>, vector<1x16xf32>,
    }
    %scan3A_6 = arith.constant 128 : i32
    %scan3A_7 = arith.constant 0 : i32
    %scan3A_8 = arith.constant 0 : i32
    %scan3A_9 = arith.constant 5 : i32
    %scan3A_10 = arith.addi %scan3A_8, %scan3A_9 : i32
    %scan3A_11 = arith.constant 1 : i32
    scf.for %scan3A_31 = %scan3A_8 to %scan3A_10 step %scan3A_11  : i32 {
      %mul3A_32 = arith.constant 128 : i32
      %mul3A_33 = arith.muli %scan3A_31, %mul3A_32 : i32
      %add3A = arith.addi %mul3A_0, %mul3A_33 : i32
      "tpu.region"() ({
        %run_scoped3A = tpu.sem_alloc : memref<!tpu.dma_semaphore, #tpu.memory_space<semaphore_mem>>
        %dma_start3A = arith.constant 0 : i32
        %dma_start3A_34 = tpu.memref_slice %arg14[%add3A, %dma_start3A] : memref<10008x128xf32, #tpu.memory_space<vmem_shared>> -> memref<128x128xf32, #tpu.memory_space<vmem_shared>>
        %dma_start3A_35 = arith.constant 0 : i32
        %dma_start3A_36 = tpu.memref_slice %arg14[%add3A, %dma_start3A_35] : memref<10008x128xf32, #tpu.memory_space<vmem_shared>> -> memref<128x128xf32, #tpu.memory_space<vmem_shared>>
        tpu.enqueue_dma source(%arg12 : memref<128x128xf32, #tpu.memory_space<vmem>>) target(%dma_start3A_36 : memref<128x128xf32, #tpu.memory_space<vmem_shared>>) target_semaphore(%run_scoped3A : memref<!tpu.dma_semaphore, #tpu.memory_space<semaphore_mem>>)
        %dma_wait3A = arith.constant 0 : i32
        %dma_wait3A_37 = tpu.memref_slice %arg14[%add3A, %dma_wait3A] : memref<10008x128xf32, #tpu.memory_space<vmem_shared>> -> memref<128x128xf32, #tpu.memory_space<vmem_shared>>
        %dma_wait3A_38 = arith.constant 0 : i32
        %dma_wait3A_39 = tpu.memref_slice %arg14[%add3A, %dma_wait3A_38] : memref<10008x128xf32, #tpu.memory_space<vmem_shared>> -> memref<128x128xf32, #tpu.memory_space<vmem_shared>>
        tpu.wait_dma2 semaphore(%run_scoped3A : memref<!tpu.dma_semaphore, #tpu.memory_space<semaphore_mem>>) src(%arg12 : memref<128x128xf32, #tpu.memory_space<vmem>>) dst(%dma_wait3A_39 : memref<128x128xf32, #tpu.memory_space<vmem_shared>>)
        tpu.yield
      }) : () -> ()
    }
    %scan3A_12 = arith.constant 5 : i32
    %barrier3A = arith.constant 0 : index
    tpu.barrier barrier_id(%barrier3A)
    %eq3A = arith.constant 0 : i32
    %eq3A_13 = arith.cmpi eq, %arg0, %eq3A : i32
    %convert_element_type3A = arith.extui %eq3A_13 : i1 to i32
    %cond3A = arith.constant 0 : i32
    %cond3A_14 = arith.cmpi ne, %convert_element_type3A, %cond3A : i32
    scf.if %cond3A_14 {
      %mul3A_31 = arith.constant 160 : i32
      %mul3A_32 = arith.muli %arg1, %mul3A_31 : i32
      %scan3A_33 = arith.constant 0 : i32
      %scan3A_34 = arith.constant 0 : i32
      %scan3A_35 = arith.constant 5 : i32
      %scan3A_36 = arith.addi %scan3A_34, %scan3A_35 : i32
      %scan3A_37 = arith.constant 1 : i32
      scf.for %scan3A_39 = %scan3A_34 to %scan3A_36 step %scan3A_37  : i32 {
        %mul3A_40 = arith.constant 32 : i32
        %mul3A_41 = arith.muli %scan3A_39, %mul3A_40 : i32
        %add3A = arith.addi %mul3A_32, %mul3A_41 : i32
        "tpu.region"() ({
          %run_scoped3A = tpu.sem_alloc : memref<!tpu.dma_semaphore, #tpu.memory_space<semaphore_mem>>
          %dma_start3A_54 = arith.constant 0 : i32
          %dma_start3A_55 = tpu.memref_slice %arg2[%add3A, %dma_start3A_54] : memref<2560x128xi32, #tpu.memory_space<hbm>> -> memref<32x128xi32, #tpu.memory_space<hbm>>
          %dma_start3A_56 = arith.constant 0 : i32
          %dma_start3A_57 = tpu.memref_slice %arg2[%add3A, %dma_start3A_56] : memref<2560x128xi32, #tpu.memory_space<hbm>> -> memref<32x128xi32, #tpu.memory_space<hbm>>
          tpu.enqueue_dma source(%dma_start3A_57 : memref<32x128xi32, #tpu.memory_space<hbm>>) target(%arg10 : memref<32x128xi32, #tpu.memory_space<vmem>>) target_semaphore(%run_scoped3A : memref<!tpu.dma_semaphore, #tpu.memory_space<semaphore_mem>>)
          %dma_wait3A = arith.constant 0 : i32
          %dma_wait3A_58 = tpu.memref_slice %arg2[%add3A, %dma_wait3A] : memref<2560x128xi32, #tpu.memory_space<hbm>> -> memref<32x128xi32, #tpu.memory_space<hbm>>
          %dma_wait3A_59 = arith.constant 0 : i32
          %dma_wait3A_60 = tpu.memref_slice %arg2[%add3A, %dma_wait3A_59] : memref<2560x128xi32, #tpu.memory_space<hbm>> -> memref<32x128xi32, #tpu.memory_space<hbm>>
          tpu.wait_dma2 semaphore(%run_scoped3A : memref<!tpu.dma_semaphore, #tpu.memory_space<semaphore_mem>>) src(%dma_wait3A_60 : memref<32x128xi32, #tpu.memory_space<hbm>>) dst(%arg10 : memref<32x128xi32, #tpu.memory_space<vmem>>)
          tpu.yield
        }) : () -> ()
        "tpu.region"() ({
          %run_scoped3A = tpu.sem_alloc : memref<!tpu.dma_semaphore, #tpu.memory_space<semaphore_mem>>
          %dma_start3A_54 = arith.constant 0 : i32
          %dma_start3A_55 = tpu.memref_slice %arg3[%add3A, %dma_start3A_54] : memref<2560x128xi32, #tpu.memory_space<hbm>> -> memref<32x128xi32, #tpu.memory_space<hbm>>
          %dma_start3A_56 = arith.constant 0 : i32
          %dma_start3A_57 = tpu.memref_slice %arg3[%add3A, %dma_start3A_56] : memref<2560x128xi32, #tpu.memory_space<hbm>> -> memref<32x128xi32, #tpu.memory_space<hbm>>
          tpu.enqueue_dma source(%dma_start3A_57 : memref<32x128xi32, #tpu.memory_space<hbm>>) target(%arg11 : memref<32x128xi32, #tpu.memory_space<vmem>>) target_semaphore(%run_scoped3A : memref<!tpu.dma_semaphore, #tpu.memory_space<semaphore_mem>>)
          %dma_wait3A = arith.constant 0 : i32
          %dma_wait3A_58 = tpu.memref_slice %arg3[%add3A, %dma_wait3A] : memref<2560x128xi32, #tpu.memory_space<hbm>> -> memref<32x128xi32, #tpu.memory_space<hbm>>
          %dma_wait3A_59 = arith.constant 0 : i32
          %dma_wait3A_60 = tpu.memref_slice %arg3[%add3A, %dma_wait3A_59] : memref<2560x128xi32, #tpu.memory_space<hbm>> -> memref<32x128xi32, #tpu.memory_space<hbm>>
          tpu.wait_dma2 semaphore(%run_scoped3A : memref<!tpu.dma_semaphore, #tpu.memory_space<semaphore_mem>>) src(%dma_wait3A_60 : memref<32x128xi32, #tpu.memory_space<hbm>>) dst(%arg11 : memref<32x128xi32, #tpu.memory_space<vmem>>)
          tpu.yield
        }) : () -> ()
        %dma_start3A = arith.constant 0 : i32
        %dma_start3A_42 = arith.constant 0 : i32
        %dma_start3A_43 = tpu.memref_slice %arg10[%dma_start3A, %dma_start3A_42] : memref<32x128xi32, #tpu.memory_space<vmem>> -> memref<1x128xi32, #tpu.memory_space<vmem>>
        %dma_start3A_44 = tpu.memref_squeeze %dma_start3A_43 : memref<1x128xi32, #tpu.memory_space<vmem>> -> memref<128xi32, #tpu.memory_space<vmem>>
        %dma_start3A_45 = arith.constant 0 : i32
        %dma_start3A_46 = arith.constant 0 : i32
        %dma_start3A_47 = tpu.memref_slice %arg4[%dma_start3A_45, %dma_start3A_46] : memref<10000x128xf32, #tpu.memory_space<hbm>> -> memref<10000x128xf32, #tpu.memory_space<hbm>>
        tpu.enqueue_indirect_dma source(%dma_start3A_47 : memref<10000x128xf32, #tpu.memory_space<hbm>>) target(%arg12 : memref<128x128xf32, #tpu.memory_space<vmem>>) offsets(%dma_start3A_44 : memref<128xi32, #tpu.memory_space<vmem>>) semaphore(%arg15 : memref<!tpu.dma_semaphore, #tpu.memory_space<semaphore_mem>>)
        %scan3A_48 = arith.constant 0 : i32
        %scan3A_49 = arith.constant 0 : i32
        %scan3A_50 = arith.constant 16 : i32
        %scan3A_51 = arith.addi %scan3A_49, %scan3A_50 : i32
        %scan3A_52 = arith.constant 1 : i32
        scf.for %scan3A_54 = %scan3A_49 to %scan3A_51 step %scan3A_52  : i32 {
          %mul3A_55 = arith.constant 2 : i32
          %mul3A_56 = arith.muli %mul3A_55, %scan3A_54 : i32
          %add3A_57 = arith.constant 1 : i32
          %add3A_58 = arith.addi %mul3A_56, %add3A_57 : i32
          %dma_start3A_59 = arith.constant 0 : i32
          %dma_start3A_60 = tpu.memref_slice %arg10[%add3A_58, %dma_start3A_59] : memref<32x128xi32, #tpu.memory_space<vmem>> -> memref<1x128xi32, #tpu.memory_space<vmem>>
          %dma_start3A_61 = tpu.memref_squeeze %dma_start3A_60 : memref<1x128xi32, #tpu.memory_space<vmem>> -> memref<128xi32, #tpu.memory_space<vmem>>
          %dma_start3A_62 = arith.constant 0 : i32
          %dma_start3A_63 = arith.constant 0 : i32
          %dma_start3A_64 = tpu.memref_slice %arg4[%dma_start3A_62, %dma_start3A_63] : memref<10000x128xf32, #tpu.memory_space<hbm>> -> memref<10000x128xf32, #tpu.memory_space<hbm>>
          tpu.enqueue_indirect_dma source(%dma_start3A_64 : memref<10000x128xf32, #tpu.memory_space<hbm>>) target(%arg13 : memref<128x128xf32, #tpu.memory_space<vmem>>) offsets(%dma_start3A_61 : memref<128xi32, #tpu.memory_space<vmem>>) semaphore(%arg16 : memref<!tpu.dma_semaphore, #tpu.memory_space<semaphore_mem>>)
          %dma_wait3A = arith.constant 0 : i32
          %dma_wait3A_65 = tpu.memref_slice %arg10[%mul3A_56, %dma_wait3A] : memref<32x128xi32, #tpu.memory_space<vmem>> -> memref<1x128xi32, #tpu.memory_space<vmem>>
          %dma_wait3A_66 = tpu.memref_squeeze %dma_wait3A_65 : memref<1x128xi32, #tpu.memory_space<vmem>> -> memref<128xi32, #tpu.memory_space<vmem>>
          %dma_wait3A_67 = arith.constant 0 : i32
          %dma_wait3A_68 = arith.constant 0 : i32
          %dma_wait3A_69 = tpu.memref_slice %arg4[%dma_wait3A_67, %dma_wait3A_68] : memref<10000x128xf32, #tpu.memory_space<hbm>> -> memref<10000x128xf32, #tpu.memory_space<hbm>>
          tpu.wait_indirect_dma semaphore(%arg15 : memref<!tpu.dma_semaphore, #tpu.memory_space<semaphore_mem>>) src(%dma_wait3A_69 : memref<10000x128xf32, #tpu.memory_space<hbm>>) dst(%arg12 : memref<128x128xf32, #tpu.memory_space<vmem>>)
          "tpu.region"() ({
            %run_scoped3A = tpu.sem_alloc : memref<!tpu.dma_semaphore, #tpu.memory_space<semaphore_mem>>
            %dma_start3A_84 = arith.constant 0 : i32
            %dma_start3A_85 = tpu.memref_slice %arg11[%mul3A_56, %dma_start3A_84] : memref<32x128xi32, #tpu.memory_space<vmem>> -> memref<1x128xi32, #tpu.memory_space<vmem>>
            %dma_start3A_86 = tpu.memref_squeeze %dma_start3A_85 : memref<1x128xi32, #tpu.memory_space<vmem>> -> memref<128xi32, #tpu.memory_space<vmem>>
            %dma_start3A_87 = arith.constant 0 : i32
            %dma_start3A_88 = arith.constant 0 : i32
            %dma_start3A_89 = tpu.memref_slice %arg14[%dma_start3A_87, %dma_start3A_88] : memref<10008x128xf32, #tpu.memory_space<vmem_shared>> -> memref<10008x128xf32, #tpu.memory_space<vmem_shared>>
            tpu.enqueue_indirect_dma source(%arg12 : memref<128x128xf32, #tpu.memory_space<vmem>>) target(%dma_start3A_89 : memref<10008x128xf32, #tpu.memory_space<vmem_shared>>) offsets(%dma_start3A_86 : memref<128xi32, #tpu.memory_space<vmem>>) semaphore(%run_scoped3A : memref<!tpu.dma_semaphore, #tpu.memory_space<semaphore_mem>>) {add = true}
            %dma_wait3A_90 = arith.constant 0 : i32
            %dma_wait3A_91 = tpu.memref_slice %arg11[%mul3A_56, %dma_wait3A_90] : memref<32x128xi32, #tpu.memory_space<vmem>> -> memref<1x128xi32, #tpu.memory_space<vmem>>
            %dma_wait3A_92 = tpu.memref_squeeze %dma_wait3A_91 : memref<1x128xi32, #tpu.memory_space<vmem>> -> memref<128xi32, #tpu.memory_space<vmem>>
            %dma_wait3A_93 = arith.constant 0 : i32
            %dma_wait3A_94 = arith.constant 0 : i32
            %dma_wait3A_95 = tpu.memref_slice %arg14[%dma_wait3A_93, %dma_wait3A_94] : memref<10008x128xf32, #tpu.memory_space<vmem_shared>> -> memref<10008x128xf32, #tpu.memory_space<vmem_shared>>
            tpu.wait_indirect_dma semaphore(%run_scoped3A : memref<!tpu.dma_semaphore, #tpu.memory_space<semaphore_mem>>) src(%arg12 : memref<128x128xf32, #tpu.memory_space<vmem>>) dst(%dma_wait3A_95 : memref<10008x128xf32, #tpu.memory_space<vmem_shared>>)
            tpu.yield
          }) : () -> ()
          %lt3A = arith.constant 15 : i32
          %lt3A_70 = arith.cmpi slt, %scan3A_54, %lt3A : i32
          %convert_element_type3A_71 = arith.extui %lt3A_70 : i1 to i32
          %cond3A_72 = arith.constant 0 : i32
          %cond3A_73 = arith.cmpi ne, %convert_element_type3A_71, %cond3A_72 : i32
          scf.if %cond3A_73 {
            %add3A_84 = arith.constant 2 : i32
            %add3A_85 = arith.addi %mul3A_56, %add3A_84 : i32
            %dma_start3A_86 = arith.constant 0 : i32
            %dma_start3A_87 = tpu.memref_slice %arg10[%add3A_85, %dma_start3A_86] : memref<32x128xi32, #tpu.memory_space<vmem>> -> memref<1x128xi32, #tpu.memory_space<vmem>>
            %dma_start3A_88 = tpu.memref_squeeze %dma_start3A_87 : memref<1x128xi32, #tpu.memory_space<vmem>> -> memref<128xi32, #tpu.memory_space<vmem>>
            %dma_start3A_89 = arith.constant 0 : i32
            %dma_start3A_90 = arith.constant 0 : i32
            %dma_start3A_91 = tpu.memref_slice %arg4[%dma_start3A_89, %dma_start3A_90] : memref<10000x128xf32, #tpu.memory_space<hbm>> -> memref<10000x128xf32, #tpu.memory_space<hbm>>
            tpu.enqueue_indirect_dma source(%dma_start3A_91 : memref<10000x128xf32, #tpu.memory_space<hbm>>) target(%arg12 : memref<128x128xf32, #tpu.memory_space<vmem>>) offsets(%dma_start3A_88 : memref<128xi32, #tpu.memory_space<vmem>>) semaphore(%arg15 : memref<!tpu.dma_semaphore, #tpu.memory_space<semaphore_mem>>)
          } else {
          }
          %add3A_74 = arith.constant 1 : i32
          %add3A_75 = arith.addi %mul3A_56, %add3A_74 : i32
          %dma_wait3A_76 = arith.constant 0 : i32
          %dma_wait3A_77 = tpu.memref_slice %arg10[%add3A_75, %dma_wait3A_76] : memref<32x128xi32, #tpu.memory_space<vmem>> -> memref<1x128xi32, #tpu.memory_space<vmem>>
          %dma_wait3A_78 = tpu.memref_squeeze %dma_wait3A_77 : memref<1x128xi32, #tpu.memory_space<vmem>> -> memref<128xi32, #tpu.memory_space<vmem>>
          %dma_wait3A_79 = arith.constant 0 : i32
          %dma_wait3A_80 = arith.constant 0 : i32
          %dma_wait3A_81 = tpu.memref_slice %arg4[%dma_wait3A_79, %dma_wait3A_80] : memref<10000x128xf32, #tpu.memory_space<hbm>> -> memref<10000x128xf32, #tpu.memory_space<hbm>>
          tpu.wait_indirect_dma semaphore(%arg16 : memref<!tpu.dma_semaphore, #tpu.memory_space<semaphore_mem>>) src(%dma_wait3A_81 : memref<10000x128xf32, #tpu.memory_space<hbm>>) dst(%arg13 : memref<128x128xf32, #tpu.memory_space<vmem>>)
          %add3A_82 = arith.constant 1 : i32
          %add3A_83 = arith.addi %mul3A_56, %add3A_82 : i32
          "tpu.region"() ({
            %run_scoped3A = tpu.sem_alloc : memref<!tpu.dma_semaphore, #tpu.memory_space<semaphore_mem>>
            %dma_start3A_84 = arith.constant 0 : i32
            %dma_start3A_85 = tpu.memref_slice %arg11[%add3A_83, %dma_start3A_84] : memref<32x128xi32, #tpu.memory_space<vmem>> -> memref<1x128xi32, #tpu.memory_space<vmem>>
            %dma_start3A_86 = tpu.memref_squeeze %dma_start3A_85 : memref<1x128xi32, #tpu.memory_space<vmem>> -> memref<128xi32, #tpu.memory_space<vmem>>
            %dma_start3A_87 = arith.constant 0 : i32
            %dma_start3A_88 = arith.constant 0 : i32
            %dma_start3A_89 = tpu.memref_slice %arg14[%dma_start3A_87, %dma_start3A_88] : memref<10008x128xf32, #tpu.memory_space<vmem_shared>> -> memref<10008x128xf32, #tpu.memory_space<vmem_shared>>
            tpu.enqueue_indirect_dma source(%arg13 : memref<128x128xf32, #tpu.memory_space<vmem>>) target(%dma_start3A_89 : memref<10008x128xf32, #tpu.memory_space<vmem_shared>>) offsets(%dma_start3A_86 : memref<128xi32, #tpu.memory_space<vmem>>) semaphore(%run_scoped3A : memref<!tpu.dma_semaphore, #tpu.memory_space<semaphore_mem>>) {add = true}
            %dma_wait3A_90 = arith.constant 0 : i32
            %dma_wait3A_91 = tpu.memref_slice %arg11[%add3A_83, %dma_wait3A_90] : memref<32x128xi32, #tpu.memory_space<vmem>> -> memref<1x128xi32, #tpu.memory_space<vmem>>
            %dma_wait3A_92 = tpu.memref_squeeze %dma_wait3A_91 : memref<1x128xi32, #tpu.memory_space<vmem>> -> memref<128xi32, #tpu.memory_space<vmem>>
            %dma_wait3A_93 = arith.constant 0 : i32
            %dma_wait3A_94 = arith.constant 0 : i32
            %dma_wait3A_95 = tpu.memref_slice %arg14[%dma_wait3A_93, %dma_wait3A_94] : memref<10008x128xf32, #tpu.memory_space<vmem_shared>> -> memref<10008x128xf32, #tpu.memory_space<vmem_shared>>
            tpu.wait_indirect_dma semaphore(%run_scoped3A : memref<!tpu.dma_semaphore, #tpu.memory_space<semaphore_mem>>) src(%arg13 : memref<128x128xf32, #tpu.memory_space<vmem>>) dst(%dma_wait3A_95 : memref<10008x128xf32, #tpu.memory_space<vmem_shared>>)
            tpu.yield
          }) : () -> ()
        }
        %scan3A_53 = arith.constant 16 : i32
      }
      %scan3A_38 = arith.constant 5 : i32
    } else {
    }
    %eq3A_15 = arith.constant 1 : i32
    %eq3A_16 = arith.cmpi eq, %arg0, %eq3A_15 : i32
    %convert_element_type3A_17 = arith.extui %eq3A_16 : i1 to i32
    %cond3A_18 = arith.constant 0 : i32
    %cond3A_19 = arith.cmpi ne, %convert_element_type3A_17, %cond3A_18 : i32
    scf.if %cond3A_19 {
      %mul3A_31 = arith.constant 160 : i32
      %mul3A_32 = arith.muli %arg1, %mul3A_31 : i32
      %scan3A_33 = arith.constant 0 : i32
      %scan3A_34 = arith.constant 0 : i32
      %scan3A_35 = arith.constant 5 : i32
      %scan3A_36 = arith.addi %scan3A_34, %scan3A_35 : i32
      %scan3A_37 = arith.constant 1 : i32
      scf.for %scan3A_39 = %scan3A_34 to %scan3A_36 step %scan3A_37  : i32 {
        %mul3A_40 = arith.constant 32 : i32
        %mul3A_41 = arith.muli %scan3A_39, %mul3A_40 : i32
        %add3A = arith.addi %mul3A_32, %mul3A_41 : i32
        "tpu.region"() ({
          %run_scoped3A = tpu.sem_alloc : memref<!tpu.dma_semaphore, #tpu.memory_space<semaphore_mem>>
          %dma_start3A_54 = arith.constant 0 : i32
          %dma_start3A_55 = tpu.memref_slice %arg5[%add3A, %dma_start3A_54] : memref<2560x128xi32, #tpu.memory_space<hbm>> -> memref<32x128xi32, #tpu.memory_space<hbm>>
          %dma_start3A_56 = arith.constant 0 : i32
          %dma_start3A_57 = tpu.memref_slice %arg5[%add3A, %dma_start3A_56] : memref<2560x128xi32, #tpu.memory_space<hbm>> -> memref<32x128xi32, #tpu.memory_space<hbm>>
          tpu.enqueue_dma source(%dma_start3A_57 : memref<32x128xi32, #tpu.memory_space<hbm>>) target(%arg10 : memref<32x128xi32, #tpu.memory_space<vmem>>) target_semaphore(%run_scoped3A : memref<!tpu.dma_semaphore, #tpu.memory_space<semaphore_mem>>)
          %dma_wait3A = arith.constant 0 : i32
          %dma_wait3A_58 = tpu.memref_slice %arg5[%add3A, %dma_wait3A] : memref<2560x128xi32, #tpu.memory_space<hbm>> -> memref<32x128xi32, #tpu.memory_space<hbm>>
          %dma_wait3A_59 = arith.constant 0 : i32
          %dma_wait3A_60 = tpu.memref_slice %arg5[%add3A, %dma_wait3A_59] : memref<2560x128xi32, #tpu.memory_space<hbm>> -> memref<32x128xi32, #tpu.memory_space<hbm>>
          tpu.wait_dma2 semaphore(%run_scoped3A : memref<!tpu.dma_semaphore, #tpu.memory_space<semaphore_mem>>) src(%dma_wait3A_60 : memref<32x128xi32, #tpu.memory_space<hbm>>) dst(%arg10 : memref<32x128xi32, #tpu.memory_space<vmem>>)
          tpu.yield
        }) : () -> ()
        "tpu.region"() ({
          %run_scoped3A = tpu.sem_alloc : memref<!tpu.dma_semaphore, #tpu.memory_space<semaphore_mem>>
          %dma_start3A_54 = arith.constant 0 : i32
          %dma_start3A_55 = tpu.memref_slice %arg6[%add3A, %dma_start3A_54] : memref<2560x128xi32, #tpu.memory_space<hbm>> -> memref<32x128xi32, #tpu.memory_space<hbm>>
          %dma_start3A_56 = arith.constant 0 : i32
          %dma_start3A_57 = tpu.memref_slice %arg6[%add3A, %dma_start3A_56] : memref<2560x128xi32, #tpu.memory_space<hbm>> -> memref<32x128xi32, #tpu.memory_space<hbm>>
          tpu.enqueue_dma source(%dma_start3A_57 : memref<32x128xi32, #tpu.memory_space<hbm>>) target(%arg11 : memref<32x128xi32, #tpu.memory_space<vmem>>) target_semaphore(%run_scoped3A : memref<!tpu.dma_semaphore, #tpu.memory_space<semaphore_mem>>)
          %dma_wait3A = arith.constant 0 : i32
          %dma_wait3A_58 = tpu.memref_slice %arg6[%add3A, %dma_wait3A] : memref<2560x128xi32, #tpu.memory_space<hbm>> -> memref<32x128xi32, #tpu.memory_space<hbm>>
          %dma_wait3A_59 = arith.constant 0 : i32
          %dma_wait3A_60 = tpu.memref_slice %arg6[%add3A, %dma_wait3A_59] : memref<2560x128xi32, #tpu.memory_space<hbm>> -> memref<32x128xi32, #tpu.memory_space<hbm>>
          tpu.wait_dma2 semaphore(%run_scoped3A : memref<!tpu.dma_semaphore, #tpu.memory_space<semaphore_mem>>) src(%dma_wait3A_60 : memref<32x128xi32, #tpu.memory_space<hbm>>) dst(%arg11 : memref<32x128xi32, #tpu.memory_space<vmem>>)
          tpu.yield
        }) : () -> ()
        %dma_start3A = arith.constant 0 : i32
        %dma_start3A_42 = arith.constant 0 : i32
        %dma_start3A_43 = tpu.memref_slice %arg10[%dma_start3A, %dma_start3A_42] : memref<32x128xi32, #tpu.memory_space<vmem>> -> memref<1x128xi32, #tpu.memory_space<vmem>>
        %dma_start3A_44 = tpu.memref_squeeze %dma_start3A_43 : memref<1x128xi32, #tpu.memory_space<vmem>> -> memref<128xi32, #tpu.memory_space<vmem>>
        %dma_start3A_45 = arith.constant 0 : i32
        %dma_start3A_46 = arith.constant 0 : i32
        %dma_start3A_47 = tpu.memref_slice %arg7[%dma_start3A_45, %dma_start3A_46] : memref<10000x128xf32, #tpu.memory_space<hbm>> -> memref<10000x128xf32, #tpu.memory_space<hbm>>
        tpu.enqueue_indirect_dma source(%dma_start3A_47 : memref<10000x128xf32, #tpu.memory_space<hbm>>) target(%arg12 : memref<128x128xf32, #tpu.memory_space<vmem>>) offsets(%dma_start3A_44 : memref<128xi32, #tpu.memory_space<vmem>>) semaphore(%arg15 : memref<!tpu.dma_semaphore, #tpu.memory_space<semaphore_mem>>)
        %scan3A_48 = arith.constant 0 : i32
        %scan3A_49 = arith.constant 0 : i32
        %scan3A_50 = arith.constant 16 : i32
        %scan3A_51 = arith.addi %scan3A_49, %scan3A_50 : i32
        %scan3A_52 = arith.constant 1 : i32
        scf.for %scan3A_54 = %scan3A_49 to %scan3A_51 step %scan3A_52  : i32 {
          %mul3A_55 = arith.constant 2 : i32
          %mul3A_56 = arith.muli %mul3A_55, %scan3A_54 : i32
          %add3A_57 = arith.constant 1 : i32
          %add3A_58 = arith.addi %mul3A_56, %add3A_57 : i32
          %dma_start3A_59 = arith.constant 0 : i32
          %dma_start3A_60 = tpu.memref_slice %arg10[%add3A_58, %dma_start3A_59] : memref<32x128xi32, #tpu.memory_space<vmem>> -> memref<1x128xi32, #tpu.memory_space<vmem>>
          %dma_start3A_61 = tpu.memref_squeeze %dma_start3A_60 : memref<1x128xi32, #tpu.memory_space<vmem>> -> memref<128xi32, #tpu.memory_space<vmem>>
          %dma_start3A_62 = arith.constant 0 : i32
          %dma_start3A_63 = arith.constant 0 : i32
          %dma_start3A_64 = tpu.memref_slice %arg7[%dma_start3A_62, %dma_start3A_63] : memref<10000x128xf32, #tpu.memory_space<hbm>> -> memref<10000x128xf32, #tpu.memory_space<hbm>>
          tpu.enqueue_indirect_dma source(%dma_start3A_64 : memref<10000x128xf32, #tpu.memory_space<hbm>>) target(%arg13 : memref<128x128xf32, #tpu.memory_space<vmem>>) offsets(%dma_start3A_61 : memref<128xi32, #tpu.memory_space<vmem>>) semaphore(%arg16 : memref<!tpu.dma_semaphore, #tpu.memory_space<semaphore_mem>>)
          %dma_wait3A = arith.constant 0 : i32
          %dma_wait3A_65 = tpu.memref_slice %arg10[%mul3A_56, %dma_wait3A] : memref<32x128xi32, #tpu.memory_space<vmem>> -> memref<1x128xi32, #tpu.memory_space<vmem>>
          %dma_wait3A_66 = tpu.memref_squeeze %dma_wait3A_65 : memref<1x128xi32, #tpu.memory_space<vmem>> -> memref<128xi32, #tpu.memory_space<vmem>>
          %dma_wait3A_67 = arith.constant 0 : i32
          %dma_wait3A_68 = arith.constant 0 : i32
          %dma_wait3A_69 = tpu.memref_slice %arg7[%dma_wait3A_67, %dma_wait3A_68] : memref<10000x128xf32, #tpu.memory_space<hbm>> -> memref<10000x128xf32, #tpu.memory_space<hbm>>
          tpu.wait_indirect_dma semaphore(%arg15 : memref<!tpu.dma_semaphore, #tpu.memory_space<semaphore_mem>>) src(%dma_wait3A_69 : memref<10000x128xf32, #tpu.memory_space<hbm>>) dst(%arg12 : memref<128x128xf32, #tpu.memory_space<vmem>>)
          "tpu.region"() ({
            %run_scoped3A = tpu.sem_alloc : memref<!tpu.dma_semaphore, #tpu.memory_space<semaphore_mem>>
            %dma_start3A_84 = arith.constant 0 : i32
            %dma_start3A_85 = tpu.memref_slice %arg11[%mul3A_56, %dma_start3A_84] : memref<32x128xi32, #tpu.memory_space<vmem>> -> memref<1x128xi32, #tpu.memory_space<vmem>>
            %dma_start3A_86 = tpu.memref_squeeze %dma_start3A_85 : memref<1x128xi32, #tpu.memory_space<vmem>> -> memref<128xi32, #tpu.memory_space<vmem>>
            %dma_start3A_87 = arith.constant 0 : i32
            %dma_start3A_88 = arith.constant 0 : i32
            %dma_start3A_89 = tpu.memref_slice %arg14[%dma_start3A_87, %dma_start3A_88] : memref<10008x128xf32, #tpu.memory_space<vmem_shared>> -> memref<10008x128xf32, #tpu.memory_space<vmem_shared>>
            tpu.enqueue_indirect_dma source(%arg12 : memref<128x128xf32, #tpu.memory_space<vmem>>) target(%dma_start3A_89 : memref<10008x128xf32, #tpu.memory_space<vmem_shared>>) offsets(%dma_start3A_86 : memref<128xi32, #tpu.memory_space<vmem>>) semaphore(%run_scoped3A : memref<!tpu.dma_semaphore, #tpu.memory_space<semaphore_mem>>) {add = true}
            %dma_wait3A_90 = arith.constant 0 : i32
            %dma_wait3A_91 = tpu.memref_slice %arg11[%mul3A_56, %dma_wait3A_90] : memref<32x128xi32, #tpu.memory_space<vmem>> -> memref<1x128xi32, #tpu.memory_space<vmem>>
            %dma_wait3A_92 = tpu.memref_squeeze %dma_wait3A_91 : memref<1x128xi32, #tpu.memory_space<vmem>> -> memref<128xi32, #tpu.memory_space<vmem>>
            %dma_wait3A_93 = arith.constant 0 : i32
            %dma_wait3A_94 = arith.constant 0 : i32
            %dma_wait3A_95 = tpu.memref_slice %arg14[%dma_wait3A_93, %dma_wait3A_94] : memref<10008x128xf32, #tpu.memory_space<vmem_shared>> -> memref<10008x128xf32, #tpu.memory_space<vmem_shared>>
            tpu.wait_indirect_dma semaphore(%run_scoped3A : memref<!tpu.dma_semaphore, #tpu.memory_space<semaphore_mem>>) src(%arg12 : memref<128x128xf32, #tpu.memory_space<vmem>>) dst(%dma_wait3A_95 : memref<10008x128xf32, #tpu.memory_space<vmem_shared>>)
            tpu.yield
          }) : () -> ()
          %lt3A = arith.constant 15 : i32
          %lt3A_70 = arith.cmpi slt, %scan3A_54, %lt3A : i32
          %convert_element_type3A_71 = arith.extui %lt3A_70 : i1 to i32
          %cond3A_72 = arith.constant 0 : i32
          %cond3A_73 = arith.cmpi ne, %convert_element_type3A_71, %cond3A_72 : i32
          scf.if %cond3A_73 {
            %add3A_84 = arith.constant 2 : i32
            %add3A_85 = arith.addi %mul3A_56, %add3A_84 : i32
            %dma_start3A_86 = arith.constant 0 : i32
            %dma_start3A_87 = tpu.memref_slice %arg10[%add3A_85, %dma_start3A_86] : memref<32x128xi32, #tpu.memory_space<vmem>> -> memref<1x128xi32, #tpu.memory_space<vmem>>
            %dma_start3A_88 = tpu.memref_squeeze %dma_start3A_87 : memref<1x128xi32, #tpu.memory_space<vmem>> -> memref<128xi32, #tpu.memory_space<vmem>>
            %dma_start3A_89 = arith.constant 0 : i32
            %dma_start3A_90 = arith.constant 0 : i32
            %dma_start3A_91 = tpu.memref_slice %arg7[%dma_start3A_89, %dma_start3A_90] : memref<10000x128xf32, #tpu.memory_space<hbm>> -> memref<10000x128xf32, #tpu.memory_space<hbm>>
            tpu.enqueue_indirect_dma source(%dma_start3A_91 : memref<10000x128xf32, #tpu.memory_space<hbm>>) target(%arg12 : memref<128x128xf32, #tpu.memory_space<vmem>>) offsets(%dma_start3A_88 : memref<128xi32, #tpu.memory_space<vmem>>) semaphore(%arg15 : memref<!tpu.dma_semaphore, #tpu.memory_space<semaphore_mem>>)
          } else {
          }
          %add3A_74 = arith.constant 1 : i32
          %add3A_75 = arith.addi %mul3A_56, %add3A_74 : i32
          %dma_wait3A_76 = arith.constant 0 : i32
          %dma_wait3A_77 = tpu.memref_slice %arg10[%add3A_75, %dma_wait3A_76] : memref<32x128xi32, #tpu.memory_space<vmem>> -> memref<1x128xi32, #tpu.memory_space<vmem>>
          %dma_wait3A_78 = tpu.memref_squeeze %dma_wait3A_77 : memref<1x128xi32, #tpu.memory_space<vmem>> -> memref<128xi32, #tpu.memory_space<vmem>>
          %dma_wait3A_79 = arith.constant 0 : i32
          %dma_wait3A_80 = arith.constant 0 : i32
          %dma_wait3A_81 = tpu.memref_slice %arg7[%dma_wait3A_79, %dma_wait3A_80] : memref<10000x128xf32, #tpu.memory_space<hbm>> -> memref<10000x128xf32, #tpu.memory_space<hbm>>
          tpu.wait_indirect_dma semaphore(%arg16 : memref<!tpu.dma_semaphore, #tpu.memory_space<semaphore_mem>>) src(%dma_wait3A_81 : memref<10000x128xf32, #tpu.memory_space<hbm>>) dst(%arg13 : memref<128x128xf32, #tpu.memory_space<vmem>>)
          %add3A_82 = arith.constant 1 : i32
          %add3A_83 = arith.addi %mul3A_56, %add3A_82 : i32
          "tpu.region"() ({
            %run_scoped3A = tpu.sem_alloc : memref<!tpu.dma_semaphore, #tpu.memory_space<semaphore_mem>>
            %dma_start3A_84 = arith.constant 0 : i32
            %dma_start3A_85 = tpu.memref_slice %arg11[%add3A_83, %dma_start3A_84] : memref<32x128xi32, #tpu.memory_space<vmem>> -> memref<1x128xi32, #tpu.memory_space<vmem>>
            %dma_start3A_86 = tpu.memref_squeeze %dma_start3A_85 : memref<1x128xi32, #tpu.memory_space<vmem>> -> memref<128xi32, #tpu.memory_space<vmem>>
            %dma_start3A_87 = arith.constant 0 : i32
            %dma_start3A_88 = arith.constant 0 : i32
            %dma_start3A_89 = tpu.memref_slice %arg14[%dma_start3A_87, %dma_start3A_88] : memref<10008x128xf32, #tpu.memory_space<vmem_shared>> -> memref<10008x128xf32, #tpu.memory_space<vmem_shared>>
            tpu.enqueue_indirect_dma source(%arg13 : memref<128x128xf32, #tpu.memory_space<vmem>>) target(%dma_start3A_89 : memref<10008x128xf32, #tpu.memory_space<vmem_shared>>) offsets(%dma_start3A_86 : memref<128xi32, #tpu.memory_space<vmem>>) semaphore(%run_scoped3A : memref<!tpu.dma_semaphore, #tpu.memory_space<semaphore_mem>>) {add = true}
            %dma_wait3A_90 = arith.constant 0 : i32
            %dma_wait3A_91 = tpu.memref_slice %arg11[%add3A_83, %dma_wait3A_90] : memref<32x128xi32, #tpu.memory_space<vmem>> -> memref<1x128xi32, #tpu.memory_space<vmem>>
            %dma_wait3A_92 = tpu.memref_squeeze %dma_wait3A_91 : memref<1x128xi32, #tpu.memory_space<vmem>> -> memref<128xi32, #tpu.memory_space<vmem>>
            %dma_wait3A_93 = arith.constant 0 : i32
            %dma_wait3A_94 = arith.constant 0 : i32
            %dma_wait3A_95 = tpu.memref_slice %arg14[%dma_wait3A_93, %dma_wait3A_94] : memref<10008x128xf32, #tpu.memory_space<vmem_shared>> -> memref<10008x128xf32, #tpu.memory_space<vmem_shared>>
            tpu.wait_indirect_dma semaphore(%run_scoped3A : memref<!tpu.dma_semaphore, #tpu.memory_space<semaphore_mem>>) src(%arg13 : memref<128x128xf32, #tpu.memory_space<vmem>>) dst(%dma_wait3A_95 : memref<10008x128xf32, #tpu.memory_space<vmem_shared>>)
            tpu.yield
          }) : () -> ()
        }
        %scan3A_53 = arith.constant 16 : i32
      }
      %scan3A_38 = arith.constant 5 : i32
    } else {
    }
    %barrier3A_20 = arith.constant 0 : index
    tpu.barrier barrier_id(%barrier3A_20)
    %eq3A_21 = arith.constant 0 : i32
    %eq3A_22 = arith.cmpi eq, %arg0, %eq3A_21 : i32
    %convert_element_type3A_23 = arith.extui %eq3A_22 : i1 to i32
    %cond3A_24 = arith.constant 0 : i32
    %cond3A_25 = arith.cmpi ne, %convert_element_type3A_23, %cond3A_24 : i32
    scf.if %cond3A_25 {
      %lt3A = arith.constant 15 : i32
      %lt3A_31 = arith.cmpi slt, %arg1, %lt3A : i32
      %convert_element_type3A_32 = arith.extui %lt3A_31 : i1 to i32
      %cond3A_33 = arith.constant 0 : i32
      %cond3A_34 = arith.cmpi ne, %convert_element_type3A_32, %cond3A_33 : i32
      scf.if %cond3A_34 {
        %mul3A_40 = arith.constant 624 : i32
        %mul3A_41 = arith.muli %arg1, %mul3A_40 : i32
        "tpu.region"() ({
          %run_scoped3A = tpu.sem_alloc : memref<!tpu.dma_semaphore, #tpu.memory_space<semaphore_mem>>
          %dma_start3A = arith.constant 0 : i32
          %dma_start3A_42 = tpu.memref_slice %arg8[%mul3A_41, %dma_start3A] : memref<10000x128xf32, #tpu.memory_space<hbm>> -> memref<624x128xf32, #tpu.memory_space<hbm>>
          %dma_start3A_43 = arith.constant 0 : i32
          %dma_start3A_44 = tpu.memref_slice %arg14[%mul3A_41, %dma_start3A_43] : memref<10008x128xf32, #tpu.memory_space<vmem_shared>> -> memref<624x128xf32, #tpu.memory_space<vmem_shared>>
          tpu.enqueue_dma source(%dma_start3A_44 : memref<624x128xf32, #tpu.memory_space<vmem_shared>>) target(%dma_start3A_42 : memref<624x128xf32, #tpu.memory_space<hbm>>) target_semaphore(%run_scoped3A : memref<!tpu.dma_semaphore, #tpu.memory_space<semaphore_mem>>)
          %dma_wait3A = arith.constant 0 : i32
          %dma_wait3A_45 = tpu.memref_slice %arg8[%mul3A_41, %dma_wait3A] : memref<10000x128xf32, #tpu.memory_space<hbm>> -> memref<624x128xf32, #tpu.memory_space<hbm>>
          %dma_wait3A_46 = arith.constant 0 : i32
          %dma_wait3A_47 = tpu.memref_slice %arg14[%mul3A_41, %dma_wait3A_46] : memref<10008x128xf32, #tpu.memory_space<vmem_shared>> -> memref<624x128xf32, #tpu.memory_space<vmem_shared>>
          tpu.wait_dma2 semaphore(%run_scoped3A : memref<!tpu.dma_semaphore, #tpu.memory_space<semaphore_mem>>) src(%dma_wait3A_47 : memref<624x128xf32, #tpu.memory_space<vmem_shared>>) dst(%dma_wait3A_45 : memref<624x128xf32, #tpu.memory_space<hbm>>)
          tpu.yield
        }) : () -> ()
      } else {
      }
      %eq3A_35 = arith.constant 15 : i32
      %eq3A_36 = arith.cmpi eq, %arg1, %eq3A_35 : i32
      %convert_element_type3A_37 = arith.extui %eq3A_36 : i1 to i32
      %cond3A_38 = arith.constant 0 : i32
      %cond3A_39 = arith.cmpi ne, %convert_element_type3A_37, %cond3A_38 : i32
      scf.if %cond3A_39 {
        "tpu.region"() ({
          %run_scoped3A = tpu.sem_alloc : memref<!tpu.dma_semaphore, #tpu.memory_space<semaphore_mem>>
          %dma_start3A = arith.constant 9360 : i32
          %dma_start3A_40 = arith.constant 0 : i32
          %dma_start3A_41 = tpu.memref_slice %arg8[%dma_start3A, %dma_start3A_40] : memref<10000x128xf32, #tpu.memory_space<hbm>> -> memref<640x128xf32, #tpu.memory_space<hbm>>
          %dma_start3A_42 = arith.constant 9360 : i32
          %dma_start3A_43 = arith.constant 0 : i32
          %dma_start3A_44 = tpu.memref_slice %arg14[%dma_start3A_42, %dma_start3A_43] : memref<10008x128xf32, #tpu.memory_space<vmem_shared>> -> memref<640x128xf32, #tpu.memory_space<vmem_shared>>
          tpu.enqueue_dma source(%dma_start3A_44 : memref<640x128xf32, #tpu.memory_space<vmem_shared>>) target(%dma_start3A_41 : memref<640x128xf32, #tpu.memory_space<hbm>>) target_semaphore(%run_scoped3A : memref<!tpu.dma_semaphore, #tpu.memory_space<semaphore_mem>>)
          %dma_wait3A = arith.constant 9360 : i32
          %dma_wait3A_45 = arith.constant 0 : i32
          %dma_wait3A_46 = tpu.memref_slice %arg8[%dma_wait3A, %dma_wait3A_45] : memref<10000x128xf32, #tpu.memory_space<hbm>> -> memref<640x128xf32, #tpu.memory_space<hbm>>
          %dma_wait3A_47 = arith.constant 9360 : i32
          %dma_wait3A_48 = arith.constant 0 : i32
          %dma_wait3A_49 = tpu.memref_slice %arg14[%dma_wait3A_47, %dma_wait3A_48] : memref<10008x128xf32, #tpu.memory_space<vmem_shared>> -> memref<640x128xf32, #tpu.memory_space<vmem_shared>>
          tpu.wait_dma2 semaphore(%run_scoped3A : memref<!tpu.dma_semaphore, #tpu.memory_space<semaphore_mem>>) src(%dma_wait3A_49 : memref<640x128xf32, #tpu.memory_space<vmem_shared>>) dst(%dma_wait3A_46 : memref<640x128xf32, #tpu.memory_space<hbm>>)
          tpu.yield
        }) : () -> ()
      } else {
      }
    } else {
    }
    %eq3A_26 = arith.constant 1 : i32
    %eq3A_27 = arith.cmpi eq, %arg0, %eq3A_26 : i32
    %convert_element_type3A_28 = arith.extui %eq3A_27 : i1 to i32
    %cond3A_29 = arith.constant 0 : i32
    %cond3A_30 = arith.cmpi ne, %convert_element_type3A_28, %cond3A_29 : i32
    scf.if %cond3A_30 {
      %lt3A = arith.constant 15 : i32
      %lt3A_31 = arith.cmpi slt, %arg1, %lt3A : i32
      %convert_element_type3A_32 = arith.extui %lt3A_31 : i1 to i32
      %cond3A_33 = arith.constant 0 : i32
      %cond3A_34 = arith.cmpi ne, %convert_element_type3A_32, %cond3A_33 : i32
      scf.if %cond3A_34 {
        %mul3A_40 = arith.constant 624 : i32
        %mul3A_41 = arith.muli %arg1, %mul3A_40 : i32
        "tpu.region"() ({
          %run_scoped3A = tpu.sem_alloc : memref<!tpu.dma_semaphore, #tpu.memory_space<semaphore_mem>>
          %dma_start3A = arith.constant 0 : i32
          %dma_start3A_42 = tpu.memref_slice %arg9[%mul3A_41, %dma_start3A] : memref<10000x128xf32, #tpu.memory_space<hbm>> -> memref<624x128xf32, #tpu.memory_space<hbm>>
          %dma_start3A_43 = arith.constant 0 : i32
          %dma_start3A_44 = tpu.memref_slice %arg14[%mul3A_41, %dma_start3A_43] : memref<10008x128xf32, #tpu.memory_space<vmem_shared>> -> memref<624x128xf32, #tpu.memory_space<vmem_shared>>
          tpu.enqueue_dma source(%dma_start3A_44 : memref<624x128xf32, #tpu.memory_space<vmem_shared>>) target(%dma_start3A_42 : memref<624x128xf32, #tpu.memory_space<hbm>>) target_semaphore(%run_scoped3A : memref<!tpu.dma_semaphore, #tpu.memory_space<semaphore_mem>>)
          %dma_wait3A = arith.constant 0 : i32
          %dma_wait3A_45 = tpu.memref_slice %arg9[%mul3A_41, %dma_wait3A] : memref<10000x128xf32, #tpu.memory_space<hbm>> -> memref<624x128xf32, #tpu.memory_space<hbm>>
          %dma_wait3A_46 = arith.constant 0 : i32
          %dma_wait3A_47 = tpu.memref_slice %arg14[%mul3A_41, %dma_wait3A_46] : memref<10008x128xf32, #tpu.memory_space<vmem_shared>> -> memref<624x128xf32, #tpu.memory_space<vmem_shared>>
          tpu.wait_dma2 semaphore(%run_scoped3A : memref<!tpu.dma_semaphore, #tpu.memory_space<semaphore_mem>>) src(%dma_wait3A_47 : memref<624x128xf32, #tpu.memory_space<vmem_shared>>) dst(%dma_wait3A_45 : memref<624x128xf32, #tpu.memory_space<hbm>>)
          tpu.yield
        }) : () -> ()
      } else {
      }
      %eq3A_35 = arith.constant 15 : i32
      %eq3A_36 = arith.cmpi eq, %arg1, %eq3A_35 : i32
      %convert_element_type3A_37 = arith.extui %eq3A_36 : i1 to i32
      %cond3A_38 = arith.constant 0 : i32
      %cond3A_39 = arith.cmpi ne, %convert_element_type3A_37, %cond3A_38 : i32
      scf.if %cond3A_39 {
        "tpu.region"() ({
          %run_scoped3A = tpu.sem_alloc : memref<!tpu.dma_semaphore, #tpu.memory_space<semaphore_mem>>
          %dma_start3A = arith.constant 9360 : i32
          %dma_start3A_40 = arith.constant 0 : i32
          %dma_start3A_41 = tpu.memref_slice %arg9[%dma_start3A, %dma_start3A_40] : memref<10000x128xf32, #tpu.memory_space<hbm>> -> memref<640x128xf32, #tpu.memory_space<hbm>>
          %dma_start3A_42 = arith.constant 9360 : i32
          %dma_start3A_43 = arith.constant 0 : i32
          %dma_start3A_44 = tpu.memref_slice %arg14[%dma_start3A_42, %dma_start3A_43] : memref<10008x128xf32, #tpu.memory_space<vmem_shared>> -> memref<640x128xf32, #tpu.memory_space<vmem_shared>>
          tpu.enqueue_dma source(%dma_start3A_44 : memref<640x128xf32, #tpu.memory_space<vmem_shared>>) target(%dma_start3A_41 : memref<640x128xf32, #tpu.memory_space<hbm>>) target_semaphore(%run_scoped3A : memref<!tpu.dma_semaphore, #tpu.memory_space<semaphore_mem>>)
          %dma_wait3A = arith.constant 9360 : i32
          %dma_wait3A_45 = arith.constant 0 : i32
          %dma_wait3A_46 = tpu.memref_slice %arg9[%dma_wait3A, %dma_wait3A_45] : memref<10000x128xf32, #tpu.memory_space<hbm>> -> memref<640x128xf32, #tpu.memory_space<hbm>>
          %dma_wait3A_47 = arith.constant 9360 : i32
          %dma_wait3A_48 = arith.constant 0 : i32
          %dma_wait3A_49 = tpu.memref_slice %arg14[%dma_wait3A_47, %dma_wait3A_48] : memref<10008x128xf32, #tpu.memory_space<vmem_shared>> -> memref<640x128xf32, #tpu.memory_space<vmem_shared>>
          tpu.wait_dma2 semaphore(%run_scoped3A : memref<!tpu.dma_semaphore, #tpu.memory_space<semaphore_mem>>) src(%dma_wait3A_49 : memref<640x128xf32, #tpu.memory_space<vmem_shared>>) dst(%dma_wait3A_46 : memref<640x128xf32, #tpu.memory_space<hbm>>)
          tpu.yield
        }) : () -> ()
      } else {
      }
    } else {
    }
    return
  }
}

#map = affine_map<(d0, d1) -> (0, 0)>
module attributes {stable_mosaic.version = 14 : i64} {
  func.func @_counts(%arg0: i32, %arg1: i32, %arg2: memref<2560x128xi32, #tpu.memory_space<hbm>>, %arg3: memref<2560x128xi32, #tpu.memory_space<hbm>>, %arg4: memref<10000x128xf32, #tpu.memory_space<hbm>>, %arg5: memref<10000x128xf32, #tpu.memory_space<hbm>>, %arg6: memref<32x128xi32, #tpu.memory_space<vmem>>, %arg7: memref<128x128xf32, #tpu.memory_space<vmem>>, %arg8: memref<10008x128xf32, #tpu.memory_space<vmem_shared>>, %arg9: memref<!tpu.dma_semaphore, #tpu.memory_space<semaphore_mem>>) attributes {dimension_semantics = [#tpu.dimension_semantics<core_parallel>, #tpu.dimension_semantics<subcore_parallel>], iteration_bounds = array<i64: 2, 16>, scalar_prefetch = 0 : i64, scratch_operands = 4 : i64, tpu.core_type = #tpu.core_type<sc_vector_subcore>, window_params = [{transform_indices = #map}, {transform_indices = #map}, {transform_indices = #map}, {transform_indices = #map}]} {
    %mul3A = arith.constant 624 : i32
    %mul3A_0 = arith.muli %arg1, %mul3A : i32
    %broadcast_in_dim3A = arith.constant 0.000000e+00 : f32
    %broadcast_in_dim3A_1 = vector.broadcast %broadcast_in_dim3A : f32 to vector<16xf32>
    %broadcast_in_dim3A_2 = arith.constant 1.000000e+00 : f32
    %broadcast_in_dim3A_3 = vector.broadcast %broadcast_in_dim3A_2 : f32 to vector<16xf32>
    %scan3A = arith.constant 0 : i32
    %scan3A_4 = arith.constant 0 : i32
    %scan3A_5 = arith.constant 128 : i32
    %scan3A_6 = arith.addi %scan3A_4, %scan3A_5 : i32
    %scan3A_7 = arith.constant 1 : i32
    scf.for %scan3A_39 = %scan3A_4 to %scan3A_6 step %scan3A_7  : i32 {
      %swap3A = arith.index_cast %scan3A_39 : i32 to index
      %swap3A_40 = arith.constant 0 : index
      %swap3A_41 = tpu.vector_load %arg7[%swap3A, %swap3A_40] {strides = array<i32>} : memref<128x128xf32, #tpu.memory_space<vmem>>, vector<1x16xf32>,
      %swap3A_42 = vector.shape_cast %swap3A_41 : vector<1x16xf32> to vector<16xf32>
      %swap3A_43 = vector.shape_cast %broadcast_in_dim3A_1 : vector<16xf32> to vector<1x16xf32>
      tpu.vector_store %arg7[%swap3A, %swap3A_40], %swap3A_43 {strides = array<i32>} : memref<128x128xf32, #tpu.memory_space<vmem>>, vector<1x16xf32>,
      %swap3A_44 = arith.index_cast %scan3A_39 : i32 to index
      %swap3A_45 = arith.constant 16 : index
      %swap3A_46 = tpu.vector_load %arg7[%swap3A_44, %swap3A_45] {strides = array<i32>} : memref<128x128xf32, #tpu.memory_space<vmem>>, vector<1x16xf32>,
      %swap3A_47 = vector.shape_cast %swap3A_46 : vector<1x16xf32> to vector<16xf32>
      %swap3A_48 = vector.shape_cast %broadcast_in_dim3A_1 : vector<16xf32> to vector<1x16xf32>
      tpu.vector_store %arg7[%swap3A_44, %swap3A_45], %swap3A_48 {strides = array<i32>} : memref<128x128xf32, #tpu.memory_space<vmem>>, vector<1x16xf32>,
      %swap3A_49 = arith.index_cast %scan3A_39 : i32 to index
      %swap3A_50 = arith.constant 32 : index
      %swap3A_51 = tpu.vector_load %arg7[%swap3A_49, %swap3A_50] {strides = array<i32>} : memref<128x128xf32, #tpu.memory_space<vmem>>, vector<1x16xf32>,
      %swap3A_52 = vector.shape_cast %swap3A_51 : vector<1x16xf32> to vector<16xf32>
      %swap3A_53 = vector.shape_cast %broadcast_in_dim3A_1 : vector<16xf32> to vector<1x16xf32>
      tpu.vector_store %arg7[%swap3A_49, %swap3A_50], %swap3A_53 {strides = array<i32>} : memref<128x128xf32, #tpu.memory_space<vmem>>, vector<1x16xf32>,
      %swap3A_54 = arith.index_cast %scan3A_39 : i32 to index
      %swap3A_55 = arith.constant 48 : index
      %swap3A_56 = tpu.vector_load %arg7[%swap3A_54, %swap3A_55] {strides = array<i32>} : memref<128x128xf32, #tpu.memory_space<vmem>>, vector<1x16xf32>,
      %swap3A_57 = vector.shape_cast %swap3A_56 : vector<1x16xf32> to vector<16xf32>
      %swap3A_58 = vector.shape_cast %broadcast_in_dim3A_1 : vector<16xf32> to vector<1x16xf32>
      tpu.vector_store %arg7[%swap3A_54, %swap3A_55], %swap3A_58 {strides = array<i32>} : memref<128x128xf32, #tpu.memory_space<vmem>>, vector<1x16xf32>,
      %swap3A_59 = arith.index_cast %scan3A_39 : i32 to index
      %swap3A_60 = arith.constant 64 : index
      %swap3A_61 = tpu.vector_load %arg7[%swap3A_59, %swap3A_60] {strides = array<i32>} : memref<128x128xf32, #tpu.memory_space<vmem>>, vector<1x16xf32>,
      %swap3A_62 = vector.shape_cast %swap3A_61 : vector<1x16xf32> to vector<16xf32>
      %swap3A_63 = vector.shape_cast %broadcast_in_dim3A_1 : vector<16xf32> to vector<1x16xf32>
      tpu.vector_store %arg7[%swap3A_59, %swap3A_60], %swap3A_63 {strides = array<i32>} : memref<128x128xf32, #tpu.memory_space<vmem>>, vector<1x16xf32>,
      %swap3A_64 = arith.index_cast %scan3A_39 : i32 to index
      %swap3A_65 = arith.constant 80 : index
      %swap3A_66 = tpu.vector_load %arg7[%swap3A_64, %swap3A_65] {strides = array<i32>} : memref<128x128xf32, #tpu.memory_space<vmem>>, vector<1x16xf32>,
      %swap3A_67 = vector.shape_cast %swap3A_66 : vector<1x16xf32> to vector<16xf32>
      %swap3A_68 = vector.shape_cast %broadcast_in_dim3A_1 : vector<16xf32> to vector<1x16xf32>
      tpu.vector_store %arg7[%swap3A_64, %swap3A_65], %swap3A_68 {strides = array<i32>} : memref<128x128xf32, #tpu.memory_space<vmem>>, vector<1x16xf32>,
      %swap3A_69 = arith.index_cast %scan3A_39 : i32 to index
      %swap3A_70 = arith.constant 96 : index
      %swap3A_71 = tpu.vector_load %arg7[%swap3A_69, %swap3A_70] {strides = array<i32>} : memref<128x128xf32, #tpu.memory_space<vmem>>, vector<1x16xf32>,
      %swap3A_72 = vector.shape_cast %swap3A_71 : vector<1x16xf32> to vector<16xf32>
      %swap3A_73 = vector.shape_cast %broadcast_in_dim3A_1 : vector<16xf32> to vector<1x16xf32>
      tpu.vector_store %arg7[%swap3A_69, %swap3A_70], %swap3A_73 {strides = array<i32>} : memref<128x128xf32, #tpu.memory_space<vmem>>, vector<1x16xf32>,
      %swap3A_74 = arith.index_cast %scan3A_39 : i32 to index
      %swap3A_75 = arith.constant 112 : index
      %swap3A_76 = tpu.vector_load %arg7[%swap3A_74, %swap3A_75] {strides = array<i32>} : memref<128x128xf32, #tpu.memory_space<vmem>>, vector<1x16xf32>,
      %swap3A_77 = vector.shape_cast %swap3A_76 : vector<1x16xf32> to vector<16xf32>
      %swap3A_78 = vector.shape_cast %broadcast_in_dim3A_1 : vector<16xf32> to vector<1x16xf32>
      tpu.vector_store %arg7[%swap3A_74, %swap3A_75], %swap3A_78 {strides = array<i32>} : memref<128x128xf32, #tpu.memory_space<vmem>>, vector<1x16xf32>,
    }
    %scan3A_8 = arith.constant 128 : i32
    %scan3A_9 = arith.constant 0 : i32
    %scan3A_10 = arith.constant 0 : i32
    %scan3A_11 = arith.constant 5 : i32
    %scan3A_12 = arith.addi %scan3A_10, %scan3A_11 : i32
    %scan3A_13 = arith.constant 1 : i32
    scf.for %scan3A_39 = %scan3A_10 to %scan3A_12 step %scan3A_13  : i32 {
      %mul3A_40 = arith.constant 128 : i32
      %mul3A_41 = arith.muli %scan3A_39, %mul3A_40 : i32
      %add3A = arith.addi %mul3A_0, %mul3A_41 : i32
      "tpu.region"() ({
        %run_scoped3A = tpu.sem_alloc : memref<!tpu.dma_semaphore, #tpu.memory_space<semaphore_mem>>
        %dma_start3A = arith.constant 0 : i32
        %dma_start3A_42 = tpu.memref_slice %arg8[%add3A, %dma_start3A] : memref<10008x128xf32, #tpu.memory_space<vmem_shared>> -> memref<128x128xf32, #tpu.memory_space<vmem_shared>>
        %dma_start3A_43 = arith.constant 0 : i32
        %dma_start3A_44 = tpu.memref_slice %arg8[%add3A, %dma_start3A_43] : memref<10008x128xf32, #tpu.memory_space<vmem_shared>> -> memref<128x128xf32, #tpu.memory_space<vmem_shared>>
        tpu.enqueue_dma source(%arg7 : memref<128x128xf32, #tpu.memory_space<vmem>>) target(%dma_start3A_44 : memref<128x128xf32, #tpu.memory_space<vmem_shared>>) target_semaphore(%run_scoped3A : memref<!tpu.dma_semaphore, #tpu.memory_space<semaphore_mem>>)
        %dma_wait3A = arith.constant 0 : i32
        %dma_wait3A_45 = tpu.memref_slice %arg8[%add3A, %dma_wait3A] : memref<10008x128xf32, #tpu.memory_space<vmem_shared>> -> memref<128x128xf32, #tpu.memory_space<vmem_shared>>
        %dma_wait3A_46 = arith.constant 0 : i32
        %dma_wait3A_47 = tpu.memref_slice %arg8[%add3A, %dma_wait3A_46] : memref<10008x128xf32, #tpu.memory_space<vmem_shared>> -> memref<128x128xf32, #tpu.memory_space<vmem_shared>>
        tpu.wait_dma2 semaphore(%run_scoped3A : memref<!tpu.dma_semaphore, #tpu.memory_space<semaphore_mem>>) src(%arg7 : memref<128x128xf32, #tpu.memory_space<vmem>>) dst(%dma_wait3A_47 : memref<128x128xf32, #tpu.memory_space<vmem_shared>>)
        tpu.yield
      }) : () -> ()
    }
    %scan3A_14 = arith.constant 5 : i32
    %scan3A_15 = arith.constant 0 : i32
    %scan3A_16 = arith.constant 0 : i32
    %scan3A_17 = arith.constant 128 : i32
    %scan3A_18 = arith.addi %scan3A_16, %scan3A_17 : i32
    %scan3A_19 = arith.constant 1 : i32
    scf.for %scan3A_39 = %scan3A_16 to %scan3A_18 step %scan3A_19  : i32 {
      %swap3A = arith.index_cast %scan3A_39 : i32 to index
      %swap3A_40 = arith.constant 0 : index
      %swap3A_41 = tpu.vector_load %arg7[%swap3A, %swap3A_40] {strides = array<i32>} : memref<128x128xf32, #tpu.memory_space<vmem>>, vector<1x16xf32>,
      %swap3A_42 = vector.shape_cast %swap3A_41 : vector<1x16xf32> to vector<16xf32>
      %swap3A_43 = vector.shape_cast %broadcast_in_dim3A_3 : vector<16xf32> to vector<1x16xf32>
      tpu.vector_store %arg7[%swap3A, %swap3A_40], %swap3A_43 {strides = array<i32>} : memref<128x128xf32, #tpu.memory_space<vmem>>, vector<1x16xf32>,
      %swap3A_44 = arith.index_cast %scan3A_39 : i32 to index
      %swap3A_45 = arith.constant 16 : index
      %swap3A_46 = tpu.vector_load %arg7[%swap3A_44, %swap3A_45] {strides = array<i32>} : memref<128x128xf32, #tpu.memory_space<vmem>>, vector<1x16xf32>,
      %swap3A_47 = vector.shape_cast %swap3A_46 : vector<1x16xf32> to vector<16xf32>
      %swap3A_48 = vector.shape_cast %broadcast_in_dim3A_3 : vector<16xf32> to vector<1x16xf32>
      tpu.vector_store %arg7[%swap3A_44, %swap3A_45], %swap3A_48 {strides = array<i32>} : memref<128x128xf32, #tpu.memory_space<vmem>>, vector<1x16xf32>,
      %swap3A_49 = arith.index_cast %scan3A_39 : i32 to index
      %swap3A_50 = arith.constant 32 : index
      %swap3A_51 = tpu.vector_load %arg7[%swap3A_49, %swap3A_50] {strides = array<i32>} : memref<128x128xf32, #tpu.memory_space<vmem>>, vector<1x16xf32>,
      %swap3A_52 = vector.shape_cast %swap3A_51 : vector<1x16xf32> to vector<16xf32>
      %swap3A_53 = vector.shape_cast %broadcast_in_dim3A_3 : vector<16xf32> to vector<1x16xf32>
      tpu.vector_store %arg7[%swap3A_49, %swap3A_50], %swap3A_53 {strides = array<i32>} : memref<128x128xf32, #tpu.memory_space<vmem>>, vector<1x16xf32>,
      %swap3A_54 = arith.index_cast %scan3A_39 : i32 to index
      %swap3A_55 = arith.constant 48 : index
      %swap3A_56 = tpu.vector_load %arg7[%swap3A_54, %swap3A_55] {strides = array<i32>} : memref<128x128xf32, #tpu.memory_space<vmem>>, vector<1x16xf32>,
      %swap3A_57 = vector.shape_cast %swap3A_56 : vector<1x16xf32> to vector<16xf32>
      %swap3A_58 = vector.shape_cast %broadcast_in_dim3A_3 : vector<16xf32> to vector<1x16xf32>
      tpu.vector_store %arg7[%swap3A_54, %swap3A_55], %swap3A_58 {strides = array<i32>} : memref<128x128xf32, #tpu.memory_space<vmem>>, vector<1x16xf32>,
      %swap3A_59 = arith.index_cast %scan3A_39 : i32 to index
      %swap3A_60 = arith.constant 64 : index
      %swap3A_61 = tpu.vector_load %arg7[%swap3A_59, %swap3A_60] {strides = array<i32>} : memref<128x128xf32, #tpu.memory_space<vmem>>, vector<1x16xf32>,
      %swap3A_62 = vector.shape_cast %swap3A_61 : vector<1x16xf32> to vector<16xf32>
      %swap3A_63 = vector.shape_cast %broadcast_in_dim3A_3 : vector<16xf32> to vector<1x16xf32>
      tpu.vector_store %arg7[%swap3A_59, %swap3A_60], %swap3A_63 {strides = array<i32>} : memref<128x128xf32, #tpu.memory_space<vmem>>, vector<1x16xf32>,
      %swap3A_64 = arith.index_cast %scan3A_39 : i32 to index
      %swap3A_65 = arith.constant 80 : index
      %swap3A_66 = tpu.vector_load %arg7[%swap3A_64, %swap3A_65] {strides = array<i32>} : memref<128x128xf32, #tpu.memory_space<vmem>>, vector<1x16xf32>,
      %swap3A_67 = vector.shape_cast %swap3A_66 : vector<1x16xf32> to vector<16xf32>
      %swap3A_68 = vector.shape_cast %broadcast_in_dim3A_3 : vector<16xf32> to vector<1x16xf32>
      tpu.vector_store %arg7[%swap3A_64, %swap3A_65], %swap3A_68 {strides = array<i32>} : memref<128x128xf32, #tpu.memory_space<vmem>>, vector<1x16xf32>,
      %swap3A_69 = arith.index_cast %scan3A_39 : i32 to index
      %swap3A_70 = arith.constant 96 : index
      %swap3A_71 = tpu.vector_load %arg7[%swap3A_69, %swap3A_70] {strides = array<i32>} : memref<128x128xf32, #tpu.memory_space<vmem>>, vector<1x16xf32>,
      %swap3A_72 = vector.shape_cast %swap3A_71 : vector<1x16xf32> to vector<16xf32>
      %swap3A_73 = vector.shape_cast %broadcast_in_dim3A_3 : vector<16xf32> to vector<1x16xf32>
      tpu.vector_store %arg7[%swap3A_69, %swap3A_70], %swap3A_73 {strides = array<i32>} : memref<128x128xf32, #tpu.memory_space<vmem>>, vector<1x16xf32>,
      %swap3A_74 = arith.index_cast %scan3A_39 : i32 to index
      %swap3A_75 = arith.constant 112 : index
      %swap3A_76 = tpu.vector_load %arg7[%swap3A_74, %swap3A_75] {strides = array<i32>} : memref<128x128xf32, #tpu.memory_space<vmem>>, vector<1x16xf32>,
      %swap3A_77 = vector.shape_cast %swap3A_76 : vector<1x16xf32> to vector<16xf32>
      %swap3A_78 = vector.shape_cast %broadcast_in_dim3A_3 : vector<16xf32> to vector<1x16xf32>
      tpu.vector_store %arg7[%swap3A_74, %swap3A_75], %swap3A_78 {strides = array<i32>} : memref<128x128xf32, #tpu.memory_space<vmem>>, vector<1x16xf32>,
    }
    %scan3A_20 = arith.constant 128 : i32
    %barrier3A = arith.constant 0 : index
    tpu.barrier barrier_id(%barrier3A)
    %eq3A = arith.constant 0 : i32
    %eq3A_21 = arith.cmpi eq, %arg0, %eq3A : i32
    %convert_element_type3A = arith.extui %eq3A_21 : i1 to i32
    %cond3A = arith.constant 0 : i32
    %cond3A_22 = arith.cmpi ne, %convert_element_type3A, %cond3A : i32
    scf.if %cond3A_22 {
      %mul3A_39 = arith.constant 160 : i32
      %mul3A_40 = arith.muli %arg1, %mul3A_39 : i32
      %scan3A_41 = arith.constant 0 : i32
      %scan3A_42 = arith.constant 0 : i32
      %scan3A_43 = arith.constant 5 : i32
      %scan3A_44 = arith.addi %scan3A_42, %scan3A_43 : i32
      %scan3A_45 = arith.constant 1 : i32
      scf.for %scan3A_47 = %scan3A_42 to %scan3A_44 step %scan3A_45  : i32 {
        %mul3A_48 = arith.constant 32 : i32
        %mul3A_49 = arith.muli %scan3A_47, %mul3A_48 : i32
        %add3A = arith.addi %mul3A_40, %mul3A_49 : i32
        "tpu.region"() ({
          %run_scoped3A = tpu.sem_alloc : memref<!tpu.dma_semaphore, #tpu.memory_space<semaphore_mem>>
          %dma_start3A = arith.constant 0 : i32
          %dma_start3A_62 = tpu.memref_slice %arg2[%add3A, %dma_start3A] : memref<2560x128xi32, #tpu.memory_space<hbm>> -> memref<32x128xi32, #tpu.memory_space<hbm>>
          %dma_start3A_63 = arith.constant 0 : i32
          %dma_start3A_64 = tpu.memref_slice %arg2[%add3A, %dma_start3A_63] : memref<2560x128xi32, #tpu.memory_space<hbm>> -> memref<32x128xi32, #tpu.memory_space<hbm>>
          tpu.enqueue_dma source(%dma_start3A_64 : memref<32x128xi32, #tpu.memory_space<hbm>>) target(%arg6 : memref<32x128xi32, #tpu.memory_space<vmem>>) target_semaphore(%run_scoped3A : memref<!tpu.dma_semaphore, #tpu.memory_space<semaphore_mem>>)
          %dma_wait3A = arith.constant 0 : i32
          %dma_wait3A_65 = tpu.memref_slice %arg2[%add3A, %dma_wait3A] : memref<2560x128xi32, #tpu.memory_space<hbm>> -> memref<32x128xi32, #tpu.memory_space<hbm>>
          %dma_wait3A_66 = arith.constant 0 : i32
          %dma_wait3A_67 = tpu.memref_slice %arg2[%add3A, %dma_wait3A_66] : memref<2560x128xi32, #tpu.memory_space<hbm>> -> memref<32x128xi32, #tpu.memory_space<hbm>>
          tpu.wait_dma2 semaphore(%run_scoped3A : memref<!tpu.dma_semaphore, #tpu.memory_space<semaphore_mem>>) src(%dma_wait3A_67 : memref<32x128xi32, #tpu.memory_space<hbm>>) dst(%arg6 : memref<32x128xi32, #tpu.memory_space<vmem>>)
          tpu.yield
        }) : () -> ()
        %scan3A_50 = arith.constant 0 : i32
        %scan3A_51 = arith.constant 0 : i32
        %scan3A_52 = arith.constant 32 : i32
        %scan3A_53 = arith.addi %scan3A_51, %scan3A_52 : i32
        %scan3A_54 = arith.constant 1 : i32
        scf.for %scan3A_62 = %scan3A_51 to %scan3A_53 step %scan3A_54  : i32 {
          %dma_start3A = arith.constant 0 : i32
          %dma_start3A_63 = tpu.memref_slice %arg6[%scan3A_62, %dma_start3A] : memref<32x128xi32, #tpu.memory_space<vmem>> -> memref<1x128xi32, #tpu.memory_space<vmem>>
          %dma_start3A_64 = tpu.memref_squeeze %dma_start3A_63 : memref<1x128xi32, #tpu.memory_space<vmem>> -> memref<128xi32, #tpu.memory_space<vmem>>
          %dma_start3A_65 = arith.constant 0 : i32
          %dma_start3A_66 = arith.constant 0 : i32
          %dma_start3A_67 = tpu.memref_slice %arg8[%dma_start3A_65, %dma_start3A_66] : memref<10008x128xf32, #tpu.memory_space<vmem_shared>> -> memref<10008x128xf32, #tpu.memory_space<vmem_shared>>
          tpu.enqueue_indirect_dma source(%arg7 : memref<128x128xf32, #tpu.memory_space<vmem>>) target(%dma_start3A_67 : memref<10008x128xf32, #tpu.memory_space<vmem_shared>>) offsets(%dma_start3A_64 : memref<128xi32, #tpu.memory_space<vmem>>) semaphore(%arg9 : memref<!tpu.dma_semaphore, #tpu.memory_space<semaphore_mem>>) {add = true}
        }
        %scan3A_55 = arith.constant 32 : i32
        %scan3A_56 = arith.constant 0 : i32
        %scan3A_57 = arith.constant 0 : i32
        %scan3A_58 = arith.constant 32 : i32
        %scan3A_59 = arith.addi %scan3A_57, %scan3A_58 : i32
        %scan3A_60 = arith.constant 1 : i32
        scf.for %scan3A_62 = %scan3A_57 to %scan3A_59 step %scan3A_60  : i32 {
          %dma_wait3A = arith.constant 0 : i32
          %dma_wait3A_63 = arith.constant 0 : i32
          %dma_wait3A_64 = tpu.memref_slice %arg6[%dma_wait3A, %dma_wait3A_63] : memref<32x128xi32, #tpu.memory_space<vmem>> -> memref<1x128xi32, #tpu.memory_space<vmem>>
          %dma_wait3A_65 = tpu.memref_squeeze %dma_wait3A_64 : memref<1x128xi32, #tpu.memory_space<vmem>> -> memref<128xi32, #tpu.memory_space<vmem>>
          %dma_wait3A_66 = arith.constant 0 : i32
          %dma_wait3A_67 = arith.constant 0 : i32
          %dma_wait3A_68 = tpu.memref_slice %arg8[%dma_wait3A_66, %dma_wait3A_67] : memref<10008x128xf32, #tpu.memory_space<vmem_shared>> -> memref<10008x128xf32, #tpu.memory_space<vmem_shared>>
          tpu.wait_indirect_dma semaphore(%arg9 : memref<!tpu.dma_semaphore, #tpu.memory_space<semaphore_mem>>) src(%arg7 : memref<128x128xf32, #tpu.memory_space<vmem>>) dst(%dma_wait3A_68 : memref<10008x128xf32, #tpu.memory_space<vmem_shared>>)
        }
        %scan3A_61 = arith.constant 32 : i32
      }
      %scan3A_46 = arith.constant 5 : i32
    } else {
    }
    %eq3A_23 = arith.constant 1 : i32
    %eq3A_24 = arith.cmpi eq, %arg0, %eq3A_23 : i32
    %convert_element_type3A_25 = arith.extui %eq3A_24 : i1 to i32
    %cond3A_26 = arith.constant 0 : i32
    %cond3A_27 = arith.cmpi ne, %convert_element_type3A_25, %cond3A_26 : i32
    scf.if %cond3A_27 {
      %mul3A_39 = arith.constant 160 : i32
      %mul3A_40 = arith.muli %arg1, %mul3A_39 : i32
      %scan3A_41 = arith.constant 0 : i32
      %scan3A_42 = arith.constant 0 : i32
      %scan3A_43 = arith.constant 5 : i32
      %scan3A_44 = arith.addi %scan3A_42, %scan3A_43 : i32
      %scan3A_45 = arith.constant 1 : i32
      scf.for %scan3A_47 = %scan3A_42 to %scan3A_44 step %scan3A_45  : i32 {
        %mul3A_48 = arith.constant 32 : i32
        %mul3A_49 = arith.muli %scan3A_47, %mul3A_48 : i32
        %add3A = arith.addi %mul3A_40, %mul3A_49 : i32
        "tpu.region"() ({
          %run_scoped3A = tpu.sem_alloc : memref<!tpu.dma_semaphore, #tpu.memory_space<semaphore_mem>>
          %dma_start3A = arith.constant 0 : i32
          %dma_start3A_62 = tpu.memref_slice %arg3[%add3A, %dma_start3A] : memref<2560x128xi32, #tpu.memory_space<hbm>> -> memref<32x128xi32, #tpu.memory_space<hbm>>
          %dma_start3A_63 = arith.constant 0 : i32
          %dma_start3A_64 = tpu.memref_slice %arg3[%add3A, %dma_start3A_63] : memref<2560x128xi32, #tpu.memory_space<hbm>> -> memref<32x128xi32, #tpu.memory_space<hbm>>
          tpu.enqueue_dma source(%dma_start3A_64 : memref<32x128xi32, #tpu.memory_space<hbm>>) target(%arg6 : memref<32x128xi32, #tpu.memory_space<vmem>>) target_semaphore(%run_scoped3A : memref<!tpu.dma_semaphore, #tpu.memory_space<semaphore_mem>>)
          %dma_wait3A = arith.constant 0 : i32
          %dma_wait3A_65 = tpu.memref_slice %arg3[%add3A, %dma_wait3A] : memref<2560x128xi32, #tpu.memory_space<hbm>> -> memref<32x128xi32, #tpu.memory_space<hbm>>
          %dma_wait3A_66 = arith.constant 0 : i32
          %dma_wait3A_67 = tpu.memref_slice %arg3[%add3A, %dma_wait3A_66] : memref<2560x128xi32, #tpu.memory_space<hbm>> -> memref<32x128xi32, #tpu.memory_space<hbm>>
          tpu.wait_dma2 semaphore(%run_scoped3A : memref<!tpu.dma_semaphore, #tpu.memory_space<semaphore_mem>>) src(%dma_wait3A_67 : memref<32x128xi32, #tpu.memory_space<hbm>>) dst(%arg6 : memref<32x128xi32, #tpu.memory_space<vmem>>)
          tpu.yield
        }) : () -> ()
        %scan3A_50 = arith.constant 0 : i32
        %scan3A_51 = arith.constant 0 : i32
        %scan3A_52 = arith.constant 32 : i32
        %scan3A_53 = arith.addi %scan3A_51, %scan3A_52 : i32
        %scan3A_54 = arith.constant 1 : i32
        scf.for %scan3A_62 = %scan3A_51 to %scan3A_53 step %scan3A_54  : i32 {
          %dma_start3A = arith.constant 0 : i32
          %dma_start3A_63 = tpu.memref_slice %arg6[%scan3A_62, %dma_start3A] : memref<32x128xi32, #tpu.memory_space<vmem>> -> memref<1x128xi32, #tpu.memory_space<vmem>>
          %dma_start3A_64 = tpu.memref_squeeze %dma_start3A_63 : memref<1x128xi32, #tpu.memory_space<vmem>> -> memref<128xi32, #tpu.memory_space<vmem>>
          %dma_start3A_65 = arith.constant 0 : i32
          %dma_start3A_66 = arith.constant 0 : i32
          %dma_start3A_67 = tpu.memref_slice %arg8[%dma_start3A_65, %dma_start3A_66] : memref<10008x128xf32, #tpu.memory_space<vmem_shared>> -> memref<10008x128xf32, #tpu.memory_space<vmem_shared>>
          tpu.enqueue_indirect_dma source(%arg7 : memref<128x128xf32, #tpu.memory_space<vmem>>) target(%dma_start3A_67 : memref<10008x128xf32, #tpu.memory_space<vmem_shared>>) offsets(%dma_start3A_64 : memref<128xi32, #tpu.memory_space<vmem>>) semaphore(%arg9 : memref<!tpu.dma_semaphore, #tpu.memory_space<semaphore_mem>>) {add = true}
        }
        %scan3A_55 = arith.constant 32 : i32
        %scan3A_56 = arith.constant 0 : i32
        %scan3A_57 = arith.constant 0 : i32
        %scan3A_58 = arith.constant 32 : i32
        %scan3A_59 = arith.addi %scan3A_57, %scan3A_58 : i32
        %scan3A_60 = arith.constant 1 : i32
        scf.for %scan3A_62 = %scan3A_57 to %scan3A_59 step %scan3A_60  : i32 {
          %dma_wait3A = arith.constant 0 : i32
          %dma_wait3A_63 = arith.constant 0 : i32
          %dma_wait3A_64 = tpu.memref_slice %arg6[%dma_wait3A, %dma_wait3A_63] : memref<32x128xi32, #tpu.memory_space<vmem>> -> memref<1x128xi32, #tpu.memory_space<vmem>>
          %dma_wait3A_65 = tpu.memref_squeeze %dma_wait3A_64 : memref<1x128xi32, #tpu.memory_space<vmem>> -> memref<128xi32, #tpu.memory_space<vmem>>
          %dma_wait3A_66 = arith.constant 0 : i32
          %dma_wait3A_67 = arith.constant 0 : i32
          %dma_wait3A_68 = tpu.memref_slice %arg8[%dma_wait3A_66, %dma_wait3A_67] : memref<10008x128xf32, #tpu.memory_space<vmem_shared>> -> memref<10008x128xf32, #tpu.memory_space<vmem_shared>>
          tpu.wait_indirect_dma semaphore(%arg9 : memref<!tpu.dma_semaphore, #tpu.memory_space<semaphore_mem>>) src(%arg7 : memref<128x128xf32, #tpu.memory_space<vmem>>) dst(%dma_wait3A_68 : memref<10008x128xf32, #tpu.memory_space<vmem_shared>>)
        }
        %scan3A_61 = arith.constant 32 : i32
      }
      %scan3A_46 = arith.constant 5 : i32
    } else {
    }
    %barrier3A_28 = arith.constant 0 : index
    tpu.barrier barrier_id(%barrier3A_28)
    %eq3A_29 = arith.constant 0 : i32
    %eq3A_30 = arith.cmpi eq, %arg0, %eq3A_29 : i32
    %convert_element_type3A_31 = arith.extui %eq3A_30 : i1 to i32
    %cond3A_32 = arith.constant 0 : i32
    %cond3A_33 = arith.cmpi ne, %convert_element_type3A_31, %cond3A_32 : i32
    scf.if %cond3A_33 {
      %lt3A = arith.constant 15 : i32
      %lt3A_39 = arith.cmpi slt, %arg1, %lt3A : i32
      %convert_element_type3A_40 = arith.extui %lt3A_39 : i1 to i32
      %cond3A_41 = arith.constant 0 : i32
      %cond3A_42 = arith.cmpi ne, %convert_element_type3A_40, %cond3A_41 : i32
      scf.if %cond3A_42 {
        %mul3A_48 = arith.constant 624 : i32
        %mul3A_49 = arith.muli %arg1, %mul3A_48 : i32
        "tpu.region"() ({
          %run_scoped3A = tpu.sem_alloc : memref<!tpu.dma_semaphore, #tpu.memory_space<semaphore_mem>>
          %dma_start3A = arith.constant 0 : i32
          %dma_start3A_50 = tpu.memref_slice %arg4[%mul3A_49, %dma_start3A] : memref<10000x128xf32, #tpu.memory_space<hbm>> -> memref<624x128xf32, #tpu.memory_space<hbm>>
          %dma_start3A_51 = arith.constant 0 : i32
          %dma_start3A_52 = tpu.memref_slice %arg8[%mul3A_49, %dma_start3A_51] : memref<10008x128xf32, #tpu.memory_space<vmem_shared>> -> memref<624x128xf32, #tpu.memory_space<vmem_shared>>
          tpu.enqueue_dma source(%dma_start3A_52 : memref<624x128xf32, #tpu.memory_space<vmem_shared>>) target(%dma_start3A_50 : memref<624x128xf32, #tpu.memory_space<hbm>>) target_semaphore(%run_scoped3A : memref<!tpu.dma_semaphore, #tpu.memory_space<semaphore_mem>>)
          %dma_wait3A = arith.constant 0 : i32
          %dma_wait3A_53 = tpu.memref_slice %arg4[%mul3A_49, %dma_wait3A] : memref<10000x128xf32, #tpu.memory_space<hbm>> -> memref<624x128xf32, #tpu.memory_space<hbm>>
          %dma_wait3A_54 = arith.constant 0 : i32
          %dma_wait3A_55 = tpu.memref_slice %arg8[%mul3A_49, %dma_wait3A_54] : memref<10008x128xf32, #tpu.memory_space<vmem_shared>> -> memref<624x128xf32, #tpu.memory_space<vmem_shared>>
          tpu.wait_dma2 semaphore(%run_scoped3A : memref<!tpu.dma_semaphore, #tpu.memory_space<semaphore_mem>>) src(%dma_wait3A_55 : memref<624x128xf32, #tpu.memory_space<vmem_shared>>) dst(%dma_wait3A_53 : memref<624x128xf32, #tpu.memory_space<hbm>>)
          tpu.yield
        }) : () -> ()
      } else {
      }
      %eq3A_43 = arith.constant 15 : i32
      %eq3A_44 = arith.cmpi eq, %arg1, %eq3A_43 : i32
      %convert_element_type3A_45 = arith.extui %eq3A_44 : i1 to i32
      %cond3A_46 = arith.constant 0 : i32
      %cond3A_47 = arith.cmpi ne, %convert_element_type3A_45, %cond3A_46 : i32
      scf.if %cond3A_47 {
        "tpu.region"() ({
          %run_scoped3A = tpu.sem_alloc : memref<!tpu.dma_semaphore, #tpu.memory_space<semaphore_mem>>
          %dma_start3A = arith.constant 9360 : i32
          %dma_start3A_48 = arith.constant 0 : i32
          %dma_start3A_49 = tpu.memref_slice %arg4[%dma_start3A, %dma_start3A_48] : memref<10000x128xf32, #tpu.memory_space<hbm>> -> memref<640x128xf32, #tpu.memory_space<hbm>>
          %dma_start3A_50 = arith.constant 9360 : i32
          %dma_start3A_51 = arith.constant 0 : i32
          %dma_start3A_52 = tpu.memref_slice %arg8[%dma_start3A_50, %dma_start3A_51] : memref<10008x128xf32, #tpu.memory_space<vmem_shared>> -> memref<640x128xf32, #tpu.memory_space<vmem_shared>>
          tpu.enqueue_dma source(%dma_start3A_52 : memref<640x128xf32, #tpu.memory_space<vmem_shared>>) target(%dma_start3A_49 : memref<640x128xf32, #tpu.memory_space<hbm>>) target_semaphore(%run_scoped3A : memref<!tpu.dma_semaphore, #tpu.memory_space<semaphore_mem>>)
          %dma_wait3A = arith.constant 9360 : i32
          %dma_wait3A_53 = arith.constant 0 : i32
          %dma_wait3A_54 = tpu.memref_slice %arg4[%dma_wait3A, %dma_wait3A_53] : memref<10000x128xf32, #tpu.memory_space<hbm>> -> memref<640x128xf32, #tpu.memory_space<hbm>>
          %dma_wait3A_55 = arith.constant 9360 : i32
          %dma_wait3A_56 = arith.constant 0 : i32
          %dma_wait3A_57 = tpu.memref_slice %arg8[%dma_wait3A_55, %dma_wait3A_56] : memref<10008x128xf32, #tpu.memory_space<vmem_shared>> -> memref<640x128xf32, #tpu.memory_space<vmem_shared>>
          tpu.wait_dma2 semaphore(%run_scoped3A : memref<!tpu.dma_semaphore, #tpu.memory_space<semaphore_mem>>) src(%dma_wait3A_57 : memref<640x128xf32, #tpu.memory_space<vmem_shared>>) dst(%dma_wait3A_54 : memref<640x128xf32, #tpu.memory_space<hbm>>)
          tpu.yield
        }) : () -> ()
      } else {
      }
    } else {
    }
    %eq3A_34 = arith.constant 1 : i32
    %eq3A_35 = arith.cmpi eq, %arg0, %eq3A_34 : i32
    %convert_element_type3A_36 = arith.extui %eq3A_35 : i1 to i32
    %cond3A_37 = arith.constant 0 : i32
    %cond3A_38 = arith.cmpi ne, %convert_element_type3A_36, %cond3A_37 : i32
    scf.if %cond3A_38 {
      %lt3A = arith.constant 15 : i32
      %lt3A_39 = arith.cmpi slt, %arg1, %lt3A : i32
      %convert_element_type3A_40 = arith.extui %lt3A_39 : i1 to i32
      %cond3A_41 = arith.constant 0 : i32
      %cond3A_42 = arith.cmpi ne, %convert_element_type3A_40, %cond3A_41 : i32
      scf.if %cond3A_42 {
        %mul3A_48 = arith.constant 624 : i32
        %mul3A_49 = arith.muli %arg1, %mul3A_48 : i32
        "tpu.region"() ({
          %run_scoped3A = tpu.sem_alloc : memref<!tpu.dma_semaphore, #tpu.memory_space<semaphore_mem>>
          %dma_start3A = arith.constant 0 : i32
          %dma_start3A_50 = tpu.memref_slice %arg5[%mul3A_49, %dma_start3A] : memref<10000x128xf32, #tpu.memory_space<hbm>> -> memref<624x128xf32, #tpu.memory_space<hbm>>
          %dma_start3A_51 = arith.constant 0 : i32
          %dma_start3A_52 = tpu.memref_slice %arg8[%mul3A_49, %dma_start3A_51] : memref<10008x128xf32, #tpu.memory_space<vmem_shared>> -> memref<624x128xf32, #tpu.memory_space<vmem_shared>>
          tpu.enqueue_dma source(%dma_start3A_52 : memref<624x128xf32, #tpu.memory_space<vmem_shared>>) target(%dma_start3A_50 : memref<624x128xf32, #tpu.memory_space<hbm>>) target_semaphore(%run_scoped3A : memref<!tpu.dma_semaphore, #tpu.memory_space<semaphore_mem>>)
          %dma_wait3A = arith.constant 0 : i32
          %dma_wait3A_53 = tpu.memref_slice %arg5[%mul3A_49, %dma_wait3A] : memref<10000x128xf32, #tpu.memory_space<hbm>> -> memref<624x128xf32, #tpu.memory_space<hbm>>
          %dma_wait3A_54 = arith.constant 0 : i32
          %dma_wait3A_55 = tpu.memref_slice %arg8[%mul3A_49, %dma_wait3A_54] : memref<10008x128xf32, #tpu.memory_space<vmem_shared>> -> memref<624x128xf32, #tpu.memory_space<vmem_shared>>
          tpu.wait_dma2 semaphore(%run_scoped3A : memref<!tpu.dma_semaphore, #tpu.memory_space<semaphore_mem>>) src(%dma_wait3A_55 : memref<624x128xf32, #tpu.memory_space<vmem_shared>>) dst(%dma_wait3A_53 : memref<624x128xf32, #tpu.memory_space<hbm>>)
          tpu.yield
        }) : () -> ()
      } else {
      }
      %eq3A_43 = arith.constant 15 : i32
      %eq3A_44 = arith.cmpi eq, %arg1, %eq3A_43 : i32
      %convert_element_type3A_45 = arith.extui %eq3A_44 : i1 to i32
      %cond3A_46 = arith.constant 0 : i32
      %cond3A_47 = arith.cmpi ne, %convert_element_type3A_45, %cond3A_46 : i32
      scf.if %cond3A_47 {
        "tpu.region"() ({
          %run_scoped3A = tpu.sem_alloc : memref<!tpu.dma_semaphore, #tpu.memory_space<semaphore_mem>>
          %dma_start3A = arith.constant 9360 : i32
          %dma_start3A_48 = arith.constant 0 : i32
          %dma_start3A_49 = tpu.memref_slice %arg5[%dma_start3A, %dma_start3A_48] : memref<10000x128xf32, #tpu.memory_space<hbm>> -> memref<640x128xf32, #tpu.memory_space<hbm>>
          %dma_start3A_50 = arith.constant 9360 : i32
          %dma_start3A_51 = arith.constant 0 : i32
          %dma_start3A_52 = tpu.memref_slice %arg8[%dma_start3A_50, %dma_start3A_51] : memref<10008x128xf32, #tpu.memory_space<vmem_shared>> -> memref<640x128xf32, #tpu.memory_space<vmem_shared>>
          tpu.enqueue_dma source(%dma_start3A_52 : memref<640x128xf32, #tpu.memory_space<vmem_shared>>) target(%dma_start3A_49 : memref<640x128xf32, #tpu.memory_space<hbm>>) target_semaphore(%run_scoped3A : memref<!tpu.dma_semaphore, #tpu.memory_space<semaphore_mem>>)
          %dma_wait3A = arith.constant 9360 : i32
          %dma_wait3A_53 = arith.constant 0 : i32
          %dma_wait3A_54 = tpu.memref_slice %arg5[%dma_wait3A, %dma_wait3A_53] : memref<10000x128xf32, #tpu.memory_space<hbm>> -> memref<640x128xf32, #tpu.memory_space<hbm>>
          %dma_wait3A_55 = arith.constant 9360 : i32
          %dma_wait3A_56 = arith.constant 0 : i32
          %dma_wait3A_57 = tpu.memref_slice %arg8[%dma_wait3A_55, %dma_wait3A_56] : memref<10008x128xf32, #tpu.memory_space<vmem_shared>> -> memref<640x128xf32, #tpu.memory_space<vmem_shared>>
          tpu.wait_dma2 semaphore(%run_scoped3A : memref<!tpu.dma_semaphore, #tpu.memory_space<semaphore_mem>>) src(%dma_wait3A_57 : memref<640x128xf32, #tpu.memory_space<vmem_shared>>) dst(%dma_wait3A_54 : memref<640x128xf32, #tpu.memory_space<hbm>>)
          tpu.yield
        }) : () -> ()
      } else {
      }
    } else {
    }
    return
  }
}

#map = affine_map<(d0, d1) -> (0)>
#map1 = affine_map<(d0, d1) -> (0, 0)>
module attributes {stable_mosaic.version = 14 : i64} {
  func.func @_decoder(%arg0: i32, %arg1: i32, %arg2: memref<102400xi32, #tpu.memory_space<hbm>>, %arg3: memref<102400xi32, #tpu.memory_space<hbm>>, %arg4: memref<10000x128xf32, #tpu.memory_space<hbm>>, %arg5: memref<10000x128xf32, #tpu.memory_space<hbm>>, %arg6: memref<102400x16xf32, #tpu.memory_space<hbm>>, %arg7: memref<128xi32, #tpu.memory_space<vmem>>, %arg8: memref<128xi32, #tpu.memory_space<vmem>>, %arg9: memref<128xi32, #tpu.memory_space<vmem>>, %arg10: memref<128xi32, #tpu.memory_space<vmem>>, %arg11: memref<128x128xf32, #tpu.memory_space<vmem>>, %arg12: memref<128x128xf32, #tpu.memory_space<vmem>>, %arg13: memref<128x128xf32, #tpu.memory_space<vmem>>, %arg14: memref<128x128xf32, #tpu.memory_space<vmem>>, %arg15: memref<128x16xf32, #tpu.memory_space<vmem>>, %arg16: memref<!tpu.dma_semaphore, #tpu.memory_space<semaphore_mem>>, %arg17: memref<!tpu.dma_semaphore, #tpu.memory_space<semaphore_mem>>, %arg18: memref<!tpu.dma_semaphore, #tpu.memory_space<semaphore_mem>>, %arg19: memref<!tpu.dma_semaphore, #tpu.memory_space<semaphore_mem>>) attributes {dimension_semantics = [#tpu.dimension_semantics<core_parallel>, #tpu.dimension_semantics<subcore_parallel>], iteration_bounds = array<i64: 2, 16>, scalar_prefetch = 0 : i64, scratch_operands = 13 : i64, tpu.core_type = #tpu.core_type<sc_vector_subcore>, window_params = [{transform_indices = #map}, {transform_indices = #map}, {transform_indices = #map1}, {transform_indices = #map1}, {transform_indices = #map1}]} {
    %mul3A = arith.constant 16 : i32
    %mul3A_0 = arith.muli %arg0, %mul3A : i32
    %add3A = arith.addi %mul3A_0, %arg1 : i32
    %mul3A_1 = arith.constant 25 : i32
    %mul3A_2 = arith.muli %add3A, %mul3A_1 : i32
    %add3A_3 = arith.constant 0 : i32
    %add3A_4 = arith.addi %mul3A_2, %add3A_3 : i32
    %mul3A_5 = arith.constant 128 : i32
    %mul3A_6 = arith.muli %add3A_4, %mul3A_5 : i32
    "tpu.region"() ({
      %run_scoped3A = tpu.sem_alloc : memref<!tpu.dma_semaphore, #tpu.memory_space<semaphore_mem>>
      %dma_start3A_32 = tpu.memref_slice %arg2[%mul3A_6] : memref<102400xi32, #tpu.memory_space<hbm>> -> memref<128xi32, #tpu.memory_space<hbm>>
      %dma_start3A_33 = tpu.memref_slice %arg2[%mul3A_6] : memref<102400xi32, #tpu.memory_space<hbm>> -> memref<128xi32, #tpu.memory_space<hbm>>
      tpu.enqueue_dma source(%dma_start3A_33 : memref<128xi32, #tpu.memory_space<hbm>>) target(%arg7 : memref<128xi32, #tpu.memory_space<vmem>>) target_semaphore(%run_scoped3A : memref<!tpu.dma_semaphore, #tpu.memory_space<semaphore_mem>>)
      %dma_wait3A_34 = tpu.memref_slice %arg2[%mul3A_6] : memref<102400xi32, #tpu.memory_space<hbm>> -> memref<128xi32, #tpu.memory_space<hbm>>
      %dma_wait3A_35 = tpu.memref_slice %arg2[%mul3A_6] : memref<102400xi32, #tpu.memory_space<hbm>> -> memref<128xi32, #tpu.memory_space<hbm>>
      tpu.wait_dma2 semaphore(%run_scoped3A : memref<!tpu.dma_semaphore, #tpu.memory_space<semaphore_mem>>) src(%dma_wait3A_35 : memref<128xi32, #tpu.memory_space<hbm>>) dst(%arg7 : memref<128xi32, #tpu.memory_space<vmem>>)
      tpu.yield
    }) : () -> ()
    "tpu.region"() ({
      %run_scoped3A = tpu.sem_alloc : memref<!tpu.dma_semaphore, #tpu.memory_space<semaphore_mem>>
      %dma_start3A_32 = tpu.memref_slice %arg3[%mul3A_6] : memref<102400xi32, #tpu.memory_space<hbm>> -> memref<128xi32, #tpu.memory_space<hbm>>
      %dma_start3A_33 = tpu.memref_slice %arg3[%mul3A_6] : memref<102400xi32, #tpu.memory_space<hbm>> -> memref<128xi32, #tpu.memory_space<hbm>>
      tpu.enqueue_dma source(%dma_start3A_33 : memref<128xi32, #tpu.memory_space<hbm>>) target(%arg8 : memref<128xi32, #tpu.memory_space<vmem>>) target_semaphore(%run_scoped3A : memref<!tpu.dma_semaphore, #tpu.memory_space<semaphore_mem>>)
      %dma_wait3A_34 = tpu.memref_slice %arg3[%mul3A_6] : memref<102400xi32, #tpu.memory_space<hbm>> -> memref<128xi32, #tpu.memory_space<hbm>>
      %dma_wait3A_35 = tpu.memref_slice %arg3[%mul3A_6] : memref<102400xi32, #tpu.memory_space<hbm>> -> memref<128xi32, #tpu.memory_space<hbm>>
      tpu.wait_dma2 semaphore(%run_scoped3A : memref<!tpu.dma_semaphore, #tpu.memory_space<semaphore_mem>>) src(%dma_wait3A_35 : memref<128xi32, #tpu.memory_space<hbm>>) dst(%arg8 : memref<128xi32, #tpu.memory_space<vmem>>)
      tpu.yield
    }) : () -> ()
    %dma_start3A = arith.constant 0 : i32
    %dma_start3A_7 = arith.constant 0 : i32
    %dma_start3A_8 = tpu.memref_slice %arg4[%dma_start3A, %dma_start3A_7] : memref<10000x128xf32, #tpu.memory_space<hbm>> -> memref<10000x128xf32, #tpu.memory_space<hbm>>
    tpu.enqueue_indirect_dma source(%dma_start3A_8 : memref<10000x128xf32, #tpu.memory_space<hbm>>) target(%arg11 : memref<128x128xf32, #tpu.memory_space<vmem>>) offsets(%arg7 : memref<128xi32, #tpu.memory_space<vmem>>) semaphore(%arg16 : memref<!tpu.dma_semaphore, #tpu.memory_space<semaphore_mem>>)
    %dma_start3A_9 = arith.constant 0 : i32
    %dma_start3A_10 = arith.constant 0 : i32
    %dma_start3A_11 = tpu.memref_slice %arg5[%dma_start3A_9, %dma_start3A_10] : memref<10000x128xf32, #tpu.memory_space<hbm>> -> memref<10000x128xf32, #tpu.memory_space<hbm>>
    tpu.enqueue_indirect_dma source(%dma_start3A_11 : memref<10000x128xf32, #tpu.memory_space<hbm>>) target(%arg12 : memref<128x128xf32, #tpu.memory_space<vmem>>) offsets(%arg8 : memref<128xi32, #tpu.memory_space<vmem>>) semaphore(%arg17 : memref<!tpu.dma_semaphore, #tpu.memory_space<semaphore_mem>>)
    %scan3A = arith.constant 0 : i32
    %scan3A_12 = arith.constant 0 : i32
    %scan3A_13 = arith.constant 12 : i32
    %scan3A_14 = arith.addi %scan3A_12, %scan3A_13 : i32
    %scan3A_15 = arith.constant 1 : i32
    scf.for %scan3A_32 = %scan3A_12 to %scan3A_14 step %scan3A_15  : i32 {
      %mul3A_33 = arith.constant 2 : i32
      %mul3A_34 = arith.muli %mul3A_33, %scan3A_32 : i32
      %add3A_35 = arith.constant 1 : i32
      %add3A_36 = arith.addi %mul3A_34, %add3A_35 : i32
      %add3A_37 = arith.addi %mul3A_2, %add3A_36 : i32
      %mul3A_38 = arith.constant 128 : i32
      %mul3A_39 = arith.muli %add3A_37, %mul3A_38 : i32
      "tpu.region"() ({
        %run_scoped3A = tpu.sem_alloc : memref<!tpu.dma_semaphore, #tpu.memory_space<semaphore_mem>>
        %dma_start3A_95 = tpu.memref_slice %arg2[%mul3A_39] : memref<102400xi32, #tpu.memory_space<hbm>> -> memref<128xi32, #tpu.memory_space<hbm>>
        %dma_start3A_96 = tpu.memref_slice %arg2[%mul3A_39] : memref<102400xi32, #tpu.memory_space<hbm>> -> memref<128xi32, #tpu.memory_space<hbm>>
        tpu.enqueue_dma source(%dma_start3A_96 : memref<128xi32, #tpu.memory_space<hbm>>) target(%arg9 : memref<128xi32, #tpu.memory_space<vmem>>) target_semaphore(%run_scoped3A : memref<!tpu.dma_semaphore, #tpu.memory_space<semaphore_mem>>)
        %dma_wait3A_97 = tpu.memref_slice %arg2[%mul3A_39] : memref<102400xi32, #tpu.memory_space<hbm>> -> memref<128xi32, #tpu.memory_space<hbm>>
        %dma_wait3A_98 = tpu.memref_slice %arg2[%mul3A_39] : memref<102400xi32, #tpu.memory_space<hbm>> -> memref<128xi32, #tpu.memory_space<hbm>>
        tpu.wait_dma2 semaphore(%run_scoped3A : memref<!tpu.dma_semaphore, #tpu.memory_space<semaphore_mem>>) src(%dma_wait3A_98 : memref<128xi32, #tpu.memory_space<hbm>>) dst(%arg9 : memref<128xi32, #tpu.memory_space<vmem>>)
        tpu.yield
      }) : () -> ()
      "tpu.region"() ({
        %run_scoped3A = tpu.sem_alloc : memref<!tpu.dma_semaphore, #tpu.memory_space<semaphore_mem>>
        %dma_start3A_95 = tpu.memref_slice %arg3[%mul3A_39] : memref<102400xi32, #tpu.memory_space<hbm>> -> memref<128xi32, #tpu.memory_space<hbm>>
        %dma_start3A_96 = tpu.memref_slice %arg3[%mul3A_39] : memref<102400xi32, #tpu.memory_space<hbm>> -> memref<128xi32, #tpu.memory_space<hbm>>
        tpu.enqueue_dma source(%dma_start3A_96 : memref<128xi32, #tpu.memory_space<hbm>>) target(%arg10 : memref<128xi32, #tpu.memory_space<vmem>>) target_semaphore(%run_scoped3A : memref<!tpu.dma_semaphore, #tpu.memory_space<semaphore_mem>>)
        %dma_wait3A_97 = tpu.memref_slice %arg3[%mul3A_39] : memref<102400xi32, #tpu.memory_space<hbm>> -> memref<128xi32, #tpu.memory_space<hbm>>
        %dma_wait3A_98 = tpu.memref_slice %arg3[%mul3A_39] : memref<102400xi32, #tpu.memory_space<hbm>> -> memref<128xi32, #tpu.memory_space<hbm>>
        tpu.wait_dma2 semaphore(%run_scoped3A : memref<!tpu.dma_semaphore, #tpu.memory_space<semaphore_mem>>) src(%dma_wait3A_98 : memref<128xi32, #tpu.memory_space<hbm>>) dst(%arg10 : memref<128xi32, #tpu.memory_space<vmem>>)
        tpu.yield
      }) : () -> ()
      %dma_start3A_40 = arith.constant 0 : i32
      %dma_start3A_41 = arith.constant 0 : i32
      %dma_start3A_42 = tpu.memref_slice %arg4[%dma_start3A_40, %dma_start3A_41] : memref<10000x128xf32, #tpu.memory_space<hbm>> -> memref<10000x128xf32, #tpu.memory_space<hbm>>
      tpu.enqueue_indirect_dma source(%dma_start3A_42 : memref<10000x128xf32, #tpu.memory_space<hbm>>) target(%arg13 : memref<128x128xf32, #tpu.memory_space<vmem>>) offsets(%arg9 : memref<128xi32, #tpu.memory_space<vmem>>) semaphore(%arg18 : memref<!tpu.dma_semaphore, #tpu.memory_space<semaphore_mem>>)
      %dma_start3A_43 = arith.constant 0 : i32
      %dma_start3A_44 = arith.constant 0 : i32
      %dma_start3A_45 = tpu.memref_slice %arg5[%dma_start3A_43, %dma_start3A_44] : memref<10000x128xf32, #tpu.memory_space<hbm>> -> memref<10000x128xf32, #tpu.memory_space<hbm>>
      tpu.enqueue_indirect_dma source(%dma_start3A_45 : memref<10000x128xf32, #tpu.memory_space<hbm>>) target(%arg14 : memref<128x128xf32, #tpu.memory_space<vmem>>) offsets(%arg10 : memref<128xi32, #tpu.memory_space<vmem>>) semaphore(%arg19 : memref<!tpu.dma_semaphore, #tpu.memory_space<semaphore_mem>>)
      %mul3A_46 = arith.constant 2 : i32
      %mul3A_47 = arith.muli %mul3A_46, %scan3A_32 : i32
      %dma_wait3A_48 = arith.constant 0 : i32
      %dma_wait3A_49 = arith.constant 0 : i32
      %dma_wait3A_50 = tpu.memref_slice %arg4[%dma_wait3A_48, %dma_wait3A_49] : memref<10000x128xf32, #tpu.memory_space<hbm>> -> memref<10000x128xf32, #tpu.memory_space<hbm>>
      tpu.wait_indirect_dma semaphore(%arg16 : memref<!tpu.dma_semaphore, #tpu.memory_space<semaphore_mem>>) src(%dma_wait3A_50 : memref<10000x128xf32, #tpu.memory_space<hbm>>) dst(%arg11 : memref<128x128xf32, #tpu.memory_space<vmem>>)
      %dma_wait3A_51 = arith.constant 0 : i32
      %dma_wait3A_52 = arith.constant 0 : i32
      %dma_wait3A_53 = tpu.memref_slice %arg5[%dma_wait3A_51, %dma_wait3A_52] : memref<10000x128xf32, #tpu.memory_space<hbm>> -> memref<10000x128xf32, #tpu.memory_space<hbm>>
      tpu.wait_indirect_dma semaphore(%arg17 : memref<!tpu.dma_semaphore, #tpu.memory_space<semaphore_mem>>) src(%dma_wait3A_53 : memref<10000x128xf32, #tpu.memory_space<hbm>>) dst(%arg12 : memref<128x128xf32, #tpu.memory_space<vmem>>)
      %scan3A_54 = arith.constant 0 : i32
      %scan3A_55 = arith.constant 0 : i32
      %scan3A_56 = arith.constant 128 : i32
      %scan3A_57 = arith.addi %scan3A_55, %scan3A_56 : i32
      %scan3A_58 = arith.constant 1 : i32
      scf.for %scan3A_95 = %scan3A_55 to %scan3A_57 step %scan3A_58  : i32 {
        %get3A = arith.index_cast %scan3A_95 : i32 to index
        %get3A_96 = arith.constant 0 : index
        %get3A_97 = tpu.vector_load %arg11[%get3A, %get3A_96] {strides = array<i32>} : memref<128x128xf32, #tpu.memory_space<vmem>>, vector<1x16xf32>,
        %get3A_98 = vector.shape_cast %get3A_97 : vector<1x16xf32> to vector<16xf32>
        %get3A_99 = arith.index_cast %scan3A_95 : i32 to index
        %get3A_100 = arith.constant 0 : index
        %get3A_101 = tpu.vector_load %arg12[%get3A_99, %get3A_100] {strides = array<i32>} : memref<128x128xf32, #tpu.memory_space<vmem>>, vector<1x16xf32>,
        %get3A_102 = vector.shape_cast %get3A_101 : vector<1x16xf32> to vector<16xf32>
        %mul3A_103 = arith.mulf %get3A_98, %get3A_102 : vector<16xf32>
        %get3A_104 = arith.index_cast %scan3A_95 : i32 to index
        %get3A_105 = arith.constant 16 : index
        %get3A_106 = tpu.vector_load %arg11[%get3A_104, %get3A_105] {strides = array<i32>} : memref<128x128xf32, #tpu.memory_space<vmem>>, vector<1x16xf32>,
        %get3A_107 = vector.shape_cast %get3A_106 : vector<1x16xf32> to vector<16xf32>
        %get3A_108 = arith.index_cast %scan3A_95 : i32 to index
        %get3A_109 = arith.constant 16 : index
        %get3A_110 = tpu.vector_load %arg12[%get3A_108, %get3A_109] {strides = array<i32>} : memref<128x128xf32, #tpu.memory_space<vmem>>, vector<1x16xf32>,
        %get3A_111 = vector.shape_cast %get3A_110 : vector<1x16xf32> to vector<16xf32>
        %mul3A_112 = arith.mulf %get3A_107, %get3A_111 : vector<16xf32>
        %add3A_113 = arith.addf %mul3A_103, %mul3A_112 : vector<16xf32>
        %get3A_114 = arith.index_cast %scan3A_95 : i32 to index
        %get3A_115 = arith.constant 32 : index
        %get3A_116 = tpu.vector_load %arg11[%get3A_114, %get3A_115] {strides = array<i32>} : memref<128x128xf32, #tpu.memory_space<vmem>>, vector<1x16xf32>,
        %get3A_117 = vector.shape_cast %get3A_116 : vector<1x16xf32> to vector<16xf32>
        %get3A_118 = arith.index_cast %scan3A_95 : i32 to index
        %get3A_119 = arith.constant 32 : index
        %get3A_120 = tpu.vector_load %arg12[%get3A_118, %get3A_119] {strides = array<i32>} : memref<128x128xf32, #tpu.memory_space<vmem>>, vector<1x16xf32>,
        %get3A_121 = vector.shape_cast %get3A_120 : vector<1x16xf32> to vector<16xf32>
        %mul3A_122 = arith.mulf %get3A_117, %get3A_121 : vector<16xf32>
        %add3A_123 = arith.addf %add3A_113, %mul3A_122 : vector<16xf32>
        %get3A_124 = arith.index_cast %scan3A_95 : i32 to index
        %get3A_125 = arith.constant 48 : index
        %get3A_126 = tpu.vector_load %arg11[%get3A_124, %get3A_125] {strides = array<i32>} : memref<128x128xf32, #tpu.memory_space<vmem>>, vector<1x16xf32>,
        %get3A_127 = vector.shape_cast %get3A_126 : vector<1x16xf32> to vector<16xf32>
        %get3A_128 = arith.index_cast %scan3A_95 : i32 to index
        %get3A_129 = arith.constant 48 : index
        %get3A_130 = tpu.vector_load %arg12[%get3A_128, %get3A_129] {strides = array<i32>} : memref<128x128xf32, #tpu.memory_space<vmem>>, vector<1x16xf32>,
        %get3A_131 = vector.shape_cast %get3A_130 : vector<1x16xf32> to vector<16xf32>
        %mul3A_132 = arith.mulf %get3A_127, %get3A_131 : vector<16xf32>
        %add3A_133 = arith.addf %add3A_123, %mul3A_132 : vector<16xf32>
        %get3A_134 = arith.index_cast %scan3A_95 : i32 to index
        %get3A_135 = arith.constant 64 : index
        %get3A_136 = tpu.vector_load %arg11[%get3A_134, %get3A_135] {strides = array<i32>} : memref<128x128xf32, #tpu.memory_space<vmem>>, vector<1x16xf32>,
        %get3A_137 = vector.shape_cast %get3A_136 : vector<1x16xf32> to vector<16xf32>
        %get3A_138 = arith.index_cast %scan3A_95 : i32 to index
        %get3A_139 = arith.constant 64 : index
        %get3A_140 = tpu.vector_load %arg12[%get3A_138, %get3A_139] {strides = array<i32>} : memref<128x128xf32, #tpu.memory_space<vmem>>, vector<1x16xf32>,
        %get3A_141 = vector.shape_cast %get3A_140 : vector<1x16xf32> to vector<16xf32>
        %mul3A_142 = arith.mulf %get3A_137, %get3A_141 : vector<16xf32>
        %add3A_143 = arith.addf %add3A_133, %mul3A_142 : vector<16xf32>
        %get3A_144 = arith.index_cast %scan3A_95 : i32 to index
        %get3A_145 = arith.constant 80 : index
        %get3A_146 = tpu.vector_load %arg11[%get3A_144, %get3A_145] {strides = array<i32>} : memref<128x128xf32, #tpu.memory_space<vmem>>, vector<1x16xf32>,
        %get3A_147 = vector.shape_cast %get3A_146 : vector<1x16xf32> to vector<16xf32>
        %get3A_148 = arith.index_cast %scan3A_95 : i32 to index
        %get3A_149 = arith.constant 80 : index
        %get3A_150 = tpu.vector_load %arg12[%get3A_148, %get3A_149] {strides = array<i32>} : memref<128x128xf32, #tpu.memory_space<vmem>>, vector<1x16xf32>,
        %get3A_151 = vector.shape_cast %get3A_150 : vector<1x16xf32> to vector<16xf32>
        %mul3A_152 = arith.mulf %get3A_147, %get3A_151 : vector<16xf32>
        %add3A_153 = arith.addf %add3A_143, %mul3A_152 : vector<16xf32>
        %get3A_154 = arith.index_cast %scan3A_95 : i32 to index
        %get3A_155 = arith.constant 96 : index
        %get3A_156 = tpu.vector_load %arg11[%get3A_154, %get3A_155] {strides = array<i32>} : memref<128x128xf32, #tpu.memory_space<vmem>>, vector<1x16xf32>,
        %get3A_157 = vector.shape_cast %get3A_156 : vector<1x16xf32> to vector<16xf32>
        %get3A_158 = arith.index_cast %scan3A_95 : i32 to index
        %get3A_159 = arith.constant 96 : index
        %get3A_160 = tpu.vector_load %arg12[%get3A_158, %get3A_159] {strides = array<i32>} : memref<128x128xf32, #tpu.memory_space<vmem>>, vector<1x16xf32>,
        %get3A_161 = vector.shape_cast %get3A_160 : vector<1x16xf32> to vector<16xf32>
        %mul3A_162 = arith.mulf %get3A_157, %get3A_161 : vector<16xf32>
        %add3A_163 = arith.addf %add3A_153, %mul3A_162 : vector<16xf32>
        %get3A_164 = arith.index_cast %scan3A_95 : i32 to index
        %get3A_165 = arith.constant 112 : index
        %get3A_166 = tpu.vector_load %arg11[%get3A_164, %get3A_165] {strides = array<i32>} : memref<128x128xf32, #tpu.memory_space<vmem>>, vector<1x16xf32>,
        %get3A_167 = vector.shape_cast %get3A_166 : vector<1x16xf32> to vector<16xf32>
        %get3A_168 = arith.index_cast %scan3A_95 : i32 to index
        %get3A_169 = arith.constant 112 : index
        %get3A_170 = tpu.vector_load %arg12[%get3A_168, %get3A_169] {strides = array<i32>} : memref<128x128xf32, #tpu.memory_space<vmem>>, vector<1x16xf32>,
        %get3A_171 = vector.shape_cast %get3A_170 : vector<1x16xf32> to vector<16xf32>
        %mul3A_172 = arith.mulf %get3A_167, %get3A_171 : vector<16xf32>
        %add3A_173 = arith.addf %add3A_163, %mul3A_172 : vector<16xf32>
        %swap3A = arith.index_cast %scan3A_95 : i32 to index
        %swap3A_174 = arith.constant 0 : index
        %swap3A_175 = tpu.vector_load %arg15[%swap3A, %swap3A_174] {strides = array<i32>} : memref<128x16xf32, #tpu.memory_space<vmem>>, vector<1x16xf32>,
        %swap3A_176 = vector.shape_cast %swap3A_175 : vector<1x16xf32> to vector<16xf32>
        %swap3A_177 = vector.shape_cast %add3A_173 : vector<16xf32> to vector<1x16xf32>
        tpu.vector_store %arg15[%swap3A, %swap3A_174], %swap3A_177 {strides = array<i32>} : memref<128x16xf32, #tpu.memory_space<vmem>>, vector<1x16xf32>,
      }
      %scan3A_59 = arith.constant 128 : i32
      %add3A_60 = arith.addi %mul3A_2, %mul3A_47 : i32
      %mul3A_61 = arith.constant 128 : i32
      %mul3A_62 = arith.muli %add3A_60, %mul3A_61 : i32
      "tpu.region"() ({
        %run_scoped3A = tpu.sem_alloc : memref<!tpu.dma_semaphore, #tpu.memory_space<semaphore_mem>>
        %dma_start3A_95 = arith.constant 0 : i32
        %dma_start3A_96 = tpu.memref_slice %arg6[%mul3A_62, %dma_start3A_95] : memref<102400x16xf32, #tpu.memory_space<hbm>> -> memref<128x16xf32, #tpu.memory_space<hbm>>
        %dma_start3A_97 = arith.constant 0 : i32
        %dma_start3A_98 = tpu.memref_slice %arg6[%mul3A_62, %dma_start3A_97] : memref<102400x16xf32, #tpu.memory_space<hbm>> -> memref<128x16xf32, #tpu.memory_space<hbm>>
        tpu.enqueue_dma source(%arg15 : memref<128x16xf32, #tpu.memory_space<vmem>>) target(%dma_start3A_98 : memref<128x16xf32, #tpu.memory_space<hbm>>) target_semaphore(%run_scoped3A : memref<!tpu.dma_semaphore, #tpu.memory_space<semaphore_mem>>)
        %dma_wait3A_99 = arith.constant 0 : i32
        %dma_wait3A_100 = tpu.memref_slice %arg6[%mul3A_62, %dma_wait3A_99] : memref<102400x16xf32, #tpu.memory_space<hbm>> -> memref<128x16xf32, #tpu.memory_space<hbm>>
        %dma_wait3A_101 = arith.constant 0 : i32
        %dma_wait3A_102 = tpu.memref_slice %arg6[%mul3A_62, %dma_wait3A_101] : memref<102400x16xf32, #tpu.memory_space<hbm>> -> memref<128x16xf32, #tpu.memory_space<hbm>>
        tpu.wait_dma2 semaphore(%run_scoped3A : memref<!tpu.dma_semaphore, #tpu.memory_space<semaphore_mem>>) src(%arg15 : memref<128x16xf32, #tpu.memory_space<vmem>>) dst(%dma_wait3A_102 : memref<128x16xf32, #tpu.memory_space<hbm>>)
        tpu.yield
      }) : () -> ()
      %mul3A_63 = arith.constant 2 : i32
      %mul3A_64 = arith.muli %mul3A_63, %scan3A_32 : i32
      %add3A_65 = arith.constant 2 : i32
      %add3A_66 = arith.addi %mul3A_64, %add3A_65 : i32
      %add3A_67 = arith.addi %mul3A_2, %add3A_66 : i32
      %mul3A_68 = arith.constant 128 : i32
      %mul3A_69 = arith.muli %add3A_67, %mul3A_68 : i32
      "tpu.region"() ({
        %run_scoped3A = tpu.sem_alloc : memref<!tpu.dma_semaphore, #tpu.memory_space<semaphore_mem>>
        %dma_start3A_95 = tpu.memref_slice %arg2[%mul3A_69] : memref<102400xi32, #tpu.memory_space<hbm>> -> memref<128xi32, #tpu.memory_space<hbm>>
        %dma_start3A_96 = tpu.memref_slice %arg2[%mul3A_69] : memref<102400xi32, #tpu.memory_space<hbm>> -> memref<128xi32, #tpu.memory_space<hbm>>
        tpu.enqueue_dma source(%dma_start3A_96 : memref<128xi32, #tpu.memory_space<hbm>>) target(%arg7 : memref<128xi32, #tpu.memory_space<vmem>>) target_semaphore(%run_scoped3A : memref<!tpu.dma_semaphore, #tpu.memory_space<semaphore_mem>>)
        %dma_wait3A_97 = tpu.memref_slice %arg2[%mul3A_69] : memref<102400xi32, #tpu.memory_space<hbm>> -> memref<128xi32, #tpu.memory_space<hbm>>
        %dma_wait3A_98 = tpu.memref_slice %arg2[%mul3A_69] : memref<102400xi32, #tpu.memory_space<hbm>> -> memref<128xi32, #tpu.memory_space<hbm>>
        tpu.wait_dma2 semaphore(%run_scoped3A : memref<!tpu.dma_semaphore, #tpu.memory_space<semaphore_mem>>) src(%dma_wait3A_98 : memref<128xi32, #tpu.memory_space<hbm>>) dst(%arg7 : memref<128xi32, #tpu.memory_space<vmem>>)
        tpu.yield
      }) : () -> ()
      "tpu.region"() ({
        %run_scoped3A = tpu.sem_alloc : memref<!tpu.dma_semaphore, #tpu.memory_space<semaphore_mem>>
        %dma_start3A_95 = tpu.memref_slice %arg3[%mul3A_69] : memref<102400xi32, #tpu.memory_space<hbm>> -> memref<128xi32, #tpu.memory_space<hbm>>
        %dma_start3A_96 = tpu.memref_slice %arg3[%mul3A_69] : memref<102400xi32, #tpu.memory_space<hbm>> -> memref<128xi32, #tpu.memory_space<hbm>>
        tpu.enqueue_dma source(%dma_start3A_96 : memref<128xi32, #tpu.memory_space<hbm>>) target(%arg8 : memref<128xi32, #tpu.memory_space<vmem>>) target_semaphore(%run_scoped3A : memref<!tpu.dma_semaphore, #tpu.memory_space<semaphore_mem>>)
        %dma_wait3A_97 = tpu.memref_slice %arg3[%mul3A_69] : memref<102400xi32, #tpu.memory_space<hbm>> -> memref<128xi32, #tpu.memory_space<hbm>>
        %dma_wait3A_98 = tpu.memref_slice %arg3[%mul3A_69] : memref<102400xi32, #tpu.memory_space<hbm>> -> memref<128xi32, #tpu.memory_space<hbm>>
        tpu.wait_dma2 semaphore(%run_scoped3A : memref<!tpu.dma_semaphore, #tpu.memory_space<semaphore_mem>>) src(%dma_wait3A_98 : memref<128xi32, #tpu.memory_space<hbm>>) dst(%arg8 : memref<128xi32, #tpu.memory_space<vmem>>)
        tpu.yield
      }) : () -> ()
      %dma_start3A_70 = arith.constant 0 : i32
      %dma_start3A_71 = arith.constant 0 : i32
      %dma_start3A_72 = tpu.memref_slice %arg4[%dma_start3A_70, %dma_start3A_71] : memref<10000x128xf32, #tpu.memory_space<hbm>> -> memref<10000x128xf32, #tpu.memory_space<hbm>>
      tpu.enqueue_indirect_dma source(%dma_start3A_72 : memref<10000x128xf32, #tpu.memory_space<hbm>>) target(%arg11 : memref<128x128xf32, #tpu.memory_space<vmem>>) offsets(%arg7 : memref<128xi32, #tpu.memory_space<vmem>>) semaphore(%arg16 : memref<!tpu.dma_semaphore, #tpu.memory_space<semaphore_mem>>)
      %dma_start3A_73 = arith.constant 0 : i32
      %dma_start3A_74 = arith.constant 0 : i32
      %dma_start3A_75 = tpu.memref_slice %arg5[%dma_start3A_73, %dma_start3A_74] : memref<10000x128xf32, #tpu.memory_space<hbm>> -> memref<10000x128xf32, #tpu.memory_space<hbm>>
      tpu.enqueue_indirect_dma source(%dma_start3A_75 : memref<10000x128xf32, #tpu.memory_space<hbm>>) target(%arg12 : memref<128x128xf32, #tpu.memory_space<vmem>>) offsets(%arg8 : memref<128xi32, #tpu.memory_space<vmem>>) semaphore(%arg17 : memref<!tpu.dma_semaphore, #tpu.memory_space<semaphore_mem>>)
      %mul3A_76 = arith.constant 2 : i32
      %mul3A_77 = arith.muli %mul3A_76, %scan3A_32 : i32
      %add3A_78 = arith.constant 1 : i32
      %add3A_79 = arith.addi %mul3A_77, %add3A_78 : i32
      %dma_wait3A_80 = arith.constant 0 : i32
      %dma_wait3A_81 = arith.constant 0 : i32
      %dma_wait3A_82 = tpu.memref_slice %arg4[%dma_wait3A_80, %dma_wait3A_81] : memref<10000x128xf32, #tpu.memory_space<hbm>> -> memref<10000x128xf32, #tpu.memory_space<hbm>>
      tpu.wait_indirect_dma semaphore(%arg18 : memref<!tpu.dma_semaphore, #tpu.memory_space<semaphore_mem>>) src(%dma_wait3A_82 : memref<10000x128xf32, #tpu.memory_space<hbm>>) dst(%arg13 : memref<128x128xf32, #tpu.memory_space<vmem>>)
      %dma_wait3A_83 = arith.constant 0 : i32
      %dma_wait3A_84 = arith.constant 0 : i32
      %dma_wait3A_85 = tpu.memref_slice %arg5[%dma_wait3A_83, %dma_wait3A_84] : memref<10000x128xf32, #tpu.memory_space<hbm>> -> memref<10000x128xf32, #tpu.memory_space<hbm>>
      tpu.wait_indirect_dma semaphore(%arg19 : memref<!tpu.dma_semaphore, #tpu.memory_space<semaphore_mem>>) src(%dma_wait3A_85 : memref<10000x128xf32, #tpu.memory_space<hbm>>) dst(%arg14 : memref<128x128xf32, #tpu.memory_space<vmem>>)
      %scan3A_86 = arith.constant 0 : i32
      %scan3A_87 = arith.constant 0 : i32
      %scan3A_88 = arith.constant 128 : i32
      %scan3A_89 = arith.addi %scan3A_87, %scan3A_88 : i32
      %scan3A_90 = arith.constant 1 : i32
      scf.for %scan3A_95 = %scan3A_87 to %scan3A_89 step %scan3A_90  : i32 {
        %get3A = arith.index_cast %scan3A_95 : i32 to index
        %get3A_96 = arith.constant 0 : index
        %get3A_97 = tpu.vector_load %arg13[%get3A, %get3A_96] {strides = array<i32>} : memref<128x128xf32, #tpu.memory_space<vmem>>, vector<1x16xf32>,
        %get3A_98 = vector.shape_cast %get3A_97 : vector<1x16xf32> to vector<16xf32>
        %get3A_99 = arith.index_cast %scan3A_95 : i32 to index
        %get3A_100 = arith.constant 0 : index
        %get3A_101 = tpu.vector_load %arg14[%get3A_99, %get3A_100] {strides = array<i32>} : memref<128x128xf32, #tpu.memory_space<vmem>>, vector<1x16xf32>,
        %get3A_102 = vector.shape_cast %get3A_101 : vector<1x16xf32> to vector<16xf32>
        %mul3A_103 = arith.mulf %get3A_98, %get3A_102 : vector<16xf32>
        %get3A_104 = arith.index_cast %scan3A_95 : i32 to index
        %get3A_105 = arith.constant 16 : index
        %get3A_106 = tpu.vector_load %arg13[%get3A_104, %get3A_105] {strides = array<i32>} : memref<128x128xf32, #tpu.memory_space<vmem>>, vector<1x16xf32>,
        %get3A_107 = vector.shape_cast %get3A_106 : vector<1x16xf32> to vector<16xf32>
        %get3A_108 = arith.index_cast %scan3A_95 : i32 to index
        %get3A_109 = arith.constant 16 : index
        %get3A_110 = tpu.vector_load %arg14[%get3A_108, %get3A_109] {strides = array<i32>} : memref<128x128xf32, #tpu.memory_space<vmem>>, vector<1x16xf32>,
        %get3A_111 = vector.shape_cast %get3A_110 : vector<1x16xf32> to vector<16xf32>
        %mul3A_112 = arith.mulf %get3A_107, %get3A_111 : vector<16xf32>
        %add3A_113 = arith.addf %mul3A_103, %mul3A_112 : vector<16xf32>
        %get3A_114 = arith.index_cast %scan3A_95 : i32 to index
        %get3A_115 = arith.constant 32 : index
        %get3A_116 = tpu.vector_load %arg13[%get3A_114, %get3A_115] {strides = array<i32>} : memref<128x128xf32, #tpu.memory_space<vmem>>, vector<1x16xf32>,
        %get3A_117 = vector.shape_cast %get3A_116 : vector<1x16xf32> to vector<16xf32>
        %get3A_118 = arith.index_cast %scan3A_95 : i32 to index
        %get3A_119 = arith.constant 32 : index
        %get3A_120 = tpu.vector_load %arg14[%get3A_118, %get3A_119] {strides = array<i32>} : memref<128x128xf32, #tpu.memory_space<vmem>>, vector<1x16xf32>,
        %get3A_121 = vector.shape_cast %get3A_120 : vector<1x16xf32> to vector<16xf32>
        %mul3A_122 = arith.mulf %get3A_117, %get3A_121 : vector<16xf32>
        %add3A_123 = arith.addf %add3A_113, %mul3A_122 : vector<16xf32>
        %get3A_124 = arith.index_cast %scan3A_95 : i32 to index
        %get3A_125 = arith.constant 48 : index
        %get3A_126 = tpu.vector_load %arg13[%get3A_124, %get3A_125] {strides = array<i32>} : memref<128x128xf32, #tpu.memory_space<vmem>>, vector<1x16xf32>,
        %get3A_127 = vector.shape_cast %get3A_126 : vector<1x16xf32> to vector<16xf32>
        %get3A_128 = arith.index_cast %scan3A_95 : i32 to index
        %get3A_129 = arith.constant 48 : index
        %get3A_130 = tpu.vector_load %arg14[%get3A_128, %get3A_129] {strides = array<i32>} : memref<128x128xf32, #tpu.memory_space<vmem>>, vector<1x16xf32>,
        %get3A_131 = vector.shape_cast %get3A_130 : vector<1x16xf32> to vector<16xf32>
        %mul3A_132 = arith.mulf %get3A_127, %get3A_131 : vector<16xf32>
        %add3A_133 = arith.addf %add3A_123, %mul3A_132 : vector<16xf32>
        %get3A_134 = arith.index_cast %scan3A_95 : i32 to index
        %get3A_135 = arith.constant 64 : index
        %get3A_136 = tpu.vector_load %arg13[%get3A_134, %get3A_135] {strides = array<i32>} : memref<128x128xf32, #tpu.memory_space<vmem>>, vector<1x16xf32>,
        %get3A_137 = vector.shape_cast %get3A_136 : vector<1x16xf32> to vector<16xf32>
        %get3A_138 = arith.index_cast %scan3A_95 : i32 to index
        %get3A_139 = arith.constant 64 : index
        %get3A_140 = tpu.vector_load %arg14[%get3A_138, %get3A_139] {strides = array<i32>} : memref<128x128xf32, #tpu.memory_space<vmem>>, vector<1x16xf32>,
        %get3A_141 = vector.shape_cast %get3A_140 : vector<1x16xf32> to vector<16xf32>
        %mul3A_142 = arith.mulf %get3A_137, %get3A_141 : vector<16xf32>
        %add3A_143 = arith.addf %add3A_133, %mul3A_142 : vector<16xf32>
        %get3A_144 = arith.index_cast %scan3A_95 : i32 to index
        %get3A_145 = arith.constant 80 : index
        %get3A_146 = tpu.vector_load %arg13[%get3A_144, %get3A_145] {strides = array<i32>} : memref<128x128xf32, #tpu.memory_space<vmem>>, vector<1x16xf32>,
        %get3A_147 = vector.shape_cast %get3A_146 : vector<1x16xf32> to vector<16xf32>
        %get3A_148 = arith.index_cast %scan3A_95 : i32 to index
        %get3A_149 = arith.constant 80 : index
        %get3A_150 = tpu.vector_load %arg14[%get3A_148, %get3A_149] {strides = array<i32>} : memref<128x128xf32, #tpu.memory_space<vmem>>, vector<1x16xf32>,
        %get3A_151 = vector.shape_cast %get3A_150 : vector<1x16xf32> to vector<16xf32>
        %mul3A_152 = arith.mulf %get3A_147, %get3A_151 : vector<16xf32>
        %add3A_153 = arith.addf %add3A_143, %mul3A_152 : vector<16xf32>
        %get3A_154 = arith.index_cast %scan3A_95 : i32 to index
        %get3A_155 = arith.constant 96 : index
        %get3A_156 = tpu.vector_load %arg13[%get3A_154, %get3A_155] {strides = array<i32>} : memref<128x128xf32, #tpu.memory_space<vmem>>, vector<1x16xf32>,
        %get3A_157 = vector.shape_cast %get3A_156 : vector<1x16xf32> to vector<16xf32>
        %get3A_158 = arith.index_cast %scan3A_95 : i32 to index
        %get3A_159 = arith.constant 96 : index
        %get3A_160 = tpu.vector_load %arg14[%get3A_158, %get3A_159] {strides = array<i32>} : memref<128x128xf32, #tpu.memory_space<vmem>>, vector<1x16xf32>,
        %get3A_161 = vector.shape_cast %get3A_160 : vector<1x16xf32> to vector<16xf32>
        %mul3A_162 = arith.mulf %get3A_157, %get3A_161 : vector<16xf32>
        %add3A_163 = arith.addf %add3A_153, %mul3A_162 : vector<16xf32>
        %get3A_164 = arith.index_cast %scan3A_95 : i32 to index
        %get3A_165 = arith.constant 112 : index
        %get3A_166 = tpu.vector_load %arg13[%get3A_164, %get3A_165] {strides = array<i32>} : memref<128x128xf32, #tpu.memory_space<vmem>>, vector<1x16xf32>,
        %get3A_167 = vector.shape_cast %get3A_166 : vector<1x16xf32> to vector<16xf32>
        %get3A_168 = arith.index_cast %scan3A_95 : i32 to index
        %get3A_169 = arith.constant 112 : index
        %get3A_170 = tpu.vector_load %arg14[%get3A_168, %get3A_169] {strides = array<i32>} : memref<128x128xf32, #tpu.memory_space<vmem>>, vector<1x16xf32>,
        %get3A_171 = vector.shape_cast %get3A_170 : vector<1x16xf32> to vector<16xf32>
        %mul3A_172 = arith.mulf %get3A_167, %get3A_171 : vector<16xf32>
        %add3A_173 = arith.addf %add3A_163, %mul3A_172 : vector<16xf32>
        %swap3A = arith.index_cast %scan3A_95 : i32 to index
        %swap3A_174 = arith.constant 0 : index
        %swap3A_175 = tpu.vector_load %arg15[%swap3A, %swap3A_174] {strides = array<i32>} : memref<128x16xf32, #tpu.memory_space<vmem>>, vector<1x16xf32>,
        %swap3A_176 = vector.shape_cast %swap3A_175 : vector<1x16xf32> to vector<16xf32>
        %swap3A_177 = vector.shape_cast %add3A_173 : vector<16xf32> to vector<1x16xf32>
        tpu.vector_store %arg15[%swap3A, %swap3A_174], %swap3A_177 {strides = array<i32>} : memref<128x16xf32, #tpu.memory_space<vmem>>, vector<1x16xf32>,
      }
      %scan3A_91 = arith.constant 128 : i32
      %add3A_92 = arith.addi %mul3A_2, %add3A_79 : i32
      %mul3A_93 = arith.constant 128 : i32
      %mul3A_94 = arith.muli %add3A_92, %mul3A_93 : i32
      "tpu.region"() ({
        %run_scoped3A = tpu.sem_alloc : memref<!tpu.dma_semaphore, #tpu.memory_space<semaphore_mem>>
        %dma_start3A_95 = arith.constant 0 : i32
        %dma_start3A_96 = tpu.memref_slice %arg6[%mul3A_94, %dma_start3A_95] : memref<102400x16xf32, #tpu.memory_space<hbm>> -> memref<128x16xf32, #tpu.memory_space<hbm>>
        %dma_start3A_97 = arith.constant 0 : i32
        %dma_start3A_98 = tpu.memref_slice %arg6[%mul3A_94, %dma_start3A_97] : memref<102400x16xf32, #tpu.memory_space<hbm>> -> memref<128x16xf32, #tpu.memory_space<hbm>>
        tpu.enqueue_dma source(%arg15 : memref<128x16xf32, #tpu.memory_space<vmem>>) target(%dma_start3A_98 : memref<128x16xf32, #tpu.memory_space<hbm>>) target_semaphore(%run_scoped3A : memref<!tpu.dma_semaphore, #tpu.memory_space<semaphore_mem>>)
        %dma_wait3A_99 = arith.constant 0 : i32
        %dma_wait3A_100 = tpu.memref_slice %arg6[%mul3A_94, %dma_wait3A_99] : memref<102400x16xf32, #tpu.memory_space<hbm>> -> memref<128x16xf32, #tpu.memory_space<hbm>>
        %dma_wait3A_101 = arith.constant 0 : i32
        %dma_wait3A_102 = tpu.memref_slice %arg6[%mul3A_94, %dma_wait3A_101] : memref<102400x16xf32, #tpu.memory_space<hbm>> -> memref<128x16xf32, #tpu.memory_space<hbm>>
        tpu.wait_dma2 semaphore(%run_scoped3A : memref<!tpu.dma_semaphore, #tpu.memory_space<semaphore_mem>>) src(%arg15 : memref<128x16xf32, #tpu.memory_space<vmem>>) dst(%dma_wait3A_102 : memref<128x16xf32, #tpu.memory_space<hbm>>)
        tpu.yield
      }) : () -> ()
    }
    %scan3A_16 = arith.constant 12 : i32
    %dma_wait3A = arith.constant 0 : i32
    %dma_wait3A_17 = arith.constant 0 : i32
    %dma_wait3A_18 = tpu.memref_slice %arg4[%dma_wait3A, %dma_wait3A_17] : memref<10000x128xf32, #tpu.memory_space<hbm>> -> memref<10000x128xf32, #tpu.memory_space<hbm>>
    tpu.wait_indirect_dma semaphore(%arg16 : memref<!tpu.dma_semaphore, #tpu.memory_space<semaphore_mem>>) src(%dma_wait3A_18 : memref<10000x128xf32, #tpu.memory_space<hbm>>) dst(%arg11 : memref<128x128xf32, #tpu.memory_space<vmem>>)
    %dma_wait3A_19 = arith.constant 0 : i32
    %dma_wait3A_20 = arith.constant 0 : i32
    %dma_wait3A_21 = tpu.memref_slice %arg5[%dma_wait3A_19, %dma_wait3A_20] : memref<10000x128xf32, #tpu.memory_space<hbm>> -> memref<10000x128xf32, #tpu.memory_space<hbm>>
    tpu.wait_indirect_dma semaphore(%arg17 : memref<!tpu.dma_semaphore, #tpu.memory_space<semaphore_mem>>) src(%dma_wait3A_21 : memref<10000x128xf32, #tpu.memory_space<hbm>>) dst(%arg12 : memref<128x128xf32, #tpu.memory_space<vmem>>)
    %scan3A_22 = arith.constant 0 : i32
    %scan3A_23 = arith.constant 0 : i32
    %scan3A_24 = arith.constant 128 : i32
    %scan3A_25 = arith.addi %scan3A_23, %scan3A_24 : i32
    %scan3A_26 = arith.constant 1 : i32
    scf.for %scan3A_32 = %scan3A_23 to %scan3A_25 step %scan3A_26  : i32 {
      %get3A = arith.index_cast %scan3A_32 : i32 to index
      %get3A_33 = arith.constant 0 : index
      %get3A_34 = tpu.vector_load %arg11[%get3A, %get3A_33] {strides = array<i32>} : memref<128x128xf32, #tpu.memory_space<vmem>>, vector<1x16xf32>,
      %get3A_35 = vector.shape_cast %get3A_34 : vector<1x16xf32> to vector<16xf32>
      %get3A_36 = arith.index_cast %scan3A_32 : i32 to index
      %get3A_37 = arith.constant 0 : index
      %get3A_38 = tpu.vector_load %arg12[%get3A_36, %get3A_37] {strides = array<i32>} : memref<128x128xf32, #tpu.memory_space<vmem>>, vector<1x16xf32>,
      %get3A_39 = vector.shape_cast %get3A_38 : vector<1x16xf32> to vector<16xf32>
      %mul3A_40 = arith.mulf %get3A_35, %get3A_39 : vector<16xf32>
      %get3A_41 = arith.index_cast %scan3A_32 : i32 to index
      %get3A_42 = arith.constant 16 : index
      %get3A_43 = tpu.vector_load %arg11[%get3A_41, %get3A_42] {strides = array<i32>} : memref<128x128xf32, #tpu.memory_space<vmem>>, vector<1x16xf32>,
      %get3A_44 = vector.shape_cast %get3A_43 : vector<1x16xf32> to vector<16xf32>
      %get3A_45 = arith.index_cast %scan3A_32 : i32 to index
      %get3A_46 = arith.constant 16 : index
      %get3A_47 = tpu.vector_load %arg12[%get3A_45, %get3A_46] {strides = array<i32>} : memref<128x128xf32, #tpu.memory_space<vmem>>, vector<1x16xf32>,
      %get3A_48 = vector.shape_cast %get3A_47 : vector<1x16xf32> to vector<16xf32>
      %mul3A_49 = arith.mulf %get3A_44, %get3A_48 : vector<16xf32>
      %add3A_50 = arith.addf %mul3A_40, %mul3A_49 : vector<16xf32>
      %get3A_51 = arith.index_cast %scan3A_32 : i32 to index
      %get3A_52 = arith.constant 32 : index
      %get3A_53 = tpu.vector_load %arg11[%get3A_51, %get3A_52] {strides = array<i32>} : memref<128x128xf32, #tpu.memory_space<vmem>>, vector<1x16xf32>,
      %get3A_54 = vector.shape_cast %get3A_53 : vector<1x16xf32> to vector<16xf32>
      %get3A_55 = arith.index_cast %scan3A_32 : i32 to index
      %get3A_56 = arith.constant 32 : index
      %get3A_57 = tpu.vector_load %arg12[%get3A_55, %get3A_56] {strides = array<i32>} : memref<128x128xf32, #tpu.memory_space<vmem>>, vector<1x16xf32>,
      %get3A_58 = vector.shape_cast %get3A_57 : vector<1x16xf32> to vector<16xf32>
      %mul3A_59 = arith.mulf %get3A_54, %get3A_58 : vector<16xf32>
      %add3A_60 = arith.addf %add3A_50, %mul3A_59 : vector<16xf32>
      %get3A_61 = arith.index_cast %scan3A_32 : i32 to index
      %get3A_62 = arith.constant 48 : index
      %get3A_63 = tpu.vector_load %arg11[%get3A_61, %get3A_62] {strides = array<i32>} : memref<128x128xf32, #tpu.memory_space<vmem>>, vector<1x16xf32>,
      %get3A_64 = vector.shape_cast %get3A_63 : vector<1x16xf32> to vector<16xf32>
      %get3A_65 = arith.index_cast %scan3A_32 : i32 to index
      %get3A_66 = arith.constant 48 : index
      %get3A_67 = tpu.vector_load %arg12[%get3A_65, %get3A_66] {strides = array<i32>} : memref<128x128xf32, #tpu.memory_space<vmem>>, vector<1x16xf32>,
      %get3A_68 = vector.shape_cast %get3A_67 : vector<1x16xf32> to vector<16xf32>
      %mul3A_69 = arith.mulf %get3A_64, %get3A_68 : vector<16xf32>
      %add3A_70 = arith.addf %add3A_60, %mul3A_69 : vector<16xf32>
      %get3A_71 = arith.index_cast %scan3A_32 : i32 to index
      %get3A_72 = arith.constant 64 : index
      %get3A_73 = tpu.vector_load %arg11[%get3A_71, %get3A_72] {strides = array<i32>} : memref<128x128xf32, #tpu.memory_space<vmem>>, vector<1x16xf32>,
      %get3A_74 = vector.shape_cast %get3A_73 : vector<1x16xf32> to vector<16xf32>
      %get3A_75 = arith.index_cast %scan3A_32 : i32 to index
      %get3A_76 = arith.constant 64 : index
      %get3A_77 = tpu.vector_load %arg12[%get3A_75, %get3A_76] {strides = array<i32>} : memref<128x128xf32, #tpu.memory_space<vmem>>, vector<1x16xf32>,
      %get3A_78 = vector.shape_cast %get3A_77 : vector<1x16xf32> to vector<16xf32>
      %mul3A_79 = arith.mulf %get3A_74, %get3A_78 : vector<16xf32>
      %add3A_80 = arith.addf %add3A_70, %mul3A_79 : vector<16xf32>
      %get3A_81 = arith.index_cast %scan3A_32 : i32 to index
      %get3A_82 = arith.constant 80 : index
      %get3A_83 = tpu.vector_load %arg11[%get3A_81, %get3A_82] {strides = array<i32>} : memref<128x128xf32, #tpu.memory_space<vmem>>, vector<1x16xf32>,
      %get3A_84 = vector.shape_cast %get3A_83 : vector<1x16xf32> to vector<16xf32>
      %get3A_85 = arith.index_cast %scan3A_32 : i32 to index
      %get3A_86 = arith.constant 80 : index
      %get3A_87 = tpu.vector_load %arg12[%get3A_85, %get3A_86] {strides = array<i32>} : memref<128x128xf32, #tpu.memory_space<vmem>>, vector<1x16xf32>,
      %get3A_88 = vector.shape_cast %get3A_87 : vector<1x16xf32> to vector<16xf32>
      %mul3A_89 = arith.mulf %get3A_84, %get3A_88 : vector<16xf32>
      %add3A_90 = arith.addf %add3A_80, %mul3A_89 : vector<16xf32>
      %get3A_91 = arith.index_cast %scan3A_32 : i32 to index
      %get3A_92 = arith.constant 96 : index
      %get3A_93 = tpu.vector_load %arg11[%get3A_91, %get3A_92] {strides = array<i32>} : memref<128x128xf32, #tpu.memory_space<vmem>>, vector<1x16xf32>,
      %get3A_94 = vector.shape_cast %get3A_93 : vector<1x16xf32> to vector<16xf32>
      %get3A_95 = arith.index_cast %scan3A_32 : i32 to index
      %get3A_96 = arith.constant 96 : index
      %get3A_97 = tpu.vector_load %arg12[%get3A_95, %get3A_96] {strides = array<i32>} : memref<128x128xf32, #tpu.memory_space<vmem>>, vector<1x16xf32>,
      %get3A_98 = vector.shape_cast %get3A_97 : vector<1x16xf32> to vector<16xf32>
      %mul3A_99 = arith.mulf %get3A_94, %get3A_98 : vector<16xf32>
      %add3A_100 = arith.addf %add3A_90, %mul3A_99 : vector<16xf32>
      %get3A_101 = arith.index_cast %scan3A_32 : i32 to index
      %get3A_102 = arith.constant 112 : index
      %get3A_103 = tpu.vector_load %arg11[%get3A_101, %get3A_102] {strides = array<i32>} : memref<128x128xf32, #tpu.memory_space<vmem>>, vector<1x16xf32>,
      %get3A_104 = vector.shape_cast %get3A_103 : vector<1x16xf32> to vector<16xf32>
      %get3A_105 = arith.index_cast %scan3A_32 : i32 to index
      %get3A_106 = arith.constant 112 : index
      %get3A_107 = tpu.vector_load %arg12[%get3A_105, %get3A_106] {strides = array<i32>} : memref<128x128xf32, #tpu.memory_space<vmem>>, vector<1x16xf32>,
      %get3A_108 = vector.shape_cast %get3A_107 : vector<1x16xf32> to vector<16xf32>
      %mul3A_109 = arith.mulf %get3A_104, %get3A_108 : vector<16xf32>
      %add3A_110 = arith.addf %add3A_100, %mul3A_109 : vector<16xf32>
      %swap3A = arith.index_cast %scan3A_32 : i32 to index
      %swap3A_111 = arith.constant 0 : index
      %swap3A_112 = tpu.vector_load %arg15[%swap3A, %swap3A_111] {strides = array<i32>} : memref<128x16xf32, #tpu.memory_space<vmem>>, vector<1x16xf32>,
      %swap3A_113 = vector.shape_cast %swap3A_112 : vector<1x16xf32> to vector<16xf32>
      %swap3A_114 = vector.shape_cast %add3A_110 : vector<16xf32> to vector<1x16xf32>
      tpu.vector_store %arg15[%swap3A, %swap3A_111], %swap3A_114 {strides = array<i32>} : memref<128x16xf32, #tpu.memory_space<vmem>>, vector<1x16xf32>,
    }
    %scan3A_27 = arith.constant 128 : i32
    %add3A_28 = arith.constant 24 : i32
    %add3A_29 = arith.addi %mul3A_2, %add3A_28 : i32
    %mul3A_30 = arith.constant 128 : i32
    %mul3A_31 = arith.muli %add3A_29, %mul3A_30 : i32
    "tpu.region"() ({
      %run_scoped3A = tpu.sem_alloc : memref<!tpu.dma_semaphore, #tpu.memory_space<semaphore_mem>>
      %dma_start3A_32 = arith.constant 0 : i32
      %dma_start3A_33 = tpu.memref_slice %arg6[%mul3A_31, %dma_start3A_32] : memref<102400x16xf32, #tpu.memory_space<hbm>> -> memref<128x16xf32, #tpu.memory_space<hbm>>
      %dma_start3A_34 = arith.constant 0 : i32
      %dma_start3A_35 = tpu.memref_slice %arg6[%mul3A_31, %dma_start3A_34] : memref<102400x16xf32, #tpu.memory_space<hbm>> -> memref<128x16xf32, #tpu.memory_space<hbm>>
      tpu.enqueue_dma source(%arg15 : memref<128x16xf32, #tpu.memory_space<vmem>>) target(%dma_start3A_35 : memref<128x16xf32, #tpu.memory_space<hbm>>) target_semaphore(%run_scoped3A : memref<!tpu.dma_semaphore, #tpu.memory_space<semaphore_mem>>)
      %dma_wait3A_36 = arith.constant 0 : i32
      %dma_wait3A_37 = tpu.memref_slice %arg6[%mul3A_31, %dma_wait3A_36] : memref<102400x16xf32, #tpu.memory_space<hbm>> -> memref<128x16xf32, #tpu.memory_space<hbm>>
      %dma_wait3A_38 = arith.constant 0 : i32
      %dma_wait3A_39 = tpu.memref_slice %arg6[%mul3A_31, %dma_wait3A_38] : memref<102400x16xf32, #tpu.memory_space<hbm>> -> memref<128x16xf32, #tpu.memory_space<hbm>>
      tpu.wait_dma2 semaphore(%run_scoped3A : memref<!tpu.dma_semaphore, #tpu.memory_space<semaphore_mem>>) src(%arg15 : memref<128x16xf32, #tpu.memory_space<vmem>>) dst(%dma_wait3A_39 : memref<128x16xf32, #tpu.memory_space<hbm>>)
      tpu.yield
    }) : () -> ()
    return
  }
}

#map = affine_map<(d0, d1) -> (0, 0)>
module attributes {stable_mosaic.version = 14 : i64} {
  func.func @_segsum(%arg0: i32, %arg1: i32, %arg2: memref<2560x128xi32, #tpu.memory_space<hbm>>, %arg3: memref<2560x128xi32, #tpu.memory_space<hbm>>, %arg4: memref<10000x128xf32, #tpu.memory_space<hbm>>, %arg5: memref<2560x128xi32, #tpu.memory_space<hbm>>, %arg6: memref<2560x128xi32, #tpu.memory_space<hbm>>, %arg7: memref<10000x128xf32, #tpu.memory_space<hbm>>, %arg8: memref<10000x128xf32, #tpu.memory_space<hbm>>, %arg9: memref<10000x128xf32, #tpu.memory_space<hbm>>, %arg10: memref<32x128xi32, #tpu.memory_space<vmem>>, %arg11: memref<32x128xi32, #tpu.memory_space<vmem>>, %arg12: memref<128x128xf32, #tpu.memory_space<vmem>>, %arg13: memref<128x128xf32, #tpu.memory_space<vmem>>, %arg14: memref<10008x128xf32, #tpu.memory_space<vmem_shared>>, %arg15: memref<!tpu.dma_semaphore, #tpu.memory_space<semaphore_mem>>, %arg16: memref<!tpu.dma_semaphore, #tpu.memory_space<semaphore_mem>>, %arg17: memref<!tpu.dma_semaphore, #tpu.memory_space<semaphore_mem>>, %arg18: memref<!tpu.dma_semaphore, #tpu.memory_space<semaphore_mem>>) attributes {dimension_semantics = [#tpu.dimension_semantics<core_parallel>, #tpu.dimension_semantics<subcore_parallel>], iteration_bounds = array<i64: 2, 16>, scalar_prefetch = 0 : i64, scratch_operands = 9 : i64, tpu.core_type = #tpu.core_type<sc_vector_subcore>, window_params = [{transform_indices = #map}, {transform_indices = #map}, {transform_indices = #map}, {transform_indices = #map}, {transform_indices = #map}, {transform_indices = #map}, {transform_indices = #map}, {transform_indices = #map}]} {
    %mul3A = arith.constant 624 : i32
    %mul3A_0 = arith.muli %arg1, %mul3A : i32
    %broadcast_in_dim3A = arith.constant 0.000000e+00 : f32
    %broadcast_in_dim3A_1 = vector.broadcast %broadcast_in_dim3A : f32 to vector<16xf32>
    %scan3A = arith.constant 0 : i32
    %scan3A_2 = arith.constant 0 : i32
    %scan3A_3 = arith.constant 128 : i32
    %scan3A_4 = arith.addi %scan3A_2, %scan3A_3 : i32
    %scan3A_5 = arith.constant 1 : i32
    scf.for %scan3A_31 = %scan3A_2 to %scan3A_4 step %scan3A_5  : i32 {
      %swap3A = arith.index_cast %scan3A_31 : i32 to index
      %swap3A_32 = arith.constant 0 : index
      %swap3A_33 = tpu.vector_load %arg12[%swap3A, %swap3A_32] {strides = array<i32>} : memref<128x128xf32, #tpu.memory_space<vmem>>, vector<1x16xf32>,
      %swap3A_34 = vector.shape_cast %swap3A_33 : vector<1x16xf32> to vector<16xf32>
      %swap3A_35 = vector.shape_cast %broadcast_in_dim3A_1 : vector<16xf32> to vector<1x16xf32>
      tpu.vector_store %arg12[%swap3A, %swap3A_32], %swap3A_35 {strides = array<i32>} : memref<128x128xf32, #tpu.memory_space<vmem>>, vector<1x16xf32>,
      %swap3A_36 = arith.index_cast %scan3A_31 : i32 to index
      %swap3A_37 = arith.constant 16 : index
      %swap3A_38 = tpu.vector_load %arg12[%swap3A_36, %swap3A_37] {strides = array<i32>} : memref<128x128xf32, #tpu.memory_space<vmem>>, vector<1x16xf32>,
      %swap3A_39 = vector.shape_cast %swap3A_38 : vector<1x16xf32> to vector<16xf32>
      %swap3A_40 = vector.shape_cast %broadcast_in_dim3A_1 : vector<16xf32> to vector<1x16xf32>
      tpu.vector_store %arg12[%swap3A_36, %swap3A_37], %swap3A_40 {strides = array<i32>} : memref<128x128xf32, #tpu.memory_space<vmem>>, vector<1x16xf32>,
      %swap3A_41 = arith.index_cast %scan3A_31 : i32 to index
      %swap3A_42 = arith.constant 32 : index
      %swap3A_43 = tpu.vector_load %arg12[%swap3A_41, %swap3A_42] {strides = array<i32>} : memref<128x128xf32, #tpu.memory_space<vmem>>, vector<1x16xf32>,
      %swap3A_44 = vector.shape_cast %swap3A_43 : vector<1x16xf32> to vector<16xf32>
      %swap3A_45 = vector.shape_cast %broadcast_in_dim3A_1 : vector<16xf32> to vector<1x16xf32>
      tpu.vector_store %arg12[%swap3A_41, %swap3A_42], %swap3A_45 {strides = array<i32>} : memref<128x128xf32, #tpu.memory_space<vmem>>, vector<1x16xf32>,
      %swap3A_46 = arith.index_cast %scan3A_31 : i32 to index
      %swap3A_47 = arith.constant 48 : index
      %swap3A_48 = tpu.vector_load %arg12[%swap3A_46, %swap3A_47] {strides = array<i32>} : memref<128x128xf32, #tpu.memory_space<vmem>>, vector<1x16xf32>,
      %swap3A_49 = vector.shape_cast %swap3A_48 : vector<1x16xf32> to vector<16xf32>
      %swap3A_50 = vector.shape_cast %broadcast_in_dim3A_1 : vector<16xf32> to vector<1x16xf32>
      tpu.vector_store %arg12[%swap3A_46, %swap3A_47], %swap3A_50 {strides = array<i32>} : memref<128x128xf32, #tpu.memory_space<vmem>>, vector<1x16xf32>,
      %swap3A_51 = arith.index_cast %scan3A_31 : i32 to index
      %swap3A_52 = arith.constant 64 : index
      %swap3A_53 = tpu.vector_load %arg12[%swap3A_51, %swap3A_52] {strides = array<i32>} : memref<128x128xf32, #tpu.memory_space<vmem>>, vector<1x16xf32>,
      %swap3A_54 = vector.shape_cast %swap3A_53 : vector<1x16xf32> to vector<16xf32>
      %swap3A_55 = vector.shape_cast %broadcast_in_dim3A_1 : vector<16xf32> to vector<1x16xf32>
      tpu.vector_store %arg12[%swap3A_51, %swap3A_52], %swap3A_55 {strides = array<i32>} : memref<128x128xf32, #tpu.memory_space<vmem>>, vector<1x16xf32>,
      %swap3A_56 = arith.index_cast %scan3A_31 : i32 to index
      %swap3A_57 = arith.constant 80 : index
      %swap3A_58 = tpu.vector_load %arg12[%swap3A_56, %swap3A_57] {strides = array<i32>} : memref<128x128xf32, #tpu.memory_space<vmem>>, vector<1x16xf32>,
      %swap3A_59 = vector.shape_cast %swap3A_58 : vector<1x16xf32> to vector<16xf32>
      %swap3A_60 = vector.shape_cast %broadcast_in_dim3A_1 : vector<16xf32> to vector<1x16xf32>
      tpu.vector_store %arg12[%swap3A_56, %swap3A_57], %swap3A_60 {strides = array<i32>} : memref<128x128xf32, #tpu.memory_space<vmem>>, vector<1x16xf32>,
      %swap3A_61 = arith.index_cast %scan3A_31 : i32 to index
      %swap3A_62 = arith.constant 96 : index
      %swap3A_63 = tpu.vector_load %arg12[%swap3A_61, %swap3A_62] {strides = array<i32>} : memref<128x128xf32, #tpu.memory_space<vmem>>, vector<1x16xf32>,
      %swap3A_64 = vector.shape_cast %swap3A_63 : vector<1x16xf32> to vector<16xf32>
      %swap3A_65 = vector.shape_cast %broadcast_in_dim3A_1 : vector<16xf32> to vector<1x16xf32>
      tpu.vector_store %arg12[%swap3A_61, %swap3A_62], %swap3A_65 {strides = array<i32>} : memref<128x128xf32, #tpu.memory_space<vmem>>, vector<1x16xf32>,
      %swap3A_66 = arith.index_cast %scan3A_31 : i32 to index
      %swap3A_67 = arith.constant 112 : index
      %swap3A_68 = tpu.vector_load %arg12[%swap3A_66, %swap3A_67] {strides = array<i32>} : memref<128x128xf32, #tpu.memory_space<vmem>>, vector<1x16xf32>,
      %swap3A_69 = vector.shape_cast %swap3A_68 : vector<1x16xf32> to vector<16xf32>
      %swap3A_70 = vector.shape_cast %broadcast_in_dim3A_1 : vector<16xf32> to vector<1x16xf32>
      tpu.vector_store %arg12[%swap3A_66, %swap3A_67], %swap3A_70 {strides = array<i32>} : memref<128x128xf32, #tpu.memory_space<vmem>>, vector<1x16xf32>,
    }
    %scan3A_6 = arith.constant 128 : i32
    %scan3A_7 = arith.constant 0 : i32
    %scan3A_8 = arith.constant 0 : i32
    %scan3A_9 = arith.constant 5 : i32
    %scan3A_10 = arith.addi %scan3A_8, %scan3A_9 : i32
    %scan3A_11 = arith.constant 1 : i32
    scf.for %scan3A_31 = %scan3A_8 to %scan3A_10 step %scan3A_11  : i32 {
      %mul3A_32 = arith.constant 128 : i32
      %mul3A_33 = arith.muli %scan3A_31, %mul3A_32 : i32
      %add3A = arith.addi %mul3A_0, %mul3A_33 : i32
      "tpu.region"() ({
        %run_scoped3A = tpu.sem_alloc : memref<!tpu.dma_semaphore, #tpu.memory_space<semaphore_mem>>
        %dma_start3A = arith.constant 0 : i32
        %dma_start3A_34 = tpu.memref_slice %arg14[%add3A, %dma_start3A] : memref<10008x128xf32, #tpu.memory_space<vmem_shared>> -> memref<128x128xf32, #tpu.memory_space<vmem_shared>>
        %dma_start3A_35 = arith.constant 0 : i32
        %dma_start3A_36 = tpu.memref_slice %arg14[%add3A, %dma_start3A_35] : memref<10008x128xf32, #tpu.memory_space<vmem_shared>> -> memref<128x128xf32, #tpu.memory_space<vmem_shared>>
        tpu.enqueue_dma source(%arg12 : memref<128x128xf32, #tpu.memory_space<vmem>>) target(%dma_start3A_36 : memref<128x128xf32, #tpu.memory_space<vmem_shared>>) target_semaphore(%run_scoped3A : memref<!tpu.dma_semaphore, #tpu.memory_space<semaphore_mem>>)
        %dma_wait3A = arith.constant 0 : i32
        %dma_wait3A_37 = tpu.memref_slice %arg14[%add3A, %dma_wait3A] : memref<10008x128xf32, #tpu.memory_space<vmem_shared>> -> memref<128x128xf32, #tpu.memory_space<vmem_shared>>
        %dma_wait3A_38 = arith.constant 0 : i32
        %dma_wait3A_39 = tpu.memref_slice %arg14[%add3A, %dma_wait3A_38] : memref<10008x128xf32, #tpu.memory_space<vmem_shared>> -> memref<128x128xf32, #tpu.memory_space<vmem_shared>>
        tpu.wait_dma2 semaphore(%run_scoped3A : memref<!tpu.dma_semaphore, #tpu.memory_space<semaphore_mem>>) src(%arg12 : memref<128x128xf32, #tpu.memory_space<vmem>>) dst(%dma_wait3A_39 : memref<128x128xf32, #tpu.memory_space<vmem_shared>>)
        tpu.yield
      }) : () -> ()
    }
    %scan3A_12 = arith.constant 5 : i32
    %barrier3A = arith.constant 0 : index
    tpu.barrier barrier_id(%barrier3A)
    %eq3A = arith.constant 0 : i32
    %eq3A_13 = arith.cmpi eq, %arg0, %eq3A : i32
    %convert_element_type3A = arith.extui %eq3A_13 : i1 to i32
    %cond3A = arith.constant 0 : i32
    %cond3A_14 = arith.cmpi ne, %convert_element_type3A, %cond3A : i32
    scf.if %cond3A_14 {
      %mul3A_31 = arith.constant 160 : i32
      %mul3A_32 = arith.muli %arg1, %mul3A_31 : i32
      %scan3A_33 = arith.constant 0 : i32
      %scan3A_34 = arith.constant 0 : i32
      %scan3A_35 = arith.constant 5 : i32
      %scan3A_36 = arith.addi %scan3A_34, %scan3A_35 : i32
      %scan3A_37 = arith.constant 1 : i32
      scf.for %scan3A_39 = %scan3A_34 to %scan3A_36 step %scan3A_37  : i32 {
        %mul3A_40 = arith.constant 32 : i32
        %mul3A_41 = arith.muli %scan3A_39, %mul3A_40 : i32
        %add3A = arith.addi %mul3A_32, %mul3A_41 : i32
        "tpu.region"() ({
          %run_scoped3A = tpu.sem_alloc : memref<!tpu.dma_semaphore, #tpu.memory_space<semaphore_mem>>
          %dma_start3A_54 = arith.constant 0 : i32
          %dma_start3A_55 = tpu.memref_slice %arg2[%add3A, %dma_start3A_54] : memref<2560x128xi32, #tpu.memory_space<hbm>> -> memref<32x128xi32, #tpu.memory_space<hbm>>
          %dma_start3A_56 = arith.constant 0 : i32
          %dma_start3A_57 = tpu.memref_slice %arg2[%add3A, %dma_start3A_56] : memref<2560x128xi32, #tpu.memory_space<hbm>> -> memref<32x128xi32, #tpu.memory_space<hbm>>
          tpu.enqueue_dma source(%dma_start3A_57 : memref<32x128xi32, #tpu.memory_space<hbm>>) target(%arg10 : memref<32x128xi32, #tpu.memory_space<vmem>>) target_semaphore(%run_scoped3A : memref<!tpu.dma_semaphore, #tpu.memory_space<semaphore_mem>>)
          %dma_wait3A = arith.constant 0 : i32
          %dma_wait3A_58 = tpu.memref_slice %arg2[%add3A, %dma_wait3A] : memref<2560x128xi32, #tpu.memory_space<hbm>> -> memref<32x128xi32, #tpu.memory_space<hbm>>
          %dma_wait3A_59 = arith.constant 0 : i32
          %dma_wait3A_60 = tpu.memref_slice %arg2[%add3A, %dma_wait3A_59] : memref<2560x128xi32, #tpu.memory_space<hbm>> -> memref<32x128xi32, #tpu.memory_space<hbm>>
          tpu.wait_dma2 semaphore(%run_scoped3A : memref<!tpu.dma_semaphore, #tpu.memory_space<semaphore_mem>>) src(%dma_wait3A_60 : memref<32x128xi32, #tpu.memory_space<hbm>>) dst(%arg10 : memref<32x128xi32, #tpu.memory_space<vmem>>)
          tpu.yield
        }) : () -> ()
        "tpu.region"() ({
          %run_scoped3A = tpu.sem_alloc : memref<!tpu.dma_semaphore, #tpu.memory_space<semaphore_mem>>
          %dma_start3A_54 = arith.constant 0 : i32
          %dma_start3A_55 = tpu.memref_slice %arg3[%add3A, %dma_start3A_54] : memref<2560x128xi32, #tpu.memory_space<hbm>> -> memref<32x128xi32, #tpu.memory_space<hbm>>
          %dma_start3A_56 = arith.constant 0 : i32
          %dma_start3A_57 = tpu.memref_slice %arg3[%add3A, %dma_start3A_56] : memref<2560x128xi32, #tpu.memory_space<hbm>> -> memref<32x128xi32, #tpu.memory_space<hbm>>
          tpu.enqueue_dma source(%dma_start3A_57 : memref<32x128xi32, #tpu.memory_space<hbm>>) target(%arg11 : memref<32x128xi32, #tpu.memory_space<vmem>>) target_semaphore(%run_scoped3A : memref<!tpu.dma_semaphore, #tpu.memory_space<semaphore_mem>>)
          %dma_wait3A = arith.constant 0 : i32
          %dma_wait3A_58 = tpu.memref_slice %arg3[%add3A, %dma_wait3A] : memref<2560x128xi32, #tpu.memory_space<hbm>> -> memref<32x128xi32, #tpu.memory_space<hbm>>
          %dma_wait3A_59 = arith.constant 0 : i32
          %dma_wait3A_60 = tpu.memref_slice %arg3[%add3A, %dma_wait3A_59] : memref<2560x128xi32, #tpu.memory_space<hbm>> -> memref<32x128xi32, #tpu.memory_space<hbm>>
          tpu.wait_dma2 semaphore(%run_scoped3A : memref<!tpu.dma_semaphore, #tpu.memory_space<semaphore_mem>>) src(%dma_wait3A_60 : memref<32x128xi32, #tpu.memory_space<hbm>>) dst(%arg11 : memref<32x128xi32, #tpu.memory_space<vmem>>)
          tpu.yield
        }) : () -> ()
        %dma_start3A = arith.constant 0 : i32
        %dma_start3A_42 = arith.constant 0 : i32
        %dma_start3A_43 = tpu.memref_slice %arg10[%dma_start3A, %dma_start3A_42] : memref<32x128xi32, #tpu.memory_space<vmem>> -> memref<1x128xi32, #tpu.memory_space<vmem>>
        %dma_start3A_44 = tpu.memref_squeeze %dma_start3A_43 : memref<1x128xi32, #tpu.memory_space<vmem>> -> memref<128xi32, #tpu.memory_space<vmem>>
        %dma_start3A_45 = arith.constant 0 : i32
        %dma_start3A_46 = arith.constant 0 : i32
        %dma_start3A_47 = tpu.memref_slice %arg4[%dma_start3A_45, %dma_start3A_46] : memref<10000x128xf32, #tpu.memory_space<hbm>> -> memref<10000x128xf32, #tpu.memory_space<hbm>>
        tpu.enqueue_indirect_dma source(%dma_start3A_47 : memref<10000x128xf32, #tpu.memory_space<hbm>>) target(%arg12 : memref<128x128xf32, #tpu.memory_space<vmem>>) offsets(%dma_start3A_44 : memref<128xi32, #tpu.memory_space<vmem>>) semaphore(%arg15 : memref<!tpu.dma_semaphore, #tpu.memory_space<semaphore_mem>>)
        %scan3A_48 = arith.constant 0 : i32
        %scan3A_49 = arith.constant 0 : i32
        %scan3A_50 = arith.constant 16 : i32
        %scan3A_51 = arith.addi %scan3A_49, %scan3A_50 : i32
        %scan3A_52 = arith.constant 1 : i32
        scf.for %scan3A_54 = %scan3A_49 to %scan3A_51 step %scan3A_52  : i32 {
          %mul3A_55 = arith.constant 2 : i32
          %mul3A_56 = arith.muli %mul3A_55, %scan3A_54 : i32
          %add3A_57 = arith.constant 1 : i32
          %add3A_58 = arith.addi %mul3A_56, %add3A_57 : i32
          %dma_start3A_59 = arith.constant 0 : i32
          %dma_start3A_60 = tpu.memref_slice %arg10[%add3A_58, %dma_start3A_59] : memref<32x128xi32, #tpu.memory_space<vmem>> -> memref<1x128xi32, #tpu.memory_space<vmem>>
          %dma_start3A_61 = tpu.memref_squeeze %dma_start3A_60 : memref<1x128xi32, #tpu.memory_space<vmem>> -> memref<128xi32, #tpu.memory_space<vmem>>
          %dma_start3A_62 = arith.constant 0 : i32
          %dma_start3A_63 = arith.constant 0 : i32
          %dma_start3A_64 = tpu.memref_slice %arg4[%dma_start3A_62, %dma_start3A_63] : memref<10000x128xf32, #tpu.memory_space<hbm>> -> memref<10000x128xf32, #tpu.memory_space<hbm>>
          tpu.enqueue_indirect_dma source(%dma_start3A_64 : memref<10000x128xf32, #tpu.memory_space<hbm>>) target(%arg13 : memref<128x128xf32, #tpu.memory_space<vmem>>) offsets(%dma_start3A_61 : memref<128xi32, #tpu.memory_space<vmem>>) semaphore(%arg16 : memref<!tpu.dma_semaphore, #tpu.memory_space<semaphore_mem>>)
          %dma_wait3A = arith.constant 0 : i32
          %dma_wait3A_65 = tpu.memref_slice %arg10[%mul3A_56, %dma_wait3A] : memref<32x128xi32, #tpu.memory_space<vmem>> -> memref<1x128xi32, #tpu.memory_space<vmem>>
          %dma_wait3A_66 = tpu.memref_squeeze %dma_wait3A_65 : memref<1x128xi32, #tpu.memory_space<vmem>> -> memref<128xi32, #tpu.memory_space<vmem>>
          %dma_wait3A_67 = arith.constant 0 : i32
          %dma_wait3A_68 = arith.constant 0 : i32
          %dma_wait3A_69 = tpu.memref_slice %arg4[%dma_wait3A_67, %dma_wait3A_68] : memref<10000x128xf32, #tpu.memory_space<hbm>> -> memref<10000x128xf32, #tpu.memory_space<hbm>>
          tpu.wait_indirect_dma semaphore(%arg15 : memref<!tpu.dma_semaphore, #tpu.memory_space<semaphore_mem>>) src(%dma_wait3A_69 : memref<10000x128xf32, #tpu.memory_space<hbm>>) dst(%arg12 : memref<128x128xf32, #tpu.memory_space<vmem>>)
          "tpu.region"() ({
            %run_scoped3A = tpu.sem_alloc : memref<!tpu.dma_semaphore, #tpu.memory_space<semaphore_mem>>
            %dma_start3A_84 = arith.constant 0 : i32
            %dma_start3A_85 = tpu.memref_slice %arg11[%mul3A_56, %dma_start3A_84] : memref<32x128xi32, #tpu.memory_space<vmem>> -> memref<1x128xi32, #tpu.memory_space<vmem>>
            %dma_start3A_86 = tpu.memref_squeeze %dma_start3A_85 : memref<1x128xi32, #tpu.memory_space<vmem>> -> memref<128xi32, #tpu.memory_space<vmem>>
            %dma_start3A_87 = arith.constant 0 : i32
            %dma_start3A_88 = arith.constant 0 : i32
            %dma_start3A_89 = tpu.memref_slice %arg14[%dma_start3A_87, %dma_start3A_88] : memref<10008x128xf32, #tpu.memory_space<vmem_shared>> -> memref<10008x128xf32, #tpu.memory_space<vmem_shared>>
            tpu.enqueue_indirect_dma source(%arg12 : memref<128x128xf32, #tpu.memory_space<vmem>>) target(%dma_start3A_89 : memref<10008x128xf32, #tpu.memory_space<vmem_shared>>) offsets(%dma_start3A_86 : memref<128xi32, #tpu.memory_space<vmem>>) semaphore(%run_scoped3A : memref<!tpu.dma_semaphore, #tpu.memory_space<semaphore_mem>>) {add = true}
            %dma_wait3A_90 = arith.constant 0 : i32
            %dma_wait3A_91 = tpu.memref_slice %arg11[%mul3A_56, %dma_wait3A_90] : memref<32x128xi32, #tpu.memory_space<vmem>> -> memref<1x128xi32, #tpu.memory_space<vmem>>
            %dma_wait3A_92 = tpu.memref_squeeze %dma_wait3A_91 : memref<1x128xi32, #tpu.memory_space<vmem>> -> memref<128xi32, #tpu.memory_space<vmem>>
            %dma_wait3A_93 = arith.constant 0 : i32
            %dma_wait3A_94 = arith.constant 0 : i32
            %dma_wait3A_95 = tpu.memref_slice %arg14[%dma_wait3A_93, %dma_wait3A_94] : memref<10008x128xf32, #tpu.memory_space<vmem_shared>> -> memref<10008x128xf32, #tpu.memory_space<vmem_shared>>
            tpu.wait_indirect_dma semaphore(%run_scoped3A : memref<!tpu.dma_semaphore, #tpu.memory_space<semaphore_mem>>) src(%arg12 : memref<128x128xf32, #tpu.memory_space<vmem>>) dst(%dma_wait3A_95 : memref<10008x128xf32, #tpu.memory_space<vmem_shared>>)
            tpu.yield
          }) : () -> ()
          %lt3A = arith.constant 15 : i32
          %lt3A_70 = arith.cmpi slt, %scan3A_54, %lt3A : i32
          %convert_element_type3A_71 = arith.extui %lt3A_70 : i1 to i32
          %cond3A_72 = arith.constant 0 : i32
          %cond3A_73 = arith.cmpi ne, %convert_element_type3A_71, %cond3A_72 : i32
          scf.if %cond3A_73 {
            %add3A_84 = arith.constant 2 : i32
            %add3A_85 = arith.addi %mul3A_56, %add3A_84 : i32
            %dma_start3A_86 = arith.constant 0 : i32
            %dma_start3A_87 = tpu.memref_slice %arg10[%add3A_85, %dma_start3A_86] : memref<32x128xi32, #tpu.memory_space<vmem>> -> memref<1x128xi32, #tpu.memory_space<vmem>>
            %dma_start3A_88 = tpu.memref_squeeze %dma_start3A_87 : memref<1x128xi32, #tpu.memory_space<vmem>> -> memref<128xi32, #tpu.memory_space<vmem>>
            %dma_start3A_89 = arith.constant 0 : i32
            %dma_start3A_90 = arith.constant 0 : i32
            %dma_start3A_91 = tpu.memref_slice %arg4[%dma_start3A_89, %dma_start3A_90] : memref<10000x128xf32, #tpu.memory_space<hbm>> -> memref<10000x128xf32, #tpu.memory_space<hbm>>
            tpu.enqueue_indirect_dma source(%dma_start3A_91 : memref<10000x128xf32, #tpu.memory_space<hbm>>) target(%arg12 : memref<128x128xf32, #tpu.memory_space<vmem>>) offsets(%dma_start3A_88 : memref<128xi32, #tpu.memory_space<vmem>>) semaphore(%arg15 : memref<!tpu.dma_semaphore, #tpu.memory_space<semaphore_mem>>)
          } else {
          }
          %add3A_74 = arith.constant 1 : i32
          %add3A_75 = arith.addi %mul3A_56, %add3A_74 : i32
          %dma_wait3A_76 = arith.constant 0 : i32
          %dma_wait3A_77 = tpu.memref_slice %arg10[%add3A_75, %dma_wait3A_76] : memref<32x128xi32, #tpu.memory_space<vmem>> -> memref<1x128xi32, #tpu.memory_space<vmem>>
          %dma_wait3A_78 = tpu.memref_squeeze %dma_wait3A_77 : memref<1x128xi32, #tpu.memory_space<vmem>> -> memref<128xi32, #tpu.memory_space<vmem>>
          %dma_wait3A_79 = arith.constant 0 : i32
          %dma_wait3A_80 = arith.constant 0 : i32
          %dma_wait3A_81 = tpu.memref_slice %arg4[%dma_wait3A_79, %dma_wait3A_80] : memref<10000x128xf32, #tpu.memory_space<hbm>> -> memref<10000x128xf32, #tpu.memory_space<hbm>>
          tpu.wait_indirect_dma semaphore(%arg16 : memref<!tpu.dma_semaphore, #tpu.memory_space<semaphore_mem>>) src(%dma_wait3A_81 : memref<10000x128xf32, #tpu.memory_space<hbm>>) dst(%arg13 : memref<128x128xf32, #tpu.memory_space<vmem>>)
          %add3A_82 = arith.constant 1 : i32
          %add3A_83 = arith.addi %mul3A_56, %add3A_82 : i32
          "tpu.region"() ({
            %run_scoped3A = tpu.sem_alloc : memref<!tpu.dma_semaphore, #tpu.memory_space<semaphore_mem>>
            %dma_start3A_84 = arith.constant 0 : i32
            %dma_start3A_85 = tpu.memref_slice %arg11[%add3A_83, %dma_start3A_84] : memref<32x128xi32, #tpu.memory_space<vmem>> -> memref<1x128xi32, #tpu.memory_space<vmem>>
            %dma_start3A_86 = tpu.memref_squeeze %dma_start3A_85 : memref<1x128xi32, #tpu.memory_space<vmem>> -> memref<128xi32, #tpu.memory_space<vmem>>
            %dma_start3A_87 = arith.constant 0 : i32
            %dma_start3A_88 = arith.constant 0 : i32
            %dma_start3A_89 = tpu.memref_slice %arg14[%dma_start3A_87, %dma_start3A_88] : memref<10008x128xf32, #tpu.memory_space<vmem_shared>> -> memref<10008x128xf32, #tpu.memory_space<vmem_shared>>
            tpu.enqueue_indirect_dma source(%arg13 : memref<128x128xf32, #tpu.memory_space<vmem>>) target(%dma_start3A_89 : memref<10008x128xf32, #tpu.memory_space<vmem_shared>>) offsets(%dma_start3A_86 : memref<128xi32, #tpu.memory_space<vmem>>) semaphore(%run_scoped3A : memref<!tpu.dma_semaphore, #tpu.memory_space<semaphore_mem>>) {add = true}
            %dma_wait3A_90 = arith.constant 0 : i32
            %dma_wait3A_91 = tpu.memref_slice %arg11[%add3A_83, %dma_wait3A_90] : memref<32x128xi32, #tpu.memory_space<vmem>> -> memref<1x128xi32, #tpu.memory_space<vmem>>
            %dma_wait3A_92 = tpu.memref_squeeze %dma_wait3A_91 : memref<1x128xi32, #tpu.memory_space<vmem>> -> memref<128xi32, #tpu.memory_space<vmem>>
            %dma_wait3A_93 = arith.constant 0 : i32
            %dma_wait3A_94 = arith.constant 0 : i32
            %dma_wait3A_95 = tpu.memref_slice %arg14[%dma_wait3A_93, %dma_wait3A_94] : memref<10008x128xf32, #tpu.memory_space<vmem_shared>> -> memref<10008x128xf32, #tpu.memory_space<vmem_shared>>
            tpu.wait_indirect_dma semaphore(%run_scoped3A : memref<!tpu.dma_semaphore, #tpu.memory_space<semaphore_mem>>) src(%arg13 : memref<128x128xf32, #tpu.memory_space<vmem>>) dst(%dma_wait3A_95 : memref<10008x128xf32, #tpu.memory_space<vmem_shared>>)
            tpu.yield
          }) : () -> ()
        }
        %scan3A_53 = arith.constant 16 : i32
      }
      %scan3A_38 = arith.constant 5 : i32
    } else {
    }
    %eq3A_15 = arith.constant 1 : i32
    %eq3A_16 = arith.cmpi eq, %arg0, %eq3A_15 : i32
    %convert_element_type3A_17 = arith.extui %eq3A_16 : i1 to i32
    %cond3A_18 = arith.constant 0 : i32
    %cond3A_19 = arith.cmpi ne, %convert_element_type3A_17, %cond3A_18 : i32
    scf.if %cond3A_19 {
      %mul3A_31 = arith.constant 160 : i32
      %mul3A_32 = arith.muli %arg1, %mul3A_31 : i32
      %scan3A_33 = arith.constant 0 : i32
      %scan3A_34 = arith.constant 0 : i32
      %scan3A_35 = arith.constant 5 : i32
      %scan3A_36 = arith.addi %scan3A_34, %scan3A_35 : i32
      %scan3A_37 = arith.constant 1 : i32
      scf.for %scan3A_39 = %scan3A_34 to %scan3A_36 step %scan3A_37  : i32 {
        %mul3A_40 = arith.constant 32 : i32
        %mul3A_41 = arith.muli %scan3A_39, %mul3A_40 : i32
        %add3A = arith.addi %mul3A_32, %mul3A_41 : i32
        "tpu.region"() ({
          %run_scoped3A = tpu.sem_alloc : memref<!tpu.dma_semaphore, #tpu.memory_space<semaphore_mem>>
          %dma_start3A_54 = arith.constant 0 : i32
          %dma_start3A_55 = tpu.memref_slice %arg5[%add3A, %dma_start3A_54] : memref<2560x128xi32, #tpu.memory_space<hbm>> -> memref<32x128xi32, #tpu.memory_space<hbm>>
          %dma_start3A_56 = arith.constant 0 : i32
          %dma_start3A_57 = tpu.memref_slice %arg5[%add3A, %dma_start3A_56] : memref<2560x128xi32, #tpu.memory_space<hbm>> -> memref<32x128xi32, #tpu.memory_space<hbm>>
          tpu.enqueue_dma source(%dma_start3A_57 : memref<32x128xi32, #tpu.memory_space<hbm>>) target(%arg10 : memref<32x128xi32, #tpu.memory_space<vmem>>) target_semaphore(%run_scoped3A : memref<!tpu.dma_semaphore, #tpu.memory_space<semaphore_mem>>)
          %dma_wait3A = arith.constant 0 : i32
          %dma_wait3A_58 = tpu.memref_slice %arg5[%add3A, %dma_wait3A] : memref<2560x128xi32, #tpu.memory_space<hbm>> -> memref<32x128xi32, #tpu.memory_space<hbm>>
          %dma_wait3A_59 = arith.constant 0 : i32
          %dma_wait3A_60 = tpu.memref_slice %arg5[%add3A, %dma_wait3A_59] : memref<2560x128xi32, #tpu.memory_space<hbm>> -> memref<32x128xi32, #tpu.memory_space<hbm>>
          tpu.wait_dma2 semaphore(%run_scoped3A : memref<!tpu.dma_semaphore, #tpu.memory_space<semaphore_mem>>) src(%dma_wait3A_60 : memref<32x128xi32, #tpu.memory_space<hbm>>) dst(%arg10 : memref<32x128xi32, #tpu.memory_space<vmem>>)
          tpu.yield
        }) : () -> ()
        "tpu.region"() ({
          %run_scoped3A = tpu.sem_alloc : memref<!tpu.dma_semaphore, #tpu.memory_space<semaphore_mem>>
          %dma_start3A_54 = arith.constant 0 : i32
          %dma_start3A_55 = tpu.memref_slice %arg6[%add3A, %dma_start3A_54] : memref<2560x128xi32, #tpu.memory_space<hbm>> -> memref<32x128xi32, #tpu.memory_space<hbm>>
          %dma_start3A_56 = arith.constant 0 : i32
          %dma_start3A_57 = tpu.memref_slice %arg6[%add3A, %dma_start3A_56] : memref<2560x128xi32, #tpu.memory_space<hbm>> -> memref<32x128xi32, #tpu.memory_space<hbm>>
          tpu.enqueue_dma source(%dma_start3A_57 : memref<32x128xi32, #tpu.memory_space<hbm>>) target(%arg11 : memref<32x128xi32, #tpu.memory_space<vmem>>) target_semaphore(%run_scoped3A : memref<!tpu.dma_semaphore, #tpu.memory_space<semaphore_mem>>)
          %dma_wait3A = arith.constant 0 : i32
          %dma_wait3A_58 = tpu.memref_slice %arg6[%add3A, %dma_wait3A] : memref<2560x128xi32, #tpu.memory_space<hbm>> -> memref<32x128xi32, #tpu.memory_space<hbm>>
          %dma_wait3A_59 = arith.constant 0 : i32
          %dma_wait3A_60 = tpu.memref_slice %arg6[%add3A, %dma_wait3A_59] : memref<2560x128xi32, #tpu.memory_space<hbm>> -> memref<32x128xi32, #tpu.memory_space<hbm>>
          tpu.wait_dma2 semaphore(%run_scoped3A : memref<!tpu.dma_semaphore, #tpu.memory_space<semaphore_mem>>) src(%dma_wait3A_60 : memref<32x128xi32, #tpu.memory_space<hbm>>) dst(%arg11 : memref<32x128xi32, #tpu.memory_space<vmem>>)
          tpu.yield
        }) : () -> ()
        %dma_start3A = arith.constant 0 : i32
        %dma_start3A_42 = arith.constant 0 : i32
        %dma_start3A_43 = tpu.memref_slice %arg10[%dma_start3A, %dma_start3A_42] : memref<32x128xi32, #tpu.memory_space<vmem>> -> memref<1x128xi32, #tpu.memory_space<vmem>>
        %dma_start3A_44 = tpu.memref_squeeze %dma_start3A_43 : memref<1x128xi32, #tpu.memory_space<vmem>> -> memref<128xi32, #tpu.memory_space<vmem>>
        %dma_start3A_45 = arith.constant 0 : i32
        %dma_start3A_46 = arith.constant 0 : i32
        %dma_start3A_47 = tpu.memref_slice %arg7[%dma_start3A_45, %dma_start3A_46] : memref<10000x128xf32, #tpu.memory_space<hbm>> -> memref<10000x128xf32, #tpu.memory_space<hbm>>
        tpu.enqueue_indirect_dma source(%dma_start3A_47 : memref<10000x128xf32, #tpu.memory_space<hbm>>) target(%arg12 : memref<128x128xf32, #tpu.memory_space<vmem>>) offsets(%dma_start3A_44 : memref<128xi32, #tpu.memory_space<vmem>>) semaphore(%arg15 : memref<!tpu.dma_semaphore, #tpu.memory_space<semaphore_mem>>)
        %scan3A_48 = arith.constant 0 : i32
        %scan3A_49 = arith.constant 0 : i32
        %scan3A_50 = arith.constant 16 : i32
        %scan3A_51 = arith.addi %scan3A_49, %scan3A_50 : i32
        %scan3A_52 = arith.constant 1 : i32
        scf.for %scan3A_54 = %scan3A_49 to %scan3A_51 step %scan3A_52  : i32 {
          %mul3A_55 = arith.constant 2 : i32
          %mul3A_56 = arith.muli %mul3A_55, %scan3A_54 : i32
          %add3A_57 = arith.constant 1 : i32
          %add3A_58 = arith.addi %mul3A_56, %add3A_57 : i32
          %dma_start3A_59 = arith.constant 0 : i32
          %dma_start3A_60 = tpu.memref_slice %arg10[%add3A_58, %dma_start3A_59] : memref<32x128xi32, #tpu.memory_space<vmem>> -> memref<1x128xi32, #tpu.memory_space<vmem>>
          %dma_start3A_61 = tpu.memref_squeeze %dma_start3A_60 : memref<1x128xi32, #tpu.memory_space<vmem>> -> memref<128xi32, #tpu.memory_space<vmem>>
          %dma_start3A_62 = arith.constant 0 : i32
          %dma_start3A_63 = arith.constant 0 : i32
          %dma_start3A_64 = tpu.memref_slice %arg7[%dma_start3A_62, %dma_start3A_63] : memref<10000x128xf32, #tpu.memory_space<hbm>> -> memref<10000x128xf32, #tpu.memory_space<hbm>>
          tpu.enqueue_indirect_dma source(%dma_start3A_64 : memref<10000x128xf32, #tpu.memory_space<hbm>>) target(%arg13 : memref<128x128xf32, #tpu.memory_space<vmem>>) offsets(%dma_start3A_61 : memref<128xi32, #tpu.memory_space<vmem>>) semaphore(%arg16 : memref<!tpu.dma_semaphore, #tpu.memory_space<semaphore_mem>>)
          %dma_wait3A = arith.constant 0 : i32
          %dma_wait3A_65 = tpu.memref_slice %arg10[%mul3A_56, %dma_wait3A] : memref<32x128xi32, #tpu.memory_space<vmem>> -> memref<1x128xi32, #tpu.memory_space<vmem>>
          %dma_wait3A_66 = tpu.memref_squeeze %dma_wait3A_65 : memref<1x128xi32, #tpu.memory_space<vmem>> -> memref<128xi32, #tpu.memory_space<vmem>>
          %dma_wait3A_67 = arith.constant 0 : i32
          %dma_wait3A_68 = arith.constant 0 : i32
          %dma_wait3A_69 = tpu.memref_slice %arg7[%dma_wait3A_67, %dma_wait3A_68] : memref<10000x128xf32, #tpu.memory_space<hbm>> -> memref<10000x128xf32, #tpu.memory_space<hbm>>
          tpu.wait_indirect_dma semaphore(%arg15 : memref<!tpu.dma_semaphore, #tpu.memory_space<semaphore_mem>>) src(%dma_wait3A_69 : memref<10000x128xf32, #tpu.memory_space<hbm>>) dst(%arg12 : memref<128x128xf32, #tpu.memory_space<vmem>>)
          "tpu.region"() ({
            %run_scoped3A = tpu.sem_alloc : memref<!tpu.dma_semaphore, #tpu.memory_space<semaphore_mem>>
            %dma_start3A_84 = arith.constant 0 : i32
            %dma_start3A_85 = tpu.memref_slice %arg11[%mul3A_56, %dma_start3A_84] : memref<32x128xi32, #tpu.memory_space<vmem>> -> memref<1x128xi32, #tpu.memory_space<vmem>>
            %dma_start3A_86 = tpu.memref_squeeze %dma_start3A_85 : memref<1x128xi32, #tpu.memory_space<vmem>> -> memref<128xi32, #tpu.memory_space<vmem>>
            %dma_start3A_87 = arith.constant 0 : i32
            %dma_start3A_88 = arith.constant 0 : i32
            %dma_start3A_89 = tpu.memref_slice %arg14[%dma_start3A_87, %dma_start3A_88] : memref<10008x128xf32, #tpu.memory_space<vmem_shared>> -> memref<10008x128xf32, #tpu.memory_space<vmem_shared>>
            tpu.enqueue_indirect_dma source(%arg12 : memref<128x128xf32, #tpu.memory_space<vmem>>) target(%dma_start3A_89 : memref<10008x128xf32, #tpu.memory_space<vmem_shared>>) offsets(%dma_start3A_86 : memref<128xi32, #tpu.memory_space<vmem>>) semaphore(%run_scoped3A : memref<!tpu.dma_semaphore, #tpu.memory_space<semaphore_mem>>) {add = true}
            %dma_wait3A_90 = arith.constant 0 : i32
            %dma_wait3A_91 = tpu.memref_slice %arg11[%mul3A_56, %dma_wait3A_90] : memref<32x128xi32, #tpu.memory_space<vmem>> -> memref<1x128xi32, #tpu.memory_space<vmem>>
            %dma_wait3A_92 = tpu.memref_squeeze %dma_wait3A_91 : memref<1x128xi32, #tpu.memory_space<vmem>> -> memref<128xi32, #tpu.memory_space<vmem>>
            %dma_wait3A_93 = arith.constant 0 : i32
            %dma_wait3A_94 = arith.constant 0 : i32
            %dma_wait3A_95 = tpu.memref_slice %arg14[%dma_wait3A_93, %dma_wait3A_94] : memref<10008x128xf32, #tpu.memory_space<vmem_shared>> -> memref<10008x128xf32, #tpu.memory_space<vmem_shared>>
            tpu.wait_indirect_dma semaphore(%run_scoped3A : memref<!tpu.dma_semaphore, #tpu.memory_space<semaphore_mem>>) src(%arg12 : memref<128x128xf32, #tpu.memory_space<vmem>>) dst(%dma_wait3A_95 : memref<10008x128xf32, #tpu.memory_space<vmem_shared>>)
            tpu.yield
          }) : () -> ()
          %lt3A = arith.constant 15 : i32
          %lt3A_70 = arith.cmpi slt, %scan3A_54, %lt3A : i32
          %convert_element_type3A_71 = arith.extui %lt3A_70 : i1 to i32
          %cond3A_72 = arith.constant 0 : i32
          %cond3A_73 = arith.cmpi ne, %convert_element_type3A_71, %cond3A_72 : i32
          scf.if %cond3A_73 {
            %add3A_84 = arith.constant 2 : i32
            %add3A_85 = arith.addi %mul3A_56, %add3A_84 : i32
            %dma_start3A_86 = arith.constant 0 : i32
            %dma_start3A_87 = tpu.memref_slice %arg10[%add3A_85, %dma_start3A_86] : memref<32x128xi32, #tpu.memory_space<vmem>> -> memref<1x128xi32, #tpu.memory_space<vmem>>
            %dma_start3A_88 = tpu.memref_squeeze %dma_start3A_87 : memref<1x128xi32, #tpu.memory_space<vmem>> -> memref<128xi32, #tpu.memory_space<vmem>>
            %dma_start3A_89 = arith.constant 0 : i32
            %dma_start3A_90 = arith.constant 0 : i32
            %dma_start3A_91 = tpu.memref_slice %arg7[%dma_start3A_89, %dma_start3A_90] : memref<10000x128xf32, #tpu.memory_space<hbm>> -> memref<10000x128xf32, #tpu.memory_space<hbm>>
            tpu.enqueue_indirect_dma source(%dma_start3A_91 : memref<10000x128xf32, #tpu.memory_space<hbm>>) target(%arg12 : memref<128x128xf32, #tpu.memory_space<vmem>>) offsets(%dma_start3A_88 : memref<128xi32, #tpu.memory_space<vmem>>) semaphore(%arg15 : memref<!tpu.dma_semaphore, #tpu.memory_space<semaphore_mem>>)
          } else {
          }
          %add3A_74 = arith.constant 1 : i32
          %add3A_75 = arith.addi %mul3A_56, %add3A_74 : i32
          %dma_wait3A_76 = arith.constant 0 : i32
          %dma_wait3A_77 = tpu.memref_slice %arg10[%add3A_75, %dma_wait3A_76] : memref<32x128xi32, #tpu.memory_space<vmem>> -> memref<1x128xi32, #tpu.memory_space<vmem>>
          %dma_wait3A_78 = tpu.memref_squeeze %dma_wait3A_77 : memref<1x128xi32, #tpu.memory_space<vmem>> -> memref<128xi32, #tpu.memory_space<vmem>>
          %dma_wait3A_79 = arith.constant 0 : i32
          %dma_wait3A_80 = arith.constant 0 : i32
          %dma_wait3A_81 = tpu.memref_slice %arg7[%dma_wait3A_79, %dma_wait3A_80] : memref<10000x128xf32, #tpu.memory_space<hbm>> -> memref<10000x128xf32, #tpu.memory_space<hbm>>
          tpu.wait_indirect_dma semaphore(%arg16 : memref<!tpu.dma_semaphore, #tpu.memory_space<semaphore_mem>>) src(%dma_wait3A_81 : memref<10000x128xf32, #tpu.memory_space<hbm>>) dst(%arg13 : memref<128x128xf32, #tpu.memory_space<vmem>>)
          %add3A_82 = arith.constant 1 : i32
          %add3A_83 = arith.addi %mul3A_56, %add3A_82 : i32
          "tpu.region"() ({
            %run_scoped3A = tpu.sem_alloc : memref<!tpu.dma_semaphore, #tpu.memory_space<semaphore_mem>>
            %dma_start3A_84 = arith.constant 0 : i32
            %dma_start3A_85 = tpu.memref_slice %arg11[%add3A_83, %dma_start3A_84] : memref<32x128xi32, #tpu.memory_space<vmem>> -> memref<1x128xi32, #tpu.memory_space<vmem>>
            %dma_start3A_86 = tpu.memref_squeeze %dma_start3A_85 : memref<1x128xi32, #tpu.memory_space<vmem>> -> memref<128xi32, #tpu.memory_space<vmem>>
            %dma_start3A_87 = arith.constant 0 : i32
            %dma_start3A_88 = arith.constant 0 : i32
            %dma_start3A_89 = tpu.memref_slice %arg14[%dma_start3A_87, %dma_start3A_88] : memref<10008x128xf32, #tpu.memory_space<vmem_shared>> -> memref<10008x128xf32, #tpu.memory_space<vmem_shared>>
            tpu.enqueue_indirect_dma source(%arg13 : memref<128x128xf32, #tpu.memory_space<vmem>>) target(%dma_start3A_89 : memref<10008x128xf32, #tpu.memory_space<vmem_shared>>) offsets(%dma_start3A_86 : memref<128xi32, #tpu.memory_space<vmem>>) semaphore(%run_scoped3A : memref<!tpu.dma_semaphore, #tpu.memory_space<semaphore_mem>>) {add = true}
            %dma_wait3A_90 = arith.constant 0 : i32
            %dma_wait3A_91 = tpu.memref_slice %arg11[%add3A_83, %dma_wait3A_90] : memref<32x128xi32, #tpu.memory_space<vmem>> -> memref<1x128xi32, #tpu.memory_space<vmem>>
            %dma_wait3A_92 = tpu.memref_squeeze %dma_wait3A_91 : memref<1x128xi32, #tpu.memory_space<vmem>> -> memref<128xi32, #tpu.memory_space<vmem>>
            %dma_wait3A_93 = arith.constant 0 : i32
            %dma_wait3A_94 = arith.constant 0 : i32
            %dma_wait3A_95 = tpu.memref_slice %arg14[%dma_wait3A_93, %dma_wait3A_94] : memref<10008x128xf32, #tpu.memory_space<vmem_shared>> -> memref<10008x128xf32, #tpu.memory_space<vmem_shared>>
            tpu.wait_indirect_dma semaphore(%run_scoped3A : memref<!tpu.dma_semaphore, #tpu.memory_space<semaphore_mem>>) src(%arg13 : memref<128x128xf32, #tpu.memory_space<vmem>>) dst(%dma_wait3A_95 : memref<10008x128xf32, #tpu.memory_space<vmem_shared>>)
            tpu.yield
          }) : () -> ()
        }
        %scan3A_53 = arith.constant 16 : i32
      }
      %scan3A_38 = arith.constant 5 : i32
    } else {
    }
    %barrier3A_20 = arith.constant 0 : index
    tpu.barrier barrier_id(%barrier3A_20)
    %eq3A_21 = arith.constant 0 : i32
    %eq3A_22 = arith.cmpi eq, %arg0, %eq3A_21 : i32
    %convert_element_type3A_23 = arith.extui %eq3A_22 : i1 to i32
    %cond3A_24 = arith.constant 0 : i32
    %cond3A_25 = arith.cmpi ne, %convert_element_type3A_23, %cond3A_24 : i32
    scf.if %cond3A_25 {
      %lt3A = arith.constant 15 : i32
      %lt3A_31 = arith.cmpi slt, %arg1, %lt3A : i32
      %convert_element_type3A_32 = arith.extui %lt3A_31 : i1 to i32
      %cond3A_33 = arith.constant 0 : i32
      %cond3A_34 = arith.cmpi ne, %convert_element_type3A_32, %cond3A_33 : i32
      scf.if %cond3A_34 {
        %mul3A_40 = arith.constant 624 : i32
        %mul3A_41 = arith.muli %arg1, %mul3A_40 : i32
        "tpu.region"() ({
          %run_scoped3A = tpu.sem_alloc : memref<!tpu.dma_semaphore, #tpu.memory_space<semaphore_mem>>
          %dma_start3A = arith.constant 0 : i32
          %dma_start3A_42 = tpu.memref_slice %arg8[%mul3A_41, %dma_start3A] : memref<10000x128xf32, #tpu.memory_space<hbm>> -> memref<624x128xf32, #tpu.memory_space<hbm>>
          %dma_start3A_43 = arith.constant 0 : i32
          %dma_start3A_44 = tpu.memref_slice %arg14[%mul3A_41, %dma_start3A_43] : memref<10008x128xf32, #tpu.memory_space<vmem_shared>> -> memref<624x128xf32, #tpu.memory_space<vmem_shared>>
          tpu.enqueue_dma source(%dma_start3A_44 : memref<624x128xf32, #tpu.memory_space<vmem_shared>>) target(%dma_start3A_42 : memref<624x128xf32, #tpu.memory_space<hbm>>) target_semaphore(%run_scoped3A : memref<!tpu.dma_semaphore, #tpu.memory_space<semaphore_mem>>)
          %dma_wait3A = arith.constant 0 : i32
          %dma_wait3A_45 = tpu.memref_slice %arg8[%mul3A_41, %dma_wait3A] : memref<10000x128xf32, #tpu.memory_space<hbm>> -> memref<624x128xf32, #tpu.memory_space<hbm>>
          %dma_wait3A_46 = arith.constant 0 : i32
          %dma_wait3A_47 = tpu.memref_slice %arg14[%mul3A_41, %dma_wait3A_46] : memref<10008x128xf32, #tpu.memory_space<vmem_shared>> -> memref<624x128xf32, #tpu.memory_space<vmem_shared>>
          tpu.wait_dma2 semaphore(%run_scoped3A : memref<!tpu.dma_semaphore, #tpu.memory_space<semaphore_mem>>) src(%dma_wait3A_47 : memref<624x128xf32, #tpu.memory_space<vmem_shared>>) dst(%dma_wait3A_45 : memref<624x128xf32, #tpu.memory_space<hbm>>)
          tpu.yield
        }) : () -> ()
      } else {
      }
      %eq3A_35 = arith.constant 15 : i32
      %eq3A_36 = arith.cmpi eq, %arg1, %eq3A_35 : i32
      %convert_element_type3A_37 = arith.extui %eq3A_36 : i1 to i32
      %cond3A_38 = arith.constant 0 : i32
      %cond3A_39 = arith.cmpi ne, %convert_element_type3A_37, %cond3A_38 : i32
      scf.if %cond3A_39 {
        "tpu.region"() ({
          %run_scoped3A = tpu.sem_alloc : memref<!tpu.dma_semaphore, #tpu.memory_space<semaphore_mem>>
          %dma_start3A = arith.constant 9360 : i32
          %dma_start3A_40 = arith.constant 0 : i32
          %dma_start3A_41 = tpu.memref_slice %arg8[%dma_start3A, %dma_start3A_40] : memref<10000x128xf32, #tpu.memory_space<hbm>> -> memref<640x128xf32, #tpu.memory_space<hbm>>
          %dma_start3A_42 = arith.constant 9360 : i32
          %dma_start3A_43 = arith.constant 0 : i32
          %dma_start3A_44 = tpu.memref_slice %arg14[%dma_start3A_42, %dma_start3A_43] : memref<10008x128xf32, #tpu.memory_space<vmem_shared>> -> memref<640x128xf32, #tpu.memory_space<vmem_shared>>
          tpu.enqueue_dma source(%dma_start3A_44 : memref<640x128xf32, #tpu.memory_space<vmem_shared>>) target(%dma_start3A_41 : memref<640x128xf32, #tpu.memory_space<hbm>>) target_semaphore(%run_scoped3A : memref<!tpu.dma_semaphore, #tpu.memory_space<semaphore_mem>>)
          %dma_wait3A = arith.constant 9360 : i32
          %dma_wait3A_45 = arith.constant 0 : i32
          %dma_wait3A_46 = tpu.memref_slice %arg8[%dma_wait3A, %dma_wait3A_45] : memref<10000x128xf32, #tpu.memory_space<hbm>> -> memref<640x128xf32, #tpu.memory_space<hbm>>
          %dma_wait3A_47 = arith.constant 9360 : i32
          %dma_wait3A_48 = arith.constant 0 : i32
          %dma_wait3A_49 = tpu.memref_slice %arg14[%dma_wait3A_47, %dma_wait3A_48] : memref<10008x128xf32, #tpu.memory_space<vmem_shared>> -> memref<640x128xf32, #tpu.memory_space<vmem_shared>>
          tpu.wait_dma2 semaphore(%run_scoped3A : memref<!tpu.dma_semaphore, #tpu.memory_space<semaphore_mem>>) src(%dma_wait3A_49 : memref<640x128xf32, #tpu.memory_space<vmem_shared>>) dst(%dma_wait3A_46 : memref<640x128xf32, #tpu.memory_space<hbm>>)
          tpu.yield
        }) : () -> ()
      } else {
      }
    } else {
    }
    %eq3A_26 = arith.constant 1 : i32
    %eq3A_27 = arith.cmpi eq, %arg0, %eq3A_26 : i32
    %convert_element_type3A_28 = arith.extui %eq3A_27 : i1 to i32
    %cond3A_29 = arith.constant 0 : i32
    %cond3A_30 = arith.cmpi ne, %convert_element_type3A_28, %cond3A_29 : i32
    scf.if %cond3A_30 {
      %lt3A = arith.constant 15 : i32
      %lt3A_31 = arith.cmpi slt, %arg1, %lt3A : i32
      %convert_element_type3A_32 = arith.extui %lt3A_31 : i1 to i32
      %cond3A_33 = arith.constant 0 : i32
      %cond3A_34 = arith.cmpi ne, %convert_element_type3A_32, %cond3A_33 : i32
      scf.if %cond3A_34 {
        %mul3A_40 = arith.constant 624 : i32
        %mul3A_41 = arith.muli %arg1, %mul3A_40 : i32
        "tpu.region"() ({
          %run_scoped3A = tpu.sem_alloc : memref<!tpu.dma_semaphore, #tpu.memory_space<semaphore_mem>>
          %dma_start3A = arith.constant 0 : i32
          %dma_start3A_42 = tpu.memref_slice %arg9[%mul3A_41, %dma_start3A] : memref<10000x128xf32, #tpu.memory_space<hbm>> -> memref<624x128xf32, #tpu.memory_space<hbm>>
          %dma_start3A_43 = arith.constant 0 : i32
          %dma_start3A_44 = tpu.memref_slice %arg14[%mul3A_41, %dma_start3A_43] : memref<10008x128xf32, #tpu.memory_space<vmem_shared>> -> memref<624x128xf32, #tpu.memory_space<vmem_shared>>
          tpu.enqueue_dma source(%dma_start3A_44 : memref<624x128xf32, #tpu.memory_space<vmem_shared>>) target(%dma_start3A_42 : memref<624x128xf32, #tpu.memory_space<hbm>>) target_semaphore(%run_scoped3A : memref<!tpu.dma_semaphore, #tpu.memory_space<semaphore_mem>>)
          %dma_wait3A = arith.constant 0 : i32
          %dma_wait3A_45 = tpu.memref_slice %arg9[%mul3A_41, %dma_wait3A] : memref<10000x128xf32, #tpu.memory_space<hbm>> -> memref<624x128xf32, #tpu.memory_space<hbm>>
          %dma_wait3A_46 = arith.constant 0 : i32
          %dma_wait3A_47 = tpu.memref_slice %arg14[%mul3A_41, %dma_wait3A_46] : memref<10008x128xf32, #tpu.memory_space<vmem_shared>> -> memref<624x128xf32, #tpu.memory_space<vmem_shared>>
          tpu.wait_dma2 semaphore(%run_scoped3A : memref<!tpu.dma_semaphore, #tpu.memory_space<semaphore_mem>>) src(%dma_wait3A_47 : memref<624x128xf32, #tpu.memory_space<vmem_shared>>) dst(%dma_wait3A_45 : memref<624x128xf32, #tpu.memory_space<hbm>>)
          tpu.yield
        }) : () -> ()
      } else {
      }
      %eq3A_35 = arith.constant 15 : i32
      %eq3A_36 = arith.cmpi eq, %arg1, %eq3A_35 : i32
      %convert_element_type3A_37 = arith.extui %eq3A_36 : i1 to i32
      %cond3A_38 = arith.constant 0 : i32
      %cond3A_39 = arith.cmpi ne, %convert_element_type3A_37, %cond3A_38 : i32
      scf.if %cond3A_39 {
        "tpu.region"() ({
          %run_scoped3A = tpu.sem_alloc : memref<!tpu.dma_semaphore, #tpu.memory_space<semaphore_mem>>
          %dma_start3A = arith.constant 9360 : i32
          %dma_start3A_40 = arith.constant 0 : i32
          %dma_start3A_41 = tpu.memref_slice %arg9[%dma_start3A, %dma_start3A_40] : memref<10000x128xf32, #tpu.memory_space<hbm>> -> memref<640x128xf32, #tpu.memory_space<hbm>>
          %dma_start3A_42 = arith.constant 9360 : i32
          %dma_start3A_43 = arith.constant 0 : i32
          %dma_start3A_44 = tpu.memref_slice %arg14[%dma_start3A_42, %dma_start3A_43] : memref<10008x128xf32, #tpu.memory_space<vmem_shared>> -> memref<640x128xf32, #tpu.memory_space<vmem_shared>>
          tpu.enqueue_dma source(%dma_start3A_44 : memref<640x128xf32, #tpu.memory_space<vmem_shared>>) target(%dma_start3A_41 : memref<640x128xf32, #tpu.memory_space<hbm>>) target_semaphore(%run_scoped3A : memref<!tpu.dma_semaphore, #tpu.memory_space<semaphore_mem>>)
          %dma_wait3A = arith.constant 9360 : i32
          %dma_wait3A_45 = arith.constant 0 : i32
          %dma_wait3A_46 = tpu.memref_slice %arg9[%dma_wait3A, %dma_wait3A_45] : memref<10000x128xf32, #tpu.memory_space<hbm>> -> memref<640x128xf32, #tpu.memory_space<hbm>>
          %dma_wait3A_47 = arith.constant 9360 : i32
          %dma_wait3A_48 = arith.constant 0 : i32
          %dma_wait3A_49 = tpu.memref_slice %arg14[%dma_wait3A_47, %dma_wait3A_48] : memref<10008x128xf32, #tpu.memory_space<vmem_shared>> -> memref<640x128xf32, #tpu.memory_space<vmem_shared>>
          tpu.wait_dma2 semaphore(%run_scoped3A : memref<!tpu.dma_semaphore, #tpu.memory_space<semaphore_mem>>) src(%dma_wait3A_49 : memref<640x128xf32, #tpu.memory_space<vmem_shared>>) dst(%dma_wait3A_46 : memref<640x128xf32, #tpu.memory_space<hbm>>)
          tpu.yield
        }) : () -> ()
      } else {
      }
    } else {
    }
    return
  }
}

module attributes {stable_mosaic.version = 14 : i64} {
  func.func @body(%arg0: i32, %arg1: memref<1000x128xf32, #tpu.memory_space<vmem>>, %arg2: memref<1000x128xf32, #tpu.memory_space<vmem>>, %arg3: memref<1000x128xf32, #tpu.memory_space<vmem>>, %arg4: memref<128x128xf32, #tpu.memory_space<vmem>>, %arg5: memref<128x128xf32, #tpu.memory_space<vmem>>, %arg6: memref<1x128xf32, #tpu.memory_space<vmem>>, %arg7: memref<1000x128xf32, #tpu.memory_space<vmem>>, %arg8: memref<1000x128xf32, #tpu.memory_space<vmem>>, %arg9: memref<1000x128xf32, #tpu.memory_space<vmem>>, %arg10: memref<128x128xf32, #tpu.memory_space<vmem>>, %arg11: memref<128x128xf32, #tpu.memory_space<vmem>>, %arg12: memref<1x128xf32, #tpu.memory_space<vmem>>, %arg13: memref<1000x128xf32, #tpu.memory_space<vmem>>, %arg14: memref<1000x128xf32, #tpu.memory_space<vmem>>) attributes {dimension_semantics = [#tpu.dimension_semantics<arbitrary>], iteration_bounds = array<i64: 10>, scalar_prefetch = 0 : i64, scratch_operands = 0 : i64, tpu.core_type = #tpu.core_type<tc>, window_params = [{transform_indices = @transform_0, window_bounds = array<i64: 1000, 128>}, {transform_indices = @transform_1, window_bounds = array<i64: 1000, 128>}, {transform_indices = @transform_2, window_bounds = array<i64: 1000, 128>}, {pipeline_mode = #tpu.pipeline_mode<synchronous>, transform_indices = @transform_3, window_bounds = array<i64: 128, 128>}, {pipeline_mode = #tpu.pipeline_mode<synchronous>, transform_indices = @transform_4, window_bounds = array<i64: 128, 128>}, {pipeline_mode = #tpu.pipeline_mode<synchronous>, transform_indices = @transform_5, window_bounds = array<i64: 1, 128>}, {transform_indices = @transform_6, window_bounds = array<i64: 1000, 128>}, {transform_indices = @transform_7, window_bounds = array<i64: 1000, 128>}, {transform_indices = @transform_8, window_bounds = array<i64: 1000, 128>}, {pipeline_mode = #tpu.pipeline_mode<synchronous>, transform_indices = @transform_9, window_bounds = array<i64: 128, 128>}, {pipeline_mode = #tpu.pipeline_mode<synchronous>, transform_indices = @transform_10, window_bounds = array<i64: 128, 128>}, {pipeline_mode = #tpu.pipeline_mode<synchronous>, transform_indices = @transform_11, window_bounds = array<i64: 1, 128>}, {transform_indices = @transform_12, window_bounds = array<i64: 1000, 128>}, {transform_indices = @transform_13, window_bounds = array<i64: 1000, 128>}]} {
    %get3A = arith.constant 0 : index
    %get3A_0 = arith.constant 0 : index
    %get3A_1 = vector.load %arg1[%get3A, %get3A_0] : memref<1000x128xf32, #tpu.memory_space<vmem>>, vector<1000x128xf32>
    %get3A_2 = arith.constant 0 : index
    %get3A_3 = arith.constant 0 : index
    %get3A_4 = vector.load %arg2[%get3A_2, %get3A_3] : memref<1000x128xf32, #tpu.memory_space<vmem>>, vector<1000x128xf32>
    %get3A_5 = arith.constant 0 : index
    %get3A_6 = arith.constant 0 : index
    %get3A_7 = vector.load %arg3[%get3A_5, %get3A_6] : memref<1000x128xf32, #tpu.memory_space<vmem>>, vector<1000x128xf32>
    %get3A_8 = arith.constant 0 : index
    %get3A_9 = arith.constant 0 : index
    %get3A_10 = vector.load %arg4[%get3A_8, %get3A_9] : memref<128x128xf32, #tpu.memory_space<vmem>>, vector<128x128xf32>
    %get3A_11 = arith.constant 0 : index
    %get3A_12 = arith.constant 0 : index
    %get3A_13 = vector.load %arg5[%get3A_11, %get3A_12] : memref<128x128xf32, #tpu.memory_space<vmem>>, vector<128x128xf32>
    %get3A_14 = arith.constant 0 : index
    %get3A_15 = arith.constant 0 : index
    %get3A_16 = vector.load %arg6[%get3A_14, %get3A_15] : memref<1x128xf32, #tpu.memory_space<vmem>>, vector<1x128xf32>
    %slice3A = vector.extract_strided_slice %get3A_4 {offsets = [0, 0], sizes = [1000, 1], strides = [1, 1]} : vector<1000x128xf32> to vector<1000x1xf32>
    %max3A = arith.constant 1.000000e+00 : f32
    %max3A_17 = vector.broadcast %max3A : f32 to vector<1000x1xf32>
    %max3A_18 = arith.maximumf %slice3A, %max3A_17 : vector<1000x1xf32>
    %div3A = vector.broadcast %max3A_18 : vector<1000x1xf32> to vector<1000x128xf32>
    %div3A_19 = arith.divf %get3A_1, %div3A : vector<1000x128xf32>
    %dot_general3A = arith.constant dense<0.000000e+00> : vector<1000x128xf32>
    %dot_general3A_20 = tpu.matmul %div3A_19, %get3A_10, %dot_general3A {dimension_numbers = #tpu.dot_dimension_numbers<[1], [0], [0], [1], [0, 0, 1, 1], [], []>, transpose_lhs_hint = false} : vector<1000x128xf32>, vector<128x128xf32>, vector<1000x128xf32> -> vector<1000x128xf32>
    %add3A = vector.broadcast %get3A_16 : vector<1x128xf32> to vector<1000x128xf32>
    %add3A_21 = arith.addf %dot_general3A_20, %add3A : vector<1000x128xf32>
    %dot_general3A_22 = arith.constant dense<0.000000e+00> : vector<1000x128xf32>
    %dot_general3A_23 = tpu.matmul %get3A_7, %get3A_13, %dot_general3A_22 {dimension_numbers = #tpu.dot_dimension_numbers<[1], [0], [0], [1], [0, 0, 1, 1], [], []>, transpose_lhs_hint = false} : vector<1000x128xf32>, vector<128x128xf32>, vector<1000x128xf32> -> vector<1000x128xf32>
    %add3A_24 = arith.addf %add3A_21, %dot_general3A_23 : vector<1000x128xf32>
    %max3A_25 = arith.constant 0.000000e+00 : f32
    %max3A_26 = vector.broadcast %max3A_25 : f32 to vector<1000x128xf32>
    %max3A_27 = arith.maximumf %add3A_24, %max3A_26 : vector<1000x128xf32>
    %swap3A = arith.constant 0 : index
    %swap3A_28 = arith.constant 0 : index
    %swap3A_29 = vector.load %arg13[%swap3A, %swap3A_28] : memref<1000x128xf32, #tpu.memory_space<vmem>>, vector<1000x128xf32>
    tpu.vector_store %arg13[%swap3A, %swap3A_28], %max3A_27 {strides = array<i32>} : memref<1000x128xf32, #tpu.memory_space<vmem>>, vector<1000x128xf32>,
    %get3A_30 = arith.constant 0 : index
    %get3A_31 = arith.constant 0 : index
    %get3A_32 = vector.load %arg7[%get3A_30, %get3A_31] : memref<1000x128xf32, #tpu.memory_space<vmem>>, vector<1000x128xf32>
    %get3A_33 = arith.constant 0 : index
    %get3A_34 = arith.constant 0 : index
    %get3A_35 = vector.load %arg8[%get3A_33, %get3A_34] : memref<1000x128xf32, #tpu.memory_space<vmem>>, vector<1000x128xf32>
    %get3A_36 = arith.constant 0 : index
    %get3A_37 = arith.constant 0 : index
    %get3A_38 = vector.load %arg9[%get3A_36, %get3A_37] : memref<1000x128xf32, #tpu.memory_space<vmem>>, vector<1000x128xf32>
    %get3A_39 = arith.constant 0 : index
    %get3A_40 = arith.constant 0 : index
    %get3A_41 = vector.load %arg10[%get3A_39, %get3A_40] : memref<128x128xf32, #tpu.memory_space<vmem>>, vector<128x128xf32>
    %get3A_42 = arith.constant 0 : index
    %get3A_43 = arith.constant 0 : index
    %get3A_44 = vector.load %arg11[%get3A_42, %get3A_43] : memref<128x128xf32, #tpu.memory_space<vmem>>, vector<128x128xf32>
    %get3A_45 = arith.constant 0 : index
    %get3A_46 = arith.constant 0 : index
    %get3A_47 = vector.load %arg12[%get3A_45, %get3A_46] : memref<1x128xf32, #tpu.memory_space<vmem>>, vector<1x128xf32>
    %slice3A_48 = vector.extract_strided_slice %get3A_35 {offsets = [0, 0], sizes = [1000, 1], strides = [1, 1]} : vector<1000x128xf32> to vector<1000x1xf32>
    %max3A_49 = arith.constant 1.000000e+00 : f32
    %max3A_50 = vector.broadcast %max3A_49 : f32 to vector<1000x1xf32>
    %max3A_51 = arith.maximumf %slice3A_48, %max3A_50 : vector<1000x1xf32>
    %div3A_52 = vector.broadcast %max3A_51 : vector<1000x1xf32> to vector<1000x128xf32>
    %div3A_53 = arith.divf %get3A_32, %div3A_52 : vector<1000x128xf32>
    %dot_general3A_54 = arith.constant dense<0.000000e+00> : vector<1000x128xf32>
    %dot_general3A_55 = tpu.matmul %div3A_53, %get3A_41, %dot_general3A_54 {dimension_numbers = #tpu.dot_dimension_numbers<[1], [0], [0], [1], [0, 0, 1, 1], [], []>, transpose_lhs_hint = false} : vector<1000x128xf32>, vector<128x128xf32>, vector<1000x128xf32> -> vector<1000x128xf32>
    %add3A_56 = vector.broadcast %get3A_47 : vector<1x128xf32> to vector<1000x128xf32>
    %add3A_57 = arith.addf %dot_general3A_55, %add3A_56 : vector<1000x128xf32>
    %dot_general3A_58 = arith.constant dense<0.000000e+00> : vector<1000x128xf32>
    %dot_general3A_59 = tpu.matmul %get3A_38, %get3A_44, %dot_general3A_58 {dimension_numbers = #tpu.dot_dimension_numbers<[1], [0], [0], [1], [0, 0, 1, 1], [], []>, transpose_lhs_hint = false} : vector<1000x128xf32>, vector<128x128xf32>, vector<1000x128xf32> -> vector<1000x128xf32>
    %add3A_60 = arith.addf %add3A_57, %dot_general3A_59 : vector<1000x128xf32>
    %max3A_61 = arith.constant 0.000000e+00 : f32
    %max3A_62 = vector.broadcast %max3A_61 : f32 to vector<1000x128xf32>
    %max3A_63 = arith.maximumf %add3A_60, %max3A_62 : vector<1000x128xf32>
    %swap3A_64 = arith.constant 0 : index
    %swap3A_65 = arith.constant 0 : index
    %swap3A_66 = vector.load %arg14[%swap3A_64, %swap3A_65] : memref<1000x128xf32, #tpu.memory_space<vmem>>, vector<1000x128xf32>
    tpu.vector_store %arg14[%swap3A_64, %swap3A_65], %max3A_63 {strides = array<i32>} : memref<1000x128xf32, #tpu.memory_space<vmem>>, vector<1000x128xf32>,
    return
  }
  func.func @transform_0(%arg0: i32) -> (i32, i32) {
    %c0_i32 = arith.constant 0 : i32
    %c0_i32_0 = arith.constant 0 : i32
    return %arg0, %c0_i32 : i32, i32
  }
  func.func @transform_1(%arg0: i32) -> (i32, i32) {
    %c0_i32 = arith.constant 0 : i32
    %c0_i32_0 = arith.constant 0 : i32
    return %arg0, %c0_i32 : i32, i32
  }
  func.func @transform_2(%arg0: i32) -> (i32, i32) {
    %c0_i32 = arith.constant 0 : i32
    %c0_i32_0 = arith.constant 0 : i32
    return %arg0, %c0_i32 : i32, i32
  }
  func.func @transform_3(%arg0: i32) -> (i32, i32) {
    %c0_i32 = arith.constant 0 : i32
    %c0_i32_0 = arith.constant 0 : i32
    %c0_i32_1 = arith.constant 0 : i32
    return %c0_i32, %c0_i32_0 : i32, i32
  }
  func.func @transform_4(%arg0: i32) -> (i32, i32) {
    %c0_i32 = arith.constant 0 : i32
    %c0_i32_0 = arith.constant 0 : i32
    %c0_i32_1 = arith.constant 0 : i32
    return %c0_i32, %c0_i32_0 : i32, i32
  }
  func.func @transform_5(%arg0: i32) -> (i32, i32) {
    %c0_i32 = arith.constant 0 : i32
    %c0_i32_0 = arith.constant 0 : i32
    %c0_i32_1 = arith.constant 0 : i32
    return %c0_i32, %c0_i32_0 : i32, i32
  }
  func.func @transform_6(%arg0: i32) -> (i32, i32) {
    %c0_i32 = arith.constant 0 : i32
    %c0_i32_0 = arith.constant 0 : i32
    return %arg0, %c0_i32 : i32, i32
  }
  func.func @transform_7(%arg0: i32) -> (i32, i32) {
    %c0_i32 = arith.constant 0 : i32
    %c0_i32_0 = arith.constant 0 : i32
    return %arg0, %c0_i32 : i32, i32
  }
  func.func @transform_8(%arg0: i32) -> (i32, i32) {
    %c0_i32 = arith.constant 0 : i32
    %c0_i32_0 = arith.constant 0 : i32
    return %arg0, %c0_i32 : i32, i32
  }
  func.func @transform_9(%arg0: i32) -> (i32, i32) {
    %c0_i32 = arith.constant 0 : i32
    %c0_i32_0 = arith.constant 0 : i32
    %c0_i32_1 = arith.constant 0 : i32
    return %c0_i32, %c0_i32_0 : i32, i32
  }
  func.func @transform_10(%arg0: i32) -> (i32, i32) {
    %c0_i32 = arith.constant 0 : i32
    %c0_i32_0 = arith.constant 0 : i32
    %c0_i32_1 = arith.constant 0 : i32
    return %c0_i32, %c0_i32_0 : i32, i32
  }
  func.func @transform_11(%arg0: i32) -> (i32, i32) {
    %c0_i32 = arith.constant 0 : i32
    %c0_i32_0 = arith.constant 0 : i32
    %c0_i32_1 = arith.constant 0 : i32
    return %c0_i32, %c0_i32_0 : i32, i32
  }
  func.func @transform_12(%arg0: i32) -> (i32, i32) {
    %c0_i32 = arith.constant 0 : i32
    %c0_i32_0 = arith.constant 0 : i32
    return %arg0, %c0_i32 : i32, i32
  }
  func.func @transform_13(%arg0: i32) -> (i32, i32) {
    %c0_i32 = arith.constant 0 : i32
    %c0_i32_0 = arith.constant 0 : i32
    return %arg0, %c0_i32 : i32, i32
  }
}

module attributes {stable_mosaic.version = 14 : i64} {
  func.func @body(%arg0: i32, %arg1: memref<1000x128xf32, #tpu.memory_space<vmem>>, %arg2: memref<1000x128xf32, #tpu.memory_space<vmem>>, %arg3: memref<1000x128xf32, #tpu.memory_space<vmem>>, %arg4: memref<128x128xf32, #tpu.memory_space<vmem>>, %arg5: memref<128x128xf32, #tpu.memory_space<vmem>>, %arg6: memref<1x128xf32, #tpu.memory_space<vmem>>, %arg7: memref<1000x128xf32, #tpu.memory_space<vmem>>, %arg8: memref<1000x128xf32, #tpu.memory_space<vmem>>, %arg9: memref<1000x128xf32, #tpu.memory_space<vmem>>, %arg10: memref<128x128xf32, #tpu.memory_space<vmem>>, %arg11: memref<128x128xf32, #tpu.memory_space<vmem>>, %arg12: memref<1x128xf32, #tpu.memory_space<vmem>>, %arg13: memref<1000x128xf32, #tpu.memory_space<vmem>>, %arg14: memref<1000x128xf32, #tpu.memory_space<vmem>>) attributes {dimension_semantics = [#tpu.dimension_semantics<arbitrary>], iteration_bounds = array<i64: 10>, scalar_prefetch = 0 : i64, scratch_operands = 0 : i64, tpu.core_type = #tpu.core_type<tc>, window_params = [{transform_indices = @transform_0, window_bounds = array<i64: 1000, 128>}, {transform_indices = @transform_1, window_bounds = array<i64: 1000, 128>}, {transform_indices = @transform_2, window_bounds = array<i64: 1000, 128>}, {pipeline_mode = #tpu.pipeline_mode<synchronous>, transform_indices = @transform_3, window_bounds = array<i64: 128, 128>}, {pipeline_mode = #tpu.pipeline_mode<synchronous>, transform_indices = @transform_4, window_bounds = array<i64: 128, 128>}, {pipeline_mode = #tpu.pipeline_mode<synchronous>, transform_indices = @transform_5, window_bounds = array<i64: 1, 128>}, {transform_indices = @transform_6, window_bounds = array<i64: 1000, 128>}, {transform_indices = @transform_7, window_bounds = array<i64: 1000, 128>}, {transform_indices = @transform_8, window_bounds = array<i64: 1000, 128>}, {pipeline_mode = #tpu.pipeline_mode<synchronous>, transform_indices = @transform_9, window_bounds = array<i64: 128, 128>}, {pipeline_mode = #tpu.pipeline_mode<synchronous>, transform_indices = @transform_10, window_bounds = array<i64: 128, 128>}, {pipeline_mode = #tpu.pipeline_mode<synchronous>, transform_indices = @transform_11, window_bounds = array<i64: 1, 128>}, {transform_indices = @transform_12, window_bounds = array<i64: 1000, 128>}, {transform_indices = @transform_13, window_bounds = array<i64: 1000, 128>}]} {
    %get3A = arith.constant 0 : index
    %get3A_0 = arith.constant 0 : index
    %get3A_1 = vector.load %arg1[%get3A, %get3A_0] : memref<1000x128xf32, #tpu.memory_space<vmem>>, vector<1000x128xf32>
    %get3A_2 = arith.constant 0 : index
    %get3A_3 = arith.constant 0 : index
    %get3A_4 = vector.load %arg2[%get3A_2, %get3A_3] : memref<1000x128xf32, #tpu.memory_space<vmem>>, vector<1000x128xf32>
    %get3A_5 = arith.constant 0 : index
    %get3A_6 = arith.constant 0 : index
    %get3A_7 = vector.load %arg3[%get3A_5, %get3A_6] : memref<1000x128xf32, #tpu.memory_space<vmem>>, vector<1000x128xf32>
    %get3A_8 = arith.constant 0 : index
    %get3A_9 = arith.constant 0 : index
    %get3A_10 = vector.load %arg4[%get3A_8, %get3A_9] : memref<128x128xf32, #tpu.memory_space<vmem>>, vector<128x128xf32>
    %get3A_11 = arith.constant 0 : index
    %get3A_12 = arith.constant 0 : index
    %get3A_13 = vector.load %arg5[%get3A_11, %get3A_12] : memref<128x128xf32, #tpu.memory_space<vmem>>, vector<128x128xf32>
    %get3A_14 = arith.constant 0 : index
    %get3A_15 = arith.constant 0 : index
    %get3A_16 = vector.load %arg6[%get3A_14, %get3A_15] : memref<1x128xf32, #tpu.memory_space<vmem>>, vector<1x128xf32>
    %slice3A = vector.extract_strided_slice %get3A_4 {offsets = [0, 0], sizes = [1000, 1], strides = [1, 1]} : vector<1000x128xf32> to vector<1000x1xf32>
    %max3A = arith.constant 1.000000e+00 : f32
    %max3A_17 = vector.broadcast %max3A : f32 to vector<1000x1xf32>
    %max3A_18 = arith.maximumf %slice3A, %max3A_17 : vector<1000x1xf32>
    %div3A = vector.broadcast %max3A_18 : vector<1000x1xf32> to vector<1000x128xf32>
    %div3A_19 = arith.divf %get3A_1, %div3A : vector<1000x128xf32>
    %dot_general3A = arith.constant dense<0.000000e+00> : vector<1000x128xf32>
    %dot_general3A_20 = tpu.matmul %div3A_19, %get3A_10, %dot_general3A {dimension_numbers = #tpu.dot_dimension_numbers<[1], [0], [0], [1], [0, 0, 1, 1], [], []>, transpose_lhs_hint = false} : vector<1000x128xf32>, vector<128x128xf32>, vector<1000x128xf32> -> vector<1000x128xf32>
    %add3A = vector.broadcast %get3A_16 : vector<1x128xf32> to vector<1000x128xf32>
    %add3A_21 = arith.addf %dot_general3A_20, %add3A : vector<1000x128xf32>
    %dot_general3A_22 = arith.constant dense<0.000000e+00> : vector<1000x128xf32>
    %dot_general3A_23 = tpu.matmul %get3A_7, %get3A_13, %dot_general3A_22 {dimension_numbers = #tpu.dot_dimension_numbers<[1], [0], [0], [1], [0, 0, 1, 1], [], []>, transpose_lhs_hint = false} : vector<1000x128xf32>, vector<128x128xf32>, vector<1000x128xf32> -> vector<1000x128xf32>
    %add3A_24 = arith.addf %add3A_21, %dot_general3A_23 : vector<1000x128xf32>
    %swap3A = arith.constant 0 : index
    %swap3A_25 = arith.constant 0 : index
    %swap3A_26 = vector.load %arg13[%swap3A, %swap3A_25] : memref<1000x128xf32, #tpu.memory_space<vmem>>, vector<1000x128xf32>
    tpu.vector_store %arg13[%swap3A, %swap3A_25], %add3A_24 {strides = array<i32>} : memref<1000x128xf32, #tpu.memory_space<vmem>>, vector<1000x128xf32>,
    %get3A_27 = arith.constant 0 : index
    %get3A_28 = arith.constant 0 : index
    %get3A_29 = vector.load %arg7[%get3A_27, %get3A_28] : memref<1000x128xf32, #tpu.memory_space<vmem>>, vector<1000x128xf32>
    %get3A_30 = arith.constant 0 : index
    %get3A_31 = arith.constant 0 : index
    %get3A_32 = vector.load %arg8[%get3A_30, %get3A_31] : memref<1000x128xf32, #tpu.memory_space<vmem>>, vector<1000x128xf32>
    %get3A_33 = arith.constant 0 : index
    %get3A_34 = arith.constant 0 : index
    %get3A_35 = vector.load %arg9[%get3A_33, %get3A_34] : memref<1000x128xf32, #tpu.memory_space<vmem>>, vector<1000x128xf32>
    %get3A_36 = arith.constant 0 : index
    %get3A_37 = arith.constant 0 : index
    %get3A_38 = vector.load %arg10[%get3A_36, %get3A_37] : memref<128x128xf32, #tpu.memory_space<vmem>>, vector<128x128xf32>
    %get3A_39 = arith.constant 0 : index
    %get3A_40 = arith.constant 0 : index
    %get3A_41 = vector.load %arg11[%get3A_39, %get3A_40] : memref<128x128xf32, #tpu.memory_space<vmem>>, vector<128x128xf32>
    %get3A_42 = arith.constant 0 : index
    %get3A_43 = arith.constant 0 : index
    %get3A_44 = vector.load %arg12[%get3A_42, %get3A_43] : memref<1x128xf32, #tpu.memory_space<vmem>>, vector<1x128xf32>
    %slice3A_45 = vector.extract_strided_slice %get3A_32 {offsets = [0, 0], sizes = [1000, 1], strides = [1, 1]} : vector<1000x128xf32> to vector<1000x1xf32>
    %max3A_46 = arith.constant 1.000000e+00 : f32
    %max3A_47 = vector.broadcast %max3A_46 : f32 to vector<1000x1xf32>
    %max3A_48 = arith.maximumf %slice3A_45, %max3A_47 : vector<1000x1xf32>
    %div3A_49 = vector.broadcast %max3A_48 : vector<1000x1xf32> to vector<1000x128xf32>
    %div3A_50 = arith.divf %get3A_29, %div3A_49 : vector<1000x128xf32>
    %dot_general3A_51 = arith.constant dense<0.000000e+00> : vector<1000x128xf32>
    %dot_general3A_52 = tpu.matmul %div3A_50, %get3A_38, %dot_general3A_51 {dimension_numbers = #tpu.dot_dimension_numbers<[1], [0], [0], [1], [0, 0, 1, 1], [], []>, transpose_lhs_hint = false} : vector<1000x128xf32>, vector<128x128xf32>, vector<1000x128xf32> -> vector<1000x128xf32>
    %add3A_53 = vector.broadcast %get3A_44 : vector<1x128xf32> to vector<1000x128xf32>
    %add3A_54 = arith.addf %dot_general3A_52, %add3A_53 : vector<1000x128xf32>
    %dot_general3A_55 = arith.constant dense<0.000000e+00> : vector<1000x128xf32>
    %dot_general3A_56 = tpu.matmul %get3A_35, %get3A_41, %dot_general3A_55 {dimension_numbers = #tpu.dot_dimension_numbers<[1], [0], [0], [1], [0, 0, 1, 1], [], []>, transpose_lhs_hint = false} : vector<1000x128xf32>, vector<128x128xf32>, vector<1000x128xf32> -> vector<1000x128xf32>
    %add3A_57 = arith.addf %add3A_54, %dot_general3A_56 : vector<1000x128xf32>
    %swap3A_58 = arith.constant 0 : index
    %swap3A_59 = arith.constant 0 : index
    %swap3A_60 = vector.load %arg14[%swap3A_58, %swap3A_59] : memref<1000x128xf32, #tpu.memory_space<vmem>>, vector<1000x128xf32>
    tpu.vector_store %arg14[%swap3A_58, %swap3A_59], %add3A_57 {strides = array<i32>} : memref<1000x128xf32, #tpu.memory_space<vmem>>, vector<1000x128xf32>,
    return
  }
  func.func @transform_0(%arg0: i32) -> (i32, i32) {
    %c0_i32 = arith.constant 0 : i32
    %c0_i32_0 = arith.constant 0 : i32
    return %arg0, %c0_i32 : i32, i32
  }
  func.func @transform_1(%arg0: i32) -> (i32, i32) {
    %c0_i32 = arith.constant 0 : i32
    %c0_i32_0 = arith.constant 0 : i32
    return %arg0, %c0_i32 : i32, i32
  }
  func.func @transform_2(%arg0: i32) -> (i32, i32) {
    %c0_i32 = arith.constant 0 : i32
    %c0_i32_0 = arith.constant 0 : i32
    return %arg0, %c0_i32 : i32, i32
  }
  func.func @transform_3(%arg0: i32) -> (i32, i32) {
    %c0_i32 = arith.constant 0 : i32
    %c0_i32_0 = arith.constant 0 : i32
    %c0_i32_1 = arith.constant 0 : i32
    return %c0_i32, %c0_i32_0 : i32, i32
  }
  func.func @transform_4(%arg0: i32) -> (i32, i32) {
    %c0_i32 = arith.constant 0 : i32
    %c0_i32_0 = arith.constant 0 : i32
    %c0_i32_1 = arith.constant 0 : i32
    return %c0_i32, %c0_i32_0 : i32, i32
  }
  func.func @transform_5(%arg0: i32) -> (i32, i32) {
    %c0_i32 = arith.constant 0 : i32
    %c0_i32_0 = arith.constant 0 : i32
    %c0_i32_1 = arith.constant 0 : i32
    return %c0_i32, %c0_i32_0 : i32, i32
  }
  func.func @transform_6(%arg0: i32) -> (i32, i32) {
    %c0_i32 = arith.constant 0 : i32
    %c0_i32_0 = arith.constant 0 : i32
    return %arg0, %c0_i32 : i32, i32
  }
  func.func @transform_7(%arg0: i32) -> (i32, i32) {
    %c0_i32 = arith.constant 0 : i32
    %c0_i32_0 = arith.constant 0 : i32
    return %arg0, %c0_i32 : i32, i32
  }
  func.func @transform_8(%arg0: i32) -> (i32, i32) {
    %c0_i32 = arith.constant 0 : i32
    %c0_i32_0 = arith.constant 0 : i32
    return %arg0, %c0_i32 : i32, i32
  }
  func.func @transform_9(%arg0: i32) -> (i32, i32) {
    %c0_i32 = arith.constant 0 : i32
    %c0_i32_0 = arith.constant 0 : i32
    %c0_i32_1 = arith.constant 0 : i32
    return %c0_i32, %c0_i32_0 : i32, i32
  }
  func.func @transform_10(%arg0: i32) -> (i32, i32) {
    %c0_i32 = arith.constant 0 : i32
    %c0_i32_0 = arith.constant 0 : i32
    %c0_i32_1 = arith.constant 0 : i32
    return %c0_i32, %c0_i32_0 : i32, i32
  }
  func.func @transform_11(%arg0: i32) -> (i32, i32) {
    %c0_i32 = arith.constant 0 : i32
    %c0_i32_0 = arith.constant 0 : i32
    %c0_i32_1 = arith.constant 0 : i32
    return %c0_i32, %c0_i32_0 : i32, i32
  }
  func.func @transform_12(%arg0: i32) -> (i32, i32) {
    %c0_i32 = arith.constant 0 : i32
    %c0_i32_0 = arith.constant 0 : i32
    return %arg0, %c0_i32 : i32, i32
  }
  func.func @transform_13(%arg0: i32) -> (i32, i32) {
    %c0_i32 = arith.constant 0 : i32
    %c0_i32_0 = arith.constant 0 : i32
    return %arg0, %c0_i32 : i32, i32
  }
}

module attributes {stable_mosaic.version = 14 : i64} {
  func.func @body(%arg0: i32, %arg1: memref<200x128x16xf32, #tpu.memory_space<vmem>>, %arg2: memref<200x128xf32, #tpu.memory_space<vmem>>) attributes {dimension_semantics = [#tpu.dimension_semantics<arbitrary>], iteration_bounds = array<i64: 4>, scalar_prefetch = 0 : i64, scratch_operands = 0 : i64, tpu.core_type = #tpu.core_type<tc>, window_params = [{transform_indices = @transform_0, window_bounds = array<i64: 200, 128, 16>}, {transform_indices = @transform_1, window_bounds = array<i64: 200, 128>}]} {
    %get3A = arith.constant 0 : index
    %get3A_0 = arith.constant 0 : index
    %get3A_1 = arith.constant 0 : index
    %get3A_2 = vector.load %arg1[%get3A, %get3A_0, %get3A_1] : memref<200x128x16xf32, #tpu.memory_space<vmem>>, vector<200x128x16xf32>
    %reduce_sum3A = arith.constant dense<0.000000e+00> : vector<200x128xf32>
    %reduce_sum3A_3 = vector.multi_reduction <add>, %get3A_2, %reduce_sum3A [2] : vector<200x128x16xf32> to vector<200x128xf32>
    %swap3A = arith.constant 0 : index
    %swap3A_4 = arith.constant 0 : index
    %swap3A_5 = vector.load %arg2[%swap3A, %swap3A_4] : memref<200x128xf32, #tpu.memory_space<vmem>>, vector<200x128xf32>
    tpu.vector_store %arg2[%swap3A, %swap3A_4], %reduce_sum3A_3 {strides = array<i32>} : memref<200x128xf32, #tpu.memory_space<vmem>>, vector<200x128xf32>,
    return
  }
  func.func @transform_0(%arg0: i32) -> (i32, i32, i32) {
    %c0_i32 = arith.constant 0 : i32
    %c0_i32_0 = arith.constant 0 : i32
    %c0_i32_1 = arith.constant 0 : i32
    return %arg0, %c0_i32, %c0_i32_0 : i32, i32, i32
  }
  func.func @transform_1(%arg0: i32) -> (i32, i32) {
    %c0_i32 = arith.constant 0 : i32
    %c0_i32_0 = arith.constant 0 : i32
    return %arg0, %c0_i32 : i32, i32
  }
}

</mosaic_0001>

<sc_bundles>
// kernel: kernel.12.cloned.1.call-start
scs
__scs_entry_jumppad:
0x0: {  	(pc) =	sbr.rel $0x88, $3  }
0x1: {  	(tag) =	ssettag $0x0;
	lr =	simm.s32 $0x1  }
0x2: {  	[smem:$0x3F90] =	sst lr;
	_ =	strace $0xD0000000  }
0x3: {  	_ = 	snop  }
0x4: {  	_ = 	snop  }
0x5: {  	_ = 	snop  }
0x6: {  	_ = 	snop  }
0x7: {  	_ = 	snop  }
__scs_overlays_trampoline_lowered:
0x8: {  	[smem:$0x3F9F] =	sst s0  }
0x9: {  	[smem:$0x3FA0] =	sst s1  }
0xa: {  	[smem:$0x3FA1] =	sst s2  }
0xb: {  	[smem:$0x3FA2] =	sst s3  }
0xc: {  	[smem:$0x3FA3] =	sst s4  }
0xd: {  	[smem:$0x3FA4] =	sst s5  }
0xe: {  	[smem:$0x3FA5] =	sst s6  }
0xf: {  	[smem:$0x3FA6] =	sst s7  }
0x10: {  	[smem:$0x3FA7] =	sst s8  }
0x11: {  	[smem:$0x3FA8] =	sst s9;
	s0 =	simm.s32 @!p0 $0x0  }
0x12: {  	s1 =	sld [smem:$0x3F8E];
	s0 =	simm.s32 @p0 $0x1  }
0x13: {  	[smem:$0x3FA9] =	sst s0;
	s0 =	simm.s32 @!p1 $0x0  }
0x14: {  	s2 =	sld [smem:$0x3F8D];
	s0 =	simm.s32 @p1 $0x1  }
0x15: {  	[smem:$0x3FAA] =	sst s0;
	s0 =	simm.s32 @!p2 $0x0  }
0x16: {  	s3 =	sld [smem:$0x3FDB];
	s0 =	simm.s32 @p2 $0x1  }
0x17: {  	s4 =	simm.s32 $0x1BF5;
	[smem:$0x3FAC] =	sst s0  }
0x18: {  	s0 =	sld [smem:$0x3F8F];
	_ =	swait.ge [sflag:s4], $0x0  }
0x19: {  	s7 =	sld [smem:$0x3F90]  }
0x1a: {  	s8 =	sadd.s32 $0xFFFFE003, lr  }
0x1b: {  	s9 =	sadd.s32 $0xFFFFFEF7, lr;
	s5 =	simm.s32 $0xFFFFFFFF;
	p2 =	slt.u32 s8, $0xFFFFF086  }
0x1c: {  	p1 =	slt.u32 s9, $0xF7A;
	s5 =	simm.s32 @!p2 $0x0  }
0x1d: {  	s5 =	simm.s32 @p1 $0x1;
	p0 =	seq.s32 s7, s2  }
0x1e: {  	s7 =	smul.u32 @!p0 $0xF7A, s2;
	p2 =	seq.s32 @!p0 s5, $0x0  }
0x1f: {  	s9 =	smul.u32 $0xF7A, s1;
	s8 =	simm.s32 @!p0 $0x1BF5;
	p2 =	por !p2, p0  }
0x20: {  	[sflag:s8] =	ssyncset.s32 @!p0 $0xFFFFF086;
	s6 =	sadd.s32 @!p0 s3, s7;
	s7 =	simm.s32 @!p0 $0x108  }
0x21: {  	s3 =	sadd.s32 s3, s9;
	s6 =	sadd.s32 @!p0 $0x88, s6;
	s7 =	simm.s32 @p2 $0x1082  }
0x22: {  	[simem:s7], [sflag:s8] =	dma.local @!p0 [hbm:s6], $0xF7A  }
0x23: {  	s9 =	sor.u32 $0xD0000000, s2;
	s6 =	simm.s32 $0x108;
	_ =	swait.ge @!p0 [sflag:s8], $0x0  }
0x24: {  	s3 =	sadd.s32 $0x88, s3;
	s6 =	simm.s32 @!p1 $0x1082;
	[sflag:s4] =	ssyncset.s32 $0xFFFFF086  }
0x25: {  	[simem:s6], [sflag:s4] =	dma.local [hbm:s3], $0xF7A  }
0x26: {  	[smem:$0x3F90] =	sst s1;
	(tag) =	ssettag s2;
	_ =	strace s9  }
0x27: {  	s1 =	sld [smem:$0x3FA0]  }
0x28: {  	s2 =	sld [smem:$0x3FA1]  }
0x29: {  	s4 =	sld [smem:$0x3FA3]  }
0x2a: {  	p0 =	seq.s32 s5, $0x0;
	s5 =	sld [smem:$0x3FA4]  }
0x2b: {  	s6 =	sld [smem:$0x3FA5]  }
0x2c: {  	s7 =	sld [smem:$0x3FA6]  }
0x2d: {  	s3 =	simm.s32 $0x108;
	s8 =	sld [smem:$0x3FA7]  }
0x2e: {  	s3 =	simm.s32 @!p0 $0x1082;
	s9 =	sld [smem:$0x3FA8]  }
0x2f: {  	lr =	sadd.s32 s0, s3;
	s0 =	sld [smem:$0x3F9F]  }
0x30: {  	s3 =	sld [smem:$0x3FA2]  }
0x31: {  	[smem:$0x3FAB] =	sst s10  }
0x32: {  	s10 =	sld [smem:$0x3FA9];
	_ =	sdelay $0x3  }
0x33: {  	p0 =	seq.s32 s10, $0x1;
	s10 =	sld [smem:$0x3FAB];
	_ =	sdelay $0x3  }
0x34: {  	[smem:$0x3FAB] =	sst s10  }
0x35: {  	s10 =	sld [smem:$0x3FAA];
	_ =	sdelay $0x3  }
0x36: {  	p1 =	seq.s32 s10, $0x1;
	s10 =	sld [smem:$0x3FAB];
	_ =	sdelay $0x3  }
0x37: {  	[smem:$0x3FAB] =	sst s10  }
0x38: {  	s10 =	sld [smem:$0x3FAC]  }
0x39: {  	_ = 	snop;
	(pc) =	sbr.ind lr, $3  }
0x3a: {  	_ = 	snop  }
0x3b: {  	_ = 	snop  }
0x3c: {  	p2 =	seq.s32 s10, $0x1;
	s10 =	sld [smem:$0x3FAB]  }
0x3d: {  	_ =	shalt  }
0x3e: {  	_ =	shalt  }
0x3f: {  	_ =	shalt  }
0x40: {  	_ =	shalt  }
0x41: {  	_ =	shalt  }
0x42: {  	_ =	shalt  }
0x43: {  	_ =	shalt  }
0x44: {  	_ =	shalt  }
0x45: {  	_ =	shalt  }
0x46: {  	_ =	shalt  }
0x47: {  	_ =	shalt  }
0x48: {  	_ =	shalt  }
0x49: {  	_ =	shalt  }
0x4a: {  	_ =	shalt  }
0x4b: {  	_ =	shalt  }
0x4c: {  	_ =	shalt  }
0x4d: {  	_ =	shalt  }
0x4e: {  	_ =	shalt  }
0x4f: {  	_ =	shalt  }
0x50: {  	_ =	shalt  }
0x51: {  	_ =	shalt  }
0x52: {  	_ =	shalt  }
0x53: {  	_ =	shalt  }
0x54: {  	_ =	shalt  }
0x55: {  	_ =	shalt  }
0x56: {  	_ =	shalt  }
0x57: {  	_ =	shalt  }
0x58: {  	_ =	shalt  }
0x59: {  	_ =	shalt  }
0x5a: {  	_ =	shalt  }
0x5b: {  	_ =	shalt  }
0x5c: {  	_ =	shalt  }
0x5d: {  	_ =	shalt  }
0x5e: {  	_ =	shalt  }
0x5f: {  	_ =	shalt  }
0x60: {  	_ =	shalt  }
0x61: {  	_ =	shalt  }
0x62: {  	_ =	shalt  }
0x63: {  	_ =	shalt  }
0x64: {  	_ =	shalt  }
0x65: {  	_ =	shalt  }
0x66: {  	_ =	shalt  }
0x67: {  	_ =	shalt  }
0x68: {  	_ =	shalt  }
0x69: {  	_ =	shalt  }
0x6a: {  	_ =	shalt  }
0x6b: {  	_ =	shalt  }
0x6c: {  	_ =	shalt  }
0x6d: {  	_ =	shalt  }
0x6e: {  	_ =	shalt  }
0x6f: {  	_ =	shalt  }
0x70: {  	_ =	shalt  }
0x71: {  	_ =	shalt  }
0x72: {  	_ =	shalt  }
0x73: {  	_ =	shalt  }
0x74: {  	_ =	shalt  }
0x75: {  	_ =	shalt  }
0x76: {  	_ =	shalt  }
0x77: {  	_ =	shalt  }
0x78: {  	_ =	shalt  }
0x79: {  	_ =	shalt  }
0x7a: {  	_ =	shalt  }
0x7b: {  	_ =	shalt  }
0x7c: {  	_ =	shalt  }
0x7d: {  	_ =	shalt  }
0x7e: {  	_ =	shalt  }
0x7f: {  	_ =	shalt  }
0x80: {  	_ =	shalt  }
0x81: {  	_ =	shalt  }
0x82: {  	_ =	shalt  }
0x83: {  	_ =	shalt  }
0x84: {  	_ =	shalt  }
0x85: {  	_ =	shalt  }
0x86: {  	_ =	shalt  }
0x87: {  	_ =	shalt  }
.Lfunc_end0:
.L_simem_size_0:
called_computation.1_lowered:
.L_overlay_start_0:
0x88: {  	s2 =	sld [smem:$0x3FD9]  }
0x89: {  	s3 =	sld [smem:$0x3FFE];
	_ =	sdelay $0x1  }
0x8a: {  	s1 =	srdreg.scid  }
0x8b: {  	s0 =	sand.u32 $0x1, s1  }
0x8c: {  	s17 =	sshll.u32 s0, $0xA;
	s2 =	sadd.s32 s3, s2  }
0x8d: {  	s2 =	sadd.s32 s2, s17  }
0x8e: {  	[smem:$0x3FB7] =	sst s2  }
0x8f: {  	_ = 	snop  }
0x90: {  	s2 =	sld [smem:$0x3FC6]  }
0x91: {  	s18 =	sld [smem:$0x3FC5];
	(tm) =	ssettm $0x1  }
0x92: {  	s4 =	sld [smem:$0x3FFB];
	_ =	sdelay $0x3  }
0x93: {  	_ =	strace s4  }
0x94: {  	s4 =	sld [smem:$0x3FFC];
	_ =	sdelay $0x3  }
0x95: {  	_ =	strace s4  }
0x96: {  	s4 =	sld [smem:$0x3FFD];
	_ =	sdelay $0x3  }
0x97: {  	_ =	strace s4  }
0x98: {  	_ =	strace $0x8FFFFFFF  }
0x99: {  	s19 =	sld [smem:$0x3FDB];
	_ =	sdelay $0x1  }
0x9a: {  	s5 =	simm.s32 $_scs_section_size  }
0x9b: {  	s6 =	simm.s32 $_size__tile_overlayer_lowered;
	s7 =	simm.s32 $_tile_overlayer_lowered  }
0x9c: {  	s22 =	simm.s32 $0x1BFF;
	s21 =	sshll.u32 s7, $0x1;
	s4 =	sadd.s32 s5, s19  }
0x9d: {  	s8 =	simm.s32 $0x0;
	s20 =	sshll.u32 s6, $0x1;
	s6 =	sadd.s32 s21, s4  }
0x9e: {  	[timem:s8], [sflag:s22] =	dma.local [hbm:s6], s20  }
0x9f: {  	_ =	swait.ge [sflag:s22], s20  }
0xa0: {  	s5 =	ssub.s32 $0x0, s20;
	[sflag:s22] =	ssyncset.done $0x0  }
0xa1: {  	[sflag:s22] =	ssyncadd.s32 s5;
	_ =	sdelay $0x1  }
0xa2: {  	s23 =	simm.s32 $0x1B8B  }
0xa3: {  	_ =	swait.ge [sflag:s23], $0x1  }
0xa4: {  	[sflag:s23] =	ssyncset.done $0x0  }
0xa5: {  	s25 =	simm.s32 $0x1B8E;
	s24 =	sld [smem:$0x3FFE];
	[sflag:s23] =	ssyncadd.s32 $0xFFFFFFFF  }
0xa6: {  	s26 =	simm.s32 $execute0_lowered;
	[smem:$0x3FD2] =	sst s25  }
0xa7: {  	s6 =	sshll.u32 s26, $0x1;
	_ =	strace $0x80000046;
	[dreg:$0x1] =	wrdreg $0xFFFFFFFF  }
0xa8: {  	s28 =	simm.s32 $_size_execute0_lowered;
	s4 =	sadd.s32 s4, s6;
	[dreg:$0x0] =	wrdreg $0x0  }
0xa9: {  	s6 =	sshll.u32 s28, $0x1;
	[dreg:$0x2] =	wrdreg s4  }
0xaa: {  	[dreg:$0x3] =	wrdreg s6  }
0xab: {  	[dreg:$0x4] =	wrdreg $0xC0  }
0xac: {  	_ =	task [dreg:s8], $0x5FFFF  }
0xad: {  	[dreg:$0x1] =	wrdreg $0xFFFFFFFF  }
0xae: {  	[dreg:$0x0] =	wrdreg $0x60  }
0xaf: {  	[dreg:$0x2] =	wrdreg s24  }
0xb0: {  	[dreg:$0x3] =	wrdreg s2  }
0xb1: {  	[dreg:$0x4] =	wrdreg s18  }
0xb2: {  	[dreg:$0x5] =	wrdreg $0xA0000  }
0xb3: {  	[dreg:$0x6] =	wrdreg $0xA  }
0xb4: {  	_ =	task.clear_ibuf [dreg:s8], $0x7FFFF;
	_ =	strace $0x90000046  }
0xb5: {  	s29 =	simm.s32 $0xA;
	_ =	strace $0x80000048  }
0xb6: {  	_ =	swait.ge [sflag:s29], $0x1  }
0xb7: {  	[sflag:s29] =	ssyncadd.s32 $0xFFFFFFFF  }
0xb8: {  	_ =	strace $0x90000048  }
0xb9: {  	_ =	sfence  }
0xba: {  	s30 =	sld [smem:$0x0];
	_ =	sdelay $0x2  }
0xbb: {  	s31 =	sshll.u32 s1, $0xD;
	s1 =	sshrl.u32 s1, $0x2  }
0xbc: {  	s3 =	sand.u32 $0x4000, s31;
	s1 =	sadd.s32 s1, s30  }
0xbd: {  	s0 =	sor.u32 s3, s0;
	s1 =	sshll.u32 s1, $0x11  }
0xbe: {  	s0 =	sor.u32 s1, s0  }
0xbf: {  	s0 =	sadd.s32 $0x8F2B, s0  }
0xc0: {  	[sflag:s0] =	ssyncadd.remote.s32 $0x1  }
0xc1: {  	_ =	sfence.sel $0xFFFF  }
0xc2: {  	[dreg:$0x0] =	wrdreg $0xFFFFFFFF;
	(pc) =	sbr.abs _section_cstart, $3  }
0xc3: {  	[dreg:$0x1] =	wrdreg $0xFFFFFFFF  }
0xc4: {  	_ =	task.clear_ibuf [dreg:s8], $0x2FFFF;
	_ =	strace $0x9FFFFFFF  }
0xc5: {  	(tm) =	ssettm $0x7FFFFFFF  }
tec
execute0_lowered:
.L_overlay_start_1:
0x0: {  	(tag) =	ssettag $0x1  }
0x1: {  	s0 =	rddreg [dreg:$0x0]  }
0x2: {  	s1 =	rddreg [dreg:$0x1]  }
0x3: {  	s2 =	rddreg [dreg:$0x2]  }
0x4: {  	s3 =	rddreg [dreg:$0x3];
	s5 =	simm.s32 $0x0  }
0x5: {  	s15 =	stileid.u32;
	s4 =	srdreg.scid;
	s28 =	simm.s32 $0x1  }
0x6: {  	s29 =	simm.s32 $0x2;
	s30 =	simm.s32 $0xF80;
	s31 =	simm.s32 $0x1F00  }
0x7: {  	s16 =	simm.s32 $0x0;
	[smem:$0x7FF] =	sst s5;
	s6 =	sadd.s32 $0xD200, s0  }
0x8: {  	s10 =	smul.u32 $0x2700, s15;
	s4 =	sand.u32 $0x1, s4;
	s7 =	sadd.s32 $0x3200, s0  }
0x9: {  	s12 =	smul.u32 $0x4E000, s15;
	s8 =	sadd.s32 $0x21200, s0;
	s9 =	sadd.s32 $0x17200, s0  }
0xa: {  	s20 =	sadd.s32 $0x124800, s3;
	s21 =	sadd.s32 $0x76D00, s0;
	p1 =	seq.s32 s15, $0xF  }
0xb: {  	_ =	strace $0x80000047;
	s11 =	ssub.s32 $0x2, s4;
	[dreg:$0x6] =	wrdreg s20  }
0xc: {  	[dreg:$0x7] =	wrdreg s21;
	p0 =	sne.s32 s4, $0x0;
	s13 =	sshrl.u32 s11, $0x1  }
0xd: {  	s14 =	sadd.s32 s10, s0;
	s18 =	sshrl.u32 s12, $0x2;
	s0 =	sadd.s32 $0x4FB00, s0  }
0xe: {  	s13 =	ssub.s32 s11, s13;
	s19 =	sadd.s32 $0x52400, s14;
	[dreg:$0x9] =	wrdreg s0  }
0xf: {  	s10 =	sadd.s32 s18, s3;
	s22 =	sadd.s32 $0x2B200, s14;
	[dreg:$0x5] =	wrdreg s19  }
0x10: {  	s11 =	smul.u32 $0x5000, s15;
	[dreg:$0x8] =	wrdreg s22;
	s23 =	smax.u32 s13, $0x1  }
.Ltmp0:
0x11: {  	s24 =	sadd.s32 $0x4000, s10;
	[dreg:$0xa] =	wrdreg s23;
	(pc) =	sbr.rel .LBB2_1-.Ltmp0, $4  }
0x12: {  	s0 =	simm.s32 $0x1F80;
	s25 =	sadd.s32 $0x8000, s10;
	[dreg:$0xb] =	wrdreg s24  }
0x13: {  	s26 =	sadd.s32 $0xC000, s10;
	s21 =	sadd.s32 $0x10000, s10;
	[dreg:$0xc] =	wrdreg s25  }
0x14: {  	s22 =	simm.s32 $0x2000;
	[dreg:$0xd] =	wrdreg s26;
	s23 =	simm.s32 $0x3  }
0x15: {  	v0 =	vimm.f32 $0.0e+00;
	s24 =	simm.s32 $0x1000;
	s25 =	simm.s32 $0x80;
	s26 =	simm.s32 $0x6000  }
.LBB2_12:
0x16: {  	s5 =	sadd.s32 $0x1, s5;
	s4 =	rddreg [dreg:$0xa]  }
0x17: {  	p2 =	sne.s32 s5, s4  }
.Ltmp1:
0x18: {  	_ = 	snop;
	(pc) =	sbr.rel @!p2 .LBB2_13-.Ltmp1, $1  }
0x19: {  	_ =	sdelay $0x3  }
.LBB2_1:
0x1a: {  	s4 =	simm.s32 $0x0;
	s12 =	simm.s32 $0x200  }
.LBB2_2:
0x1b: {  	p2 =	sne.s32 s12, $0xFE00;
	[tilespmem:s4+$0x2070] =	vst v0  }
0x1c: {  	[tilespmem:s4+$0x2000] =	vst v0  }
0x1d: {  	[tilespmem:s4+$0x2010] =	vst v0  }
.Ltmp2:
0x1e: {  	[tilespmem:s4+$0x2020] =	vst v0;
	(pc) =	sbr.rel @p2 .LBB2_2-.Ltmp2, $4  }
0x1f: {  	[tilespmem:s4+$0x2030] =	vst v0  }
0x20: {  	[tilespmem:s4+$0x2040] =	vst v0  }
0x21: {  	[tilespmem:s4+$0x2050] =	vst v0  }
0x22: {  	[tilespmem:s4+$0x2060] =	vst v0;
	s4 =	sshra.s32 s12, $0x2;
	s12 =	sadd.s32 $0x200, s12  }
0x23: {  	[tilespmem:s4+$0x2070] =	vst v0  }
0x24: {  	[tilespmem:s4+$0x2000] =	vst v0  }
0x25: {  	[tilespmem:s4+$0x2010] =	vst v0  }
0x26: {  	[tilespmem:s4+$0x2020] =	vst v0  }
0x27: {  	[tilespmem:s4+$0x2030] =	vst v0  }
0x28: {  	[tilespmem:s4+$0x2040] =	vst v0  }
0x29: {  	[tilespmem:s4+$0x2050] =	vst v0  }
0x2a: {  	[tilespmem:s4+$0x2060] =	vst v0  }
0x2b: {  	[spmem:s10] =	stream.linear.scatter [tilespmem:s22], [sflag:$0x3], $0x4000, $0x38;
	[tilespmem:$0x1D8C0] =	vst v63  }
0x2c: {  	_ =	swait.ge [sflag:s23], $0x4000  }
0x2d: {  	[sflag:s23] =	ssyncset.done $0x0  }
0x2e: {  	s18 =	rddreg [dreg:$0xb];
	[sflag:s23] =	ssyncadd.s32 $0xFFFFC000  }
0x2f: {  	[spmem:s18] =	stream.linear.scatter [tilespmem:s22], [sflag:$0x3], $0x4000, $0x38;
	[tilespmem:$0x1D8C0] =	vst v63  }
0x30: {  	_ =	swait.ge [sflag:s23], $0x4000  }
0x31: {  	[sflag:s23] =	ssyncset.done $0x0  }
0x32: {  	s19 =	rddreg [dreg:$0xc];
	[sflag:s23] =	ssyncadd.s32 $0xFFFFC000  }
0x33: {  	[spmem:s19] =	stream.linear.scatter [tilespmem:s22], [sflag:$0x3], $0x4000, $0x38;
	[tilespmem:$0x1D8C0] =	vst v63  }
0x34: {  	_ =	swait.ge [sflag:s23], $0x4000  }
0x35: {  	[sflag:s23] =	ssyncset.done $0x0  }
0x36: {  	s20 =	rddreg [dreg:$0xd];
	[sflag:s23] =	ssyncadd.s32 $0xFFFFC000  }
0x37: {  	[spmem:s20] =	stream.linear.scatter [tilespmem:s22], [sflag:$0x3], $0x4000, $0x38;
	[tilespmem:$0x1D8C0] =	vst v63  }
0x38: {  	_ =	swait.ge [sflag:s23], $0x4000  }
0x39: {  	[sflag:s23] =	ssyncset.done $0x0  }
0x3a: {  	[sflag:s23] =	ssyncadd.s32 $0xFFFFC000  }
0x3b: {  	[spmem:s21] =	stream.linear.scatter [tilespmem:s22], [sflag:$0x3], $0x4000, $0x38;
	[tilespmem:$0x1D8C0] =	vst v63  }
0x3c: {  	_ =	swait.ge [sflag:s23], $0x4000  }
0x3d: {  	[sflag:s23] =	ssyncset.done $0x0  }
0x3e: {  	[sflag:s23] =	ssyncadd.s32 $0xFFFFC000  }
.Ltmp3:
0x3f: {  	[bflag:$0x0] =	sbarrier.arrive $0xFFFF;
	(pc) =	sbr.rel @p0 .LBB2_8-.Ltmp3, $4  }
0x40: {  	s4 =	rddreg [dreg:$0x6]  }
0x41: {  	s15 =	sshrl.u32 @p1 s4, $0x3;
	s4 =	stileid.u32  }
0x42: {  	s12 =	sshrl.u32 @!p1 s10, $0x3;
	s4 =	sshll.u32 @!p1 s4, $0x6  }
0x43: {  	s13 =	simm.s32 $0x0;
	s14 =	sor.u32 @!p1 $0x1C03, s4;
	s4 =	simm.s32 $0x0  }
.LBB2_4:
0x44: {  	s13 =	sshll.u32 s4, $0xC  }
0x45: {  	s13 =	sadd.s32 s11, s13  }
0x46: {  	s13 =	sshrl.u32 s13, $0x3  }
0x47: {  	s17 =	sadd.s32 s6, s13  }
0x48: {  	[tilespmem:s16], [sflag:$0x3] =	stream.linear.gather [hbm4b:s17+s16], $0x1000, $0x38;
	[tilespmem:$0x1D8C0] =	vst v63  }
0x49: {  	_ =	swait.ge [sflag:s23], $0x1000  }
0x4a: {  	[sflag:s23] =	ssyncset.done $0x0  }
0x4b: {  	s13 =	sadd.s32 s7, s13;
	[sflag:s23] =	ssyncadd.s32 $0xFFFFF000  }
0x4c: {  	[tilespmem:s24], [sflag:$0x3] =	stream.linear.gather [hbm4b:s13+s16], $0x1000, $0x38;
	[tilespmem:$0x1D8C0] =	vst v63  }
0x4d: {  	_ =	swait.ge [sflag:s23], $0x1000  }
0x4e: {  	[sflag:s23] =	ssyncset.done $0x0  }
0x4f: {  	[sflag:s23] =	ssyncadd.s32 $0xFFFFF000  }
0x50: {  	[tilespmem:s22], [sflag:$0x1] =	stream.indirect.gather [hbm4b:s1+s25], $0x80, s16, s25, $0xb8;
	[tilespmem:$0x1D8C0] =	vst v63  }
0x51: {  	s17 =	simm.s32 $0x80  }
0x52: {  	[tilespmem:s26], [sflag:$0x2] =	stream.indirect.gather [hbm4b:s1+s25], $0x80, s17, s25, $0xb8;
	[tilespmem:$0x1D8C0] =	vst v63  }
0x53: {  	_ =	swait.ge [sflag:s28], $0x4000  }
0x54: {  	[sflag:s28] =	ssyncset.done $0x0  }
0x55: {  	s18 =	simm.s32 $0x1000;
	[sflag:s28] =	ssyncadd.s32 $0xFFFFC000  }
0x56: {  	[spmem:s3] =	stream.indirect.scatter.add.f32 [tilespmem:s22], [sflag:$0x3], $0x80, s18, s25, $0xb8;
	[tilespmem:$0x1D8C0] =	vst v63  }
0x57: {  	_ =	swait.ge [sflag:s23], $0x4000  }
0x58: {  	[sflag:s23] =	ssyncset.done $0x0  }
0x59: {  	s19 =	simm.s32 $0x100;
	[sflag:s23] =	ssyncadd.s32 $0xFFFFC000  }
0x5a: {  	[tilespmem:s22], [sflag:$0x1] =	stream.indirect.gather [hbm4b:s1+s25], $0x80, s19, s25, $0xb8;
	[tilespmem:$0x1D8C0] =	vst v63  }
0x5b: {  	_ =	swait.ge [sflag:s29], $0x4000  }
0x5c: {  	[sflag:s29] =	ssyncset.done $0x0  }
0x5d: {  	s20 =	simm.s32 $0x1080;
	[sflag:s29] =	ssyncadd.s32 $0xFFFFC000  }
0x5e: {  	[spmem:s3] =	stream.indirect.scatter.add.f32 [tilespmem:s26], [sflag:$0x3], $0x80, s20, s25, $0xb8;
	[tilespmem:$0x1D8C0] =	vst v63  }
0x5f: {  	_ =	swait.ge [sflag:s23], $0x4000  }
0x60: {  	s13 =	simm.s32 $0x100;
	s17 =	simm.s32 $0x800;
	[sflag:s23] =	ssyncset.done $0x0  }
.LBB2_5:
0x61: {  	s18 =	sadd.s32 $0x80, s13  }
0x62: {  	[sflag:s23] =	ssyncadd.s32 $0xFFFFC000;
	s19 =	smov.u32 s17;
	s20 =	sadd.s32 $0x400, s17  }
0x63: {  	[tilespmem:s26], [sflag:$0x2] =	stream.indirect.gather [hbm4b:s1+s25], $0x80, s18, s25, $0xb8;
	[tilespmem:$0x1D8C0] =	vst v63  }
0x64: {  	p2 =	sne.s32 s17, $0x3800;
	_ =	swait.ge [sflag:s28], $0x4000  }
0x65: {  	[sflag:s28] =	ssyncset.done $0x0  }
0x66: {  	s17 =	sadd.s32 $0x1000, s13;
	[sflag:s28] =	ssyncadd.s32 $0xFFFFC000  }
0x67: {  	[spmem:s3] =	stream.indirect.scatter.add.f32 [tilespmem:s22], [sflag:$0x3], $0x80, s17, s25, $0xb8;
	[tilespmem:$0x1D8C0] =	vst v63  }
0x68: {  	_ =	swait.ge [sflag:s23], $0x4000  }
0x69: {  	[sflag:s23] =	ssyncset.done $0x0  }
0x6a: {  	s17 =	sadd.s32 $0x100, s13;
	[sflag:s23] =	ssyncadd.s32 $0xFFFFC000  }
0x6b: {  	[tilespmem:s22], [sflag:$0x1] =	stream.indirect.gather [hbm4b:s1+s25], $0x80, s17, s25, $0xb8;
	[tilespmem:$0x1D8C0] =	vst v63  }
0x6c: {  	_ =	swait.ge [sflag:s29], $0x4000  }
.Ltmp4:
0x6d: {  	[sflag:s29] =	ssyncset.done $0x0;
	(pc) =	sbr.rel @p2 .LBB2_5-.Ltmp4, $4  }
0x6e: {  	s13 =	sadd.s32 $0x1080, s13;
	[sflag:s29] =	ssyncadd.s32 $0xFFFFC000  }
0x6f: {  	[spmem:s3] =	stream.indirect.scatter.add.f32 [tilespmem:s26], [sflag:$0x3], $0x80, s13, s25, $0xb8;
	[tilespmem:$0x1D8C0] =	vst v63  }
0x70: {  	_ =	swait.ge [sflag:s23], $0x4000  }
0x71: {  	s17 =	smov.u32 s20;
	s13 =	sshra.s32 s19, $0x2;
	[sflag:s23] =	ssyncset.done $0x0  }
0x72: {  	s17 =	sadd.s32 $0x80, s13;
	[sflag:s23] =	ssyncadd.s32 $0xFFFFC000  }
0x73: {  	[tilespmem:s26], [sflag:$0x2] =	stream.indirect.gather [hbm4b:s1+s25], $0x80, s17, s25, $0xb8;
	[tilespmem:$0x1D8C0] =	vst v63  }
0x74: {  	_ =	swait.ge [sflag:s28], $0x4000  }
0x75: {  	[sflag:s28] =	ssyncset.done $0x0  }
0x76: {  	s18 =	sadd.s32 $0x1000, s13;
	[sflag:s28] =	ssyncadd.s32 $0xFFFFC000  }
0x77: {  	[spmem:s3] =	stream.indirect.scatter.add.f32 [tilespmem:s22], [sflag:$0x3], $0x80, s18, s25, $0xb8;
	[tilespmem:$0x1D8C0] =	vst v63  }
0x78: {  	_ =	swait.ge [sflag:s23], $0x4000  }
0x79: {  	[sflag:s23] =	ssyncset.done $0x0  }
0x7a: {  	s19 =	sadd.s32 $0x100, s13;
	[sflag:s23] =	ssyncadd.s32 $0xFFFFC000  }
0x7b: {  	[tilespmem:s22], [sflag:$0x1] =	stream.indirect.gather [hbm4b:s1+s25], $0x80, s19, s25, $0xb8;
	[tilespmem:$0x1D8C0] =	vst v63  }
0x7c: {  	_ =	swait.ge [sflag:s29], $0x4000  }
0x7d: {  	[sflag:s29] =	ssyncset.done $0x0  }
0x7e: {  	s20 =	sadd.s32 $0x1080, s13;
	[sflag:s29] =	ssyncadd.s32 $0xFFFFC000  }
0x7f: {  	[spmem:s3] =	stream.indirect.scatter.add.f32 [tilespmem:s26], [sflag:$0x3], $0x80, s20, s25, $0xb8;
	[tilespmem:$0x1D8C0] =	vst v63  }
0x80: {  	_ =	swait.ge [sflag:s23], $0x4000  }
0x81: {  	[sflag:s23] =	ssyncset.done $0x0  }
0x82: {  	[sflag:s23] =	ssyncadd.s32 $0xFFFFC000  }
0x83: {  	[tilespmem:s26], [sflag:$0x2] =	stream.indirect.gather [hbm4b:s1+s25], $0x80, s30, s25, $0xb8;
	[tilespmem:$0x1D8C0] =	vst v63  }
0x84: {  	_ =	swait.ge [sflag:s28], $0x4000  }
0x85: {  	[sflag:s28] =	ssyncset.done $0x0  }
0x86: {  	[sflag:s28] =	ssyncadd.s32 $0xFFFFC000  }
0x87: {  	[spmem:s3] =	stream.indirect.scatter.add.f32 [tilespmem:s22], [sflag:$0x3], $0x80, s31, s25, $0xb8;
	[tilespmem:$0x1D8C0] =	vst v63  }
0x88: {  	_ =	swait.ge [sflag:s23], $0x4000  }
0x89: {  	[sflag:s23] =	ssyncset.done $0x0  }
0x8a: {  	[sflag:s23] =	ssyncadd.s32 $0xFFFFC000  }
0x8b: {  	s4 =	sadd.s32 $0x1, s4;
	_ =	swait.ge [sflag:s29], $0x4000  }
0x8c: {  	p2 =	sne.s32 s4, $0x5;
	[sflag:s29] =	ssyncset.done $0x0  }
.Ltmp5:
0x8d: {  	[sflag:s29] =	ssyncadd.s32 $0xFFFFC000;
	(pc) =	sbr.rel @p2 .LBB2_4-.Ltmp5, $4  }
0x8e: {  	[spmem:s3] =	stream.indirect.scatter.add.f32 [tilespmem:s26], [sflag:$0x3], $0x80, s0, s25, $0xb8;
	[tilespmem:$0x1D8C0] =	vst v63  }
0x8f: {  	_ =	swait.ge [sflag:s23], $0x4000  }
0x90: {  	[sflag:s23] =	ssyncset.done $0x0  }
0x91: {  	[sflag:s23] =	ssyncadd.s32 $0xFFFFC000  }
0x92: {  	[bflag:$0x0] =	sbarrier.arrive $0xFFFF  }
0x93: {  	s4 =	simm.s32 @p1 $0x1FC3;
	s13 =	rddreg [dreg:$0x9]  }
0x94: {  	[hbm:s13], [sflag:s4] =	dma.local @p1 [spmem:s15], $0x2800  }
0x95: {  	s4 =	simm.s32 @p1 $0x3  }
0x96: {  	_ =	swait.ge @p1 [sflag:s4], $0x2800  }
0x97: {  	[sflag:s4] =	ssyncset.done @p1 $0x0  }
0x98: {  	[sflag:s4] =	ssyncadd.s32 @p1 $0xFFFFD800;
	s4 =	rddreg [dreg:$0x8]  }
0x99: {  	[hbm:s4], [sflag:s14] =	dma.local @!p1 [spmem:s12], $0x2700  }
.Ltmp6:
0x9a: {  	_ = 	snop;
	(pc) =	sbr.rel .LBB2_12-.Ltmp6, $4  }
0x9b: {  	s4 =	simm.s32 @!p1 $0x3  }
0x9c: {  	_ =	swait.ge @!p1 [sflag:s4], $0x2700  }
0x9d: {  	[sflag:s4] =	ssyncset.done @!p1 $0x0  }
0x9e: {  	[sflag:s4] =	ssyncadd.s32 @!p1 $0xFFFFD900  }
.LBB2_8:
0x9f: {  	s4 =	sshll.u32 s13, $0xC  }
0xa0: {  	s4 =	sadd.s32 s11, s4  }
0xa1: {  	s4 =	sshrl.u32 s4, $0x3  }
0xa2: {  	s17 =	sadd.s32 s8, s4  }
0xa3: {  	[tilespmem:s16], [sflag:$0x3] =	stream.linear.gather [hbm4b:s17+s16], $0x1000, $0x38;
	[tilespmem:$0x1D8C0] =	vst v63  }
0xa4: {  	_ =	swait.ge [sflag:s23], $0x1000  }
0xa5: {  	[sflag:s23] =	ssyncset.done $0x0  }
0xa6: {  	s4 =	sadd.s32 s9, s4;
	[sflag:s23] =	ssyncadd.s32 $0xFFFFF000  }
0xa7: {  	[tilespmem:s24], [sflag:$0x3] =	stream.linear.gather [hbm4b:s4+s16], $0x1000, $0x38;
	[tilespmem:$0x1D8C0] =	vst v63  }
0xa8: {  	_ =	swait.ge [sflag:s23], $0x1000  }
0xa9: {  	[sflag:s23] =	ssyncset.done $0x0  }
0xaa: {  	[sflag:s23] =	ssyncadd.s32 $0xFFFFF000  }
0xab: {  	[tilespmem:s22], [sflag:$0x1] =	stream.indirect.gather [hbm4b:s2+s25], $0x80, s16, s25, $0xb8;
	[tilespmem:$0x1D8C0] =	vst v63  }
0xac: {  	s17 =	simm.s32 $0x80  }
0xad: {  	[tilespmem:s26], [sflag:$0x2] =	stream.indirect.gather [hbm4b:s2+s25], $0x80, s17, s25, $0xb8;
	[tilespmem:$0x1D8C0] =	vst v63  }
0xae: {  	_ =	swait.ge [sflag:s28], $0x4000  }
0xaf: {  	[sflag:s28] =	ssyncset.done $0x0  }
0xb0: {  	s18 =	simm.s32 $0x1000;
	[sflag:s28] =	ssyncadd.s32 $0xFFFFC000  }
0xb1: {  	[spmem:s3] =	stream.indirect.scatter.add.f32 [tilespmem:s22], [sflag:$0x3], $0x80, s18, s25, $0xb8;
	[tilespmem:$0x1D8C0] =	vst v63  }
0xb2: {  	_ =	swait.ge [sflag:s23], $0x4000  }
0xb3: {  	[sflag:s23] =	ssyncset.done $0x0  }
0xb4: {  	s19 =	simm.s32 $0x100;
	[sflag:s23] =	ssyncadd.s32 $0xFFFFC000  }
0xb5: {  	[tilespmem:s22], [sflag:$0x1] =	stream.indirect.gather [hbm4b:s2+s25], $0x80, s19, s25, $0xb8;
	[tilespmem:$0x1D8C0] =	vst v63  }
0xb6: {  	_ =	swait.ge [sflag:s29], $0x4000  }
0xb7: {  	[sflag:s29] =	ssyncset.done $0x0  }
0xb8: {  	s20 =	simm.s32 $0x1080;
	[sflag:s29] =	ssyncadd.s32 $0xFFFFC000  }
0xb9: {  	[spmem:s3] =	stream.indirect.scatter.add.f32 [tilespmem:s26], [sflag:$0x3], $0x80, s20, s25, $0xb8;
	[tilespmem:$0x1D8C0] =	vst v63  }
0xba: {  	_ =	swait.ge [sflag:s23], $0x4000  }
0xbb: {  	s4 =	simm.s32 $0x100;
	s17 =	simm.s32 $0x800;
	[sflag:s23] =	ssyncset.done $0x0  }
.LBB2_9:
0xbc: {  	s18 =	sadd.s32 $0x80, s4  }
0xbd: {  	[sflag:s23] =	ssyncadd.s32 $0xFFFFC000;
	s19 =	smov.u32 s17;
	s20 =	sadd.s32 $0x400, s17  }
0xbe: {  	[tilespmem:s26], [sflag:$0x2] =	stream.indirect.gather [hbm4b:s2+s25], $0x80, s18, s25, $0xb8;
	[tilespmem:$0x1D8C0] =	vst v63  }
0xbf: {  	p2 =	sne.s32 s17, $0x3800;
	_ =	swait.ge [sflag:s28], $0x4000  }
0xc0: {  	[sflag:s28] =	ssyncset.done $0x0  }
0xc1: {  	s17 =	sadd.s32 $0x1000, s4;
	[sflag:s28] =	ssyncadd.s32 $0xFFFFC000  }
0xc2: {  	[spmem:s3] =	stream.indirect.scatter.add.f32 [tilespmem:s22], [sflag:$0x3], $0x80, s17, s25, $0xb8;
	[tilespmem:$0x1D8C0] =	vst v63  }
0xc3: {  	_ =	swait.ge [sflag:s23], $0x4000  }
0xc4: {  	[sflag:s23] =	ssyncset.done $0x0  }
0xc5: {  	s17 =	sadd.s32 $0x100, s4;
	[sflag:s23] =	ssyncadd.s32 $0xFFFFC000  }
0xc6: {  	[tilespmem:s22], [sflag:$0x1] =	stream.indirect.gather [hbm4b:s2+s25], $0x80, s17, s25, $0xb8;
	[tilespmem:$0x1D8C0] =	vst v63  }
0xc7: {  	_ =	swait.ge [sflag:s29], $0x4000  }
.Ltmp7:
0xc8: {  	[sflag:s29] =	ssyncset.done $0x0;
	(pc) =	sbr.rel @p2 .LBB2_9-.Ltmp7, $4  }
0xc9: {  	s4 =	sadd.s32 $0x1080, s4;
	[sflag:s29] =	ssyncadd.s32 $0xFFFFC000  }
0xca: {  	[spmem:s3] =	stream.indirect.scatter.add.f32 [tilespmem:s26], [sflag:$0x3], $0x80, s4, s25, $0xb8;
	[tilespmem:$0x1D8C0] =	vst v63  }
0xcb: {  	_ =	swait.ge [sflag:s23], $0x4000  }
0xcc: {  	s17 =	smov.u32 s20;
	s4 =	sshra.s32 s19, $0x2;
	[sflag:s23] =	ssyncset.done $0x0  }
0xcd: {  	s17 =	sadd.s32 $0x80, s4;
	[sflag:s23] =	ssyncadd.s32 $0xFFFFC000  }
0xce: {  	[tilespmem:s26], [sflag:$0x2] =	stream.indirect.gather [hbm4b:s2+s25], $0x80, s17, s25, $0xb8;
	[tilespmem:$0x1D8C0] =	vst v63  }
0xcf: {  	_ =	swait.ge [sflag:s28], $0x4000  }
0xd0: {  	[sflag:s28] =	ssyncset.done $0x0  }
0xd1: {  	s18 =	sadd.s32 $0x1000, s4;
	[sflag:s28] =	ssyncadd.s32 $0xFFFFC000  }
0xd2: {  	[spmem:s3] =	stream.indirect.scatter.add.f32 [tilespmem:s22], [sflag:$0x3], $0x80, s18, s25, $0xb8;
	[tilespmem:$0x1D8C0] =	vst v63  }
0xd3: {  	_ =	swait.ge [sflag:s23], $0x4000  }
0xd4: {  	[sflag:s23] =	ssyncset.done $0x0  }
0xd5: {  	s19 =	sadd.s32 $0x100, s4;
	[sflag:s23] =	ssyncadd.s32 $0xFFFFC000  }
0xd6: {  	[tilespmem:s22], [sflag:$0x1] =	stream.indirect.gather [hbm4b:s2+s25], $0x80, s19, s25, $0xb8;
	[tilespmem:$0x1D8C0] =	vst v63  }
0xd7: {  	_ =	swait.ge [sflag:s29], $0x4000  }
0xd8: {  	[sflag:s29] =	ssyncset.done $0x0  }
0xd9: {  	s20 =	sadd.s32 $0x1080, s4;
	[sflag:s29] =	ssyncadd.s32 $0xFFFFC000  }
0xda: {  	[spmem:s3] =	stream.indirect.scatter.add.f32 [tilespmem:s26], [sflag:$0x3], $0x80, s20, s25, $0xb8;
	[tilespmem:$0x1D8C0] =	vst v63  }
0xdb: {  	_ =	swait.ge [sflag:s23], $0x4000  }
0xdc: {  	[sflag:s23] =	ssyncset.done $0x0  }
0xdd: {  	[sflag:s23] =	ssyncadd.s32 $0xFFFFC000  }
0xde: {  	[tilespmem:s26], [sflag:$0x2] =	stream.indirect.gather [hbm4b:s2+s25], $0x80, s30, s25, $0xb8;
	[tilespmem:$0x1D8C0] =	vst v63  }
0xdf: {  	_ =	swait.ge [sflag:s28], $0x4000  }
0xe0: {  	[sflag:s28] =	ssyncset.done $0x0  }
0xe1: {  	[sflag:s28] =	ssyncadd.s32 $0xFFFFC000  }
0xe2: {  	[spmem:s3] =	stream.indirect.scatter.add.f32 [tilespmem:s22], [sflag:$0x3], $0x80, s31, s25, $0xb8;
	[tilespmem:$0x1D8C0] =	vst v63  }
0xe3: {  	_ =	swait.ge [sflag:s23], $0x4000  }
0xe4: {  	[sflag:s23] =	ssyncset.done $0x0  }
0xe5: {  	[sflag:s23] =	ssyncadd.s32 $0xFFFFC000  }
0xe6: {  	s13 =	sadd.s32 $0x1, s13;
	_ =	swait.ge [sflag:s29], $0x4000  }
0xe7: {  	p2 =	sne.s32 s13, $0x5;
	[sflag:s29] =	ssyncset.done $0x0  }
.Ltmp8:
0xe8: {  	[sflag:s29] =	ssyncadd.s32 $0xFFFFC000;
	(pc) =	sbr.rel @p2 .LBB2_8-.Ltmp8, $4  }
0xe9: {  	[spmem:s3] =	stream.indirect.scatter.add.f32 [tilespmem:s26], [sflag:$0x3], $0x80, s0, s25, $0xb8;
	[tilespmem:$0x1D8C0] =	vst v63  }
0xea: {  	_ =	swait.ge [sflag:s23], $0x4000  }
0xeb: {  	[sflag:s23] =	ssyncset.done $0x0  }
0xec: {  	[sflag:s23] =	ssyncadd.s32 $0xFFFFC000  }
0xed: {  	[bflag:$0x0] =	sbarrier.arrive $0xFFFF  }
0xee: {  	s4 =	simm.s32 @p1 $0x1FC3;
	s13 =	rddreg [dreg:$0x7]  }
0xef: {  	[hbm:s13], [sflag:s4] =	dma.local @p1 [spmem:s15], $0x2800  }
0xf0: {  	s4 =	simm.s32 @p1 $0x3  }
0xf1: {  	_ =	swait.ge @p1 [sflag:s4], $0x2800  }
0xf2: {  	[sflag:s4] =	ssyncset.done @p1 $0x0  }
0xf3: {  	[sflag:s4] =	ssyncadd.s32 @p1 $0xFFFFD800;
	s4 =	rddreg [dreg:$0x5]  }
0xf4: {  	[hbm:s4], [sflag:s14] =	dma.local @!p1 [spmem:s12], $0x2700  }
.Ltmp9:
0xf5: {  	_ = 	snop;
	(pc) =	sbr.rel .LBB2_12-.Ltmp9, $4  }
0xf6: {  	s4 =	simm.s32 @!p1 $0x3  }
0xf7: {  	_ =	swait.ge @!p1 [sflag:s4], $0x2700  }
0xf8: {  	[sflag:s4] =	ssyncset.done @!p1 $0x0  }
0xf9: {  	[sflag:s4] =	ssyncadd.s32 @!p1 $0xFFFFD900  }
.LBB2_13:
0xfa: {  	_ =	sfence.sel $0x180000  }
0xfb: {  	[bflag:$0x0] =	sbarrier.arrive $0xFFFF  }
0xfc: {  	_ =	strace $0x90000047  }
0xfd: {  	s0 =	stileid.u32;
	[bflag:$0x2] =	sbarrier.arrive $0xFFFF  }
0xfe: {  	p0 =	sne.s32 s0, $0x0;
	s0 =	rddreg [dreg:$0x4]  }
0xff: {  	s0 =	sadd.s32 @!p0 $0x100000, s0  }
0x100: {  	[sflag:s0] =	ssyncadd.tile.s32 @!p0 $0x1;
	_ =	shalt  }
.Lfunc_end2:
_tile_overlayer_lowered:
.L_overlay_start_2:
0x101: {  	(tag) =	ssettag $0x2  }
0x102: {  	s0 =	rddreg [dreg:$0x0];
	s2 =	stileid.u32  }
0x103: {  	s1 =	rddreg [dreg:$0x1];
	p0 =	sne.s32 s2, $0x0  }
0x104: {  	s3 =	rddreg [dreg:$0x2];
	[bflag:$0x3] =	sbarrier.arrive $0xFFFF;
	s2 =	simm.s32 @!p0 $0x1C03  }
0x105: {  	[timem:s3], [sflag:s2] =	dma.local @!p0 [hbm:s0], s1  }
0x106: {  	s0 =	simm.s32 @!p0 $0x3  }
0x107: {  	_ =	swait.ge @!p0 [sflag:s0], s1  }
0x108: {  	s1 =	ssub.s32 @!p0 $0x0, s1;
	[sflag:s0] =	ssyncset.done @!p0 $0x0  }
0x109: {  	[sflag:s0] =	ssyncadd.s32 @!p0 s1  }
0x10a: {  	[bflag:$0x3] =	sbarrier.arrive $0xFFFF  }
0x10b: {  	_ =	shalt  }

// kernel: kernel.15.cloned.1.call-start
scs
__scs_entry_jumppad:
0x0: {  	(pc) =	sbr.rel $0x88, $3  }
0x1: {  	(tag) =	ssettag $0x0;
	lr =	simm.s32 $0x1  }
0x2: {  	[smem:$0x3F90] =	sst lr;
	_ =	strace $0xD0000000  }
0x3: {  	_ = 	snop  }
0x4: {  	_ = 	snop  }
0x5: {  	_ = 	snop  }
0x6: {  	_ = 	snop  }
0x7: {  	_ = 	snop  }
__scs_overlays_trampoline_lowered:
0x8: {  	[smem:$0x3F9F] =	sst s0  }
0x9: {  	[smem:$0x3FA0] =	sst s1  }
0xa: {  	[smem:$0x3FA1] =	sst s2  }
0xb: {  	[smem:$0x3FA2] =	sst s3  }
0xc: {  	[smem:$0x3FA3] =	sst s4  }
0xd: {  	[smem:$0x3FA4] =	sst s5  }
0xe: {  	[smem:$0x3FA5] =	sst s6  }
0xf: {  	[smem:$0x3FA6] =	sst s7  }
0x10: {  	[smem:$0x3FA7] =	sst s8  }
0x11: {  	[smem:$0x3FA8] =	sst s9;
	s0 =	simm.s32 @!p0 $0x0  }
0x12: {  	s1 =	sld [smem:$0x3F8E];
	s0 =	simm.s32 @p0 $0x1  }
0x13: {  	[smem:$0x3FA9] =	sst s0;
	s0 =	simm.s32 @!p1 $0x0  }
0x14: {  	s2 =	sld [smem:$0x3F8D];
	s0 =	simm.s32 @p1 $0x1  }
0x15: {  	[smem:$0x3FAA] =	sst s0;
	s0 =	simm.s32 @!p2 $0x0  }
0x16: {  	s3 =	sld [smem:$0x3FDB];
	s0 =	simm.s32 @p2 $0x1  }
0x17: {  	s4 =	simm.s32 $0x1BF5;
	[smem:$0x3FAC] =	sst s0  }
0x18: {  	s0 =	sld [smem:$0x3F8F];
	_ =	swait.ge [sflag:s4], $0x0  }
0x19: {  	s7 =	sld [smem:$0x3F90]  }
0x1a: {  	s8 =	sadd.s32 $0xFFFFE003, lr  }
0x1b: {  	s9 =	sadd.s32 $0xFFFFFEF7, lr;
	s5 =	simm.s32 $0xFFFFFFFF;
	p2 =	slt.u32 s8, $0xFFFFF086  }
0x1c: {  	p1 =	slt.u32 s9, $0xF7A;
	s5 =	simm.s32 @!p2 $0x0  }
0x1d: {  	s5 =	simm.s32 @p1 $0x1;
	p0 =	seq.s32 s7, s2  }
0x1e: {  	s7 =	smul.u32 @!p0 $0xF7A, s2;
	p2 =	seq.s32 @!p0 s5, $0x0  }
0x1f: {  	s9 =	smul.u32 $0xF7A, s1;
	s8 =	simm.s32 @!p0 $0x1BF5;
	p2 =	por !p2, p0  }
0x20: {  	[sflag:s8] =	ssyncset.s32 @!p0 $0xFFFFF086;
	s6 =	sadd.s32 @!p0 s3, s7;
	s7 =	simm.s32 @!p0 $0x108  }
0x21: {  	s3 =	sadd.s32 s3, s9;
	s6 =	sadd.s32 @!p0 $0x88, s6;
	s7 =	simm.s32 @p2 $0x1082  }
0x22: {  	[simem:s7], [sflag:s8] =	dma.local @!p0 [hbm:s6], $0xF7A  }
0x23: {  	s9 =	sor.u32 $0xD0000000, s2;
	s6 =	simm.s32 $0x108;
	_ =	swait.ge @!p0 [sflag:s8], $0x0  }
0x24: {  	s3 =	sadd.s32 $0x88, s3;
	s6 =	simm.s32 @!p1 $0x1082;
	[sflag:s4] =	ssyncset.s32 $0xFFFFF086  }
0x25: {  	[simem:s6], [sflag:s4] =	dma.local [hbm:s3], $0xF7A  }
0x26: {  	[smem:$0x3F90] =	sst s1;
	(tag) =	ssettag s2;
	_ =	strace s9  }
0x27: {  	s1 =	sld [smem:$0x3FA0]  }
0x28: {  	s2 =	sld [smem:$0x3FA1]  }
0x29: {  	s4 =	sld [smem:$0x3FA3]  }
0x2a: {  	p0 =	seq.s32 s5, $0x0;
	s5 =	sld [smem:$0x3FA4]  }
0x2b: {  	s6 =	sld [smem:$0x3FA5]  }
0x2c: {  	s7 =	sld [smem:$0x3FA6]  }
0x2d: {  	s3 =	simm.s32 $0x108;
	s8 =	sld [smem:$0x3FA7]  }
0x2e: {  	s3 =	simm.s32 @!p0 $0x1082;
	s9 =	sld [smem:$0x3FA8]  }
0x2f: {  	lr =	sadd.s32 s0, s3;
	s0 =	sld [smem:$0x3F9F]  }
0x30: {  	s3 =	sld [smem:$0x3FA2]  }
0x31: {  	[smem:$0x3FAB] =	sst s10  }
0x32: {  	s10 =	sld [smem:$0x3FA9];
	_ =	sdelay $0x3  }
0x33: {  	p0 =	seq.s32 s10, $0x1;
	s10 =	sld [smem:$0x3FAB];
	_ =	sdelay $0x3  }
0x34: {  	[smem:$0x3FAB] =	sst s10  }
0x35: {  	s10 =	sld [smem:$0x3FAA];
	_ =	sdelay $0x3  }
0x36: {  	p1 =	seq.s32 s10, $0x1;
	s10 =	sld [smem:$0x3FAB];
	_ =	sdelay $0x3  }
0x37: {  	[smem:$0x3FAB] =	sst s10  }
0x38: {  	s10 =	sld [smem:$0x3FAC]  }
0x39: {  	_ = 	snop;
	(pc) =	sbr.ind lr, $3  }
0x3a: {  	_ = 	snop  }
0x3b: {  	_ = 	snop  }
0x3c: {  	p2 =	seq.s32 s10, $0x1;
	s10 =	sld [smem:$0x3FAB]  }
0x3d: {  	_ =	shalt  }
0x3e: {  	_ =	shalt  }
0x3f: {  	_ =	shalt  }
0x40: {  	_ =	shalt  }
0x41: {  	_ =	shalt  }
0x42: {  	_ =	shalt  }
0x43: {  	_ =	shalt  }
0x44: {  	_ =	shalt  }
0x45: {  	_ =	shalt  }
0x46: {  	_ =	shalt  }
0x47: {  	_ =	shalt  }
0x48: {  	_ =	shalt  }
0x49: {  	_ =	shalt  }
0x4a: {  	_ =	shalt  }
0x4b: {  	_ =	shalt  }
0x4c: {  	_ =	shalt  }
0x4d: {  	_ =	shalt  }
0x4e: {  	_ =	shalt  }
0x4f: {  	_ =	shalt  }
0x50: {  	_ =	shalt  }
0x51: {  	_ =	shalt  }
0x52: {  	_ =	shalt  }
0x53: {  	_ =	shalt  }
0x54: {  	_ =	shalt  }
0x55: {  	_ =	shalt  }
0x56: {  	_ =	shalt  }
0x57: {  	_ =	shalt  }
0x58: {  	_ =	shalt  }
0x59: {  	_ =	shalt  }
0x5a: {  	_ =	shalt  }
0x5b: {  	_ =	shalt  }
0x5c: {  	_ =	shalt  }
0x5d: {  	_ =	shalt  }
0x5e: {  	_ =	shalt  }
0x5f: {  	_ =	shalt  }
0x60: {  	_ =	shalt  }
0x61: {  	_ =	shalt  }
0x62: {  	_ =	shalt  }
0x63: {  	_ =	shalt  }
0x64: {  	_ =	shalt  }
0x65: {  	_ =	shalt  }
0x66: {  	_ =	shalt  }
0x67: {  	_ =	shalt  }
0x68: {  	_ =	shalt  }
0x69: {  	_ =	shalt  }
0x6a: {  	_ =	shalt  }
0x6b: {  	_ =	shalt  }
0x6c: {  	_ =	shalt  }
0x6d: {  	_ =	shalt  }
0x6e: {  	_ =	shalt  }
0x6f: {  	_ =	shalt  }
0x70: {  	_ =	shalt  }
0x71: {  	_ =	shalt  }
0x72: {  	_ =	shalt  }
0x73: {  	_ =	shalt  }
0x74: {  	_ =	shalt  }
0x75: {  	_ =	shalt  }
0x76: {  	_ =	shalt  }
0x77: {  	_ =	shalt  }
0x78: {  	_ =	shalt  }
0x79: {  	_ =	shalt  }
0x7a: {  	_ =	shalt  }
0x7b: {  	_ =	shalt  }
0x7c: {  	_ =	shalt  }
0x7d: {  	_ =	shalt  }
0x7e: {  	_ =	shalt  }
0x7f: {  	_ =	shalt  }
0x80: {  	_ =	shalt  }
0x81: {  	_ =	shalt  }
0x82: {  	_ =	shalt  }
0x83: {  	_ =	shalt  }
0x84: {  	_ =	shalt  }
0x85: {  	_ =	shalt  }
0x86: {  	_ =	shalt  }
0x87: {  	_ =	shalt  }
.Lfunc_end0:
.L_simem_size_0:
called_computation.2_lowered:
.L_overlay_start_0:
0x88: {  	s2 =	sld [smem:$0x3FD9]  }
0x89: {  	s3 =	sld [smem:$0x3FFE];
	_ =	sdelay $0x1  }
0x8a: {  	s1 =	srdreg.scid  }
0x8b: {  	s0 =	sand.u32 $0x1, s1  }
0x8c: {  	s16 =	sshll.u32 s0, $0xA;
	s2 =	sadd.s32 s3, s2  }
0x8d: {  	s2 =	sadd.s32 s2, s16  }
0x8e: {  	[smem:$0x3FB7] =	sst s2  }
0x8f: {  	_ = 	snop  }
0x90: {  	(tm) =	ssettm $0x1  }
0x91: {  	s17 =	sld [smem:$0x3FFB];
	_ =	sdelay $0x3  }
0x92: {  	_ =	strace s17  }
0x93: {  	s2 =	sld [smem:$0x3FFC];
	_ =	sdelay $0x3  }
0x94: {  	_ =	strace s2  }
0x95: {  	s2 =	sld [smem:$0x3FFD];
	_ =	sdelay $0x3  }
0x96: {  	_ =	strace s2  }
0x97: {  	_ =	strace $0x8FFFFFFF  }
0x98: {  	s18 =	sld [smem:$0x3FDB];
	_ =	sdelay $0x1  }
0x99: {  	s19 =	simm.s32 $_scs_section_size  }
0x9a: {  	s4 =	simm.s32 $_size__tile_overlayer_lowered;
	s5 =	simm.s32 $_tile_overlayer_lowered  }
0x9b: {  	s22 =	simm.s32 $0x1BFF;
	s21 =	sshll.u32 s5, $0x1;
	s2 =	sadd.s32 s19, s18  }
0x9c: {  	s6 =	simm.s32 $0x0;
	s20 =	sshll.u32 s4, $0x1;
	s4 =	sadd.s32 s21, s2  }
0x9d: {  	[timem:s6], [sflag:s22] =	dma.local [hbm:s4], s20  }
0x9e: {  	_ =	swait.ge [sflag:s22], s20  }
0x9f: {  	s3 =	ssub.s32 $0x0, s20;
	[sflag:s22] =	ssyncset.done $0x0  }
0xa0: {  	[sflag:s22] =	ssyncadd.s32 s3;
	_ =	sdelay $0x1  }
0xa1: {  	s23 =	simm.s32 $0x1B8B  }
0xa2: {  	_ =	swait.ge [sflag:s23], $0x1  }
0xa3: {  	[sflag:s23] =	ssyncset.done $0x0  }
0xa4: {  	s25 =	simm.s32 $0x1B8E;
	s24 =	sld [smem:$0x3FFE];
	[sflag:s23] =	ssyncadd.s32 $0xFFFFFFFF  }
0xa5: {  	s26 =	simm.s32 $execute0_lowered;
	[smem:$0x3FD2] =	sst s25  }
0xa6: {  	s4 =	sshll.u32 s26, $0x1;
	_ =	strace $0x8000004C;
	[dreg:$0x1] =	wrdreg $0xFFFFFFFF  }
0xa7: {  	s28 =	simm.s32 $_size_execute0_lowered;
	s2 =	sadd.s32 s2, s4;
	[dreg:$0x0] =	wrdreg $0x0  }
0xa8: {  	s4 =	sshll.u32 s28, $0x1;
	[dreg:$0x2] =	wrdreg s2  }
0xa9: {  	[dreg:$0x3] =	wrdreg s4  }
0xaa: {  	[dreg:$0x4] =	wrdreg $0xC0  }
0xab: {  	_ =	task [dreg:s6], $0x5FFFF  }
0xac: {  	[dreg:$0x1] =	wrdreg $0xFFFFFFFF  }
0xad: {  	[dreg:$0x0] =	wrdreg $0x60  }
0xae: {  	[dreg:$0x2] =	wrdreg s24  }
0xaf: {  	[dreg:$0x3] =	wrdreg $0xA0000  }
0xb0: {  	[dreg:$0x4] =	wrdreg $0x9  }
0xb1: {  	_ =	task.clear_ibuf [dreg:s6], $0x5FFFF;
	_ =	strace $0x9000004C  }
0xb2: {  	s29 =	simm.s32 $0x9;
	_ =	strace $0x8000004E  }
0xb3: {  	_ =	swait.ge [sflag:s29], $0x1  }
0xb4: {  	[sflag:s29] =	ssyncadd.s32 $0xFFFFFFFF  }
0xb5: {  	_ =	strace $0x9000004E  }
0xb6: {  	_ =	sfence  }
0xb7: {  	s30 =	sld [smem:$0x0];
	_ =	sdelay $0x2  }
0xb8: {  	s31 =	sshll.u32 s1, $0xD;
	s1 =	sshrl.u32 s1, $0x2  }
0xb9: {  	s3 =	sand.u32 $0x4000, s31;
	s1 =	sadd.s32 s1, s30  }
0xba: {  	s0 =	sor.u32 s3, s0;
	s1 =	sshll.u32 s1, $0x11  }
0xbb: {  	s0 =	sor.u32 s1, s0  }
0xbc: {  	s0 =	sadd.s32 $0x8F2B, s0  }
0xbd: {  	[sflag:s0] =	ssyncadd.remote.s32 $0x1  }
0xbe: {  	_ =	sfence.sel $0xFFFF  }
0xbf: {  	[dreg:$0x0] =	wrdreg $0xFFFFFFFF;
	(pc) =	sbr.abs _section_cstart, $3  }
0xc0: {  	[dreg:$0x1] =	wrdreg $0xFFFFFFFF  }
0xc1: {  	_ =	task.clear_ibuf [dreg:s6], $0x2FFFF;
	_ =	strace $0x9FFFFFFF  }
0xc2: {  	(tm) =	ssettm $0x7FFFFFFF  }
0xc3: {  	_ =	shalt  }
tec
execute0_lowered:
.L_overlay_start_1:
0x0: {  	(tag) =	ssettag $0x1  }
0x1: {  	s0 =	rddreg [dreg:$0x0]  }
0x2: {  	s1 =	rddreg [dreg:$0x1]  }
0x3: {  	s2 =	simm.s32 $0x0;
	s15 =	stileid.u32;
	s3 =	srdreg.scid  }
0x4: {  	s28 =	simm.s32 $0x1;
	s29 =	simm.s32 $0x2;
	s30 =	simm.s32 $0xF80  }
0x5: {  	s31 =	simm.s32 $0x1F00;
	s16 =	simm.s32 $0x0;
	[smem:$0x7FF] =	sst s2  }
0x6: {  	s4 =	sadd.s32 $0xD200, s0;
	s5 =	sadd.s32 $0x3200, s0;
	s6 =	sadd.s32 $0x52400, s0  }
0x7: {  	s10 =	smul.u32 $0x2700, s15;
	s3 =	sand.u32 $0x1, s3;
	s7 =	sadd.s32 $0x21200, s0  }
0x8: {  	s12 =	smul.u32 $0x4E000, s15;
	s8 =	sadd.s32 $0x17200, s0;
	s9 =	sadd.s32 $0x2B200, s0  }
0x9: {  	s20 =	sadd.s32 $0x124800, s1;
	s21 =	sadd.s32 $0xEC300, s0;
	p1 =	seq.s32 s15, $0xF  }
0xa: {  	_ =	strace $0x8000004D;
	s11 =	ssub.s32 $0x2, s3;
	[dreg:$0x4] =	wrdreg s20  }
0xb: {  	[dreg:$0x5] =	wrdreg s21;
	p0 =	sne.s32 s3, $0x0;
	s13 =	sshrl.u32 s11, $0x1  }
0xc: {  	s14 =	sadd.s32 s10, s0;
	s18 =	sshrl.u32 s12, $0x2;
	s0 =	sadd.s32 $0x9DF00, s0  }
0xd: {  	s13 =	ssub.s32 s11, s13;
	s19 =	sadd.s32 $0xC7A00, s14;
	[dreg:$0x7] =	wrdreg s0  }
0xe: {  	s10 =	sadd.s32 s18, s1;
	s22 =	sadd.s32 $0x79600, s14;
	[dreg:$0x3] =	wrdreg s19  }
0xf: {  	s11 =	smul.u32 $0x5000, s15;
	[dreg:$0x6] =	wrdreg s22;
	s23 =	smax.u32 s13, $0x1  }
.Ltmp0:
0x10: {  	s24 =	sadd.s32 $0x4000, s10;
	[dreg:$0x8] =	wrdreg s23;
	(pc) =	sbr.rel .LBB2_1-.Ltmp0, $4  }
0x11: {  	s0 =	simm.s32 $0x1F80;
	s25 =	sadd.s32 $0x8000, s10;
	[dreg:$0x9] =	wrdreg s24  }
0x12: {  	s26 =	sadd.s32 $0xC000, s10;
	s21 =	sadd.s32 $0x10000, s10;
	[dreg:$0xa] =	wrdreg s25  }
0x13: {  	s22 =	simm.s32 $0x2000;
	[dreg:$0xb] =	wrdreg s26;
	s23 =	simm.s32 $0x3  }
0x14: {  	v0 =	vimm.f32 $0.0e+00;
	s24 =	simm.s32 $0x1000;
	s25 =	simm.s32 $0x80;
	s26 =	simm.s32 $0x6000  }
.LBB2_12:
0x15: {  	s2 =	sadd.s32 $0x1, s2;
	s3 =	rddreg [dreg:$0x8]  }
0x16: {  	p2 =	sne.s32 s2, s3  }
.Ltmp1:
0x17: {  	_ = 	snop;
	(pc) =	sbr.rel @!p2 .LBB2_13-.Ltmp1, $1  }
0x18: {  	_ =	sdelay $0x3  }
.LBB2_1:
0x19: {  	s3 =	simm.s32 $0x0;
	s12 =	simm.s32 $0x200  }
.LBB2_2:
0x1a: {  	p2 =	sne.s32 s12, $0xFE00;
	[tilespmem:s3+$0x2070] =	vst v0  }
0x1b: {  	[tilespmem:s3+$0x2000] =	vst v0  }
0x1c: {  	[tilespmem:s3+$0x2010] =	vst v0  }
.Ltmp2:
0x1d: {  	[tilespmem:s3+$0x2020] =	vst v0;
	(pc) =	sbr.rel @p2 .LBB2_2-.Ltmp2, $4  }
0x1e: {  	[tilespmem:s3+$0x2030] =	vst v0  }
0x1f: {  	[tilespmem:s3+$0x2040] =	vst v0  }
0x20: {  	[tilespmem:s3+$0x2050] =	vst v0  }
0x21: {  	[tilespmem:s3+$0x2060] =	vst v0;
	s3 =	sshra.s32 s12, $0x2;
	s12 =	sadd.s32 $0x200, s12  }
0x22: {  	[tilespmem:s3+$0x2070] =	vst v0  }
0x23: {  	[tilespmem:s3+$0x2000] =	vst v0  }
0x24: {  	[tilespmem:s3+$0x2010] =	vst v0  }
0x25: {  	[tilespmem:s3+$0x2020] =	vst v0  }
0x26: {  	[tilespmem:s3+$0x2030] =	vst v0  }
0x27: {  	[tilespmem:s3+$0x2040] =	vst v0  }
0x28: {  	[tilespmem:s3+$0x2050] =	vst v0  }
0x29: {  	[tilespmem:s3+$0x2060] =	vst v0  }
0x2a: {  	[spmem:s10] =	stream.linear.scatter [tilespmem:s22], [sflag:$0x3], $0x4000, $0x38;
	[tilespmem:$0x1D8C0] =	vst v63  }
0x2b: {  	_ =	swait.ge [sflag:s23], $0x4000  }
0x2c: {  	[sflag:s23] =	ssyncset.done $0x0  }
0x2d: {  	s18 =	rddreg [dreg:$0x9];
	[sflag:s23] =	ssyncadd.s32 $0xFFFFC000  }
0x2e: {  	[spmem:s18] =	stream.linear.scatter [tilespmem:s22], [sflag:$0x3], $0x4000, $0x38;
	[tilespmem:$0x1D8C0] =	vst v63  }
0x2f: {  	_ =	swait.ge [sflag:s23], $0x4000  }
0x30: {  	[sflag:s23] =	ssyncset.done $0x0  }
0x31: {  	s19 =	rddreg [dreg:$0xa];
	[sflag:s23] =	ssyncadd.s32 $0xFFFFC000  }
0x32: {  	[spmem:s19] =	stream.linear.scatter [tilespmem:s22], [sflag:$0x3], $0x4000, $0x38;
	[tilespmem:$0x1D8C0] =	vst v63  }
0x33: {  	_ =	swait.ge [sflag:s23], $0x4000  }
0x34: {  	[sflag:s23] =	ssyncset.done $0x0  }
0x35: {  	s20 =	rddreg [dreg:$0xb];
	[sflag:s23] =	ssyncadd.s32 $0xFFFFC000  }
0x36: {  	[spmem:s20] =	stream.linear.scatter [tilespmem:s22], [sflag:$0x3], $0x4000, $0x38;
	[tilespmem:$0x1D8C0] =	vst v63  }
0x37: {  	_ =	swait.ge [sflag:s23], $0x4000  }
0x38: {  	[sflag:s23] =	ssyncset.done $0x0  }
0x39: {  	[sflag:s23] =	ssyncadd.s32 $0xFFFFC000  }
0x3a: {  	[spmem:s21] =	stream.linear.scatter [tilespmem:s22], [sflag:$0x3], $0x4000, $0x38;
	[tilespmem:$0x1D8C0] =	vst v63  }
0x3b: {  	_ =	swait.ge [sflag:s23], $0x4000  }
0x3c: {  	[sflag:s23] =	ssyncset.done $0x0  }
0x3d: {  	[sflag:s23] =	ssyncadd.s32 $0xFFFFC000  }
.Ltmp3:
0x3e: {  	[bflag:$0x0] =	sbarrier.arrive $0xFFFF;
	(pc) =	sbr.rel @p0 .LBB2_8-.Ltmp3, $4  }
0x3f: {  	s3 =	rddreg [dreg:$0x4]  }
0x40: {  	s15 =	sshrl.u32 @p1 s3, $0x3;
	s3 =	stileid.u32  }
0x41: {  	s12 =	sshrl.u32 @!p1 s10, $0x3;
	s3 =	sshll.u32 @!p1 s3, $0x6  }
0x42: {  	s13 =	simm.s32 $0x0;
	s14 =	sor.u32 @!p1 $0x1C03, s3;
	s3 =	simm.s32 $0x0  }
.LBB2_4:
0x43: {  	s13 =	sshll.u32 s3, $0xC  }
0x44: {  	s13 =	sadd.s32 s11, s13  }
0x45: {  	s13 =	sshrl.u32 s13, $0x3  }
0x46: {  	s17 =	sadd.s32 s4, s13  }
0x47: {  	[tilespmem:s16], [sflag:$0x3] =	stream.linear.gather [hbm4b:s17+s16], $0x1000, $0x38;
	[tilespmem:$0x1D8C0] =	vst v63  }
0x48: {  	_ =	swait.ge [sflag:s23], $0x1000  }
0x49: {  	[sflag:s23] =	ssyncset.done $0x0  }
0x4a: {  	s13 =	sadd.s32 s5, s13;
	[sflag:s23] =	ssyncadd.s32 $0xFFFFF000  }
0x4b: {  	[tilespmem:s24], [sflag:$0x3] =	stream.linear.gather [hbm4b:s13+s16], $0x1000, $0x38;
	[tilespmem:$0x1D8C0] =	vst v63  }
0x4c: {  	_ =	swait.ge [sflag:s23], $0x1000  }
0x4d: {  	[sflag:s23] =	ssyncset.done $0x0  }
0x4e: {  	[sflag:s23] =	ssyncadd.s32 $0xFFFFF000  }
0x4f: {  	[tilespmem:s22], [sflag:$0x1] =	stream.indirect.gather [hbm4b:s6+s25], $0x80, s16, s25, $0xb8;
	[tilespmem:$0x1D8C0] =	vst v63  }
0x50: {  	s17 =	simm.s32 $0x80  }
0x51: {  	[tilespmem:s26], [sflag:$0x2] =	stream.indirect.gather [hbm4b:s6+s25], $0x80, s17, s25, $0xb8;
	[tilespmem:$0x1D8C0] =	vst v63  }
0x52: {  	_ =	swait.ge [sflag:s28], $0x4000  }
0x53: {  	[sflag:s28] =	ssyncset.done $0x0  }
0x54: {  	s18 =	simm.s32 $0x1000;
	[sflag:s28] =	ssyncadd.s32 $0xFFFFC000  }
0x55: {  	[spmem:s1] =	stream.indirect.scatter.add.f32 [tilespmem:s22], [sflag:$0x3], $0x80, s18, s25, $0xb8;
	[tilespmem:$0x1D8C0] =	vst v63  }
0x56: {  	_ =	swait.ge [sflag:s23], $0x4000  }
0x57: {  	[sflag:s23] =	ssyncset.done $0x0  }
0x58: {  	s19 =	simm.s32 $0x100;
	[sflag:s23] =	ssyncadd.s32 $0xFFFFC000  }
0x59: {  	[tilespmem:s22], [sflag:$0x1] =	stream.indirect.gather [hbm4b:s6+s25], $0x80, s19, s25, $0xb8;
	[tilespmem:$0x1D8C0] =	vst v63  }
0x5a: {  	_ =	swait.ge [sflag:s29], $0x4000  }
0x5b: {  	[sflag:s29] =	ssyncset.done $0x0  }
0x5c: {  	s20 =	simm.s32 $0x1080;
	[sflag:s29] =	ssyncadd.s32 $0xFFFFC000  }
0x5d: {  	[spmem:s1] =	stream.indirect.scatter.add.f32 [tilespmem:s26], [sflag:$0x3], $0x80, s20, s25, $0xb8;
	[tilespmem:$0x1D8C0] =	vst v63  }
0x5e: {  	_ =	swait.ge [sflag:s23], $0x4000  }
0x5f: {  	s13 =	simm.s32 $0x100;
	s17 =	simm.s32 $0x800;
	[sflag:s23] =	ssyncset.done $0x0  }
.LBB2_5:
0x60: {  	s18 =	sadd.s32 $0x80, s13  }
0x61: {  	[sflag:s23] =	ssyncadd.s32 $0xFFFFC000;
	s19 =	smov.u32 s17;
	s20 =	sadd.s32 $0x400, s17  }
0x62: {  	[tilespmem:s26], [sflag:$0x2] =	stream.indirect.gather [hbm4b:s6+s25], $0x80, s18, s25, $0xb8;
	[tilespmem:$0x1D8C0] =	vst v63  }
0x63: {  	p2 =	sne.s32 s17, $0x3800;
	_ =	swait.ge [sflag:s28], $0x4000  }
0x64: {  	[sflag:s28] =	ssyncset.done $0x0  }
0x65: {  	s17 =	sadd.s32 $0x1000, s13;
	[sflag:s28] =	ssyncadd.s32 $0xFFFFC000  }
0x66: {  	[spmem:s1] =	stream.indirect.scatter.add.f32 [tilespmem:s22], [sflag:$0x3], $0x80, s17, s25, $0xb8;
	[tilespmem:$0x1D8C0] =	vst v63  }
0x67: {  	_ =	swait.ge [sflag:s23], $0x4000  }
0x68: {  	[sflag:s23] =	ssyncset.done $0x0  }
0x69: {  	s17 =	sadd.s32 $0x100, s13;
	[sflag:s23] =	ssyncadd.s32 $0xFFFFC000  }
0x6a: {  	[tilespmem:s22], [sflag:$0x1] =	stream.indirect.gather [hbm4b:s6+s25], $0x80, s17, s25, $0xb8;
	[tilespmem:$0x1D8C0] =	vst v63  }
0x6b: {  	_ =	swait.ge [sflag:s29], $0x4000  }
.Ltmp4:
0x6c: {  	[sflag:s29] =	ssyncset.done $0x0;
	(pc) =	sbr.rel @p2 .LBB2_5-.Ltmp4, $4  }
0x6d: {  	s13 =	sadd.s32 $0x1080, s13;
	[sflag:s29] =	ssyncadd.s32 $0xFFFFC000  }
0x6e: {  	[spmem:s1] =	stream.indirect.scatter.add.f32 [tilespmem:s26], [sflag:$0x3], $0x80, s13, s25, $0xb8;
	[tilespmem:$0x1D8C0] =	vst v63  }
0x6f: {  	_ =	swait.ge [sflag:s23], $0x4000  }
0x70: {  	s17 =	smov.u32 s20;
	s13 =	sshra.s32 s19, $0x2;
	[sflag:s23] =	ssyncset.done $0x0  }
0x71: {  	s17 =	sadd.s32 $0x80, s13;
	[sflag:s23] =	ssyncadd.s32 $0xFFFFC000  }
0x72: {  	[tilespmem:s26], [sflag:$0x2] =	stream.indirect.gather [hbm4b:s6+s25], $0x80, s17, s25, $0xb8;
	[tilespmem:$0x1D8C0] =	vst v63  }
0x73: {  	_ =	swait.ge [sflag:s28], $0x4000  }
0x74: {  	[sflag:s28] =	ssyncset.done $0x0  }
0x75: {  	s18 =	sadd.s32 $0x1000, s13;
	[sflag:s28] =	ssyncadd.s32 $0xFFFFC000  }
0x76: {  	[spmem:s1] =	stream.indirect.scatter.add.f32 [tilespmem:s22], [sflag:$0x3], $0x80, s18, s25, $0xb8;
	[tilespmem:$0x1D8C0] =	vst v63  }
0x77: {  	_ =	swait.ge [sflag:s23], $0x4000  }
0x78: {  	[sflag:s23] =	ssyncset.done $0x0  }
0x79: {  	s19 =	sadd.s32 $0x100, s13;
	[sflag:s23] =	ssyncadd.s32 $0xFFFFC000  }
0x7a: {  	[tilespmem:s22], [sflag:$0x1] =	stream.indirect.gather [hbm4b:s6+s25], $0x80, s19, s25, $0xb8;
	[tilespmem:$0x1D8C0] =	vst v63  }
0x7b: {  	_ =	swait.ge [sflag:s29], $0x4000  }
0x7c: {  	[sflag:s29] =	ssyncset.done $0x0  }
0x7d: {  	s20 =	sadd.s32 $0x1080, s13;
	[sflag:s29] =	ssyncadd.s32 $0xFFFFC000  }
0x7e: {  	[spmem:s1] =	stream.indirect.scatter.add.f32 [tilespmem:s26], [sflag:$0x3], $0x80, s20, s25, $0xb8;
	[tilespmem:$0x1D8C0] =	vst v63  }
0x7f: {  	_ =	swait.ge [sflag:s23], $0x4000  }
0x80: {  	[sflag:s23] =	ssyncset.done $0x0  }
0x81: {  	[sflag:s23] =	ssyncadd.s32 $0xFFFFC000  }
0x82: {  	[tilespmem:s26], [sflag:$0x2] =	stream.indirect.gather [hbm4b:s6+s25], $0x80, s30, s25, $0xb8;
	[tilespmem:$0x1D8C0] =	vst v63  }
0x83: {  	_ =	swait.ge [sflag:s28], $0x4000  }
0x84: {  	[sflag:s28] =	ssyncset.done $0x0  }
0x85: {  	[sflag:s28] =	ssyncadd.s32 $0xFFFFC000  }
0x86: {  	[spmem:s1] =	stream.indirect.scatter.add.f32 [tilespmem:s22], [sflag:$0x3], $0x80, s31, s25, $0xb8;
	[tilespmem:$0x1D8C0] =	vst v63  }
0x87: {  	_ =	swait.ge [sflag:s23], $0x4000  }
0x88: {  	[sflag:s23] =	ssyncset.done $0x0  }
0x89: {  	[sflag:s23] =	ssyncadd.s32 $0xFFFFC000  }
0x8a: {  	s3 =	sadd.s32 $0x1, s3;
	_ =	swait.ge [sflag:s29], $0x4000  }
0x8b: {  	p2 =	sne.s32 s3, $0x5;
	[sflag:s29] =	ssyncset.done $0x0  }
.Ltmp5:
0x8c: {  	[sflag:s29] =	ssyncadd.s32 $0xFFFFC000;
	(pc) =	sbr.rel @p2 .LBB2_4-.Ltmp5, $4  }
0x8d: {  	[spmem:s1] =	stream.indirect.scatter.add.f32 [tilespmem:s26], [sflag:$0x3], $0x80, s0, s25, $0xb8;
	[tilespmem:$0x1D8C0] =	vst v63  }
0x8e: {  	_ =	swait.ge [sflag:s23], $0x4000  }
0x8f: {  	[sflag:s23] =	ssyncset.done $0x0  }
0x90: {  	[sflag:s23] =	ssyncadd.s32 $0xFFFFC000  }
0x91: {  	[bflag:$0x0] =	sbarrier.arrive $0xFFFF  }
0x92: {  	s3 =	simm.s32 @p1 $0x1FC3;
	s13 =	rddreg [dreg:$0x7]  }
0x93: {  	[hbm:s13], [sflag:s3] =	dma.local @p1 [spmem:s15], $0x2800  }
0x94: {  	s3 =	simm.s32 @p1 $0x3  }
0x95: {  	_ =	swait.ge @p1 [sflag:s3], $0x2800  }
0x96: {  	[sflag:s3] =	ssyncset.done @p1 $0x0  }
0x97: {  	[sflag:s3] =	ssyncadd.s32 @p1 $0xFFFFD800;
	s3 =	rddreg [dreg:$0x6]  }
0x98: {  	[hbm:s3], [sflag:s14] =	dma.local @!p1 [spmem:s12], $0x2700  }
.Ltmp6:
0x99: {  	_ = 	snop;
	(pc) =	sbr.rel .LBB2_12-.Ltmp6, $4  }
0x9a: {  	s3 =	simm.s32 @!p1 $0x3  }
0x9b: {  	_ =	swait.ge @!p1 [sflag:s3], $0x2700  }
0x9c: {  	[sflag:s3] =	ssyncset.done @!p1 $0x0  }
0x9d: {  	[sflag:s3] =	ssyncadd.s32 @!p1 $0xFFFFD900  }
.LBB2_8:
0x9e: {  	s3 =	sshll.u32 s13, $0xC  }
0x9f: {  	s3 =	sadd.s32 s11, s3  }
0xa0: {  	s3 =	sshrl.u32 s3, $0x3  }
0xa1: {  	s17 =	sadd.s32 s7, s3  }
0xa2: {  	[tilespmem:s16], [sflag:$0x3] =	stream.linear.gather [hbm4b:s17+s16], $0x1000, $0x38;
	[tilespmem:$0x1D8C0] =	vst v63  }
0xa3: {  	_ =	swait.ge [sflag:s23], $0x1000  }
0xa4: {  	[sflag:s23] =	ssyncset.done $0x0  }
0xa5: {  	s3 =	sadd.s32 s8, s3;
	[sflag:s23] =	ssyncadd.s32 $0xFFFFF000  }
0xa6: {  	[tilespmem:s24], [sflag:$0x3] =	stream.linear.gather [hbm4b:s3+s16], $0x1000, $0x38;
	[tilespmem:$0x1D8C0] =	vst v63  }
0xa7: {  	_ =	swait.ge [sflag:s23], $0x1000  }
0xa8: {  	[sflag:s23] =	ssyncset.done $0x0  }
0xa9: {  	[sflag:s23] =	ssyncadd.s32 $0xFFFFF000  }
0xaa: {  	[tilespmem:s22], [sflag:$0x1] =	stream.indirect.gather [hbm4b:s9+s25], $0x80, s16, s25, $0xb8;
	[tilespmem:$0x1D8C0] =	vst v63  }
0xab: {  	s17 =	simm.s32 $0x80  }
0xac: {  	[tilespmem:s26], [sflag:$0x2] =	stream.indirect.gather [hbm4b:s9+s25], $0x80, s17, s25, $0xb8;
	[tilespmem:$0x1D8C0] =	vst v63  }
0xad: {  	_ =	swait.ge [sflag:s28], $0x4000  }
0xae: {  	[sflag:s28] =	ssyncset.done $0x0  }
0xaf: {  	s18 =	simm.s32 $0x1000;
	[sflag:s28] =	ssyncadd.s32 $0xFFFFC000  }
0xb0: {  	[spmem:s1] =	stream.indirect.scatter.add.f32 [tilespmem:s22], [sflag:$0x3], $0x80, s18, s25, $0xb8;
	[tilespmem:$0x1D8C0] =	vst v63  }
0xb1: {  	_ =	swait.ge [sflag:s23], $0x4000  }
0xb2: {  	[sflag:s23] =	ssyncset.done $0x0  }
0xb3: {  	s19 =	simm.s32 $0x100;
	[sflag:s23] =	ssyncadd.s32 $0xFFFFC000  }
0xb4: {  	[tilespmem:s22], [sflag:$0x1] =	stream.indirect.gather [hbm4b:s9+s25], $0x80, s19, s25, $0xb8;
	[tilespmem:$0x1D8C0] =	vst v63  }
0xb5: {  	_ =	swait.ge [sflag:s29], $0x4000  }
0xb6: {  	[sflag:s29] =	ssyncset.done $0x0  }
0xb7: {  	s20 =	simm.s32 $0x1080;
	[sflag:s29] =	ssyncadd.s32 $0xFFFFC000  }
0xb8: {  	[spmem:s1] =	stream.indirect.scatter.add.f32 [tilespmem:s26], [sflag:$0x3], $0x80, s20, s25, $0xb8;
	[tilespmem:$0x1D8C0] =	vst v63  }
0xb9: {  	_ =	swait.ge [sflag:s23], $0x4000  }
0xba: {  	s3 =	simm.s32 $0x100;
	s17 =	simm.s32 $0x800;
	[sflag:s23] =	ssyncset.done $0x0  }
.LBB2_9:
0xbb: {  	s18 =	sadd.s32 $0x80, s3  }
0xbc: {  	[sflag:s23] =	ssyncadd.s32 $0xFFFFC000;
	s19 =	smov.u32 s17;
	s20 =	sadd.s32 $0x400, s17  }
0xbd: {  	[tilespmem:s26], [sflag:$0x2] =	stream.indirect.gather [hbm4b:s9+s25], $0x80, s18, s25, $0xb8;
	[tilespmem:$0x1D8C0] =	vst v63  }
0xbe: {  	p2 =	sne.s32 s17, $0x3800;
	_ =	swait.ge [sflag:s28], $0x4000  }
0xbf: {  	[sflag:s28] =	ssyncset.done $0x0  }
0xc0: {  	s17 =	sadd.s32 $0x1000, s3;
	[sflag:s28] =	ssyncadd.s32 $0xFFFFC000  }
0xc1: {  	[spmem:s1] =	stream.indirect.scatter.add.f32 [tilespmem:s22], [sflag:$0x3], $0x80, s17, s25, $0xb8;
	[tilespmem:$0x1D8C0] =	vst v63  }
0xc2: {  	_ =	swait.ge [sflag:s23], $0x4000  }
0xc3: {  	[sflag:s23] =	ssyncset.done $0x0  }
0xc4: {  	s17 =	sadd.s32 $0x100, s3;
	[sflag:s23] =	ssyncadd.s32 $0xFFFFC000  }
0xc5: {  	[tilespmem:s22], [sflag:$0x1] =	stream.indirect.gather [hbm4b:s9+s25], $0x80, s17, s25, $0xb8;
	[tilespmem:$0x1D8C0] =	vst v63  }
0xc6: {  	_ =	swait.ge [sflag:s29], $0x4000  }
.Ltmp7:
0xc7: {  	[sflag:s29] =	ssyncset.done $0x0;
	(pc) =	sbr.rel @p2 .LBB2_9-.Ltmp7, $4  }
0xc8: {  	s3 =	sadd.s32 $0x1080, s3;
	[sflag:s29] =	ssyncadd.s32 $0xFFFFC000  }
0xc9: {  	[spmem:s1] =	stream.indirect.scatter.add.f32 [tilespmem:s26], [sflag:$0x3], $0x80, s3, s25, $0xb8;
	[tilespmem:$0x1D8C0] =	vst v63  }
0xca: {  	_ =	swait.ge [sflag:s23], $0x4000  }
0xcb: {  	s17 =	smov.u32 s20;
	s3 =	sshra.s32 s19, $0x2;
	[sflag:s23] =	ssyncset.done $0x0  }
0xcc: {  	s17 =	sadd.s32 $0x80, s3;
	[sflag:s23] =	ssyncadd.s32 $0xFFFFC000  }
0xcd: {  	[tilespmem:s26], [sflag:$0x2] =	stream.indirect.gather [hbm4b:s9+s25], $0x80, s17, s25, $0xb8;
	[tilespmem:$0x1D8C0] =	vst v63  }
0xce: {  	_ =	swait.ge [sflag:s28], $0x4000  }
0xcf: {  	[sflag:s28] =	ssyncset.done $0x0  }
0xd0: {  	s18 =	sadd.s32 $0x1000, s3;
	[sflag:s28] =	ssyncadd.s32 $0xFFFFC000  }
0xd1: {  	[spmem:s1] =	stream.indirect.scatter.add.f32 [tilespmem:s22], [sflag:$0x3], $0x80, s18, s25, $0xb8;
	[tilespmem:$0x1D8C0] =	vst v63  }
0xd2: {  	_ =	swait.ge [sflag:s23], $0x4000  }
0xd3: {  	[sflag:s23] =	ssyncset.done $0x0  }
0xd4: {  	s19 =	sadd.s32 $0x100, s3;
	[sflag:s23] =	ssyncadd.s32 $0xFFFFC000  }
0xd5: {  	[tilespmem:s22], [sflag:$0x1] =	stream.indirect.gather [hbm4b:s9+s25], $0x80, s19, s25, $0xb8;
	[tilespmem:$0x1D8C0] =	vst v63  }
0xd6: {  	_ =	swait.ge [sflag:s29], $0x4000  }
0xd7: {  	[sflag:s29] =	ssyncset.done $0x0  }
0xd8: {  	s20 =	sadd.s32 $0x1080, s3;
	[sflag:s29] =	ssyncadd.s32 $0xFFFFC000  }
0xd9: {  	[spmem:s1] =	stream.indirect.scatter.add.f32 [tilespmem:s26], [sflag:$0x3], $0x80, s20, s25, $0xb8;
	[tilespmem:$0x1D8C0] =	vst v63  }
0xda: {  	_ =	swait.ge [sflag:s23], $0x4000  }
0xdb: {  	[sflag:s23] =	ssyncset.done $0x0  }
0xdc: {  	[sflag:s23] =	ssyncadd.s32 $0xFFFFC000  }
0xdd: {  	[tilespmem:s26], [sflag:$0x2] =	stream.indirect.gather [hbm4b:s9+s25], $0x80, s30, s25, $0xb8;
	[tilespmem:$0x1D8C0] =	vst v63  }
0xde: {  	_ =	swait.ge [sflag:s28], $0x4000  }
0xdf: {  	[sflag:s28] =	ssyncset.done $0x0  }
0xe0: {  	[sflag:s28] =	ssyncadd.s32 $0xFFFFC000  }
0xe1: {  	[spmem:s1] =	stream.indirect.scatter.add.f32 [tilespmem:s22], [sflag:$0x3], $0x80, s31, s25, $0xb8;
	[tilespmem:$0x1D8C0] =	vst v63  }
0xe2: {  	_ =	swait.ge [sflag:s23], $0x4000  }
0xe3: {  	[sflag:s23] =	ssyncset.done $0x0  }
0xe4: {  	[sflag:s23] =	ssyncadd.s32 $0xFFFFC000  }
0xe5: {  	s13 =	sadd.s32 $0x1, s13;
	_ =	swait.ge [sflag:s29], $0x4000  }
0xe6: {  	p2 =	sne.s32 s13, $0x5;
	[sflag:s29] =	ssyncset.done $0x0  }
.Ltmp8:
0xe7: {  	[sflag:s29] =	ssyncadd.s32 $0xFFFFC000;
	(pc) =	sbr.rel @p2 .LBB2_8-.Ltmp8, $4  }
0xe8: {  	[spmem:s1] =	stream.indirect.scatter.add.f32 [tilespmem:s26], [sflag:$0x3], $0x80, s0, s25, $0xb8;
	[tilespmem:$0x1D8C0] =	vst v63  }
0xe9: {  	_ =	swait.ge [sflag:s23], $0x4000  }
0xea: {  	[sflag:s23] =	ssyncset.done $0x0  }
0xeb: {  	[sflag:s23] =	ssyncadd.s32 $0xFFFFC000  }
0xec: {  	[bflag:$0x0] =	sbarrier.arrive $0xFFFF  }
0xed: {  	s3 =	simm.s32 @p1 $0x1FC3;
	s13 =	rddreg [dreg:$0x5]  }
0xee: {  	[hbm:s13], [sflag:s3] =	dma.local @p1 [spmem:s15], $0x2800  }
0xef: {  	s3 =	simm.s32 @p1 $0x3  }
0xf0: {  	_ =	swait.ge @p1 [sflag:s3], $0x2800  }
0xf1: {  	[sflag:s3] =	ssyncset.done @p1 $0x0  }
0xf2: {  	[sflag:s3] =	ssyncadd.s32 @p1 $0xFFFFD800;
	s3 =	rddreg [dreg:$0x3]  }
0xf3: {  	[hbm:s3], [sflag:s14] =	dma.local @!p1 [spmem:s12], $0x2700  }
.Ltmp9:
0xf4: {  	_ = 	snop;
	(pc) =	sbr.rel .LBB2_12-.Ltmp9, $4  }
0xf5: {  	s3 =	simm.s32 @!p1 $0x3  }
0xf6: {  	_ =	swait.ge @!p1 [sflag:s3], $0x2700  }
0xf7: {  	[sflag:s3] =	ssyncset.done @!p1 $0x0  }
0xf8: {  	[sflag:s3] =	ssyncadd.s32 @!p1 $0xFFFFD900  }
.LBB2_13:
0xf9: {  	_ =	sfence.sel $0x180000  }
0xfa: {  	[bflag:$0x0] =	sbarrier.arrive $0xFFFF  }
0xfb: {  	_ =	strace $0x9000004D  }
0xfc: {  	s0 =	stileid.u32;
	[bflag:$0x2] =	sbarrier.arrive $0xFFFF  }
0xfd: {  	p0 =	sne.s32 s0, $0x0;
	s0 =	rddreg [dreg:$0x2]  }
0xfe: {  	s0 =	sadd.s32 @!p0 $0x100000, s0  }
0xff: {  	[sflag:s0] =	ssyncadd.tile.s32 @!p0 $0x1;
	_ =	shalt  }
.Lfunc_end2:
_tile_overlayer_lowered:
.L_overlay_start_2:
0x100: {  	(tag) =	ssettag $0x2  }
0x101: {  	s0 =	rddreg [dreg:$0x0];
	s2 =	stileid.u32  }
0x102: {  	s1 =	rddreg [dreg:$0x1];
	p0 =	sne.s32 s2, $0x0  }
0x103: {  	s3 =	rddreg [dreg:$0x2];
	[bflag:$0x3] =	sbarrier.arrive $0xFFFF;
	s2 =	simm.s32 @!p0 $0x1C03  }
0x104: {  	[timem:s3], [sflag:s2] =	dma.local @!p0 [hbm:s0], s1  }
0x105: {  	s0 =	simm.s32 @!p0 $0x3  }
0x106: {  	_ =	swait.ge @!p0 [sflag:s0], s1  }
0x107: {  	s1 =	ssub.s32 @!p0 $0x0, s1;
	[sflag:s0] =	ssyncset.done @!p0 $0x0  }
0x108: {  	[sflag:s0] =	ssyncadd.s32 @!p0 s1  }
0x109: {  	[bflag:$0x3] =	sbarrier.arrive $0xFFFF  }
0x10a: {  	_ =	shalt  }

// kernel: kernel.18.cloned.1.call-start
scs
__scs_entry_jumppad:
0x0: {  	(pc) =	sbr.rel $0x88, $3  }
0x1: {  	(tag) =	ssettag $0x0;
	lr =	simm.s32 $0x1  }
0x2: {  	[smem:$0x3F90] =	sst lr;
	_ =	strace $0xD0000000  }
0x3: {  	_ = 	snop  }
0x4: {  	_ = 	snop  }
0x5: {  	_ = 	snop  }
0x6: {  	_ = 	snop  }
0x7: {  	_ = 	snop  }
__scs_overlays_trampoline_lowered:
0x8: {  	[smem:$0x3F9F] =	sst s0  }
0x9: {  	[smem:$0x3FA0] =	sst s1  }
0xa: {  	[smem:$0x3FA1] =	sst s2  }
0xb: {  	[smem:$0x3FA2] =	sst s3  }
0xc: {  	[smem:$0x3FA3] =	sst s4  }
0xd: {  	[smem:$0x3FA4] =	sst s5  }
0xe: {  	[smem:$0x3FA5] =	sst s6  }
0xf: {  	[smem:$0x3FA6] =	sst s7  }
0x10: {  	[smem:$0x3FA7] =	sst s8  }
0x11: {  	[smem:$0x3FA8] =	sst s9;
	s0 =	simm.s32 @!p0 $0x0  }
0x12: {  	s1 =	sld [smem:$0x3F8E];
	s0 =	simm.s32 @p0 $0x1  }
0x13: {  	[smem:$0x3FA9] =	sst s0;
	s0 =	simm.s32 @!p1 $0x0  }
0x14: {  	s2 =	sld [smem:$0x3F8D];
	s0 =	simm.s32 @p1 $0x1  }
0x15: {  	[smem:$0x3FAA] =	sst s0;
	s0 =	simm.s32 @!p2 $0x0  }
0x16: {  	s3 =	sld [smem:$0x3FDB];
	s0 =	simm.s32 @p2 $0x1  }
0x17: {  	s4 =	simm.s32 $0x1BF5;
	[smem:$0x3FAC] =	sst s0  }
0x18: {  	s0 =	sld [smem:$0x3F8F];
	_ =	swait.ge [sflag:s4], $0x0  }
0x19: {  	s7 =	sld [smem:$0x3F90]  }
0x1a: {  	s8 =	sadd.s32 $0xFFFFE003, lr  }
0x1b: {  	s9 =	sadd.s32 $0xFFFFFEF7, lr;
	s5 =	simm.s32 $0xFFFFFFFF;
	p2 =	slt.u32 s8, $0xFFFFF086  }
0x1c: {  	p1 =	slt.u32 s9, $0xF7A;
	s5 =	simm.s32 @!p2 $0x0  }
0x1d: {  	s5 =	simm.s32 @p1 $0x1;
	p0 =	seq.s32 s7, s2  }
0x1e: {  	s7 =	smul.u32 @!p0 $0xF7A, s2;
	p2 =	seq.s32 @!p0 s5, $0x0  }
0x1f: {  	s9 =	smul.u32 $0xF7A, s1;
	s8 =	simm.s32 @!p0 $0x1BF5;
	p2 =	por !p2, p0  }
0x20: {  	[sflag:s8] =	ssyncset.s32 @!p0 $0xFFFFF086;
	s6 =	sadd.s32 @!p0 s3, s7;
	s7 =	simm.s32 @!p0 $0x108  }
0x21: {  	s3 =	sadd.s32 s3, s9;
	s6 =	sadd.s32 @!p0 $0x88, s6;
	s7 =	simm.s32 @p2 $0x1082  }
0x22: {  	[simem:s7], [sflag:s8] =	dma.local @!p0 [hbm:s6], $0xF7A  }
0x23: {  	s9 =	sor.u32 $0xD0000000, s2;
	s6 =	simm.s32 $0x108;
	_ =	swait.ge @!p0 [sflag:s8], $0x0  }
0x24: {  	s3 =	sadd.s32 $0x88, s3;
	s6 =	simm.s32 @!p1 $0x1082;
	[sflag:s4] =	ssyncset.s32 $0xFFFFF086  }
0x25: {  	[simem:s6], [sflag:s4] =	dma.local [hbm:s3], $0xF7A  }
0x26: {  	[smem:$0x3F90] =	sst s1;
	(tag) =	ssettag s2;
	_ =	strace s9  }
0x27: {  	s1 =	sld [smem:$0x3FA0]  }
0x28: {  	s2 =	sld [smem:$0x3FA1]  }
0x29: {  	s4 =	sld [smem:$0x3FA3]  }
0x2a: {  	p0 =	seq.s32 s5, $0x0;
	s5 =	sld [smem:$0x3FA4]  }
0x2b: {  	s6 =	sld [smem:$0x3FA5]  }
0x2c: {  	s7 =	sld [smem:$0x3FA6]  }
0x2d: {  	s3 =	simm.s32 $0x108;
	s8 =	sld [smem:$0x3FA7]  }
0x2e: {  	s3 =	simm.s32 @!p0 $0x1082;
	s9 =	sld [smem:$0x3FA8]  }
0x2f: {  	lr =	sadd.s32 s0, s3;
	s0 =	sld [smem:$0x3F9F]  }
0x30: {  	s3 =	sld [smem:$0x3FA2]  }
0x31: {  	[smem:$0x3FAB] =	sst s10  }
0x32: {  	s10 =	sld [smem:$0x3FA9];
	_ =	sdelay $0x3  }
0x33: {  	p0 =	seq.s32 s10, $0x1;
	s10 =	sld [smem:$0x3FAB];
	_ =	sdelay $0x3  }
0x34: {  	[smem:$0x3FAB] =	sst s10  }
0x35: {  	s10 =	sld [smem:$0x3FAA];
	_ =	sdelay $0x3  }
0x36: {  	p1 =	seq.s32 s10, $0x1;
	s10 =	sld [smem:$0x3FAB];
	_ =	sdelay $0x3  }
0x37: {  	[smem:$0x3FAB] =	sst s10  }
0x38: {  	s10 =	sld [smem:$0x3FAC]  }
0x39: {  	_ = 	snop;
	(pc) =	sbr.ind lr, $3  }
0x3a: {  	_ = 	snop  }
0x3b: {  	_ = 	snop  }
0x3c: {  	p2 =	seq.s32 s10, $0x1;
	s10 =	sld [smem:$0x3FAB]  }
0x3d: {  	_ =	shalt  }
0x3e: {  	_ =	shalt  }
0x3f: {  	_ =	shalt  }
0x40: {  	_ =	shalt  }
0x41: {  	_ =	shalt  }
0x42: {  	_ =	shalt  }
0x43: {  	_ =	shalt  }
0x44: {  	_ =	shalt  }
0x45: {  	_ =	shalt  }
0x46: {  	_ =	shalt  }
0x47: {  	_ =	shalt  }
0x48: {  	_ =	shalt  }
0x49: {  	_ =	shalt  }
0x4a: {  	_ =	shalt  }
0x4b: {  	_ =	shalt  }
0x4c: {  	_ =	shalt  }
0x4d: {  	_ =	shalt  }
0x4e: {  	_ =	shalt  }
0x4f: {  	_ =	shalt  }
0x50: {  	_ =	shalt  }
0x51: {  	_ =	shalt  }
0x52: {  	_ =	shalt  }
0x53: {  	_ =	shalt  }
0x54: {  	_ =	shalt  }
0x55: {  	_ =	shalt  }
0x56: {  	_ =	shalt  }
0x57: {  	_ =	shalt  }
0x58: {  	_ =	shalt  }
0x59: {  	_ =	shalt  }
0x5a: {  	_ =	shalt  }
0x5b: {  	_ =	shalt  }
0x5c: {  	_ =	shalt  }
0x5d: {  	_ =	shalt  }
0x5e: {  	_ =	shalt  }
0x5f: {  	_ =	shalt  }
0x60: {  	_ =	shalt  }
0x61: {  	_ =	shalt  }
0x62: {  	_ =	shalt  }
0x63: {  	_ =	shalt  }
0x64: {  	_ =	shalt  }
0x65: {  	_ =	shalt  }
0x66: {  	_ =	shalt  }
0x67: {  	_ =	shalt  }
0x68: {  	_ =	shalt  }
0x69: {  	_ =	shalt  }
0x6a: {  	_ =	shalt  }
0x6b: {  	_ =	shalt  }
0x6c: {  	_ =	shalt  }
0x6d: {  	_ =	shalt  }
0x6e: {  	_ =	shalt  }
0x6f: {  	_ =	shalt  }
0x70: {  	_ =	shalt  }
0x71: {  	_ =	shalt  }
0x72: {  	_ =	shalt  }
0x73: {  	_ =	shalt  }
0x74: {  	_ =	shalt  }
0x75: {  	_ =	shalt  }
0x76: {  	_ =	shalt  }
0x77: {  	_ =	shalt  }
0x78: {  	_ =	shalt  }
0x79: {  	_ =	shalt  }
0x7a: {  	_ =	shalt  }
0x7b: {  	_ =	shalt  }
0x7c: {  	_ =	shalt  }
0x7d: {  	_ =	shalt  }
0x7e: {  	_ =	shalt  }
0x7f: {  	_ =	shalt  }
0x80: {  	_ =	shalt  }
0x81: {  	_ =	shalt  }
0x82: {  	_ =	shalt  }
0x83: {  	_ =	shalt  }
0x84: {  	_ =	shalt  }
0x85: {  	_ =	shalt  }
0x86: {  	_ =	shalt  }
0x87: {  	_ =	shalt  }
.Lfunc_end0:
.L_simem_size_0:
called_computation.3_lowered:
.L_overlay_start_0:
0x88: {  	s2 =	sld [smem:$0x3FD9]  }
0x89: {  	s3 =	sld [smem:$0x3FFE];
	_ =	sdelay $0x1  }
0x8a: {  	s1 =	srdreg.scid  }
0x8b: {  	s0 =	sand.u32 $0x1, s1  }
0x8c: {  	s16 =	sshll.u32 s0, $0xA;
	s2 =	sadd.s32 s3, s2  }
0x8d: {  	s2 =	sadd.s32 s2, s16  }
0x8e: {  	[smem:$0x3FB7] =	sst s2  }
0x8f: {  	_ = 	snop  }
0x90: {  	(tm) =	ssettm $0x1  }
0x91: {  	s17 =	sld [smem:$0x3FFB];
	_ =	sdelay $0x3  }
0x92: {  	_ =	strace s17  }
0x93: {  	s2 =	sld [smem:$0x3FFC];
	_ =	sdelay $0x3  }
0x94: {  	_ =	strace s2  }
0x95: {  	s2 =	sld [smem:$0x3FFD];
	_ =	sdelay $0x3  }
0x96: {  	_ =	strace s2  }
0x97: {  	_ =	strace $0x8FFFFFFF  }
0x98: {  	s18 =	sld [smem:$0x3FDB];
	_ =	sdelay $0x1  }
0x99: {  	s19 =	simm.s32 $_scs_section_size  }
0x9a: {  	s4 =	simm.s32 $_size__tile_overlayer_lowered;
	s5 =	simm.s32 $_tile_overlayer_lowered  }
0x9b: {  	s22 =	simm.s32 $0x1BFF;
	s21 =	sshll.u32 s5, $0x1;
	s2 =	sadd.s32 s19, s18  }
0x9c: {  	s6 =	simm.s32 $0x0;
	s20 =	sshll.u32 s4, $0x1;
	s4 =	sadd.s32 s21, s2  }
0x9d: {  	[timem:s6], [sflag:s22] =	dma.local [hbm:s4], s20  }
0x9e: {  	_ =	swait.ge [sflag:s22], s20  }
0x9f: {  	s3 =	ssub.s32 $0x0, s20;
	[sflag:s22] =	ssyncset.done $0x0  }
0xa0: {  	[sflag:s22] =	ssyncadd.s32 s3;
	_ =	sdelay $0x1  }
0xa1: {  	s23 =	simm.s32 $0x1B8B  }
0xa2: {  	_ =	swait.ge [sflag:s23], $0x1  }
0xa3: {  	[sflag:s23] =	ssyncset.done $0x0  }
0xa4: {  	s25 =	simm.s32 $0x1B8E;
	s24 =	sld [smem:$0x3FFE];
	[sflag:s23] =	ssyncadd.s32 $0xFFFFFFFF  }
0xa5: {  	s26 =	simm.s32 $execute0_lowered;
	[smem:$0x3FD2] =	sst s25  }
0xa6: {  	s4 =	sshll.u32 s26, $0x1;
	_ =	strace $0x8000004F;
	[dreg:$0x1] =	wrdreg $0xFFFFFFFF  }
0xa7: {  	s28 =	simm.s32 $_size_execute0_lowered;
	s2 =	sadd.s32 s2, s4;
	[dreg:$0x0] =	wrdreg $0x0  }
0xa8: {  	s4 =	sshll.u32 s28, $0x1;
	[dreg:$0x2] =	wrdreg s2  }
0xa9: {  	[dreg:$0x3] =	wrdreg s4  }
0xaa: {  	[dreg:$0x4] =	wrdreg $0xC0  }
0xab: {  	_ =	task [dreg:s6], $0x5FFFF  }
0xac: {  	[dreg:$0x1] =	wrdreg $0xFFFFFFFF  }
0xad: {  	[dreg:$0x0] =	wrdreg $0x60  }
0xae: {  	[dreg:$0x2] =	wrdreg s24  }
0xaf: {  	[dreg:$0x3] =	wrdreg $0x9  }
0xb0: {  	_ =	task.clear_ibuf [dreg:s6], $0x4FFFF;
	_ =	strace $0x9000004F  }
0xb1: {  	s29 =	simm.s32 $0x9;
	_ =	strace $0x80000051  }
0xb2: {  	_ =	swait.ge [sflag:s29], $0x1  }
0xb3: {  	[sflag:s29] =	ssyncadd.s32 $0xFFFFFFFF  }
0xb4: {  	_ =	strace $0x90000051  }
0xb5: {  	_ =	sfence  }
0xb6: {  	s30 =	sld [smem:$0x0];
	_ =	sdelay $0x2  }
0xb7: {  	s31 =	sshll.u32 s1, $0xD;
	s1 =	sshrl.u32 s1, $0x2  }
0xb8: {  	s3 =	sand.u32 $0x4000, s31;
	s1 =	sadd.s32 s1, s30  }
0xb9: {  	s0 =	sor.u32 s3, s0;
	s1 =	sshll.u32 s1, $0x11  }
0xba: {  	s0 =	sor.u32 s1, s0  }
0xbb: {  	s0 =	sadd.s32 $0x8F2B, s0  }
0xbc: {  	[sflag:s0] =	ssyncadd.remote.s32 $0x1  }
0xbd: {  	_ =	sfence.sel $0xFFFF  }
0xbe: {  	[dreg:$0x0] =	wrdreg $0xFFFFFFFF;
	(pc) =	sbr.abs _section_cstart, $3  }
0xbf: {  	[dreg:$0x1] =	wrdreg $0xFFFFFFFF  }
0xc0: {  	_ =	task.clear_ibuf [dreg:s6], $0x2FFFF;
	_ =	strace $0x9FFFFFFF  }
0xc1: {  	(tm) =	ssettm $0x7FFFFFFF  }
tec
execute0_lowered:
.L_overlay_start_1:
0x0: {  	(tag) =	ssettag $0x1  }
0x1: {  	s0 =	rddreg [dreg:$0x0];
	s1 =	simm.s32 $0x0;
	s2 =	srdreg.scid  }
0x2: {  	s6 =	stileid.u32;
	s14 =	simm.s32 $0x5;
	s15 =	simm.s32 $0x80  }
0x3: {  	s16 =	simm.s32 $0x200;
	s17 =	simm.s32 $0x4200;
	s18 =	simm.s32 $0x100  }
0x4: {  	s19 =	simm.s32 $0x180;
	s20 =	simm.s32 $0x8200;
	s21 =	simm.s32 $0xC200  }
0x5: {  	s22 =	simm.s32 $0x1;
	s23 =	simm.s32 $0x2;
	s24 =	simm.s32 $0x10200  }
0x6: {  	s25 =	simm.s32 $0x3;
	s26 =	simm.s32 $0x4;
	s28 =	simm.s32 $0x0  }
0x7: {  	[smem:$0x7FF] =	sst s1;
	s2 =	sand.u32 $0x1, s2;
	s3 =	sadd.s32 $0xF1E00, s0  }
0x8: {  	s4 =	sadd.s32 $0xEEC00, s0;
	s7 =	sadd.s32 $0xF5000, s0;
	s5 =	sshll.u32 s2, $0x4  }
0x9: {  	_ =	strace $0x80000050;
	s29 =	ssub.s32 $0x2, s2;
	s8 =	sor.u32 s6, s5  }
0xa: {  	s5 =	sadd.s32 $0x2A400, s0;
	s10 =	sshrl.u32 s29, $0x1;
	s9 =	smul.u32 $0x64000, s8  }
0xb: {  	s6 =	sadd.s32 $0x3200, s0;
	s30 =	smul.u32 $0x190, s8;
	s0 =	ssub.s32 s29, s10  }
0xc: {  	s8 =	smul.u32 $0x19, s8;
	s13 =	smax.u32 s0, $0x1;
	s9 =	sshrl.u32 s9, $0x3  }
0xd: {  	s31 =	sadd.s32 s3, s30;
	s10 =	sadd.s32 s4, s30;
	s9 =	sadd.s32 s7, s9  }
0xe: {  	s11 =	sadd.s32 $0x2, s8;
	[dreg:$0x2] =	wrdreg s31;
	s12 =	sadd.s32 $0xC000, s9  }
.LBB2_1:
0xf: {  	s0 =	rddreg [dreg:$0x2]  }
0x10: {  	[tilespmem:s1], [sflag:$0x5] =	stream.linear.gather [hbm4b:s0+s1], $0x80, $0x38;
	[tilespmem:$0x14200] =	vst v63  }
0x11: {  	_ =	swait.ge [sflag:s14], $0x80  }
0x12: {  	[sflag:s14] =	ssyncset.done $0x0  }
0x13: {  	[sflag:s14] =	ssyncadd.s32 $0xFFFFFF80  }
0x14: {  	[tilespmem:s15], [sflag:$0x5] =	stream.linear.gather [hbm4b:s10+s1], $0x80, $0x38;
	[tilespmem:$0x14200] =	vst v63  }
0x15: {  	_ =	swait.ge [sflag:s14], $0x80  }
0x16: {  	[sflag:s14] =	ssyncset.done $0x0  }
0x17: {  	[sflag:s14] =	ssyncadd.s32 $0xFFFFFF80  }
0x18: {  	[tilespmem:s16], [sflag:$0x1] =	stream.indirect.gather [hbm4b:s5+s15], $0x80, s1, s15, $0xb8;
	[tilespmem:$0x14200] =	vst v63  }
0x19: {  	s29 =	simm.s32 $0x0  }
0x1a: {  	[tilespmem:s17], [sflag:$0x2] =	stream.indirect.gather [hbm4b:s6+s15], $0x80, s15, s15, $0xb8;
	[tilespmem:$0x14200] =	vst v63  }
.LBB2_2:
0x1b: {  	s31 =	sshll.u32 s29, $0x1  }
0x1c: {  	s0 =	sadd.s32 s31, s8  }
0x1d: {  	s30 =	sadd.s32 $0x1, s0  }
0x1e: {  	s0 =	sshll.u32 s30, $0x4  }
0x1f: {  	s0 =	sand.u32 $0x1FFFFFF0, s0  }
0x20: {  	s9 =	simm.s32 $0x0;
	s2 =	sadd.s32 s3, s0  }
0x21: {  	[tilespmem:s18], [sflag:$0x5] =	stream.linear.gather [hbm4b:s2+s9], $0x80, $0x38;
	[tilespmem:$0x14200] =	vst v63  }
0x22: {  	_ =	swait.ge [sflag:s14], $0x80  }
0x23: {  	[sflag:s14] =	ssyncset.done $0x0  }
0x24: {  	s0 =	sadd.s32 s4, s0;
	[sflag:s14] =	ssyncadd.s32 $0xFFFFFF80  }
0x25: {  	[tilespmem:s19], [sflag:$0x5] =	stream.linear.gather [hbm4b:s0+s9], $0x80, $0x38;
	[tilespmem:$0x14200] =	vst v63  }
0x26: {  	_ =	swait.ge [sflag:s14], $0x80  }
0x27: {  	[sflag:s14] =	ssyncset.done $0x0  }
0x28: {  	[sflag:s14] =	ssyncadd.s32 $0xFFFFFF80  }
0x29: {  	[tilespmem:s20], [sflag:$0x3] =	stream.indirect.gather [hbm4b:s5+s15], $0x80, s18, s15, $0xb8;
	[tilespmem:$0x14200] =	vst v63  }
0x2a: {  	_ = 	snop  }
0x2b: {  	[tilespmem:s21], [sflag:$0x4] =	stream.indirect.gather [hbm4b:s6+s15], $0x80, s19, s15, $0xb8;
	[tilespmem:$0x14200] =	vst v63  }
0x2c: {  	_ =	swait.ge [sflag:s22], $0x4000  }
0x2d: {  	[sflag:s22] =	ssyncset.done $0x0  }
0x2e: {  	[sflag:s22] =	ssyncadd.s32 $0xFFFFC000  }
0x2f: {  	_ =	swait.ge [sflag:s23], $0x4000  }
0x30: {  	[sflag:s23] =	ssyncset.done $0x0  }
0x31: {  	s0 =	simm.s32 $0x0;
	[sflag:s23] =	ssyncadd.s32 $0xFFFFC000  }
0x32: {  	v0 =	vld [tilespmem:s0+$0x200]  }
0x33: {  	v1 =	vld [tilespmem:s0+$0x4200]  }
0x34: {  	v2 =	vld [tilespmem:s0+$0x210]  }
0x35: {  	v3 =	vld [tilespmem:s0+$0x4210]  }
0x36: {  	v4 =	vld [tilespmem:s0+$0x220]  }
0x37: {  	v5 =	vld [tilespmem:s0+$0x4220]  }
0x38: {  	v6 =	vld [tilespmem:s0+$0x230]  }
0x39: {  	v7 =	vld [tilespmem:s0+$0x4230]  }
0x3a: {  	v0 =	vmul.f32 v1, v0;
	v1 =	vmul.f32 v3, v2;
	v2 =	vld [tilespmem:s0+$0x240]  }
0x3b: {  	v3 =	vld [tilespmem:s0+$0x4240]  }
0x3c: {  	v8 =	vld [tilespmem:s0+$0x4250];
	v0 =	vadd.f32 v1, v0;
	v1 =	vmul.f32 v5, v4  }
0x3d: {  	v5 =	vld [tilespmem:s0+$0x250]  }
0x3e: {  	v0 =	vadd.f32 v1, v0;
	v1 =	vmul.f32 v7, v6;
	v6 =	vld [tilespmem:s0+$0x260]  }
0x3f: {  	v7 =	vld [tilespmem:s0+$0x4260]  }
0x40: {  	v4 =	vld [tilespmem:s0+$0x4270];
	v2 =	vmul.f32 v3, v2;
	v9 =	vadd.f32 v1, v0  }
0x41: {  	s2 =	simm.s32 $0x80;
	v1 =	vld [tilespmem:s0+$0x270]  }
0x42: {  	v3 =	vld [tilespmem:s2+$0x210];
	v5 =	vmul.f32 v8, v5;
	v9 =	vadd.f32 v2, v9  }
0x43: {  	v0 =	vld [tilespmem:s2+$0x200]  }
0x44: {  	s9 =	simm.s32 $0x400;
	v2 =	vld [tilespmem:s2+$0x4200];
	v6 =	vmul.f32 v7, v6;
	v5 =	vadd.f32 v5, v9  }
.LBB2_3:
0x45: {  	p0 =	sne.s32 s9, $0xFE00;
	v7 =	vld [tilespmem:s2+$0x4210]  }
0x46: {  	v8 =	vld [tilespmem:s2+$0x220];
	v5 =	vadd.f32 v6, v5;
	v1 =	vmul.f32 v4, v1  }
0x47: {  	v4 =	vld [tilespmem:s2+$0x4220]  }
0x48: {  	v6 =	vld [tilespmem:s2+$0x230];
	v1 =	vadd.f32 v1, v5  }
0x49: {  	v5 =	vld [tilespmem:s2+$0x4230]  }
0x4a: {  	v0 =	vmul.f32 v2, v0;
	v2 =	vmul.f32 v7, v3;
	v3 =	vld [tilespmem:s2+$0x240];
	[tilespmem:s0+$0x10200] =	vst v1;
	s0 =	smov.u32 s2  }
0x4b: {  	v1 =	vld [tilespmem:s0+$0x4240]  }
0x4c: {  	v0 =	vadd.f32 v2, v0;
	v2 =	vmul.f32 v4, v8;
	v7 =	vld [tilespmem:s0+$0x250]  }
0x4d: {  	v8 =	vld [tilespmem:s0+$0x4250]  }
0x4e: {  	v0 =	vadd.f32 v2, v0;
	v2 =	vmul.f32 v5, v6;
	v6 =	vld [tilespmem:s0+$0x260]  }
0x4f: {  	v9 =	vld [tilespmem:s0+$0x4260]  }
.Ltmp0:
0x50: {  	v2 =	vadd.f32 v2, v0;
	v3 =	vmul.f32 v1, v3;
	v1 =	vld [tilespmem:s0+$0x270];
	(pc) =	sbr.rel @p0 .LBB2_3-.Ltmp0, $4  }
0x51: {  	s2 =	sshra.s32 s9, $0x2;
	v4 =	vld [tilespmem:s0+$0x4270]  }
0x52: {  	v0 =	vld [tilespmem:s2+$0x200];
	v5 =	vadd.f32 v3, v2;
	v7 =	vmul.f32 v8, v7  }
0x53: {  	v2 =	vld [tilespmem:s2+$0x4200]  }
0x54: {  	s9 =	sadd.s32 $0x200, s9;
	v3 =	vld [tilespmem:s2+$0x210];
	v5 =	vadd.f32 v7, v5;
	v6 =	vmul.f32 v9, v6  }
0x55: {  	v7 =	vld [tilespmem:s2+$0x4210]  }
0x56: {  	v8 =	vld [tilespmem:s2+$0x220];
	v5 =	vadd.f32 v6, v5;
	v1 =	vmul.f32 v4, v1  }
0x57: {  	v4 =	vld [tilespmem:s2+$0x4220]  }
0x58: {  	v6 =	vld [tilespmem:s2+$0x230];
	v1 =	vadd.f32 v1, v5  }
0x59: {  	v5 =	vld [tilespmem:s2+$0x4230]  }
0x5a: {  	v9 =	vld [tilespmem:s2+$0x240];
	v0 =	vmul.f32 v2, v0;
	v2 =	vmul.f32 v7, v3;
	[tilespmem:s0+$0x10200] =	vst v1  }
0x5b: {  	v1 =	vld [tilespmem:s2+$0x4240]  }
0x5c: {  	v3 =	vld [tilespmem:s2+$0x250];
	v0 =	vadd.f32 v2, v0;
	v2 =	vmul.f32 v4, v8  }
0x5d: {  	v4 =	vld [tilespmem:s2+$0x4250]  }
0x5e: {  	v0 =	vadd.f32 v2, v0;
	v2 =	vmul.f32 v5, v6;
	v5 =	vld [tilespmem:s2+$0x260]  }
0x5f: {  	v6 =	vld [tilespmem:s2+$0x4260]  }
0x60: {  	v7 =	vld [tilespmem:s2+$0x4270];
	v0 =	vadd.f32 v2, v0;
	v1 =	vmul.f32 v1, v9  }
0x61: {  	v2 =	vld [tilespmem:s2+$0x270]  }
0x62: {  	v0 =	vadd.f32 v1, v0;
	v1 =	vmul.f32 v4, v3;
	_ =	sdelay $0x1  }
0x63: {  	v0 =	vadd.f32 v1, v0;
	v1 =	vmul.f32 v6, v5;
	_ =	sdelay $0x1  }
0x64: {  	v0 =	vadd.f32 v1, v0;
	v1 =	vmul.f32 v7, v2;
	_ =	sdelay $0x1  }
0x65: {  	s9 =	sadd.s32 s8, s31;
	v0 =	vadd.f32 v1, v0  }
0x66: {  	s0 =	sshll.u32 s9, $0xB  }
0x67: {  	s31 =	sadd.s32 s31, s11;
	s0 =	sadd.s32 s7, s0;
	[tilespmem:s2+$0x10200] =	vst v0;
	s2 =	simm.s32 $0x0  }
0x68: {  	[hbm4b:s0+s2] =	stream.linear.scatter [tilespmem:s24], [sflag:$0x5], $0x4000, $0x38;
	[tilespmem:$0x14200] =	vst v63  }
0x69: {  	s0 =	sshll.u32 s31, $0x4;
	_ =	swait.ge [sflag:s14], $0x4000  }
0x6a: {  	s0 =	sand.u32 $0x1FFFFFF0, s0;
	[sflag:s14] =	ssyncset.done $0x0  }
0x6b: {  	s9 =	sadd.s32 s3, s0;
	[sflag:s14] =	ssyncadd.s32 $0xFFFFC000  }
0x6c: {  	[tilespmem:s2], [sflag:$0x5] =	stream.linear.gather [hbm4b:s9+s2], $0x80, $0x38;
	[tilespmem:$0x14200] =	vst v63  }
0x6d: {  	_ =	swait.ge [sflag:s14], $0x80  }
0x6e: {  	[sflag:s14] =	ssyncset.done $0x0  }
0x6f: {  	s0 =	sadd.s32 s4, s0;
	[sflag:s14] =	ssyncadd.s32 $0xFFFFFF80  }
0x70: {  	[tilespmem:s15], [sflag:$0x5] =	stream.linear.gather [hbm4b:s0+s2], $0x80, $0x38;
	[tilespmem:$0x14200] =	vst v63  }
0x71: {  	_ =	swait.ge [sflag:s14], $0x80  }
0x72: {  	[sflag:s14] =	ssyncset.done $0x0  }
0x73: {  	[sflag:s14] =	ssyncadd.s32 $0xFFFFFF80  }
0x74: {  	[tilespmem:s16], [sflag:$0x1] =	stream.indirect.gather [hbm4b:s5+s15], $0x80, s2, s15, $0xb8;
	[tilespmem:$0x14200] =	vst v63  }
0x75: {  	_ = 	snop  }
0x76: {  	[tilespmem:s17], [sflag:$0x2] =	stream.indirect.gather [hbm4b:s6+s15], $0x80, s15, s15, $0xb8;
	[tilespmem:$0x14200] =	vst v63  }
0x77: {  	_ =	swait.ge [sflag:s25], $0x4000  }
0x78: {  	[sflag:s25] =	ssyncset.done $0x0  }
0x79: {  	[sflag:s25] =	ssyncadd.s32 $0xFFFFC000  }
0x7a: {  	_ =	swait.ge [sflag:s26], $0x4000  }
0x7b: {  	[sflag:s26] =	ssyncset.done $0x0  }
0x7c: {  	s0 =	simm.s32 $0x0;
	[sflag:s26] =	ssyncadd.s32 $0xFFFFC000  }
0x7d: {  	v0 =	vld [tilespmem:s0+$0x8200]  }
0x7e: {  	v1 =	vld [tilespmem:s0+$0xC200]  }
0x7f: {  	v2 =	vld [tilespmem:s0+$0x8210]  }
0x80: {  	v3 =	vld [tilespmem:s0+$0xC210]  }
0x81: {  	v4 =	vld [tilespmem:s0+$0x8220]  }
0x82: {  	v5 =	vld [tilespmem:s0+$0xC220]  }
0x83: {  	v6 =	vld [tilespmem:s0+$0x8230]  }
0x84: {  	v7 =	vld [tilespmem:s0+$0xC230]  }
0x85: {  	v0 =	vmul.f32 v1, v0;
	v1 =	vmul.f32 v3, v2;
	v2 =	vld [tilespmem:s0+$0x8240]  }
0x86: {  	v3 =	vld [tilespmem:s0+$0xC240]  }
0x87: {  	v8 =	vld [tilespmem:s0+$0xC250];
	v0 =	vadd.f32 v1, v0;
	v1 =	vmul.f32 v5, v4  }
0x88: {  	v5 =	vld [tilespmem:s0+$0x8250]  }
0x89: {  	v0 =	vadd.f32 v1, v0;
	v1 =	vmul.f32 v7, v6;
	v6 =	vld [tilespmem:s0+$0x8260]  }
0x8a: {  	v7 =	vld [tilespmem:s0+$0xC260]  }
0x8b: {  	v4 =	vld [tilespmem:s0+$0xC270];
	v2 =	vmul.f32 v3, v2;
	v63 =	vadd.f32 v1, v0  }
0x8c: {  	s2 =	simm.s32 $0x80;
	v1 =	vld [tilespmem:s0+$0x8270]  }
0x8d: {  	v3 =	vld [tilespmem:s2+$0x8210];
	v5 =	vmul.f32 v8, v5;
	v9 =	vadd.f32 v2, v63  }
0x8e: {  	v0 =	vld [tilespmem:s2+$0x8200]  }
0x8f: {  	s9 =	simm.s32 $0x400;
	v2 =	vld [tilespmem:s2+$0xC200];
	v6 =	vmul.f32 v7, v6;
	v5 =	vadd.f32 v5, v9  }
.LBB2_5:
0x90: {  	p0 =	sne.s32 s9, $0xFE00;
	v7 =	vld [tilespmem:s2+$0xC210]  }
0x91: {  	v8 =	vld [tilespmem:s2+$0x8220];
	v5 =	vadd.f32 v6, v5;
	v1 =	vmul.f32 v4, v1  }
0x92: {  	v4 =	vld [tilespmem:s2+$0xC220]  }
0x93: {  	v6 =	vld [tilespmem:s2+$0x8230];
	v1 =	vadd.f32 v1, v5  }
0x94: {  	v5 =	vld [tilespmem:s2+$0xC230]  }
0x95: {  	v0 =	vmul.f32 v2, v0;
	v2 =	vmul.f32 v7, v3;
	v3 =	vld [tilespmem:s2+$0x8240];
	[tilespmem:s0+$0x10200] =	vst v1;
	s0 =	smov.u32 s2  }
0x96: {  	v1 =	vld [tilespmem:s0+$0xC240]  }
0x97: {  	v0 =	vadd.f32 v2, v0;
	v2 =	vmul.f32 v4, v8;
	v7 =	vld [tilespmem:s0+$0x8250]  }
0x98: {  	v8 =	vld [tilespmem:s0+$0xC250]  }
0x99: {  	v0 =	vadd.f32 v2, v0;
	v2 =	vmul.f32 v5, v6;
	v6 =	vld [tilespmem:s0+$0x8260]  }
0x9a: {  	v9 =	vld [tilespmem:s0+$0xC260]  }
.Ltmp1:
0x9b: {  	v2 =	vadd.f32 v2, v0;
	v3 =	vmul.f32 v1, v3;
	v1 =	vld [tilespmem:s0+$0x8270];
	(pc) =	sbr.rel @p0 .LBB2_5-.Ltmp1, $4  }
0x9c: {  	s2 =	sshra.s32 s9, $0x2;
	v4 =	vld [tilespmem:s0+$0xC270]  }
0x9d: {  	v0 =	vld [tilespmem:s2+$0x8200];
	v5 =	vadd.f32 v3, v2;
	v7 =	vmul.f32 v8, v7  }
0x9e: {  	v2 =	vld [tilespmem:s2+$0xC200]  }
0x9f: {  	s9 =	sadd.s32 $0x200, s9;
	v3 =	vld [tilespmem:s2+$0x8210];
	v5 =	vadd.f32 v7, v5;
	v6 =	vmul.f32 v9, v6  }
0xa0: {  	v7 =	vld [tilespmem:s2+$0xC210]  }
0xa1: {  	v8 =	vld [tilespmem:s2+$0x8220];
	v5 =	vadd.f32 v6, v5;
	v1 =	vmul.f32 v4, v1  }
0xa2: {  	v49 =	vld [tilespmem:s2+$0xC220]  }
0xa3: {  	v50 =	vld [tilespmem:s2+$0x8230];
	v1 =	vadd.f32 v1, v5  }
0xa4: {  	v51 =	vld [tilespmem:s2+$0xC230]  }
0xa5: {  	v9 =	vld [tilespmem:s2+$0x8240];
	v0 =	vmul.f32 v2, v0;
	v52 =	vmul.f32 v7, v3;
	[tilespmem:s0+$0x10200] =	vst v1  }
0xa6: {  	v1 =	vld [tilespmem:s2+$0xC240]  }
0xa7: {  	v53 =	vmul.f32 v49, v8;
	v54 =	vld [tilespmem:s2+$0x8250];
	v0 =	vadd.f32 v52, v0  }
0xa8: {  	v55 =	vld [tilespmem:s2+$0xC250]  }
0xa9: {  	v56 =	vmul.f32 v51, v50;
	v57 =	vld [tilespmem:s2+$0x8260];
	v0 =	vadd.f32 v53, v0  }
0xaa: {  	v58 =	vld [tilespmem:s2+$0xC260]  }
0xab: {  	v59 =	vld [tilespmem:s2+$0x8270];
	v0 =	vadd.f32 v56, v0;
	v1 =	vmul.f32 v1, v9  }
0xac: {  	v60 =	vld [tilespmem:s2+$0xC270]  }
0xad: {  	v61 =	vmul.f32 v55, v54;
	v0 =	vadd.f32 v1, v0;
	_ =	sdelay $0x1  }
0xae: {  	v62 =	vmul.f32 v58, v57;
	v0 =	vadd.f32 v61, v0;
	_ =	sdelay $0x1  }
0xaf: {  	v63 =	vmul.f32 v60, v59;
	v0 =	vadd.f32 v62, v0;
	_ =	sdelay $0x1  }
0xb0: {  	s31 =	sshll.u32 s30, $0xB;
	s29 =	sadd.s32 $0x1, s29;
	v0 =	vadd.f32 v63, v0  }
0xb1: {  	p0 =	sne.s32 s29, $0xC;
	s0 =	sand.u32 $0x1FFFF800, s31  }
.Ltmp2:
0xb2: {  	s0 =	sadd.s32 s7, s0;
	[tilespmem:s2+$0x10200] =	vst v0;
	(pc) =	sbr.rel @p0 .LBB2_2-.Ltmp2, $4  }
0xb3: {  	[hbm4b:s0+s1] =	stream.linear.scatter [tilespmem:s24], [sflag:$0x5], $0x4000, $0x38;
	[tilespmem:$0x14200] =	vst v63  }
0xb4: {  	_ =	swait.ge [sflag:s14], $0x4000  }
0xb5: {  	[sflag:s14] =	ssyncset.done $0x0  }
0xb6: {  	[sflag:s14] =	ssyncadd.s32 $0xFFFFC000  }
0xb7: {  	_ =	swait.ge [sflag:s22], $0x4000  }
0xb8: {  	[sflag:s22] =	ssyncset.done $0x0  }
0xb9: {  	[sflag:s22] =	ssyncadd.s32 $0xFFFFC000  }
0xba: {  	_ =	swait.ge [sflag:s23], $0x4000  }
0xbb: {  	[sflag:s23] =	ssyncset.done $0x0  }
0xbc: {  	s0 =	simm.s32 $0x0;
	[sflag:s23] =	ssyncadd.s32 $0xFFFFC000  }
0xbd: {  	v0 =	vld [tilespmem:s0+$0x200]  }
0xbe: {  	v1 =	vld [tilespmem:s0+$0x4200]  }
0xbf: {  	v2 =	vld [tilespmem:s0+$0x210]  }
0xc0: {  	v3 =	vld [tilespmem:s0+$0x4210]  }
0xc1: {  	v4 =	vld [tilespmem:s0+$0x220]  }
0xc2: {  	v5 =	vld [tilespmem:s0+$0x4220]  }
0xc3: {  	v6 =	vld [tilespmem:s0+$0x230]  }
0xc4: {  	v7 =	vld [tilespmem:s0+$0x4230]  }
0xc5: {  	v0 =	vmul.f32 v1, v0;
	v1 =	vmul.f32 v3, v2;
	v2 =	vld [tilespmem:s0+$0x240]  }
0xc6: {  	v3 =	vld [tilespmem:s0+$0x4240]  }
0xc7: {  	v8 =	vld [tilespmem:s0+$0x4250];
	v0 =	vadd.f32 v1, v0;
	v1 =	vmul.f32 v5, v4  }
0xc8: {  	v5 =	vld [tilespmem:s0+$0x250]  }
0xc9: {  	v0 =	vadd.f32 v1, v0;
	v1 =	vmul.f32 v7, v6;
	v6 =	vld [tilespmem:s0+$0x260]  }
0xca: {  	v7 =	vld [tilespmem:s0+$0x4260]  }
0xcb: {  	v4 =	vld [tilespmem:s0+$0x4270];
	v2 =	vmul.f32 v3, v2;
	v9 =	vadd.f32 v1, v0  }
0xcc: {  	s2 =	simm.s32 $0x80;
	v1 =	vld [tilespmem:s0+$0x270]  }
0xcd: {  	v3 =	vld [tilespmem:s2+$0x210];
	v5 =	vmul.f32 v8, v5;
	v9 =	vadd.f32 v2, v9  }
0xce: {  	v0 =	vld [tilespmem:s2+$0x200]  }
0xcf: {  	s9 =	simm.s32 $0x400;
	v2 =	vld [tilespmem:s2+$0x4200];
	v6 =	vmul.f32 v7, v6;
	v5 =	vadd.f32 v5, v9  }
.LBB2_8:
0xd0: {  	p0 =	sne.s32 s9, $0xFE00;
	v7 =	vld [tilespmem:s2+$0x4210]  }
0xd1: {  	v8 =	vld [tilespmem:s2+$0x220];
	v5 =	vadd.f32 v6, v5;
	v1 =	vmul.f32 v4, v1  }
0xd2: {  	v4 =	vld [tilespmem:s2+$0x4220]  }
0xd3: {  	v6 =	vld [tilespmem:s2+$0x230];
	v1 =	vadd.f32 v1, v5  }
0xd4: {  	v5 =	vld [tilespmem:s2+$0x4230]  }
0xd5: {  	v0 =	vmul.f32 v2, v0;
	v2 =	vmul.f32 v7, v3;
	v3 =	vld [tilespmem:s2+$0x240];
	[tilespmem:s0+$0x10200] =	vst v1;
	s0 =	smov.u32 s2  }
0xd6: {  	v1 =	vld [tilespmem:s0+$0x4240]  }
0xd7: {  	v0 =	vadd.f32 v2, v0;
	v2 =	vmul.f32 v4, v8;
	v7 =	vld [tilespmem:s0+$0x250]  }
0xd8: {  	v8 =	vld [tilespmem:s0+$0x4250]  }
0xd9: {  	v0 =	vadd.f32 v2, v0;
	v2 =	vmul.f32 v5, v6;
	v6 =	vld [tilespmem:s0+$0x260]  }
0xda: {  	v9 =	vld [tilespmem:s0+$0x4260]  }
.Ltmp3:
0xdb: {  	v2 =	vadd.f32 v2, v0;
	v3 =	vmul.f32 v1, v3;
	v1 =	vld [tilespmem:s0+$0x270];
	(pc) =	sbr.rel @p0 .LBB2_8-.Ltmp3, $4  }
0xdc: {  	s2 =	sshra.s32 s9, $0x2;
	v4 =	vld [tilespmem:s0+$0x4270]  }
0xdd: {  	v0 =	vld [tilespmem:s2+$0x200];
	v5 =	vadd.f32 v3, v2;
	v7 =	vmul.f32 v8, v7  }
0xde: {  	v2 =	vld [tilespmem:s2+$0x4200]  }
0xdf: {  	s9 =	sadd.s32 $0x200, s9;
	v3 =	vld [tilespmem:s2+$0x210];
	v5 =	vadd.f32 v7, v5;
	v6 =	vmul.f32 v9, v6  }
0xe0: {  	v7 =	vld [tilespmem:s2+$0x4210]  }
0xe1: {  	v8 =	vld [tilespmem:s2+$0x220];
	v5 =	vadd.f32 v6, v5;
	v1 =	vmul.f32 v4, v1  }
0xe2: {  	v49 =	vld [tilespmem:s2+$0x4220]  }
0xe3: {  	v50 =	vld [tilespmem:s2+$0x230];
	v1 =	vadd.f32 v1, v5  }
0xe4: {  	v51 =	vld [tilespmem:s2+$0x4230]  }
0xe5: {  	v9 =	vld [tilespmem:s2+$0x240];
	v0 =	vmul.f32 v2, v0;
	v52 =	vmul.f32 v7, v3;
	[tilespmem:s0+$0x10200] =	vst v1  }
0xe6: {  	v1 =	vld [tilespmem:s2+$0x4240]  }
0xe7: {  	v53 =	vmul.f32 v49, v8;
	v54 =	vld [tilespmem:s2+$0x250];
	v0 =	vadd.f32 v52, v0  }
0xe8: {  	v55 =	vld [tilespmem:s2+$0x4250]  }
0xe9: {  	v56 =	vmul.f32 v51, v50;
	v57 =	vld [tilespmem:s2+$0x260];
	v0 =	vadd.f32 v53, v0  }
0xea: {  	v58 =	vld [tilespmem:s2+$0x4260]  }
0xeb: {  	v59 =	vld [tilespmem:s2+$0x270];
	v0 =	vadd.f32 v56, v0;
	v1 =	vmul.f32 v1, v9  }
0xec: {  	v60 =	vld [tilespmem:s2+$0x4270]  }
0xed: {  	v61 =	vmul.f32 v55, v54;
	v0 =	vadd.f32 v1, v0;
	_ =	sdelay $0x1  }
0xee: {  	v62 =	vmul.f32 v58, v57;
	v0 =	vadd.f32 v61, v0;
	_ =	sdelay $0x1  }
0xef: {  	v63 =	vmul.f32 v60, v59;
	v0 =	vadd.f32 v62, v0;
	_ =	sdelay $0x1  }
0xf0: {  	s28 =	sadd.s32 $0x1, s28;
	v0 =	vadd.f32 v63, v0  }
0xf1: {  	p0 =	sne.s32 s28, s13  }
.Ltmp4:
0xf2: {  	[tilespmem:s2+$0x10200] =	vst v0;
	(pc) =	sbr.rel @p0 .LBB2_1-.Ltmp4, $4  }
0xf3: {  	[hbm4b:s12+s1] =	stream.linear.scatter [tilespmem:s24], [sflag:$0x5], $0x4000, $0x38;
	[tilespmem:$0x14200] =	vst v63  }
0xf4: {  	_ =	swait.ge [sflag:s14], $0x4000  }
0xf5: {  	[sflag:s14] =	ssyncset.done $0x0  }
0xf6: {  	[sflag:s14] =	ssyncadd.s32 $0xFFFFC000  }
0xf7: {  	_ =	sfence.sel $0x180000  }
0xf8: {  	[bflag:$0x0] =	sbarrier.arrive $0xFFFF  }
0xf9: {  	_ =	strace $0x90000050  }
0xfa: {  	s0 =	stileid.u32;
	[bflag:$0x2] =	sbarrier.arrive $0xFFFF  }
0xfb: {  	p0 =	sne.s32 s0, $0x0;
	s0 =	rddreg [dreg:$0x1]  }
0xfc: {  	s0 =	sadd.s32 @!p0 $0x100000, s0  }
0xfd: {  	[sflag:s0] =	ssyncadd.tile.s32 @!p0 $0x1;
	_ =	shalt  }
.Lfunc_end2:
_tile_overlayer_lowered:
.L_overlay_start_2:
0xfe: {  	(tag) =	ssettag $0x2  }
0xff: {  	s0 =	rddreg [dreg:$0x0];
	s2 =	stileid.u32  }
0x100: {  	s1 =	rddreg [dreg:$0x1];
	p0 =	sne.s32 s2, $0x0  }
0x101: {  	s3 =	rddreg [dreg:$0x2];
	[bflag:$0x3] =	sbarrier.arrive $0xFFFF;
	s2 =	simm.s32 @!p0 $0x1C05  }
0x102: {  	[timem:s3], [sflag:s2] =	dma.local @!p0 [hbm:s0], s1  }
0x103: {  	s0 =	simm.s32 @!p0 $0x5  }
0x104: {  	_ =	swait.ge @!p0 [sflag:s0], s1  }
0x105: {  	s1 =	ssub.s32 @!p0 $0x0, s1;
	[sflag:s0] =	ssyncset.done @!p0 $0x0  }
0x106: {  	[sflag:s0] =	ssyncadd.s32 @!p0 s1  }
0x107: {  	[bflag:$0x3] =	sbarrier.arrive $0xFFFF  }
0x108: {  	_ =	shalt  }

// kernel: kernel.9.cloned.1.call-start
scs
__scs_entry_jumppad:
0x0: {  	(pc) =	sbr.rel $0x88, $3  }
0x1: {  	(tag) =	ssettag $0x0;
	lr =	simm.s32 $0x1  }
0x2: {  	[smem:$0x3F90] =	sst lr;
	_ =	strace $0xD0000000  }
0x3: {  	_ = 	snop  }
0x4: {  	_ = 	snop  }
0x5: {  	_ = 	snop  }
0x6: {  	_ = 	snop  }
0x7: {  	_ = 	snop  }
__scs_overlays_trampoline_lowered:
0x8: {  	[smem:$0x3F9F] =	sst s0  }
0x9: {  	[smem:$0x3FA0] =	sst s1  }
0xa: {  	[smem:$0x3FA1] =	sst s2  }
0xb: {  	[smem:$0x3FA2] =	sst s3  }
0xc: {  	[smem:$0x3FA3] =	sst s4  }
0xd: {  	[smem:$0x3FA4] =	sst s5  }
0xe: {  	[smem:$0x3FA5] =	sst s6  }
0xf: {  	[smem:$0x3FA6] =	sst s7  }
0x10: {  	[smem:$0x3FA7] =	sst s8  }
0x11: {  	[smem:$0x3FA8] =	sst s9;
	s0 =	simm.s32 @!p0 $0x0  }
0x12: {  	s1 =	sld [smem:$0x3F8E];
	s0 =	simm.s32 @p0 $0x1  }
0x13: {  	[smem:$0x3FA9] =	sst s0;
	s0 =	simm.s32 @!p1 $0x0  }
0x14: {  	s2 =	sld [smem:$0x3F8D];
	s0 =	simm.s32 @p1 $0x1  }
0x15: {  	[smem:$0x3FAA] =	sst s0;
	s0 =	simm.s32 @!p2 $0x0  }
0x16: {  	s3 =	sld [smem:$0x3FDB];
	s0 =	simm.s32 @p2 $0x1  }
0x17: {  	s4 =	simm.s32 $0x1BF5;
	[smem:$0x3FAC] =	sst s0  }
0x18: {  	s0 =	sld [smem:$0x3F8F];
	_ =	swait.ge [sflag:s4], $0x0  }
0x19: {  	s7 =	sld [smem:$0x3F90]  }
0x1a: {  	s8 =	sadd.s32 $0xFFFFE003, lr  }
0x1b: {  	s9 =	sadd.s32 $0xFFFFFEF7, lr;
	s5 =	simm.s32 $0xFFFFFFFF;
	p2 =	slt.u32 s8, $0xFFFFF086  }
0x1c: {  	p1 =	slt.u32 s9, $0xF7A;
	s5 =	simm.s32 @!p2 $0x0  }
0x1d: {  	s5 =	simm.s32 @p1 $0x1;
	p0 =	seq.s32 s7, s2  }
0x1e: {  	s7 =	smul.u32 @!p0 $0xF7A, s2;
	p2 =	seq.s32 @!p0 s5, $0x0  }
0x1f: {  	s9 =	smul.u32 $0xF7A, s1;
	s8 =	simm.s32 @!p0 $0x1BF5;
	p2 =	por !p2, p0  }
0x20: {  	[sflag:s8] =	ssyncset.s32 @!p0 $0xFFFFF086;
	s6 =	sadd.s32 @!p0 s3, s7;
	s7 =	simm.s32 @!p0 $0x108  }
0x21: {  	s3 =	sadd.s32 s3, s9;
	s6 =	sadd.s32 @!p0 $0x88, s6;
	s7 =	simm.s32 @p2 $0x1082  }
0x22: {  	[simem:s7], [sflag:s8] =	dma.local @!p0 [hbm:s6], $0xF7A  }
0x23: {  	s9 =	sor.u32 $0xD0000000, s2;
	s6 =	simm.s32 $0x108;
	_ =	swait.ge @!p0 [sflag:s8], $0x0  }
0x24: {  	s3 =	sadd.s32 $0x88, s3;
	s6 =	simm.s32 @!p1 $0x1082;
	[sflag:s4] =	ssyncset.s32 $0xFFFFF086  }
0x25: {  	[simem:s6], [sflag:s4] =	dma.local [hbm:s3], $0xF7A  }
0x26: {  	[smem:$0x3F90] =	sst s1;
	(tag) =	ssettag s2;
	_ =	strace s9  }
0x27: {  	s1 =	sld [smem:$0x3FA0]  }
0x28: {  	s2 =	sld [smem:$0x3FA1]  }
0x29: {  	s4 =	sld [smem:$0x3FA3]  }
0x2a: {  	p0 =	seq.s32 s5, $0x0;
	s5 =	sld [smem:$0x3FA4]  }
0x2b: {  	s6 =	sld [smem:$0x3FA5]  }
0x2c: {  	s7 =	sld [smem:$0x3FA6]  }
0x2d: {  	s3 =	simm.s32 $0x108;
	s8 =	sld [smem:$0x3FA7]  }
0x2e: {  	s3 =	simm.s32 @!p0 $0x1082;
	s9 =	sld [smem:$0x3FA8]  }
0x2f: {  	lr =	sadd.s32 s0, s3;
	s0 =	sld [smem:$0x3F9F]  }
0x30: {  	s3 =	sld [smem:$0x3FA2]  }
0x31: {  	[smem:$0x3FAB] =	sst s10  }
0x32: {  	s10 =	sld [smem:$0x3FA9];
	_ =	sdelay $0x3  }
0x33: {  	p0 =	seq.s32 s10, $0x1;
	s10 =	sld [smem:$0x3FAB];
	_ =	sdelay $0x3  }
0x34: {  	[smem:$0x3FAB] =	sst s10  }
0x35: {  	s10 =	sld [smem:$0x3FAA];
	_ =	sdelay $0x3  }
0x36: {  	p1 =	seq.s32 s10, $0x1;
	s10 =	sld [smem:$0x3FAB];
	_ =	sdelay $0x3  }
0x37: {  	[smem:$0x3FAB] =	sst s10  }
0x38: {  	s10 =	sld [smem:$0x3FAC]  }
0x39: {  	_ = 	snop;
	(pc) =	sbr.ind lr, $3  }
0x3a: {  	_ = 	snop  }
0x3b: {  	_ = 	snop  }
0x3c: {  	p2 =	seq.s32 s10, $0x1;
	s10 =	sld [smem:$0x3FAB]  }
0x3d: {  	_ =	shalt  }
0x3e: {  	_ =	shalt  }
0x3f: {  	_ =	shalt  }
0x40: {  	_ =	shalt  }
0x41: {  	_ =	shalt  }
0x42: {  	_ =	shalt  }
0x43: {  	_ =	shalt  }
0x44: {  	_ =	shalt  }
0x45: {  	_ =	shalt  }
0x46: {  	_ =	shalt  }
0x47: {  	_ =	shalt  }
0x48: {  	_ =	shalt  }
0x49: {  	_ =	shalt  }
0x4a: {  	_ =	shalt  }
0x4b: {  	_ =	shalt  }
0x4c: {  	_ =	shalt  }
0x4d: {  	_ =	shalt  }
0x4e: {  	_ =	shalt  }
0x4f: {  	_ =	shalt  }
0x50: {  	_ =	shalt  }
0x51: {  	_ =	shalt  }
0x52: {  	_ =	shalt  }
0x53: {  	_ =	shalt  }
0x54: {  	_ =	shalt  }
0x55: {  	_ =	shalt  }
0x56: {  	_ =	shalt  }
0x57: {  	_ =	shalt  }
0x58: {  	_ =	shalt  }
0x59: {  	_ =	shalt  }
0x5a: {  	_ =	shalt  }
0x5b: {  	_ =	shalt  }
0x5c: {  	_ =	shalt  }
0x5d: {  	_ =	shalt  }
0x5e: {  	_ =	shalt  }
0x5f: {  	_ =	shalt  }
0x60: {  	_ =	shalt  }
0x61: {  	_ =	shalt  }
0x62: {  	_ =	shalt  }
0x63: {  	_ =	shalt  }
0x64: {  	_ =	shalt  }
0x65: {  	_ =	shalt  }
0x66: {  	_ =	shalt  }
0x67: {  	_ =	shalt  }
0x68: {  	_ =	shalt  }
0x69: {  	_ =	shalt  }
0x6a: {  	_ =	shalt  }
0x6b: {  	_ =	shalt  }
0x6c: {  	_ =	shalt  }
0x6d: {  	_ =	shalt  }
0x6e: {  	_ =	shalt  }
0x6f: {  	_ =	shalt  }
0x70: {  	_ =	shalt  }
0x71: {  	_ =	shalt  }
0x72: {  	_ =	shalt  }
0x73: {  	_ =	shalt  }
0x74: {  	_ =	shalt  }
0x75: {  	_ =	shalt  }
0x76: {  	_ =	shalt  }
0x77: {  	_ =	shalt  }
0x78: {  	_ =	shalt  }
0x79: {  	_ =	shalt  }
0x7a: {  	_ =	shalt  }
0x7b: {  	_ =	shalt  }
0x7c: {  	_ =	shalt  }
0x7d: {  	_ =	shalt  }
0x7e: {  	_ =	shalt  }
0x7f: {  	_ =	shalt  }
0x80: {  	_ =	shalt  }
0x81: {  	_ =	shalt  }
0x82: {  	_ =	shalt  }
0x83: {  	_ =	shalt  }
0x84: {  	_ =	shalt  }
0x85: {  	_ =	shalt  }
0x86: {  	_ =	shalt  }
0x87: {  	_ =	shalt  }
.Lfunc_end0:
.L_simem_size_0:
called_computation_lowered:
.L_overlay_start_0:
0x88: {  	s2 =	sld [smem:$0x3FD9]  }
0x89: {  	s3 =	sld [smem:$0x3FFE];
	_ =	sdelay $0x1  }
0x8a: {  	s1 =	srdreg.scid  }
0x8b: {  	s0 =	sand.u32 $0x1, s1  }
0x8c: {  	s17 =	sshll.u32 s0, $0xA;
	s2 =	sadd.s32 s3, s2  }
0x8d: {  	s2 =	sadd.s32 s2, s17  }
0x8e: {  	[smem:$0x3FB7] =	sst s2  }
0x8f: {  	_ = 	snop  }
0x90: {  	(tm) =	ssettm $0x1  }
0x91: {  	s18 =	sld [smem:$0x3FFB];
	_ =	sdelay $0x3  }
0x92: {  	_ =	strace s18  }
0x93: {  	s2 =	sld [smem:$0x3FFC];
	_ =	sdelay $0x3  }
0x94: {  	_ =	strace s2  }
0x95: {  	s2 =	sld [smem:$0x3FFD];
	_ =	sdelay $0x3  }
0x96: {  	_ =	strace s2  }
0x97: {  	_ =	strace $0x8FFFFFFF  }
0x98: {  	s19 =	sld [smem:$0x3FDB];
	_ =	sdelay $0x1  }
0x99: {  	s20 =	simm.s32 $_scs_section_size  }
0x9a: {  	s4 =	simm.s32 $_size__tile_overlayer_lowered;
	s5 =	simm.s32 $_tile_overlayer_lowered  }
0x9b: {  	s6 =	simm.s32 $0x1BFF;
	s21 =	sshll.u32 s5, $0x1;
	s3 =	sadd.s32 s20, s19  }
0x9c: {  	s22 =	simm.s32 $0x0;
	s4 =	sshll.u32 s4, $0x1;
	s5 =	sadd.s32 s21, s3  }
0x9d: {  	[timem:s22], [sflag:s6] =	dma.local [hbm:s5], s4  }
0x9e: {  	_ =	swait.ge [sflag:s6], s4  }
0x9f: {  	s4 =	ssub.s32 $0x0, s4;
	[sflag:s6] =	ssyncset.done $0x0  }
0xa0: {  	[sflag:s6] =	ssyncadd.s32 s4;
	_ =	sdelay $0x1  }
0xa1: {  	s23 =	simm.s32 $0x1B8B  }
0xa2: {  	_ =	swait.ge [sflag:s23], $0x1  }
0xa3: {  	[sflag:s23] =	ssyncset.done $0x0  }
0xa4: {  	[sflag:s23] =	ssyncadd.s32 $0xFFFFFFFF  }
0xa5: {  	s4 =	sld [smem:$0x0]  }
0xa6: {  	s5 =	sand.u32 $0xFFFFFFFE, s1  }
0xa7: {  	p0 =	sne.s32 s1, s5  }
0xa8: {  	s5 =	sshll.u32 @p0 s5, $0xE  }
0xa9: {  	s5 =	sadd.s32 @p0 $0x11B8D, s5;
	s6 =	sshll.u32 @p0 s4, $0x11  }
0xaa: {  	s5 =	sor.u32 @p0 s6, s5  }
0xab: {  	[sflag:s5] =	ssyncadd.remote.s32 @p0 $0x1;
	_ =	sdelay $0x1  }
0xac: {  	s5 =	simm.s32 @p0 $0x1B8D  }
0xad: {  	_ =	swait.eq @p0 [sflag:s5], $0x1  }
0xae: {  	[sflag:s5] =	ssyncadd.s32 @p0 $0xFFFFFFFF  }
0xaf: {  	s6 =	sshll.u32 @!p0 s1, $0xE  }
0xb0: {  	s6 =	sor.u32 @!p0 $0x4000, s6;
	s5 =	simm.s32 @!p0 $0x1B8D  }
0xb1: {  	s4 =	sshll.u32 @!p0 s4, $0x11;
	s6 =	sadd.s32 @!p0 $0x11B8D, s6;
	_ =	swait.eq @!p0 [sflag:s5], $0x1  }
0xb2: {  	s4 =	sor.u32 @!p0 s4, s6;
	[sflag:s5] =	ssyncadd.s32 @!p0 $0xFFFFFFFF  }
0xb3: {  	s25 =	simm.s32 $0x1B8E;
	s24 =	sld [smem:$0x3FFE];
	[sflag:s4] =	ssyncadd.remote.s32 @!p0 $0x1  }
0xb4: {  	s26 =	simm.s32 $execute0_lowered;
	[smem:$0x3FD2] =	sst s25  }
0xb5: {  	s5 =	sshll.u32 s26, $0x1;
	_ =	strace $0x80000049;
	[dreg:$0x1] =	wrdreg $0xFFFFFFFF  }
0xb6: {  	s28 =	simm.s32 $_size_execute0_lowered;
	s3 =	sadd.s32 s3, s5;
	[dreg:$0x0] =	wrdreg $0x0  }
0xb7: {  	s5 =	sshll.u32 s28, $0x1;
	[dreg:$0x2] =	wrdreg s3  }
0xb8: {  	[dreg:$0x3] =	wrdreg s5  }
0xb9: {  	[dreg:$0x4] =	wrdreg $0xC0  }
0xba: {  	_ =	task [dreg:s22], $0x5FFFF  }
0xbb: {  	[dreg:$0x1] =	wrdreg $0xFFFFFFFF  }
0xbc: {  	[dreg:$0x0] =	wrdreg $0x60  }
0xbd: {  	[dreg:$0x2] =	wrdreg s24  }
0xbe: {  	[dreg:$0x3] =	wrdreg $0x50000  }
0xbf: {  	[dreg:$0x4] =	wrdreg $0x9  }
0xc0: {  	_ =	task.clear_ibuf [dreg:s22], $0x5FFFF;
	_ =	strace $0x90000049  }
0xc1: {  	s29 =	simm.s32 $0x9;
	_ =	strace $0x8000004B  }
0xc2: {  	_ =	swait.ge [sflag:s29], $0x1  }
0xc3: {  	[sflag:s29] =	ssyncadd.s32 $0xFFFFFFFF  }
0xc4: {  	_ =	strace $0x9000004B  }
0xc5: {  	_ =	sfence  }
0xc6: {  	s30 =	sld [smem:$0x0];
	_ =	sdelay $0x2  }
0xc7: {  	s31 =	sshll.u32 s1, $0xD;
	s1 =	sshrl.u32 s1, $0x2  }
0xc8: {  	s4 =	sand.u32 $0x4000, s31;
	s1 =	sadd.s32 s1, s30  }
0xc9: {  	s0 =	sor.u32 s4, s0;
	s1 =	sshll.u32 s1, $0x11  }
0xca: {  	s0 =	sor.u32 s1, s0  }
0xcb: {  	s0 =	sadd.s32 $0x8F2B, s0  }
0xcc: {  	[sflag:s0] =	ssyncadd.remote.s32 $0x1  }
0xcd: {  	_ =	sfence.sel $0xFFFF  }
0xce: {  	[dreg:$0x0] =	wrdreg $0xFFFFFFFF;
	(pc) =	sbr.abs _section_cstart, $3  }
0xcf: {  	[dreg:$0x1] =	wrdreg $0xFFFFFFFF  }
0xd0: {  	_ =	task.clear_ibuf [dreg:s22], $0x2FFFF;
	_ =	strace $0x9FFFFFFF  }
0xd1: {  	(tm) =	ssettm $0x7FFFFFFF  }
tec
execute0_lowered:
.L_overlay_start_1:
0x0: {  	(tag) =	ssettag $0x1  }
0x1: {  	s0 =	rddreg [dreg:$0x0]  }
0x2: {  	s2 =	rddreg [dreg:$0x1];
	s9 =	stileid.u32;
	s3 =	simm.s32 $0x0  }
0x3: {  	s4 =	srdreg.scid;
	s15 =	simm.s32 $0x1000;
	s1 =	smul.u32 $0xA00, s9  }
0x4: {  	[smem:$0x7FF] =	sst s3;
	s6 =	smul.u32 $0x2700, s9;
	s20 =	sadd.s32 $0x124800, s2  }
0x5: {  	s21 =	sadd.s32 $0xC5100, s0;
	_ =	strace $0x8000004A;
	[dreg:$0x7] =	wrdreg s20  }
0x6: {  	s16 =	simm.s32 $0x2;
	s4 =	sand.u32 $0x1, s4;
	[dreg:$0x8] =	wrdreg s21  }
0x7: {  	s1 =	sadd.s32 s1, s0;
	s6 =	sadd.s32 s6, s0;
	s0 =	sadd.s32 $0x9DF00, s0  }
0x8: {  	s5 =	smul.u32 $0x4E000, s9;
	s19 =	sadd.s32 $0xA0800, s6;
	[dreg:$0xa] =	wrdreg s0  }
0x9: {  	s7 =	ssub.s32 $0x2, s4;
	s22 =	sadd.s32 $0x79600, s6;
	[dreg:$0x6] =	wrdreg s19  }
0xa: {  	s8 =	sshrl.u32 s7, $0x1;
	s28 =	sadd.s32 $0x17200, s1;
	[dreg:$0x9] =	wrdreg s22  }
0xb: {  	s5 =	sshrl.u32 s5, $0x2;
	s30 =	sadd.s32 $0x3200, s1;
	[dreg:$0x3] =	wrdreg s28  }
0xc: {  	s7 =	ssub.s32 s7, s8;
	s25 =	sadd.s32 s5, s2;
	[dreg:$0x4] =	wrdreg s30  }
0xd: {  	s17 =	simm.s32 $0x80;
	s23 =	smax.u32 s7, $0x1;
	[dreg:$0x5] =	wrdreg s25  }
.Ltmp0:
0xe: {  	s24 =	sadd.s32 $0x4000, s25;
	[dreg:$0xb] =	wrdreg s23;
	(pc) =	sbr.rel .LBB2_1-.Ltmp0, $4  }
0xf: {  	p1 =	seq.s32 s9, $0xF;
	s26 =	sadd.s32 $0x8000, s25;
	[dreg:$0xc] =	wrdreg s24  }
0x10: {  	p0 =	sne.s32 s4, $0x0;
	s29 =	sadd.s32 $0xC000, s25;
	[dreg:$0xd] =	wrdreg s26  }
0x11: {  	s0 =	simm.s32 $0x0;
	s31 =	sadd.s32 $0x10000, s25;
	[dreg:$0xe] =	wrdreg s29  }
0x12: {  	v0 =	vimm.f32 $0.0e+00;
	v1 =	vimm.f32 $1.000000000e+00;
	s22 =	simm.s32 $0x1;
	[dreg:$0xf] =	wrdreg s31;
	s26 =	simm.s32 $0x100  }
.LBB2_11:
0x13: {  	s23 =	sadd.s32 s23, s25;
	[sflag:s22] =	ssyncadd.s32 $0xFFFFC000  }
0x14: {  	[tilespmem:s3], [sflag:$0x2] =	stream.linear.gather [hbm4b:s23+s3], $0x1000, $0x38;
	[tilespmem:$0x188C0] =	vst v63  }
0x15: {  	_ =	swait.ge [sflag:s16], $0x1000  }
0x16: {  	[sflag:s16] =	ssyncset.done $0x0  }
0x17: {  	[sflag:s16] =	ssyncadd.s32 $0xFFFFF000  }
0x18: {  	[spmem:s2] =	stream.indirect.scatter.add.f32 [tilespmem:s15], [sflag:$0x1], $0x80, s3, s17, $0xb8;
	[tilespmem:$0x188C0] =	vst v63  }
0x19: {  	_ = 	snop  }
0x1a: {  	[spmem:s2] =	stream.indirect.scatter.add.f32 [tilespmem:s15], [sflag:$0x1], $0x80, s17, s17, $0xb8;
	[tilespmem:$0x188C0] =	vst v63  }
0x1b: {  	_ = 	snop  }
0x1c: {  	[spmem:s2] =	stream.indirect.scatter.add.f32 [tilespmem:s15], [sflag:$0x1], $0x80, s26, s17, $0xb8;
	[tilespmem:$0x188C0] =	vst v63  }
0x1d: {  	_ = 	snop  }
0x1e: {  	[spmem:s2] =	stream.indirect.scatter.add.f32 [tilespmem:s15], [sflag:$0x1], $0x80, s31, s17, $0xb8;
	[tilespmem:$0x188C0] =	vst v63  }
0x1f: {  	_ = 	snop  }
0x20: {  	[spmem:s2] =	stream.indirect.scatter.add.f32 [tilespmem:s15], [sflag:$0x1], $0x80, s19, s17, $0xb8;
	[tilespmem:$0x188C0] =	vst v63  }
0x21: {  	_ = 	snop  }
0x22: {  	[spmem:s2] =	stream.indirect.scatter.add.f32 [tilespmem:s15], [sflag:$0x1], $0x80, s18, s17, $0xb8;
	[tilespmem:$0x188C0] =	vst v63  }
0x23: {  	_ = 	snop  }
0x24: {  	[spmem:s2] =	stream.indirect.scatter.add.f32 [tilespmem:s15], [sflag:$0x1], $0x80, s21, s17, $0xb8;
	[tilespmem:$0x188C0] =	vst v63  }
0x25: {  	_ = 	snop  }
0x26: {  	[spmem:s2] =	stream.indirect.scatter.add.f32 [tilespmem:s15], [sflag:$0x1], $0x80, s10, s17, $0xb8;
	[tilespmem:$0x188C0] =	vst v63  }
0x27: {  	_ = 	snop  }
0x28: {  	[spmem:s2] =	stream.indirect.scatter.add.f32 [tilespmem:s15], [sflag:$0x1], $0x80, s12, s17, $0xb8;
	[tilespmem:$0x188C0] =	vst v63  }
0x29: {  	_ = 	snop  }
0x2a: {  	[spmem:s2] =	stream.indirect.scatter.add.f32 [tilespmem:s15], [sflag:$0x1], $0x80, s14, s17, $0xb8;
	[tilespmem:$0x188C0] =	vst v63  }
0x2b: {  	_ = 	snop  }
0x2c: {  	[spmem:s2] =	stream.indirect.scatter.add.f32 [tilespmem:s15], [sflag:$0x1], $0x80, s29, s17, $0xb8;
	[tilespmem:$0x188C0] =	vst v63  }
0x2d: {  	_ = 	snop  }
0x2e: {  	[spmem:s2] =	stream.indirect.scatter.add.f32 [tilespmem:s15], [sflag:$0x1], $0x80, s30, s17, $0xb8;
	[tilespmem:$0x188C0] =	vst v63  }
0x2f: {  	_ = 	snop  }
0x30: {  	[spmem:s2] =	stream.indirect.scatter.add.f32 [tilespmem:s15], [sflag:$0x1], $0x80, s11, s17, $0xb8;
	[tilespmem:$0x188C0] =	vst v63  }
0x31: {  	_ = 	snop  }
0x32: {  	[spmem:s2] =	stream.indirect.scatter.add.f32 [tilespmem:s15], [sflag:$0x1], $0x80, s28, s17, $0xb8;
	[tilespmem:$0x188C0] =	vst v63  }
0x33: {  	_ = 	snop  }
0x34: {  	[spmem:s2] =	stream.indirect.scatter.add.f32 [tilespmem:s15], [sflag:$0x1], $0x80, s20, s17, $0xb8;
	[tilespmem:$0x188C0] =	vst v63  }
0x35: {  	_ = 	snop  }
0x36: {  	[spmem:s2] =	stream.indirect.scatter.add.f32 [tilespmem:s15], [sflag:$0x1], $0x80, s1, s17, $0xb8;
	[tilespmem:$0x188C0] =	vst v63  }
0x37: {  	_ = 	snop  }
0x38: {  	[spmem:s2] =	stream.indirect.scatter.add.f32 [tilespmem:s15], [sflag:$0x1], $0x80, s0, s17, $0xb8;
	[tilespmem:$0x188C0] =	vst v63  }
0x39: {  	_ = 	snop  }
0x3a: {  	[spmem:s2] =	stream.indirect.scatter.add.f32 [tilespmem:s15], [sflag:$0x1], $0x80, s5, s17, $0xb8;
	[tilespmem:$0x188C0] =	vst v63  }
0x3b: {  	_ = 	snop  }
0x3c: {  	[spmem:s2] =	stream.indirect.scatter.add.f32 [tilespmem:s15], [sflag:$0x1], $0x80, s4, s17, $0xb8;
	[tilespmem:$0x188C0] =	vst v63  }
0x3d: {  	_ = 	snop  }
0x3e: {  	[spmem:s2] =	stream.indirect.scatter.add.f32 [tilespmem:s15], [sflag:$0x1], $0x80, s13, s17, $0xb8;
	[tilespmem:$0x188C0] =	vst v63  }
0x3f: {  	_ = 	snop  }
0x40: {  	[spmem:s2] =	stream.indirect.scatter.add.f32 [tilespmem:s15], [sflag:$0x1], $0x80, s7, s17, $0xb8;
	[tilespmem:$0x188C0] =	vst v63  }
0x41: {  	_ = 	snop  }
0x42: {  	[spmem:s2] =	stream.indirect.scatter.add.f32 [tilespmem:s15], [sflag:$0x1], $0x80, s6, s17, $0xb8;
	[tilespmem:$0x188C0] =	vst v63  }
0x43: {  	_ = 	snop  }
0x44: {  	[spmem:s2] =	stream.indirect.scatter.add.f32 [tilespmem:s15], [sflag:$0x1], $0x80, s9, s17, $0xb8;
	[tilespmem:$0x188C0] =	vst v63  }
0x45: {  	_ = 	snop  }
0x46: {  	[spmem:s2] =	stream.indirect.scatter.add.f32 [tilespmem:s15], [sflag:$0x1], $0x80, s8, s17, $0xb8;
	[tilespmem:$0x188C0] =	vst v63  }
0x47: {  	s21 =	simm.s32 $0xC00  }
0x48: {  	[spmem:s2] =	stream.indirect.scatter.add.f32 [tilespmem:s15], [sflag:$0x1], $0x80, s21, s17, $0xb8;
	[tilespmem:$0x188C0] =	vst v63  }
0x49: {  	s23 =	simm.s32 $0xC80  }
0x4a: {  	[spmem:s2] =	stream.indirect.scatter.add.f32 [tilespmem:s15], [sflag:$0x1], $0x80, s23, s17, $0xb8;
	[tilespmem:$0x188C0] =	vst v63  }
0x4b: {  	s24 =	simm.s32 $0xD00  }
0x4c: {  	[spmem:s2] =	stream.indirect.scatter.add.f32 [tilespmem:s15], [sflag:$0x1], $0x80, s24, s17, $0xb8;
	[tilespmem:$0x188C0] =	vst v63  }
0x4d: {  	s25 =	simm.s32 $0xD80  }
0x4e: {  	[spmem:s2] =	stream.indirect.scatter.add.f32 [tilespmem:s15], [sflag:$0x1], $0x80, s25, s17, $0xb8;
	[tilespmem:$0x188C0] =	vst v63  }
0x4f: {  	s28 =	simm.s32 $0xE00  }
0x50: {  	[spmem:s2] =	stream.indirect.scatter.add.f32 [tilespmem:s15], [sflag:$0x1], $0x80, s28, s17, $0xb8;
	[tilespmem:$0x188C0] =	vst v63  }
0x51: {  	s29 =	simm.s32 $0xE80  }
0x52: {  	[spmem:s2] =	stream.indirect.scatter.add.f32 [tilespmem:s15], [sflag:$0x1], $0x80, s29, s17, $0xb8;
	[tilespmem:$0x188C0] =	vst v63  }
0x53: {  	s30 =	simm.s32 $0xF00  }
0x54: {  	[spmem:s2] =	stream.indirect.scatter.add.f32 [tilespmem:s15], [sflag:$0x1], $0x80, s30, s17, $0xb8;
	[tilespmem:$0x188C0] =	vst v63  }
0x55: {  	s31 =	simm.s32 $0xF80  }
0x56: {  	[spmem:s2] =	stream.indirect.scatter.add.f32 [tilespmem:s15], [sflag:$0x1], $0x80, s31, s17, $0xb8;
	[tilespmem:$0x188C0] =	vst v63  }
0x57: {  	_ =	swait.ge [sflag:s22], $0x4000  }
0x58: {  	[sflag:s22] =	ssyncset.done $0x0  }
0x59: {  	[sflag:s22] =	ssyncadd.s32 $0xFFFFC000  }
0x5a: {  	_ =	swait.ge [sflag:s22], $0x4000  }
0x5b: {  	[sflag:s22] =	ssyncset.done $0x0  }
0x5c: {  	[sflag:s22] =	ssyncadd.s32 $0xFFFFC000  }
0x5d: {  	_ =	swait.ge [sflag:s22], $0x4000  }
0x5e: {  	[sflag:s22] =	ssyncset.done $0x0  }
0x5f: {  	[sflag:s22] =	ssyncadd.s32 $0xFFFFC000  }
0x60: {  	_ =	swait.ge [sflag:s22], $0x4000  }
0x61: {  	[sflag:s22] =	ssyncset.done $0x0  }
0x62: {  	[sflag:s22] =	ssyncadd.s32 $0xFFFFC000  }
0x63: {  	_ =	swait.ge [sflag:s22], $0x4000  }
0x64: {  	[sflag:s22] =	ssyncset.done $0x0  }
0x65: {  	[sflag:s22] =	ssyncadd.s32 $0xFFFFC000  }
0x66: {  	_ =	swait.ge [sflag:s22], $0x4000  }
0x67: {  	[sflag:s22] =	ssyncset.done $0x0  }
0x68: {  	[sflag:s22] =	ssyncadd.s32 $0xFFFFC000  }
0x69: {  	_ =	swait.ge [sflag:s22], $0x4000  }
0x6a: {  	[sflag:s22] =	ssyncset.done $0x0  }
0x6b: {  	[sflag:s22] =	ssyncadd.s32 $0xFFFFC000  }
0x6c: {  	_ =	swait.ge [sflag:s22], $0x4000  }
0x6d: {  	[sflag:s22] =	ssyncset.done $0x0  }
0x6e: {  	[sflag:s22] =	ssyncadd.s32 $0xFFFFC000  }
0x6f: {  	_ =	swait.ge [sflag:s22], $0x4000  }
0x70: {  	[sflag:s22] =	ssyncset.done $0x0  }
0x71: {  	[sflag:s22] =	ssyncadd.s32 $0xFFFFC000  }
0x72: {  	_ =	swait.ge [sflag:s22], $0x4000  }
0x73: {  	[sflag:s22] =	ssyncset.done $0x0  }
0x74: {  	[sflag:s22] =	ssyncadd.s32 $0xFFFFC000  }
0x75: {  	_ =	swait.ge [sflag:s22], $0x4000  }
0x76: {  	[sflag:s22] =	ssyncset.done $0x0  }
0x77: {  	[sflag:s22] =	ssyncadd.s32 $0xFFFFC000  }
0x78: {  	_ =	swait.ge [sflag:s22], $0x4000  }
0x79: {  	[sflag:s22] =	ssyncset.done $0x0  }
0x7a: {  	[sflag:s22] =	ssyncadd.s32 $0xFFFFC000  }
0x7b: {  	_ =	swait.ge [sflag:s22], $0x4000  }
0x7c: {  	[sflag:s22] =	ssyncset.done $0x0  }
0x7d: {  	[sflag:s22] =	ssyncadd.s32 $0xFFFFC000  }
0x7e: {  	_ =	swait.ge [sflag:s22], $0x4000  }
0x7f: {  	[sflag:s22] =	ssyncset.done $0x0  }
0x80: {  	[sflag:s22] =	ssyncadd.s32 $0xFFFFC000  }
0x81: {  	_ =	swait.ge [sflag:s22], $0x4000  }
0x82: {  	[sflag:s22] =	ssyncset.done $0x0  }
0x83: {  	[sflag:s22] =	ssyncadd.s32 $0xFFFFC000  }
0x84: {  	_ =	swait.ge [sflag:s22], $0x4000  }
0x85: {  	[sflag:s22] =	ssyncset.done $0x0  }
0x86: {  	[sflag:s22] =	ssyncadd.s32 $0xFFFFC000  }
0x87: {  	_ =	swait.ge [sflag:s22], $0x4000  }
0x88: {  	[sflag:s22] =	ssyncset.done $0x0  }
0x89: {  	[sflag:s22] =	ssyncadd.s32 $0xFFFFC000  }
0x8a: {  	_ =	swait.ge [sflag:s22], $0x4000  }
0x8b: {  	[sflag:s22] =	ssyncset.done $0x0  }
0x8c: {  	[sflag:s22] =	ssyncadd.s32 $0xFFFFC000  }
0x8d: {  	_ =	swait.ge [sflag:s22], $0x4000  }
0x8e: {  	[sflag:s22] =	ssyncset.done $0x0  }
0x8f: {  	[sflag:s22] =	ssyncadd.s32 $0xFFFFC000  }
0x90: {  	_ =	swait.ge [sflag:s22], $0x4000  }
0x91: {  	[sflag:s22] =	ssyncset.done $0x0  }
0x92: {  	[sflag:s22] =	ssyncadd.s32 $0xFFFFC000  }
0x93: {  	_ =	swait.ge [sflag:s22], $0x4000  }
0x94: {  	[sflag:s22] =	ssyncset.done $0x0  }
0x95: {  	[sflag:s22] =	ssyncadd.s32 $0xFFFFC000  }
0x96: {  	_ =	swait.ge [sflag:s22], $0x4000  }
0x97: {  	[sflag:s22] =	ssyncset.done $0x0  }
0x98: {  	[sflag:s22] =	ssyncadd.s32 $0xFFFFC000  }
0x99: {  	_ =	swait.ge [sflag:s22], $0x4000  }
0x9a: {  	[sflag:s22] =	ssyncset.done $0x0  }
0x9b: {  	[sflag:s22] =	ssyncadd.s32 $0xFFFFC000  }
0x9c: {  	_ =	swait.ge [sflag:s22], $0x4000  }
0x9d: {  	[sflag:s22] =	ssyncset.done $0x0  }
0x9e: {  	[sflag:s22] =	ssyncadd.s32 $0xFFFFC000  }
0x9f: {  	_ =	swait.ge [sflag:s22], $0x4000  }
0xa0: {  	[sflag:s22] =	ssyncset.done $0x0  }
0xa1: {  	[sflag:s22] =	ssyncadd.s32 $0xFFFFC000  }
0xa2: {  	_ =	swait.ge [sflag:s22], $0x4000  }
0xa3: {  	[sflag:s22] =	ssyncset.done $0x0  }
0xa4: {  	[sflag:s22] =	ssyncadd.s32 $0xFFFFC000  }
0xa5: {  	_ =	swait.ge [sflag:s22], $0x4000  }
0xa6: {  	[sflag:s22] =	ssyncset.done $0x0  }
0xa7: {  	[sflag:s22] =	ssyncadd.s32 $0xFFFFC000  }
0xa8: {  	_ =	swait.ge [sflag:s22], $0x4000  }
0xa9: {  	[sflag:s22] =	ssyncset.done $0x0  }
0xaa: {  	[sflag:s22] =	ssyncadd.s32 $0xFFFFC000  }
0xab: {  	_ =	swait.ge [sflag:s22], $0x4000  }
0xac: {  	[sflag:s22] =	ssyncset.done $0x0  }
0xad: {  	[sflag:s22] =	ssyncadd.s32 $0xFFFFC000  }
0xae: {  	_ =	swait.ge [sflag:s22], $0x4000  }
0xaf: {  	[sflag:s22] =	ssyncset.done $0x0  }
0xb0: {  	[sflag:s22] =	ssyncadd.s32 $0xFFFFC000  }
0xb1: {  	_ =	swait.ge [sflag:s22], $0x4000  }
0xb2: {  	[sflag:s22] =	ssyncset.done $0x0  }
0xb3: {  	[sflag:s22] =	ssyncadd.s32 $0xFFFFC000  }
0xb4: {  	_ =	swait.ge [sflag:s22], $0x4000  }
0xb5: {  	[sflag:s22] =	ssyncset.done $0x0  }
0xb6: {  	[sflag:s22] =	ssyncadd.s32 $0xFFFFC000  }
0xb7: {  	[bflag:$0x0] =	sbarrier.arrive $0xFFFF  }
0xb8: {  	s24 =	rddreg [dreg:$0x8]  }
0xb9: {  	s23 =	simm.s32 @p1 $0x1FC2;
	s0 =	rddreg [dreg:$0x13]  }
0xba: {  	[hbm:s24], [sflag:s23] =	dma.local @p1 [spmem:s0], $0x2800  }
0xbb: {  	s23 =	simm.s32 @p1 $0x2  }
0xbc: {  	_ =	swait.ge @p1 [sflag:s23], $0x2800  }
0xbd: {  	s0 =	rddreg [dreg:$0x11]  }
0xbe: {  	[sflag:s23] =	ssyncset.done @p1 $0x0;
	s1 =	rddreg [dreg:$0x12]  }
0xbf: {  	[sflag:s23] =	ssyncadd.s32 @p1 $0xFFFFD800;
	s23 =	rddreg [dreg:$0x6]  }
0xc0: {  	[hbm:s23], [sflag:s1] =	dma.local @!p1 [spmem:s0], $0x2700  }
0xc1: {  	s23 =	simm.s32 @!p1 $0x2  }
0xc2: {  	_ =	swait.ge @!p1 [sflag:s23], $0x2700  }
0xc3: {  	[sflag:s23] =	ssyncset.done @!p1 $0x0  }
0xc4: {  	s0 =	rddreg [dreg:$0x10];
	[sflag:s23] =	ssyncadd.s32 @!p1 $0xFFFFD900  }
.LBB2_12:
0xc5: {  	s0 =	sadd.s32 $0x1, s0;
	s23 =	rddreg [dreg:$0xb]  }
0xc6: {  	p2 =	sne.s32 s0, s23  }
.Ltmp1:
0xc7: {  	_ = 	snop;
	(pc) =	sbr.rel @!p2 .LBB2_13-.Ltmp1, $2  }
0xc8: {  	_ =	sdelay $0x2  }
0xc9: {  	s25 =	rddreg [dreg:$0x5]  }
.LBB2_1:
0xca: {  	s23 =	simm.s32 $0x0;
	s24 =	simm.s32 $0x200  }
.LBB2_2:
0xcb: {  	p2 =	sne.s32 s24, $0xFE00;
	[tilespmem:s23+$0x1070] =	vst v0  }
0xcc: {  	[tilespmem:s23+$0x1000] =	vst v0  }
0xcd: {  	[tilespmem:s23+$0x1010] =	vst v0  }
.Ltmp2:
0xce: {  	[tilespmem:s23+$0x1020] =	vst v0;
	(pc) =	sbr.rel @p2 .LBB2_2-.Ltmp2, $4  }
0xcf: {  	[tilespmem:s23+$0x1030] =	vst v0  }
0xd0: {  	[tilespmem:s23+$0x1040] =	vst v0  }
0xd1: {  	[tilespmem:s23+$0x1050] =	vst v0  }
0xd2: {  	[tilespmem:s23+$0x1060] =	vst v0;
	s23 =	sshra.s32 s24, $0x2;
	s24 =	sadd.s32 $0x200, s24  }
0xd3: {  	[tilespmem:s23+$0x1070] =	vst v0  }
0xd4: {  	[tilespmem:s23+$0x1000] =	vst v0  }
0xd5: {  	[tilespmem:s23+$0x1010] =	vst v0  }
0xd6: {  	[tilespmem:s23+$0x1020] =	vst v0  }
0xd7: {  	[tilespmem:s23+$0x1030] =	vst v0  }
0xd8: {  	[tilespmem:s23+$0x1040] =	vst v0  }
0xd9: {  	[tilespmem:s23+$0x1050] =	vst v0  }
0xda: {  	[tilespmem:s23+$0x1060] =	vst v0  }
0xdb: {  	[spmem:s25] =	stream.linear.scatter [tilespmem:s15], [sflag:$0x2], $0x4000, $0x38;
	[tilespmem:$0x188C0] =	vst v63  }
0xdc: {  	_ =	swait.ge [sflag:s16], $0x4000  }
0xdd: {  	[sflag:s16] =	ssyncset.done $0x0  }
0xde: {  	s28 =	rddreg [dreg:$0xc];
	[sflag:s16] =	ssyncadd.s32 $0xFFFFC000  }
0xdf: {  	[spmem:s28] =	stream.linear.scatter [tilespmem:s15], [sflag:$0x2], $0x4000, $0x38;
	[tilespmem:$0x188C0] =	vst v63  }
0xe0: {  	_ =	swait.ge [sflag:s16], $0x4000  }
0xe1: {  	[sflag:s16] =	ssyncset.done $0x0  }
0xe2: {  	s29 =	rddreg [dreg:$0xd];
	[sflag:s16] =	ssyncadd.s32 $0xFFFFC000  }
0xe3: {  	[spmem:s29] =	stream.linear.scatter [tilespmem:s15], [sflag:$0x2], $0x4000, $0x38;
	[tilespmem:$0x188C0] =	vst v63  }
0xe4: {  	_ =	swait.ge [sflag:s16], $0x4000  }
0xe5: {  	[sflag:s16] =	ssyncset.done $0x0  }
0xe6: {  	s30 =	rddreg [dreg:$0xe];
	[sflag:s16] =	ssyncadd.s32 $0xFFFFC000  }
0xe7: {  	[spmem:s30] =	stream.linear.scatter [tilespmem:s15], [sflag:$0x2], $0x4000, $0x38;
	[tilespmem:$0x188C0] =	vst v63  }
0xe8: {  	_ =	swait.ge [sflag:s16], $0x4000  }
0xe9: {  	[sflag:s16] =	ssyncset.done $0x0  }
0xea: {  	s31 =	rddreg [dreg:$0xf];
	[sflag:s16] =	ssyncadd.s32 $0xFFFFC000  }
0xeb: {  	[spmem:s31] =	stream.linear.scatter [tilespmem:s15], [sflag:$0x2], $0x4000, $0x38;
	[tilespmem:$0x188C0] =	vst v63  }
0xec: {  	_ =	swait.ge [sflag:s16], $0x4000  }
0xed: {  	[sflag:s16] =	ssyncset.done $0x0  }
0xee: {  	s23 =	simm.s32 $0x0;
	s24 =	simm.s32 $0x200;
	[sflag:s16] =	ssyncadd.s32 $0xFFFFC000  }
.LBB2_4:
0xef: {  	p2 =	sne.s32 s24, $0xFE00;
	[tilespmem:s23+$0x1070] =	vst v1  }
0xf0: {  	[tilespmem:s23+$0x1000] =	vst v1  }
0xf1: {  	[tilespmem:s23+$0x1010] =	vst v1  }
.Ltmp3:
0xf2: {  	[tilespmem:s23+$0x1020] =	vst v1;
	(pc) =	sbr.rel @p2 .LBB2_4-.Ltmp3, $4  }
0xf3: {  	[tilespmem:s23+$0x1030] =	vst v1  }
0xf4: {  	[tilespmem:s23+$0x1040] =	vst v1  }
0xf5: {  	[tilespmem:s23+$0x1050] =	vst v1  }
0xf6: {  	[tilespmem:s23+$0x1060] =	vst v1;
	s23 =	sshra.s32 s24, $0x2;
	s24 =	sadd.s32 $0x200, s24  }
0xf7: {  	[tilespmem:s23+$0x1070] =	vst v1  }
0xf8: {  	[tilespmem:s23+$0x1000] =	vst v1  }
0xf9: {  	[tilespmem:s23+$0x1010] =	vst v1  }
0xfa: {  	[tilespmem:s23+$0x1020] =	vst v1  }
0xfb: {  	[tilespmem:s23+$0x1030] =	vst v1  }
0xfc: {  	[tilespmem:s23+$0x1040] =	vst v1  }
0xfd: {  	[tilespmem:s23+$0x1050] =	vst v1  }
0xfe: {  	[dreg:$0x10] =	wrdreg s0;
	[tilespmem:s23+$0x1060] =	vst v1  }
0xff: {  	[bflag:$0x0] =	sbarrier.arrive $0xFFFF  }
.Ltmp4:
0x100: {  	s24 =	rddreg [dreg:$0x7];
	(pc) =	sbr.rel @p0 .LBB2_9-.Ltmp4, $4  }
0x101: {  	s23 =	stileid.u32;
	s0 =	sshrl.u32 @p1 s24, $0x3  }
0x102: {  	s23 =	sshll.u32 @!p1 s23, $0x6;
	[dreg:$0x13] =	wrdreg s0;
	s0 =	sshrl.u32 @!p1 s25, $0x3  }
0x103: {  	[dreg:$0x11] =	wrdreg s0;
	s0 =	sor.u32 @!p1 $0x1C02, s23  }
0x104: {  	[dreg:$0x12] =	wrdreg s0  }
0x105: {  	s23 =	rddreg [dreg:$0x4]  }
0x106: {  	s23 =	sadd.s32 $0x0, s23  }
0x107: {  	[tilespmem:s3], [sflag:$0x2] =	stream.linear.gather [hbm4b:s23+s3], $0x1000, $0x38;
	[tilespmem:$0x188C0] =	vst v63  }
0x108: {  	_ =	swait.ge [sflag:s16], $0x1000  }
0x109: {  	[sflag:s16] =	ssyncset.done $0x0  }
0x10a: {  	[sflag:s16] =	ssyncadd.s32 $0xFFFFF000  }
0x10b: {  	[spmem:s2] =	stream.indirect.scatter.add.f32 [tilespmem:s15], [sflag:$0x1], $0x80, s3, s17, $0xb8;
	[tilespmem:$0x188C0] =	vst v63  }
0x10c: {  	_ = 	snop  }
0x10d: {  	[spmem:s2] =	stream.indirect.scatter.add.f32 [tilespmem:s15], [sflag:$0x1], $0x80, s17, s17, $0xb8;
	[tilespmem:$0x188C0] =	vst v63  }
0x10e: {  	_ = 	snop  }
0x10f: {  	[spmem:s2] =	stream.indirect.scatter.add.f32 [tilespmem:s15], [sflag:$0x1], $0x80, s26, s17, $0xb8;
	[tilespmem:$0x188C0] =	vst v63  }
0x110: {  	s0 =	simm.s32 $0x180  }
0x111: {  	[spmem:s2] =	stream.indirect.scatter.add.f32 [tilespmem:s15], [sflag:$0x1], $0x80, s0, s17, $0xb8;
	[tilespmem:$0x188C0] =	vst v63  }
0x112: {  	s18 =	simm.s32 $0x200  }
0x113: {  	[spmem:s2] =	stream.indirect.scatter.add.f32 [tilespmem:s15], [sflag:$0x1], $0x80, s18, s17, $0xb8;
	[tilespmem:$0x188C0] =	vst v63  }
0x114: {  	s19 =	simm.s32 $0x280  }
0x115: {  	[spmem:s2] =	stream.indirect.scatter.add.f32 [tilespmem:s15], [sflag:$0x1], $0x80, s19, s17, $0xb8;
	[tilespmem:$0x188C0] =	vst v63  }
0x116: {  	s20 =	simm.s32 $0x300  }
0x117: {  	[spmem:s2] =	stream.indirect.scatter.add.f32 [tilespmem:s15], [sflag:$0x1], $0x80, s20, s17, $0xb8;
	[tilespmem:$0x188C0] =	vst v63  }
0x118: {  	s21 =	simm.s32 $0x380  }
0x119: {  	[spmem:s2] =	stream.indirect.scatter.add.f32 [tilespmem:s15], [sflag:$0x1], $0x80, s21, s17, $0xb8;
	[tilespmem:$0x188C0] =	vst v63  }
0x11a: {  	s23 =	simm.s32 $0x400  }
0x11b: {  	[spmem:s2] =	stream.indirect.scatter.add.f32 [tilespmem:s15], [sflag:$0x1], $0x80, s23, s17, $0xb8;
	[tilespmem:$0x188C0] =	vst v63  }
0x11c: {  	s24 =	simm.s32 $0x480  }
0x11d: {  	[spmem:s2] =	stream.indirect.scatter.add.f32 [tilespmem:s15], [sflag:$0x1], $0x80, s24, s17, $0xb8;
	[tilespmem:$0x188C0] =	vst v63  }
0x11e: {  	s25 =	simm.s32 $0x500  }
0x11f: {  	[spmem:s2] =	stream.indirect.scatter.add.f32 [tilespmem:s15], [sflag:$0x1], $0x80, s25, s17, $0xb8;
	[tilespmem:$0x188C0] =	vst v63  }
0x120: {  	s26 =	simm.s32 $0x580  }
0x121: {  	[spmem:s2] =	stream.indirect.scatter.add.f32 [tilespmem:s15], [sflag:$0x1], $0x80, s26, s17, $0xb8;
	[tilespmem:$0x188C0] =	vst v63  }
0x122: {  	s4 =	simm.s32 $0x600  }
0x123: {  	[spmem:s2] =	stream.indirect.scatter.add.f32 [tilespmem:s15], [sflag:$0x1], $0x80, s4, s17, $0xb8;
	[tilespmem:$0x188C0] =	vst v63  }
0x124: {  	s5 =	simm.s32 $0x680  }
0x125: {  	[spmem:s2] =	stream.indirect.scatter.add.f32 [tilespmem:s15], [sflag:$0x1], $0x80, s5, s17, $0xb8;
	[tilespmem:$0x188C0] =	vst v63  }
0x126: {  	s6 =	simm.s32 $0x700  }
0x127: {  	[spmem:s2] =	stream.indirect.scatter.add.f32 [tilespmem:s15], [sflag:$0x1], $0x80, s6, s17, $0xb8;
	[tilespmem:$0x188C0] =	vst v63  }
0x128: {  	s7 =	simm.s32 $0x780  }
0x129: {  	[spmem:s2] =	stream.indirect.scatter.add.f32 [tilespmem:s15], [sflag:$0x1], $0x80, s7, s17, $0xb8;
	[tilespmem:$0x188C0] =	vst v63  }
0x12a: {  	s4 =	simm.s32 $0x800  }
0x12b: {  	[spmem:s2] =	stream.indirect.scatter.add.f32 [tilespmem:s15], [sflag:$0x1], $0x80, s4, s17, $0xb8;
	[tilespmem:$0x188C0] =	vst v63  }
0x12c: {  	s8 =	simm.s32 $0x880  }
0x12d: {  	[spmem:s2] =	stream.indirect.scatter.add.f32 [tilespmem:s15], [sflag:$0x1], $0x80, s8, s17, $0xb8;
	[tilespmem:$0x188C0] =	vst v63  }
0x12e: {  	s6 =	simm.s32 $0x900  }
0x12f: {  	[spmem:s2] =	stream.indirect.scatter.add.f32 [tilespmem:s15], [sflag:$0x1], $0x80, s6, s17, $0xb8;
	[tilespmem:$0x188C0] =	vst v63  }
0x130: {  	s9 =	simm.s32 $0x980  }
0x131: {  	[spmem:s2] =	stream.indirect.scatter.add.f32 [tilespmem:s15], [sflag:$0x1], $0x80, s9, s17, $0xb8;
	[tilespmem:$0x188C0] =	vst v63  }
0x132: {  	s23 =	simm.s32 $0xA00  }
0x133: {  	[spmem:s2] =	stream.indirect.scatter.add.f32 [tilespmem:s15], [sflag:$0x1], $0x80, s23, s17, $0xb8;
	[tilespmem:$0x188C0] =	vst v63  }
0x134: {  	s8 =	simm.s32 $0xA80  }
0x135: {  	[spmem:s2] =	stream.indirect.scatter.add.f32 [tilespmem:s15], [sflag:$0x1], $0x80, s8, s17, $0xb8;
	[tilespmem:$0x188C0] =	vst v63  }
0x136: {  	s24 =	simm.s32 $0xB00  }
0x137: {  	[spmem:s2] =	stream.indirect.scatter.add.f32 [tilespmem:s15], [sflag:$0x1], $0x80, s24, s17, $0xb8;
	[tilespmem:$0x188C0] =	vst v63  }
0x138: {  	s25 =	simm.s32 $0xB80  }
0x139: {  	[spmem:s2] =	stream.indirect.scatter.add.f32 [tilespmem:s15], [sflag:$0x1], $0x80, s25, s17, $0xb8;
	[tilespmem:$0x188C0] =	vst v63  }
0x13a: {  	s9 =	simm.s32 $0xC00  }
0x13b: {  	[spmem:s2] =	stream.indirect.scatter.add.f32 [tilespmem:s15], [sflag:$0x1], $0x80, s9, s17, $0xb8;
	[tilespmem:$0x188C0] =	vst v63  }
0x13c: {  	s26 =	simm.s32 $0xC80  }
0x13d: {  	[spmem:s2] =	stream.indirect.scatter.add.f32 [tilespmem:s15], [sflag:$0x1], $0x80, s26, s17, $0xb8;
	[tilespmem:$0x188C0] =	vst v63  }
0x13e: {  	s24 =	simm.s32 $0xD00  }
0x13f: {  	[spmem:s2] =	stream.indirect.scatter.add.f32 [tilespmem:s15], [sflag:$0x1], $0x80, s24, s17, $0xb8;
	[tilespmem:$0x188C0] =	vst v63  }
0x140: {  	s25 =	simm.s32 $0xD80  }
0x141: {  	[spmem:s2] =	stream.indirect.scatter.add.f32 [tilespmem:s15], [sflag:$0x1], $0x80, s25, s17, $0xb8;
	[tilespmem:$0x188C0] =	vst v63  }
0x142: {  	s26 =	simm.s32 $0xE00  }
0x143: {  	[spmem:s2] =	stream.indirect.scatter.add.f32 [tilespmem:s15], [sflag:$0x1], $0x80, s26, s17, $0xb8;
	[tilespmem:$0x188C0] =	vst v63  }
0x144: {  	s24 =	simm.s32 $0xE80  }
0x145: {  	[spmem:s2] =	stream.indirect.scatter.add.f32 [tilespmem:s15], [sflag:$0x1], $0x80, s24, s17, $0xb8;
	[tilespmem:$0x188C0] =	vst v63  }
0x146: {  	s25 =	simm.s32 $0xF00  }
0x147: {  	[spmem:s2] =	stream.indirect.scatter.add.f32 [tilespmem:s15], [sflag:$0x1], $0x80, s25, s17, $0xb8;
	[tilespmem:$0x188C0] =	vst v63  }
0x148: {  	s26 =	simm.s32 $0xF80  }
0x149: {  	[spmem:s2] =	stream.indirect.scatter.add.f32 [tilespmem:s15], [sflag:$0x1], $0x80, s26, s17, $0xb8;
	[tilespmem:$0x188C0] =	vst v63  }
0x14a: {  	_ =	swait.ge [sflag:s22], $0x4000  }
0x14b: {  	[sflag:s22] =	ssyncset.done $0x0  }
0x14c: {  	[sflag:s22] =	ssyncadd.s32 $0xFFFFC000  }
0x14d: {  	_ =	swait.ge [sflag:s22], $0x4000  }
0x14e: {  	[sflag:s22] =	ssyncset.done $0x0  }
0x14f: {  	[sflag:s22] =	ssyncadd.s32 $0xFFFFC000  }
0x150: {  	_ =	swait.ge [sflag:s22], $0x4000  }
0x151: {  	[sflag:s22] =	ssyncset.done $0x0  }
0x152: {  	[sflag:s22] =	ssyncadd.s32 $0xFFFFC000  }
0x153: {  	_ =	swait.ge [sflag:s22], $0x4000  }
0x154: {  	[sflag:s22] =	ssyncset.done $0x0  }
0x155: {  	[sflag:s22] =	ssyncadd.s32 $0xFFFFC000  }
0x156: {  	_ =	swait.ge [sflag:s22], $0x4000  }
0x157: {  	[sflag:s22] =	ssyncset.done $0x0  }
0x158: {  	[sflag:s22] =	ssyncadd.s32 $0xFFFFC000  }
0x159: {  	_ =	swait.ge [sflag:s22], $0x4000  }
0x15a: {  	[sflag:s22] =	ssyncset.done $0x0  }
0x15b: {  	[sflag:s22] =	ssyncadd.s32 $0xFFFFC000  }
0x15c: {  	_ =	swait.ge [sflag:s22], $0x4000  }
0x15d: {  	[sflag:s22] =	ssyncset.done $0x0  }
0x15e: {  	[sflag:s22] =	ssyncadd.s32 $0xFFFFC000  }
0x15f: {  	_ =	swait.ge [sflag:s22], $0x4000  }
0x160: {  	[sflag:s22] =	ssyncset.done $0x0  }
0x161: {  	[sflag:s22] =	ssyncadd.s32 $0xFFFFC000  }
0x162: {  	_ =	swait.ge [sflag:s22], $0x4000  }
0x163: {  	[sflag:s22] =	ssyncset.done $0x0  }
0x164: {  	[sflag:s22] =	ssyncadd.s32 $0xFFFFC000  }
0x165: {  	_ =	swait.ge [sflag:s22], $0x4000  }
0x166: {  	[sflag:s22] =	ssyncset.done $0x0  }
0x167: {  	[sflag:s22] =	ssyncadd.s32 $0xFFFFC000  }
0x168: {  	_ =	swait.ge [sflag:s22], $0x4000  }
0x169: {  	[sflag:s22] =	ssyncset.done $0x0  }
0x16a: {  	[sflag:s22] =	ssyncadd.s32 $0xFFFFC000  }
0x16b: {  	_ =	swait.ge [sflag:s22], $0x4000  }
0x16c: {  	[sflag:s22] =	ssyncset.done $0x0  }
0x16d: {  	[sflag:s22] =	ssyncadd.s32 $0xFFFFC000  }
0x16e: {  	_ =	swait.ge [sflag:s22], $0x4000  }
0x16f: {  	[sflag:s22] =	ssyncset.done $0x0  }
0x170: {  	[sflag:s22] =	ssyncadd.s32 $0xFFFFC000  }
0x171: {  	_ =	swait.ge [sflag:s22], $0x4000  }
0x172: {  	[sflag:s22] =	ssyncset.done $0x0  }
0x173: {  	[sflag:s22] =	ssyncadd.s32 $0xFFFFC000  }
0x174: {  	_ =	swait.ge [sflag:s22], $0x4000  }
0x175: {  	[sflag:s22] =	ssyncset.done $0x0  }
0x176: {  	[sflag:s22] =	ssyncadd.s32 $0xFFFFC000  }
0x177: {  	_ =	swait.ge [sflag:s22], $0x4000  }
0x178: {  	[sflag:s22] =	ssyncset.done $0x0  }
0x179: {  	[sflag:s22] =	ssyncadd.s32 $0xFFFFC000  }
0x17a: {  	_ =	swait.ge [sflag:s22], $0x4000  }
0x17b: {  	[sflag:s22] =	ssyncset.done $0x0  }
0x17c: {  	[sflag:s22] =	ssyncadd.s32 $0xFFFFC000  }
0x17d: {  	_ =	swait.ge [sflag:s22], $0x4000  }
0x17e: {  	[sflag:s22] =	ssyncset.done $0x0  }
0x17f: {  	[sflag:s22] =	ssyncadd.s32 $0xFFFFC000  }
0x180: {  	_ =	swait.ge [sflag:s22], $0x4000  }
0x181: {  	[sflag:s22] =	ssyncset.done $0x0  }
0x182: {  	[sflag:s22] =	ssyncadd.s32 $0xFFFFC000  }
0x183: {  	_ =	swait.ge [sflag:s22], $0x4000  }
0x184: {  	[sflag:s22] =	ssyncset.done $0x0  }
0x185: {  	[sflag:s22] =	ssyncadd.s32 $0xFFFFC000  }
0x186: {  	_ =	swait.ge [sflag:s22], $0x4000  }
0x187: {  	[sflag:s22] =	ssyncset.done $0x0  }
0x188: {  	[sflag:s22] =	ssyncadd.s32 $0xFFFFC000  }
0x189: {  	_ =	swait.ge [sflag:s22], $0x4000  }
0x18a: {  	[sflag:s22] =	ssyncset.done $0x0  }
0x18b: {  	[sflag:s22] =	ssyncadd.s32 $0xFFFFC000  }
0x18c: {  	_ =	swait.ge [sflag:s22], $0x4000  }
0x18d: {  	[sflag:s22] =	ssyncset.done $0x0  }
0x18e: {  	[sflag:s22] =	ssyncadd.s32 $0xFFFFC000  }
0x18f: {  	_ =	swait.ge [sflag:s22], $0x4000  }
0x190: {  	[sflag:s22] =	ssyncset.done $0x0  }
0x191: {  	[sflag:s22] =	ssyncadd.s32 $0xFFFFC000  }
0x192: {  	_ =	swait.ge [sflag:s22], $0x4000  }
0x193: {  	[sflag:s22] =	ssyncset.done $0x0  }
0x194: {  	[sflag:s22] =	ssyncadd.s32 $0xFFFFC000  }
0x195: {  	_ =	swait.ge [sflag:s22], $0x4000  }
0x196: {  	[sflag:s22] =	ssyncset.done $0x0  }
0x197: {  	[sflag:s22] =	ssyncadd.s32 $0xFFFFC000  }
0x198: {  	_ =	swait.ge [sflag:s22], $0x4000  }
0x199: {  	[sflag:s22] =	ssyncset.done $0x0  }
0x19a: {  	[sflag:s22] =	ssyncadd.s32 $0xFFFFC000  }
0x19b: {  	_ =	swait.ge [sflag:s22], $0x4000  }
0x19c: {  	[sflag:s22] =	ssyncset.done $0x0  }
0x19d: {  	s29 =	simm.s32 $0x180;
	s30 =	simm.s32 $0x200;
	[sflag:s22] =	ssyncadd.s32 $0xFFFFC000  }
0x19e: {  	s31 =	simm.s32 $0x280;
	s1 =	simm.s32 $0x300;
	_ =	swait.ge [sflag:s22], $0x4000  }
0x19f: {  	s10 =	simm.s32 $0x380;
	s12 =	simm.s32 $0x400;
	[sflag:s22] =	ssyncset.done $0x0  }
0x1a0: {  	s14 =	simm.s32 $0x480;
	s11 =	simm.s32 $0x600;
	[sflag:s22] =	ssyncadd.s32 $0xFFFFC000  }
0x1a1: {  	s28 =	simm.s32 $0x780;
	s13 =	simm.s32 $0x980;
	_ =	swait.ge [sflag:s22], $0x4000  }
0x1a2: {  	s0 =	simm.s32 $0x800;
	s18 =	simm.s32 $0x680;
	[sflag:s22] =	ssyncset.done $0x0  }
0x1a3: {  	s19 =	simm.s32 $0x500;
	s20 =	simm.s32 $0x580;
	[sflag:s22] =	ssyncadd.s32 $0xFFFFC000  }
0x1a4: {  	s21 =	simm.s32 $0x700;
	s5 =	simm.s32 $0x880;
	_ =	swait.ge [sflag:s22], $0x4000  }
0x1a5: {  	s7 =	simm.s32 $0xA00;
	s4 =	simm.s32 $0x900;
	[sflag:s22] =	ssyncset.done $0x0  }
0x1a6: {  	s6 =	simm.s32 $0xA80;
	s23 =	simm.s32 $0x200;
	[sflag:s22] =	ssyncadd.s32 $0xFFFFC000  }
0x1a7: {  	s8 =	simm.s32 $0xC00;
	s9 =	simm.s32 $0xC80;
	_ =	swait.ge [sflag:s22], $0x4000  }
0x1a8: {  	s24 =	simm.s32 $0x400;
	s25 =	rddreg [dreg:$0x4];
	[sflag:s22] =	ssyncset.done $0x0  }
.LBB2_7:
0x1a9: {  	[sflag:s22] =	ssyncadd.s32 $0xFFFFC000;
	s25 =	sadd.s32 s23, s25  }
0x1aa: {  	[tilespmem:s3], [sflag:$0x2] =	stream.linear.gather [hbm4b:s25+s3], $0x1000, $0x38;
	[tilespmem:$0x188C0] =	vst v63  }
0x1ab: {  	_ =	swait.ge [sflag:s16], $0x1000  }
0x1ac: {  	[sflag:s16] =	ssyncset.done $0x0  }
0x1ad: {  	[sflag:s16] =	ssyncadd.s32 $0xFFFFF000  }
0x1ae: {  	[spmem:s2] =	stream.indirect.scatter.add.f32 [tilespmem:s15], [sflag:$0x1], $0x80, s3, s17, $0xb8;
	[tilespmem:$0x188C0] =	vst v63  }
0x1af: {  	s26 =	smov.u32 s24  }
0x1b0: {  	[spmem:s2] =	stream.indirect.scatter.add.f32 [tilespmem:s15], [sflag:$0x1], $0x80, s17, s17, $0xb8;
	[tilespmem:$0x188C0] =	vst v63  }
0x1b1: {  	s23 =	smov.u32 s26;
	s26 =	simm.s32 $0x100  }
0x1b2: {  	[spmem:s2] =	stream.indirect.scatter.add.f32 [tilespmem:s15], [sflag:$0x1], $0x80, s26, s17, $0xb8;
	[tilespmem:$0x188C0] =	vst v63  }
0x1b3: {  	_ = 	snop  }
0x1b4: {  	[spmem:s2] =	stream.indirect.scatter.add.f32 [tilespmem:s15], [sflag:$0x1], $0x80, s29, s17, $0xb8;
	[tilespmem:$0x188C0] =	vst v63  }
0x1b5: {  	_ = 	snop  }
0x1b6: {  	[spmem:s2] =	stream.indirect.scatter.add.f32 [tilespmem:s15], [sflag:$0x1], $0x80, s30, s17, $0xb8;
	[tilespmem:$0x188C0] =	vst v63  }
0x1b7: {  	_ = 	snop  }
0x1b8: {  	[spmem:s2] =	stream.indirect.scatter.add.f32 [tilespmem:s15], [sflag:$0x1], $0x80, s31, s17, $0xb8;
	[tilespmem:$0x188C0] =	vst v63  }
0x1b9: {  	_ = 	snop  }
0x1ba: {  	[spmem:s2] =	stream.indirect.scatter.add.f32 [tilespmem:s15], [sflag:$0x1], $0x80, s1, s17, $0xb8;
	[tilespmem:$0x188C0] =	vst v63  }
0x1bb: {  	_ = 	snop  }
0x1bc: {  	[spmem:s2] =	stream.indirect.scatter.add.f32 [tilespmem:s15], [sflag:$0x1], $0x80, s10, s17, $0xb8;
	[tilespmem:$0x188C0] =	vst v63  }
0x1bd: {  	_ = 	snop  }
0x1be: {  	[spmem:s2] =	stream.indirect.scatter.add.f32 [tilespmem:s15], [sflag:$0x1], $0x80, s12, s17, $0xb8;
	[tilespmem:$0x188C0] =	vst v63  }
0x1bf: {  	_ = 	snop  }
0x1c0: {  	[spmem:s2] =	stream.indirect.scatter.add.f32 [tilespmem:s15], [sflag:$0x1], $0x80, s14, s17, $0xb8;
	[tilespmem:$0x188C0] =	vst v63  }
0x1c1: {  	_ = 	snop  }
0x1c2: {  	[spmem:s2] =	stream.indirect.scatter.add.f32 [tilespmem:s15], [sflag:$0x1], $0x80, s19, s17, $0xb8;
	[tilespmem:$0x188C0] =	vst v63  }
0x1c3: {  	_ = 	snop  }
0x1c4: {  	[spmem:s2] =	stream.indirect.scatter.add.f32 [tilespmem:s15], [sflag:$0x1], $0x80, s20, s17, $0xb8;
	[tilespmem:$0x188C0] =	vst v63  }
0x1c5: {  	_ = 	snop  }
0x1c6: {  	[spmem:s2] =	stream.indirect.scatter.add.f32 [tilespmem:s15], [sflag:$0x1], $0x80, s11, s17, $0xb8;
	[tilespmem:$0x188C0] =	vst v63  }
0x1c7: {  	_ = 	snop  }
0x1c8: {  	[spmem:s2] =	stream.indirect.scatter.add.f32 [tilespmem:s15], [sflag:$0x1], $0x80, s18, s17, $0xb8;
	[tilespmem:$0x188C0] =	vst v63  }
0x1c9: {  	_ = 	snop  }
0x1ca: {  	[spmem:s2] =	stream.indirect.scatter.add.f32 [tilespmem:s15], [sflag:$0x1], $0x80, s21, s17, $0xb8;
	[tilespmem:$0x188C0] =	vst v63  }
0x1cb: {  	_ = 	snop  }
0x1cc: {  	[spmem:s2] =	stream.indirect.scatter.add.f32 [tilespmem:s15], [sflag:$0x1], $0x80, s28, s17, $0xb8;
	[tilespmem:$0x188C0] =	vst v63  }
0x1cd: {  	_ = 	snop  }
0x1ce: {  	[spmem:s2] =	stream.indirect.scatter.add.f32 [tilespmem:s15], [sflag:$0x1], $0x80, s0, s17, $0xb8;
	[tilespmem:$0x188C0] =	vst v63  }
0x1cf: {  	_ = 	snop  }
0x1d0: {  	[spmem:s2] =	stream.indirect.scatter.add.f32 [tilespmem:s15], [sflag:$0x1], $0x80, s5, s17, $0xb8;
	[tilespmem:$0x188C0] =	vst v63  }
0x1d1: {  	_ = 	snop  }
0x1d2: {  	[spmem:s2] =	stream.indirect.scatter.add.f32 [tilespmem:s15], [sflag:$0x1], $0x80, s4, s17, $0xb8;
	[tilespmem:$0x188C0] =	vst v63  }
0x1d3: {  	_ = 	snop  }
0x1d4: {  	[spmem:s2] =	stream.indirect.scatter.add.f32 [tilespmem:s15], [sflag:$0x1], $0x80, s13, s17, $0xb8;
	[tilespmem:$0x188C0] =	vst v63  }
0x1d5: {  	_ = 	snop  }
0x1d6: {  	[spmem:s2] =	stream.indirect.scatter.add.f32 [tilespmem:s15], [sflag:$0x1], $0x80, s7, s17, $0xb8;
	[tilespmem:$0x188C0] =	vst v63  }
0x1d7: {  	_ = 	snop  }
0x1d8: {  	[spmem:s2] =	stream.indirect.scatter.add.f32 [tilespmem:s15], [sflag:$0x1], $0x80, s6, s17, $0xb8;
	[tilespmem:$0x188C0] =	vst v63  }
0x1d9: {  	s25 =	simm.s32 $0xB00  }
0x1da: {  	[spmem:s2] =	stream.indirect.scatter.add.f32 [tilespmem:s15], [sflag:$0x1], $0x80, s25, s17, $0xb8;
	[tilespmem:$0x188C0] =	vst v63  }
0x1db: {  	s25 =	simm.s32 $0xB80  }
0x1dc: {  	[spmem:s2] =	stream.indirect.scatter.add.f32 [tilespmem:s15], [sflag:$0x1], $0x80, s25, s17, $0xb8;
	[tilespmem:$0x188C0] =	vst v63  }
0x1dd: {  	_ = 	snop  }
0x1de: {  	[spmem:s2] =	stream.indirect.scatter.add.f32 [tilespmem:s15], [sflag:$0x1], $0x80, s8, s17, $0xb8;
	[tilespmem:$0x188C0] =	vst v63  }
0x1df: {  	_ = 	snop  }
0x1e0: {  	[spmem:s2] =	stream.indirect.scatter.add.f32 [tilespmem:s15], [sflag:$0x1], $0x80, s9, s17, $0xb8;
	[tilespmem:$0x188C0] =	vst v63  }
0x1e1: {  	s25 =	simm.s32 $0xD00  }
0x1e2: {  	[spmem:s2] =	stream.indirect.scatter.add.f32 [tilespmem:s15], [sflag:$0x1], $0x80, s25, s17, $0xb8;
	[tilespmem:$0x188C0] =	vst v63  }
0x1e3: {  	s25 =	simm.s32 $0xD80  }
0x1e4: {  	[spmem:s2] =	stream.indirect.scatter.add.f32 [tilespmem:s15], [sflag:$0x1], $0x80, s25, s17, $0xb8;
	[tilespmem:$0x188C0] =	vst v63  }
0x1e5: {  	s25 =	simm.s32 $0xE00  }
0x1e6: {  	[spmem:s2] =	stream.indirect.scatter.add.f32 [tilespmem:s15], [sflag:$0x1], $0x80, s25, s17, $0xb8;
	[tilespmem:$0x188C0] =	vst v63  }
0x1e7: {  	s25 =	simm.s32 $0xE80  }
0x1e8: {  	[spmem:s2] =	stream.indirect.scatter.add.f32 [tilespmem:s15], [sflag:$0x1], $0x80, s25, s17, $0xb8;
	[tilespmem:$0x188C0] =	vst v63  }
0x1e9: {  	s25 =	simm.s32 $0xF00  }
0x1ea: {  	[spmem:s2] =	stream.indirect.scatter.add.f32 [tilespmem:s15], [sflag:$0x1], $0x80, s25, s17, $0xb8;
	[tilespmem:$0x188C0] =	vst v63  }
0x1eb: {  	s25 =	simm.s32 $0xF80  }
0x1ec: {  	[spmem:s2] =	stream.indirect.scatter.add.f32 [tilespmem:s15], [sflag:$0x1], $0x80, s25, s17, $0xb8;
	[tilespmem:$0x188C0] =	vst v63  }
0x1ed: {  	_ =	swait.ge [sflag:s22], $0x4000  }
0x1ee: {  	[sflag:s22] =	ssyncset.done $0x0  }
0x1ef: {  	[sflag:s22] =	ssyncadd.s32 $0xFFFFC000  }
0x1f0: {  	_ =	swait.ge [sflag:s22], $0x4000  }
0x1f1: {  	[sflag:s22] =	ssyncset.done $0x0  }
0x1f2: {  	[sflag:s22] =	ssyncadd.s32 $0xFFFFC000  }
0x1f3: {  	_ =	swait.ge [sflag:s22], $0x4000  }
0x1f4: {  	[sflag:s22] =	ssyncset.done $0x0  }
0x1f5: {  	[sflag:s22] =	ssyncadd.s32 $0xFFFFC000  }
0x1f6: {  	_ =	swait.ge [sflag:s22], $0x4000  }
0x1f7: {  	[sflag:s22] =	ssyncset.done $0x0  }
0x1f8: {  	[sflag:s22] =	ssyncadd.s32 $0xFFFFC000  }
0x1f9: {  	_ =	swait.ge [sflag:s22], $0x4000  }
0x1fa: {  	[sflag:s22] =	ssyncset.done $0x0  }
0x1fb: {  	[sflag:s22] =	ssyncadd.s32 $0xFFFFC000  }
0x1fc: {  	_ =	swait.ge [sflag:s22], $0x4000  }
0x1fd: {  	[sflag:s22] =	ssyncset.done $0x0  }
0x1fe: {  	[sflag:s22] =	ssyncadd.s32 $0xFFFFC000  }
0x1ff: {  	_ =	swait.ge [sflag:s22], $0x4000  }
0x200: {  	[sflag:s22] =	ssyncset.done $0x0  }
0x201: {  	[sflag:s22] =	ssyncadd.s32 $0xFFFFC000  }
0x202: {  	_ =	swait.ge [sflag:s22], $0x4000  }
0x203: {  	[sflag:s22] =	ssyncset.done $0x0  }
0x204: {  	[sflag:s22] =	ssyncadd.s32 $0xFFFFC000  }
0x205: {  	_ =	swait.ge [sflag:s22], $0x4000  }
0x206: {  	[sflag:s22] =	ssyncset.done $0x0  }
0x207: {  	[sflag:s22] =	ssyncadd.s32 $0xFFFFC000  }
0x208: {  	_ =	swait.ge [sflag:s22], $0x4000  }
0x209: {  	[sflag:s22] =	ssyncset.done $0x0  }
0x20a: {  	[sflag:s22] =	ssyncadd.s32 $0xFFFFC000  }
0x20b: {  	_ =	swait.ge [sflag:s22], $0x4000  }
0x20c: {  	[sflag:s22] =	ssyncset.done $0x0  }
0x20d: {  	[sflag:s22] =	ssyncadd.s32 $0xFFFFC000  }
0x20e: {  	_ =	swait.ge [sflag:s22], $0x4000  }
0x20f: {  	[sflag:s22] =	ssyncset.done $0x0  }
0x210: {  	[sflag:s22] =	ssyncadd.s32 $0xFFFFC000  }
0x211: {  	_ =	swait.ge [sflag:s22], $0x4000  }
0x212: {  	[sflag:s22] =	ssyncset.done $0x0  }
0x213: {  	[sflag:s22] =	ssyncadd.s32 $0xFFFFC000  }
0x214: {  	_ =	swait.ge [sflag:s22], $0x4000  }
0x215: {  	[sflag:s22] =	ssyncset.done $0x0  }
0x216: {  	[sflag:s22] =	ssyncadd.s32 $0xFFFFC000  }
0x217: {  	_ =	swait.ge [sflag:s22], $0x4000  }
0x218: {  	[sflag:s22] =	ssyncset.done $0x0  }
0x219: {  	[sflag:s22] =	ssyncadd.s32 $0xFFFFC000  }
0x21a: {  	_ =	swait.ge [sflag:s22], $0x4000  }
0x21b: {  	[sflag:s22] =	ssyncset.done $0x0  }
0x21c: {  	[sflag:s22] =	ssyncadd.s32 $0xFFFFC000  }
0x21d: {  	_ =	swait.ge [sflag:s22], $0x4000  }
0x21e: {  	[sflag:s22] =	ssyncset.done $0x0  }
0x21f: {  	[sflag:s22] =	ssyncadd.s32 $0xFFFFC000  }
0x220: {  	_ =	swait.ge [sflag:s22], $0x4000  }
0x221: {  	[sflag:s22] =	ssyncset.done $0x0  }
0x222: {  	[sflag:s22] =	ssyncadd.s32 $0xFFFFC000  }
0x223: {  	_ =	swait.ge [sflag:s22], $0x4000  }
0x224: {  	[sflag:s22] =	ssyncset.done $0x0  }
0x225: {  	[sflag:s22] =	ssyncadd.s32 $0xFFFFC000  }
0x226: {  	_ =	swait.ge [sflag:s22], $0x4000  }
0x227: {  	[sflag:s22] =	ssyncset.done $0x0  }
0x228: {  	[sflag:s22] =	ssyncadd.s32 $0xFFFFC000  }
0x229: {  	_ =	swait.ge [sflag:s22], $0x4000  }
0x22a: {  	[sflag:s22] =	ssyncset.done $0x0  }
0x22b: {  	[sflag:s22] =	ssyncadd.s32 $0xFFFFC000  }
0x22c: {  	_ =	swait.ge [sflag:s22], $0x4000  }
0x22d: {  	[sflag:s22] =	ssyncset.done $0x0  }
0x22e: {  	[sflag:s22] =	ssyncadd.s32 $0xFFFFC000  }
0x22f: {  	_ =	swait.ge [sflag:s22], $0x4000  }
0x230: {  	[sflag:s22] =	ssyncset.done $0x0  }
0x231: {  	[sflag:s22] =	ssyncadd.s32 $0xFFFFC000  }
0x232: {  	_ =	swait.ge [sflag:s22], $0x4000  }
0x233: {  	[sflag:s22] =	ssyncset.done $0x0  }
0x234: {  	[sflag:s22] =	ssyncadd.s32 $0xFFFFC000  }
0x235: {  	_ =	swait.ge [sflag:s22], $0x4000  }
0x236: {  	[sflag:s22] =	ssyncset.done $0x0  }
0x237: {  	[sflag:s22] =	ssyncadd.s32 $0xFFFFC000  }
0x238: {  	_ =	swait.ge [sflag:s22], $0x4000  }
0x239: {  	[sflag:s22] =	ssyncset.done $0x0  }
0x23a: {  	[sflag:s22] =	ssyncadd.s32 $0xFFFFC000  }
0x23b: {  	_ =	swait.ge [sflag:s22], $0x4000  }
0x23c: {  	[sflag:s22] =	ssyncset.done $0x0  }
0x23d: {  	[sflag:s22] =	ssyncadd.s32 $0xFFFFC000  }
0x23e: {  	_ =	swait.ge [sflag:s22], $0x4000  }
0x23f: {  	[sflag:s22] =	ssyncset.done $0x0  }
0x240: {  	[sflag:s22] =	ssyncadd.s32 $0xFFFFC000  }
0x241: {  	_ =	swait.ge [sflag:s22], $0x4000  }
0x242: {  	[sflag:s22] =	ssyncset.done $0x0  }
0x243: {  	[sflag:s22] =	ssyncadd.s32 $0xFFFFC000  }
0x244: {  	_ =	swait.ge [sflag:s22], $0x4000  }
0x245: {  	[sflag:s22] =	ssyncset.done $0x0  }
0x246: {  	p2 =	sne.s32 s24, $0x800;
	[sflag:s22] =	ssyncadd.s32 $0xFFFFC000  }
.Ltmp5:
0x247: {  	_ =	swait.ge [sflag:s22], $0x4000;
	(pc) =	sbr.rel @p2 .LBB2_7-.Ltmp5, $4  }
0x248: {  	[sflag:s22] =	ssyncset.done $0x0  }
0x249: {  	[sflag:s22] =	ssyncadd.s32 $0xFFFFC000  }
0x24a: {  	_ =	swait.ge [sflag:s22], $0x4000  }
0x24b: {  	s24 =	sadd.s32 $0x200, s24;
	s25 =	rddreg [dreg:$0x4];
	[sflag:s22] =	ssyncset.done $0x0  }
0x24c: {  	s23 =	sadd.s32 s23, s25;
	[sflag:s22] =	ssyncadd.s32 $0xFFFFC000  }
0x24d: {  	[tilespmem:s3], [sflag:$0x2] =	stream.linear.gather [hbm4b:s23+s3], $0x1000, $0x38;
	[tilespmem:$0x188C0] =	vst v63  }
0x24e: {  	_ =	swait.ge [sflag:s16], $0x1000  }
0x24f: {  	[sflag:s16] =	ssyncset.done $0x0  }
0x250: {  	[sflag:s16] =	ssyncadd.s32 $0xFFFFF000  }
0x251: {  	[spmem:s2] =	stream.indirect.scatter.add.f32 [tilespmem:s15], [sflag:$0x1], $0x80, s3, s17, $0xb8;
	[tilespmem:$0x188C0] =	vst v63  }
0x252: {  	_ = 	snop  }
0x253: {  	[spmem:s2] =	stream.indirect.scatter.add.f32 [tilespmem:s15], [sflag:$0x1], $0x80, s17, s17, $0xb8;
	[tilespmem:$0x188C0] =	vst v63  }
0x254: {  	_ = 	snop  }
0x255: {  	[spmem:s2] =	stream.indirect.scatter.add.f32 [tilespmem:s15], [sflag:$0x1], $0x80, s26, s17, $0xb8;
	[tilespmem:$0x188C0] =	vst v63  }
0x256: {  	_ = 	snop  }
0x257: {  	[spmem:s2] =	stream.indirect.scatter.add.f32 [tilespmem:s15], [sflag:$0x1], $0x80, s29, s17, $0xb8;
	[tilespmem:$0x188C0] =	vst v63  }
0x258: {  	_ = 	snop  }
0x259: {  	[spmem:s2] =	stream.indirect.scatter.add.f32 [tilespmem:s15], [sflag:$0x1], $0x80, s30, s17, $0xb8;
	[tilespmem:$0x188C0] =	vst v63  }
0x25a: {  	_ = 	snop  }
0x25b: {  	[spmem:s2] =	stream.indirect.scatter.add.f32 [tilespmem:s15], [sflag:$0x1], $0x80, s31, s17, $0xb8;
	[tilespmem:$0x188C0] =	vst v63  }
0x25c: {  	_ = 	snop  }
0x25d: {  	[spmem:s2] =	stream.indirect.scatter.add.f32 [tilespmem:s15], [sflag:$0x1], $0x80, s1, s17, $0xb8;
	[tilespmem:$0x188C0] =	vst v63  }
0x25e: {  	_ = 	snop  }
0x25f: {  	[spmem:s2] =	stream.indirect.scatter.add.f32 [tilespmem:s15], [sflag:$0x1], $0x80, s10, s17, $0xb8;
	[tilespmem:$0x188C0] =	vst v63  }
0x260: {  	_ = 	snop  }
0x261: {  	[spmem:s2] =	stream.indirect.scatter.add.f32 [tilespmem:s15], [sflag:$0x1], $0x80, s12, s17, $0xb8;
	[tilespmem:$0x188C0] =	vst v63  }
0x262: {  	_ = 	snop  }
0x263: {  	[spmem:s2] =	stream.indirect.scatter.add.f32 [tilespmem:s15], [sflag:$0x1], $0x80, s14, s17, $0xb8;
	[tilespmem:$0x188C0] =	vst v63  }
0x264: {  	_ = 	snop  }
0x265: {  	[spmem:s2] =	stream.indirect.scatter.add.f32 [tilespmem:s15], [sflag:$0x1], $0x80, s19, s17, $0xb8;
	[tilespmem:$0x188C0] =	vst v63  }
0x266: {  	_ = 	snop  }
0x267: {  	[spmem:s2] =	stream.indirect.scatter.add.f32 [tilespmem:s15], [sflag:$0x1], $0x80, s20, s17, $0xb8;
	[tilespmem:$0x188C0] =	vst v63  }
0x268: {  	_ = 	snop  }
0x269: {  	[spmem:s2] =	stream.indirect.scatter.add.f32 [tilespmem:s15], [sflag:$0x1], $0x80, s11, s17, $0xb8;
	[tilespmem:$0x188C0] =	vst v63  }
0x26a: {  	_ = 	snop  }
0x26b: {  	[spmem:s2] =	stream.indirect.scatter.add.f32 [tilespmem:s15], [sflag:$0x1], $0x80, s18, s17, $0xb8;
	[tilespmem:$0x188C0] =	vst v63  }
0x26c: {  	_ = 	snop  }
0x26d: {  	[spmem:s2] =	stream.indirect.scatter.add.f32 [tilespmem:s15], [sflag:$0x1], $0x80, s21, s17, $0xb8;
	[tilespmem:$0x188C0] =	vst v63  }
0x26e: {  	_ = 	snop  }
0x26f: {  	[spmem:s2] =	stream.indirect.scatter.add.f32 [tilespmem:s15], [sflag:$0x1], $0x80, s28, s17, $0xb8;
	[tilespmem:$0x188C0] =	vst v63  }
0x270: {  	_ = 	snop  }
0x271: {  	[spmem:s2] =	stream.indirect.scatter.add.f32 [tilespmem:s15], [sflag:$0x1], $0x80, s0, s17, $0xb8;
	[tilespmem:$0x188C0] =	vst v63  }
0x272: {  	_ = 	snop  }
0x273: {  	[spmem:s2] =	stream.indirect.scatter.add.f32 [tilespmem:s15], [sflag:$0x1], $0x80, s5, s17, $0xb8;
	[tilespmem:$0x188C0] =	vst v63  }
0x274: {  	_ = 	snop  }
0x275: {  	[spmem:s2] =	stream.indirect.scatter.add.f32 [tilespmem:s15], [sflag:$0x1], $0x80, s4, s17, $0xb8;
	[tilespmem:$0x188C0] =	vst v63  }
0x276: {  	_ = 	snop  }
0x277: {  	[spmem:s2] =	stream.indirect.scatter.add.f32 [tilespmem:s15], [sflag:$0x1], $0x80, s13, s17, $0xb8;
	[tilespmem:$0x188C0] =	vst v63  }
0x278: {  	_ = 	snop  }
0x279: {  	[spmem:s2] =	stream.indirect.scatter.add.f32 [tilespmem:s15], [sflag:$0x1], $0x80, s7, s17, $0xb8;
	[tilespmem:$0x188C0] =	vst v63  }
0x27a: {  	_ = 	snop  }
0x27b: {  	[spmem:s2] =	stream.indirect.scatter.add.f32 [tilespmem:s15], [sflag:$0x1], $0x80, s6, s17, $0xb8;
	[tilespmem:$0x188C0] =	vst v63  }
0x27c: {  	s21 =	simm.s32 $0xB00  }
0x27d: {  	[spmem:s2] =	stream.indirect.scatter.add.f32 [tilespmem:s15], [sflag:$0x1], $0x80, s21, s17, $0xb8;
	[tilespmem:$0x188C0] =	vst v63  }
0x27e: {  	s23 =	simm.s32 $0xB80  }
0x27f: {  	[spmem:s2] =	stream.indirect.scatter.add.f32 [tilespmem:s15], [sflag:$0x1], $0x80, s23, s17, $0xb8;
	[tilespmem:$0x188C0] =	vst v63  }
0x280: {  	_ = 	snop  }
0x281: {  	[spmem:s2] =	stream.indirect.scatter.add.f32 [tilespmem:s15], [sflag:$0x1], $0x80, s8, s17, $0xb8;
	[tilespmem:$0x188C0] =	vst v63  }
0x282: {  	_ = 	snop  }
0x283: {  	[spmem:s2] =	stream.indirect.scatter.add.f32 [tilespmem:s15], [sflag:$0x1], $0x80, s9, s17, $0xb8;
	[tilespmem:$0x188C0] =	vst v63  }
0x284: {  	s24 =	simm.s32 $0xD00  }
0x285: {  	[spmem:s2] =	stream.indirect.scatter.add.f32 [tilespmem:s15], [sflag:$0x1], $0x80, s24, s17, $0xb8;
	[tilespmem:$0x188C0] =	vst v63  }
0x286: {  	s25 =	simm.s32 $0xD80  }
0x287: {  	[spmem:s2] =	stream.indirect.scatter.add.f32 [tilespmem:s15], [sflag:$0x1], $0x80, s25, s17, $0xb8;
	[tilespmem:$0x188C0] =	vst v63  }
0x288: {  	s28 =	simm.s32 $0xE00  }
0x289: {  	[spmem:s2] =	stream.indirect.scatter.add.f32 [tilespmem:s15], [sflag:$0x1], $0x80, s28, s17, $0xb8;
	[tilespmem:$0x188C0] =	vst v63  }
0x28a: {  	s29 =	simm.s32 $0xE80  }
0x28b: {  	[spmem:s2] =	stream.indirect.scatter.add.f32 [tilespmem:s15], [sflag:$0x1], $0x80, s29, s17, $0xb8;
	[tilespmem:$0x188C0] =	vst v63  }
0x28c: {  	s30 =	simm.s32 $0xF00  }
0x28d: {  	[spmem:s2] =	stream.indirect.scatter.add.f32 [tilespmem:s15], [sflag:$0x1], $0x80, s30, s17, $0xb8;
	[tilespmem:$0x188C0] =	vst v63  }
0x28e: {  	s31 =	simm.s32 $0xF80  }
0x28f: {  	[spmem:s2] =	stream.indirect.scatter.add.f32 [tilespmem:s15], [sflag:$0x1], $0x80, s31, s17, $0xb8;
	[tilespmem:$0x188C0] =	vst v63  }
0x290: {  	_ =	swait.ge [sflag:s22], $0x4000  }
0x291: {  	[sflag:s22] =	ssyncset.done $0x0  }
0x292: {  	[sflag:s22] =	ssyncadd.s32 $0xFFFFC000  }
0x293: {  	_ =	swait.ge [sflag:s22], $0x4000  }
0x294: {  	[sflag:s22] =	ssyncset.done $0x0  }
0x295: {  	[sflag:s22] =	ssyncadd.s32 $0xFFFFC000  }
0x296: {  	_ =	swait.ge [sflag:s22], $0x4000  }
0x297: {  	[sflag:s22] =	ssyncset.done $0x0  }
0x298: {  	[sflag:s22] =	ssyncadd.s32 $0xFFFFC000  }
0x299: {  	_ =	swait.ge [sflag:s22], $0x4000  }
0x29a: {  	[sflag:s22] =	ssyncset.done $0x0  }
0x29b: {  	[sflag:s22] =	ssyncadd.s32 $0xFFFFC000  }
0x29c: {  	_ =	swait.ge [sflag:s22], $0x4000  }
0x29d: {  	[sflag:s22] =	ssyncset.done $0x0  }
0x29e: {  	[sflag:s22] =	ssyncadd.s32 $0xFFFFC000  }
0x29f: {  	_ =	swait.ge [sflag:s22], $0x4000  }
0x2a0: {  	[sflag:s22] =	ssyncset.done $0x0  }
0x2a1: {  	[sflag:s22] =	ssyncadd.s32 $0xFFFFC000  }
0x2a2: {  	_ =	swait.ge [sflag:s22], $0x4000  }
0x2a3: {  	[sflag:s22] =	ssyncset.done $0x0  }
0x2a4: {  	[sflag:s22] =	ssyncadd.s32 $0xFFFFC000  }
0x2a5: {  	_ =	swait.ge [sflag:s22], $0x4000  }
0x2a6: {  	[sflag:s22] =	ssyncset.done $0x0  }
0x2a7: {  	[sflag:s22] =	ssyncadd.s32 $0xFFFFC000  }
0x2a8: {  	_ =	swait.ge [sflag:s22], $0x4000  }
0x2a9: {  	[sflag:s22] =	ssyncset.done $0x0  }
0x2aa: {  	[sflag:s22] =	ssyncadd.s32 $0xFFFFC000  }
0x2ab: {  	_ =	swait.ge [sflag:s22], $0x4000  }
0x2ac: {  	[sflag:s22] =	ssyncset.done $0x0  }
0x2ad: {  	[sflag:s22] =	ssyncadd.s32 $0xFFFFC000  }
0x2ae: {  	_ =	swait.ge [sflag:s22], $0x4000  }
0x2af: {  	[sflag:s22] =	ssyncset.done $0x0  }
0x2b0: {  	[sflag:s22] =	ssyncadd.s32 $0xFFFFC000  }
0x2b1: {  	_ =	swait.ge [sflag:s22], $0x4000  }
0x2b2: {  	[sflag:s22] =	ssyncset.done $0x0  }
0x2b3: {  	[sflag:s22] =	ssyncadd.s32 $0xFFFFC000  }
0x2b4: {  	_ =	swait.ge [sflag:s22], $0x4000  }
0x2b5: {  	[sflag:s22] =	ssyncset.done $0x0  }
0x2b6: {  	[sflag:s22] =	ssyncadd.s32 $0xFFFFC000  }
0x2b7: {  	_ =	swait.ge [sflag:s22], $0x4000  }
0x2b8: {  	[sflag:s22] =	ssyncset.done $0x0  }
0x2b9: {  	[sflag:s22] =	ssyncadd.s32 $0xFFFFC000  }
0x2ba: {  	_ =	swait.ge [sflag:s22], $0x4000  }
0x2bb: {  	[sflag:s22] =	ssyncset.done $0x0  }
0x2bc: {  	[sflag:s22] =	ssyncadd.s32 $0xFFFFC000  }
0x2bd: {  	_ =	swait.ge [sflag:s22], $0x4000  }
0x2be: {  	[sflag:s22] =	ssyncset.done $0x0  }
0x2bf: {  	[sflag:s22] =	ssyncadd.s32 $0xFFFFC000  }
0x2c0: {  	_ =	swait.ge [sflag:s22], $0x4000  }
0x2c1: {  	[sflag:s22] =	ssyncset.done $0x0  }
0x2c2: {  	[sflag:s22] =	ssyncadd.s32 $0xFFFFC000  }
0x2c3: {  	_ =	swait.ge [sflag:s22], $0x4000  }
0x2c4: {  	[sflag:s22] =	ssyncset.done $0x0  }
0x2c5: {  	[sflag:s22] =	ssyncadd.s32 $0xFFFFC000  }
0x2c6: {  	_ =	swait.ge [sflag:s22], $0x4000  }
0x2c7: {  	[sflag:s22] =	ssyncset.done $0x0  }
0x2c8: {  	[sflag:s22] =	ssyncadd.s32 $0xFFFFC000  }
0x2c9: {  	_ =	swait.ge [sflag:s22], $0x4000  }
0x2ca: {  	[sflag:s22] =	ssyncset.done $0x0  }
0x2cb: {  	[sflag:s22] =	ssyncadd.s32 $0xFFFFC000  }
0x2cc: {  	_ =	swait.ge [sflag:s22], $0x4000  }
0x2cd: {  	[sflag:s22] =	ssyncset.done $0x0  }
0x2ce: {  	[sflag:s22] =	ssyncadd.s32 $0xFFFFC000  }
0x2cf: {  	_ =	swait.ge [sflag:s22], $0x4000  }
0x2d0: {  	[sflag:s22] =	ssyncset.done $0x0  }
0x2d1: {  	[sflag:s22] =	ssyncadd.s32 $0xFFFFC000  }
0x2d2: {  	_ =	swait.ge [sflag:s22], $0x4000  }
0x2d3: {  	[sflag:s22] =	ssyncset.done $0x0  }
0x2d4: {  	[sflag:s22] =	ssyncadd.s32 $0xFFFFC000  }
0x2d5: {  	_ =	swait.ge [sflag:s22], $0x4000  }
0x2d6: {  	[sflag:s22] =	ssyncset.done $0x0  }
0x2d7: {  	[sflag:s22] =	ssyncadd.s32 $0xFFFFC000  }
0x2d8: {  	_ =	swait.ge [sflag:s22], $0x4000  }
0x2d9: {  	[sflag:s22] =	ssyncset.done $0x0  }
0x2da: {  	[sflag:s22] =	ssyncadd.s32 $0xFFFFC000  }
0x2db: {  	_ =	swait.ge [sflag:s22], $0x4000  }
0x2dc: {  	[sflag:s22] =	ssyncset.done $0x0  }
0x2dd: {  	[sflag:s22] =	ssyncadd.s32 $0xFFFFC000  }
0x2de: {  	_ =	swait.ge [sflag:s22], $0x4000  }
0x2df: {  	[sflag:s22] =	ssyncset.done $0x0  }
0x2e0: {  	[sflag:s22] =	ssyncadd.s32 $0xFFFFC000  }
0x2e1: {  	_ =	swait.ge [sflag:s22], $0x4000  }
0x2e2: {  	[sflag:s22] =	ssyncset.done $0x0  }
0x2e3: {  	[sflag:s22] =	ssyncadd.s32 $0xFFFFC000  }
0x2e4: {  	_ =	swait.ge [sflag:s22], $0x4000  }
0x2e5: {  	[sflag:s22] =	ssyncset.done $0x0  }
0x2e6: {  	[sflag:s22] =	ssyncadd.s32 $0xFFFFC000  }
0x2e7: {  	_ =	swait.ge [sflag:s22], $0x4000  }
0x2e8: {  	[sflag:s22] =	ssyncset.done $0x0  }
0x2e9: {  	[sflag:s22] =	ssyncadd.s32 $0xFFFFC000  }
0x2ea: {  	_ =	swait.ge [sflag:s22], $0x4000  }
0x2eb: {  	[sflag:s22] =	ssyncset.done $0x0  }
0x2ec: {  	[sflag:s22] =	ssyncadd.s32 $0xFFFFC000  }
0x2ed: {  	_ =	swait.ge [sflag:s22], $0x4000  }
0x2ee: {  	[sflag:s22] =	ssyncset.done $0x0  }
0x2ef: {  	[sflag:s22] =	ssyncadd.s32 $0xFFFFC000  }
0x2f0: {  	[bflag:$0x0] =	sbarrier.arrive $0xFFFF  }
0x2f1: {  	s24 =	rddreg [dreg:$0xa]  }
0x2f2: {  	s23 =	simm.s32 @p1 $0x1FC2;
	s0 =	rddreg [dreg:$0x13]  }
0x2f3: {  	[hbm:s24], [sflag:s23] =	dma.local @p1 [spmem:s0], $0x2800  }
0x2f4: {  	s23 =	simm.s32 @p1 $0x2  }
0x2f5: {  	_ =	swait.ge @p1 [sflag:s23], $0x2800  }
0x2f6: {  	s0 =	rddreg [dreg:$0x11]  }
0x2f7: {  	[sflag:s23] =	ssyncset.done @p1 $0x0;
	s1 =	rddreg [dreg:$0x12]  }
0x2f8: {  	[sflag:s23] =	ssyncadd.s32 @p1 $0xFFFFD800;
	s23 =	rddreg [dreg:$0x9]  }
0x2f9: {  	[hbm:s23], [sflag:s1] =	dma.local @!p1 [spmem:s0], $0x2700  }
.Ltmp6:
0x2fa: {  	_ = 	snop;
	(pc) =	sbr.rel .LBB2_12-.Ltmp6, $4  }
0x2fb: {  	s23 =	simm.s32 @!p1 $0x2  }
0x2fc: {  	_ =	swait.ge @!p1 [sflag:s23], $0x2700  }
0x2fd: {  	[sflag:s23] =	ssyncset.done @!p1 $0x0  }
0x2fe: {  	s0 =	rddreg [dreg:$0x10];
	[sflag:s23] =	ssyncadd.s32 @!p1 $0xFFFFD900  }
.LBB2_9:
0x2ff: {  	s23 =	rddreg [dreg:$0x3]  }
0x300: {  	s23 =	sadd.s32 $0x0, s23  }
0x301: {  	[tilespmem:s3], [sflag:$0x2] =	stream.linear.gather [hbm4b:s23+s3], $0x1000, $0x38;
	[tilespmem:$0x188C0] =	vst v63  }
0x302: {  	_ =	swait.ge [sflag:s16], $0x1000  }
0x303: {  	[sflag:s16] =	ssyncset.done $0x0  }
0x304: {  	[sflag:s16] =	ssyncadd.s32 $0xFFFFF000  }
0x305: {  	[spmem:s2] =	stream.indirect.scatter.add.f32 [tilespmem:s15], [sflag:$0x1], $0x80, s3, s17, $0xb8;
	[tilespmem:$0x188C0] =	vst v63  }
0x306: {  	_ = 	snop  }
0x307: {  	[spmem:s2] =	stream.indirect.scatter.add.f32 [tilespmem:s15], [sflag:$0x1], $0x80, s17, s17, $0xb8;
	[tilespmem:$0x188C0] =	vst v63  }
0x308: {  	_ = 	snop  }
0x309: {  	[spmem:s2] =	stream.indirect.scatter.add.f32 [tilespmem:s15], [sflag:$0x1], $0x80, s26, s17, $0xb8;
	[tilespmem:$0x188C0] =	vst v63  }
0x30a: {  	s0 =	simm.s32 $0x180  }
0x30b: {  	[spmem:s2] =	stream.indirect.scatter.add.f32 [tilespmem:s15], [sflag:$0x1], $0x80, s0, s17, $0xb8;
	[tilespmem:$0x188C0] =	vst v63  }
0x30c: {  	s12 =	simm.s32 $0x200  }
0x30d: {  	[spmem:s2] =	stream.indirect.scatter.add.f32 [tilespmem:s15], [sflag:$0x1], $0x80, s12, s17, $0xb8;
	[tilespmem:$0x188C0] =	vst v63  }
0x30e: {  	s13 =	simm.s32 $0x280  }
0x30f: {  	[spmem:s2] =	stream.indirect.scatter.add.f32 [tilespmem:s15], [sflag:$0x1], $0x80, s13, s17, $0xb8;
	[tilespmem:$0x188C0] =	vst v63  }
0x310: {  	s14 =	simm.s32 $0x300  }
0x311: {  	[spmem:s2] =	stream.indirect.scatter.add.f32 [tilespmem:s15], [sflag:$0x1], $0x80, s14, s17, $0xb8;
	[tilespmem:$0x188C0] =	vst v63  }
0x312: {  	s20 =	simm.s32 $0x380  }
0x313: {  	[spmem:s2] =	stream.indirect.scatter.add.f32 [tilespmem:s15], [sflag:$0x1], $0x80, s20, s17, $0xb8;
	[tilespmem:$0x188C0] =	vst v63  }
0x314: {  	s23 =	simm.s32 $0x400  }
0x315: {  	[spmem:s2] =	stream.indirect.scatter.add.f32 [tilespmem:s15], [sflag:$0x1], $0x80, s23, s17, $0xb8;
	[tilespmem:$0x188C0] =	vst v63  }
0x316: {  	s24 =	simm.s32 $0x480  }
0x317: {  	[spmem:s2] =	stream.indirect.scatter.add.f32 [tilespmem:s15], [sflag:$0x1], $0x80, s24, s17, $0xb8;
	[tilespmem:$0x188C0] =	vst v63  }
0x318: {  	s25 =	simm.s32 $0x500  }
0x319: {  	[spmem:s2] =	stream.indirect.scatter.add.f32 [tilespmem:s15], [sflag:$0x1], $0x80, s25, s17, $0xb8;
	[tilespmem:$0x188C0] =	vst v63  }
0x31a: {  	s26 =	simm.s32 $0x580  }
0x31b: {  	[spmem:s2] =	stream.indirect.scatter.add.f32 [tilespmem:s15], [sflag:$0x1], $0x80, s26, s17, $0xb8;
	[tilespmem:$0x188C0] =	vst v63  }
0x31c: {  	s1 =	simm.s32 $0x600  }
0x31d: {  	[spmem:s2] =	stream.indirect.scatter.add.f32 [tilespmem:s15], [sflag:$0x1], $0x80, s1, s17, $0xb8;
	[tilespmem:$0x188C0] =	vst v63  }
0x31e: {  	s4 =	simm.s32 $0x680  }
0x31f: {  	[spmem:s2] =	stream.indirect.scatter.add.f32 [tilespmem:s15], [sflag:$0x1], $0x80, s4, s17, $0xb8;
	[tilespmem:$0x188C0] =	vst v63  }
0x320: {  	s5 =	simm.s32 $0x700  }
0x321: {  	[spmem:s2] =	stream.indirect.scatter.add.f32 [tilespmem:s15], [sflag:$0x1], $0x80, s5, s17, $0xb8;
	[tilespmem:$0x188C0] =	vst v63  }
0x322: {  	s6 =	simm.s32 $0x780  }
0x323: {  	[spmem:s2] =	stream.indirect.scatter.add.f32 [tilespmem:s15], [sflag:$0x1], $0x80, s6, s17, $0xb8;
	[tilespmem:$0x188C0] =	vst v63  }
0x324: {  	s4 =	simm.s32 $0x800  }
0x325: {  	[spmem:s2] =	stream.indirect.scatter.add.f32 [tilespmem:s15], [sflag:$0x1], $0x80, s4, s17, $0xb8;
	[tilespmem:$0x188C0] =	vst v63  }
0x326: {  	s7 =	simm.s32 $0x880  }
0x327: {  	[spmem:s2] =	stream.indirect.scatter.add.f32 [tilespmem:s15], [sflag:$0x1], $0x80, s7, s17, $0xb8;
	[tilespmem:$0x188C0] =	vst v63  }
0x328: {  	s6 =	simm.s32 $0x900  }
0x329: {  	[spmem:s2] =	stream.indirect.scatter.add.f32 [tilespmem:s15], [sflag:$0x1], $0x80, s6, s17, $0xb8;
	[tilespmem:$0x188C0] =	vst v63  }
0x32a: {  	s8 =	simm.s32 $0x980  }
0x32b: {  	[spmem:s2] =	stream.indirect.scatter.add.f32 [tilespmem:s15], [sflag:$0x1], $0x80, s8, s17, $0xb8;
	[tilespmem:$0x188C0] =	vst v63  }
0x32c: {  	s9 =	simm.s32 $0xA00  }
0x32d: {  	[spmem:s2] =	stream.indirect.scatter.add.f32 [tilespmem:s15], [sflag:$0x1], $0x80, s9, s17, $0xb8;
	[tilespmem:$0x188C0] =	vst v63  }
0x32e: {  	s8 =	simm.s32 $0xA80  }
0x32f: {  	[spmem:s2] =	stream.indirect.scatter.add.f32 [tilespmem:s15], [sflag:$0x1], $0x80, s8, s17, $0xb8;
	[tilespmem:$0x188C0] =	vst v63  }
0x330: {  	s23 =	simm.s32 $0xB00  }
0x331: {  	[spmem:s2] =	stream.indirect.scatter.add.f32 [tilespmem:s15], [sflag:$0x1], $0x80, s23, s17, $0xb8;
	[tilespmem:$0x188C0] =	vst v63  }
0x332: {  	s24 =	simm.s32 $0xB80  }
0x333: {  	[spmem:s2] =	stream.indirect.scatter.add.f32 [tilespmem:s15], [sflag:$0x1], $0x80, s24, s17, $0xb8;
	[tilespmem:$0x188C0] =	vst v63  }
0x334: {  	s25 =	simm.s32 $0xC00  }
0x335: {  	[spmem:s2] =	stream.indirect.scatter.add.f32 [tilespmem:s15], [sflag:$0x1], $0x80, s25, s17, $0xb8;
	[tilespmem:$0x188C0] =	vst v63  }
0x336: {  	s26 =	simm.s32 $0xC80  }
0x337: {  	[spmem:s2] =	stream.indirect.scatter.add.f32 [tilespmem:s15], [sflag:$0x1], $0x80, s26, s17, $0xb8;
	[tilespmem:$0x188C0] =	vst v63  }
0x338: {  	s24 =	simm.s32 $0xD00  }
0x339: {  	[spmem:s2] =	stream.indirect.scatter.add.f32 [tilespmem:s15], [sflag:$0x1], $0x80, s24, s17, $0xb8;
	[tilespmem:$0x188C0] =	vst v63  }
0x33a: {  	s25 =	simm.s32 $0xD80  }
0x33b: {  	[spmem:s2] =	stream.indirect.scatter.add.f32 [tilespmem:s15], [sflag:$0x1], $0x80, s25, s17, $0xb8;
	[tilespmem:$0x188C0] =	vst v63  }
0x33c: {  	s26 =	simm.s32 $0xE00  }
0x33d: {  	[spmem:s2] =	stream.indirect.scatter.add.f32 [tilespmem:s15], [sflag:$0x1], $0x80, s26, s17, $0xb8;
	[tilespmem:$0x188C0] =	vst v63  }
0x33e: {  	s24 =	simm.s32 $0xE80  }
0x33f: {  	[spmem:s2] =	stream.indirect.scatter.add.f32 [tilespmem:s15], [sflag:$0x1], $0x80, s24, s17, $0xb8;
	[tilespmem:$0x188C0] =	vst v63  }
0x340: {  	s25 =	simm.s32 $0xF00  }
0x341: {  	[spmem:s2] =	stream.indirect.scatter.add.f32 [tilespmem:s15], [sflag:$0x1], $0x80, s25, s17, $0xb8;
	[tilespmem:$0x188C0] =	vst v63  }
0x342: {  	s26 =	simm.s32 $0xF80  }
0x343: {  	[spmem:s2] =	stream.indirect.scatter.add.f32 [tilespmem:s15], [sflag:$0x1], $0x80, s26, s17, $0xb8;
	[tilespmem:$0x188C0] =	vst v63  }
0x344: {  	_ =	swait.ge [sflag:s22], $0x4000  }
0x345: {  	[sflag:s22] =	ssyncset.done $0x0  }
0x346: {  	[sflag:s22] =	ssyncadd.s32 $0xFFFFC000  }
0x347: {  	_ =	swait.ge [sflag:s22], $0x4000  }
0x348: {  	[sflag:s22] =	ssyncset.done $0x0  }
0x349: {  	[sflag:s22] =	ssyncadd.s32 $0xFFFFC000  }
0x34a: {  	_ =	swait.ge [sflag:s22], $0x4000  }
0x34b: {  	[sflag:s22] =	ssyncset.done $0x0  }
0x34c: {  	[sflag:s22] =	ssyncadd.s32 $0xFFFFC000  }
0x34d: {  	_ =	swait.ge [sflag:s22], $0x4000  }
0x34e: {  	[sflag:s22] =	ssyncset.done $0x0  }
0x34f: {  	[sflag:s22] =	ssyncadd.s32 $0xFFFFC000  }
0x350: {  	_ =	swait.ge [sflag:s22], $0x4000  }
0x351: {  	[sflag:s22] =	ssyncset.done $0x0  }
0x352: {  	[sflag:s22] =	ssyncadd.s32 $0xFFFFC000  }
0x353: {  	_ =	swait.ge [sflag:s22], $0x4000  }
0x354: {  	[sflag:s22] =	ssyncset.done $0x0  }
0x355: {  	[sflag:s22] =	ssyncadd.s32 $0xFFFFC000  }
0x356: {  	_ =	swait.ge [sflag:s22], $0x4000  }
0x357: {  	[sflag:s22] =	ssyncset.done $0x0  }
0x358: {  	[sflag:s22] =	ssyncadd.s32 $0xFFFFC000  }
0x359: {  	_ =	swait.ge [sflag:s22], $0x4000  }
0x35a: {  	[sflag:s22] =	ssyncset.done $0x0  }
0x35b: {  	[sflag:s22] =	ssyncadd.s32 $0xFFFFC000  }
0x35c: {  	_ =	swait.ge [sflag:s22], $0x4000  }
0x35d: {  	[sflag:s22] =	ssyncset.done $0x0  }
0x35e: {  	[sflag:s22] =	ssyncadd.s32 $0xFFFFC000  }
0x35f: {  	_ =	swait.ge [sflag:s22], $0x4000  }
0x360: {  	[sflag:s22] =	ssyncset.done $0x0  }
0x361: {  	[sflag:s22] =	ssyncadd.s32 $0xFFFFC000  }
0x362: {  	_ =	swait.ge [sflag:s22], $0x4000  }
0x363: {  	[sflag:s22] =	ssyncset.done $0x0  }
0x364: {  	[sflag:s22] =	ssyncadd.s32 $0xFFFFC000  }
0x365: {  	_ =	swait.ge [sflag:s22], $0x4000  }
0x366: {  	[sflag:s22] =	ssyncset.done $0x0  }
0x367: {  	[sflag:s22] =	ssyncadd.s32 $0xFFFFC000  }
0x368: {  	_ =	swait.ge [sflag:s22], $0x4000  }
0x369: {  	[sflag:s22] =	ssyncset.done $0x0  }
0x36a: {  	[sflag:s22] =	ssyncadd.s32 $0xFFFFC000  }
0x36b: {  	_ =	swait.ge [sflag:s22], $0x4000  }
0x36c: {  	[sflag:s22] =	ssyncset.done $0x0  }
0x36d: {  	[sflag:s22] =	ssyncadd.s32 $0xFFFFC000  }
0x36e: {  	_ =	swait.ge [sflag:s22], $0x4000  }
0x36f: {  	[sflag:s22] =	ssyncset.done $0x0  }
0x370: {  	[sflag:s22] =	ssyncadd.s32 $0xFFFFC000  }
0x371: {  	_ =	swait.ge [sflag:s22], $0x4000  }
0x372: {  	[sflag:s22] =	ssyncset.done $0x0  }
0x373: {  	[sflag:s22] =	ssyncadd.s32 $0xFFFFC000  }
0x374: {  	_ =	swait.ge [sflag:s22], $0x4000  }
0x375: {  	[sflag:s22] =	ssyncset.done $0x0  }
0x376: {  	[sflag:s22] =	ssyncadd.s32 $0xFFFFC000  }
0x377: {  	_ =	swait.ge [sflag:s22], $0x4000  }
0x378: {  	[sflag:s22] =	ssyncset.done $0x0  }
0x379: {  	[sflag:s22] =	ssyncadd.s32 $0xFFFFC000  }
0x37a: {  	_ =	swait.ge [sflag:s22], $0x4000  }
0x37b: {  	[sflag:s22] =	ssyncset.done $0x0  }
0x37c: {  	[sflag:s22] =	ssyncadd.s32 $0xFFFFC000  }
0x37d: {  	_ =	swait.ge [sflag:s22], $0x4000  }
0x37e: {  	[sflag:s22] =	ssyncset.done $0x0  }
0x37f: {  	[sflag:s22] =	ssyncadd.s32 $0xFFFFC000  }
0x380: {  	_ =	swait.ge [sflag:s22], $0x4000  }
0x381: {  	[sflag:s22] =	ssyncset.done $0x0  }
0x382: {  	[sflag:s22] =	ssyncadd.s32 $0xFFFFC000  }
0x383: {  	_ =	swait.ge [sflag:s22], $0x4000  }
0x384: {  	[sflag:s22] =	ssyncset.done $0x0  }
0x385: {  	[sflag:s22] =	ssyncadd.s32 $0xFFFFC000  }
0x386: {  	_ =	swait.ge [sflag:s22], $0x4000  }
0x387: {  	[sflag:s22] =	ssyncset.done $0x0  }
0x388: {  	[sflag:s22] =	ssyncadd.s32 $0xFFFFC000  }
0x389: {  	_ =	swait.ge [sflag:s22], $0x4000  }
0x38a: {  	[sflag:s22] =	ssyncset.done $0x0  }
0x38b: {  	[sflag:s22] =	ssyncadd.s32 $0xFFFFC000  }
0x38c: {  	_ =	swait.ge [sflag:s22], $0x4000  }
0x38d: {  	[sflag:s22] =	ssyncset.done $0x0  }
0x38e: {  	[sflag:s22] =	ssyncadd.s32 $0xFFFFC000  }
0x38f: {  	_ =	swait.ge [sflag:s22], $0x4000  }
0x390: {  	[sflag:s22] =	ssyncset.done $0x0  }
0x391: {  	[sflag:s22] =	ssyncadd.s32 $0xFFFFC000  }
0x392: {  	_ =	swait.ge [sflag:s22], $0x4000  }
0x393: {  	[sflag:s22] =	ssyncset.done $0x0  }
0x394: {  	[sflag:s22] =	ssyncadd.s32 $0xFFFFC000  }
0x395: {  	_ =	swait.ge [sflag:s22], $0x4000  }
0x396: {  	[sflag:s22] =	ssyncset.done $0x0  }
0x397: {  	s31 =	simm.s32 $0x180;
	s19 =	simm.s32 $0x200;
	[sflag:s22] =	ssyncadd.s32 $0xFFFFC000  }
0x398: {  	s18 =	simm.s32 $0x280;
	s21 =	simm.s32 $0x300;
	_ =	swait.ge [sflag:s22], $0x4000  }
0x399: {  	s10 =	simm.s32 $0x380;
	s29 =	simm.s32 $0x500;
	[sflag:s22] =	ssyncset.done $0x0  }
0x39a: {  	s30 =	simm.s32 $0x580;
	s11 =	simm.s32 $0x600;
	[sflag:s22] =	ssyncadd.s32 $0xFFFFC000  }
0x39b: {  	s28 =	simm.s32 $0x680;
	s0 =	simm.s32 $0x800;
	_ =	swait.ge [sflag:s22], $0x4000  }
0x39c: {  	s12 =	simm.s32 $0x400;
	s13 =	simm.s32 $0x980;
	[sflag:s22] =	ssyncset.done $0x0  }
0x39d: {  	s14 =	simm.s32 $0x480;
	s20 =	simm.s32 $0x700;
	[sflag:s22] =	ssyncadd.s32 $0xFFFFC000  }
0x39e: {  	s1 =	simm.s32 $0x780;
	s5 =	simm.s32 $0x880;
	_ =	swait.ge [sflag:s22], $0x4000  }
0x39f: {  	s4 =	simm.s32 $0x900;
	s7 =	simm.s32 $0xA00;
	[sflag:s22] =	ssyncset.done $0x0  }
0x3a0: {  	s6 =	simm.s32 $0xA80;
	s9 =	simm.s32 $0xB00;
	[sflag:s22] =	ssyncadd.s32 $0xFFFFC000  }
0x3a1: {  	s8 =	simm.s32 $0xB80;
	s23 =	simm.s32 $0x200;
	_ =	swait.ge [sflag:s22], $0x4000  }
0x3a2: {  	s24 =	simm.s32 $0x400;
	s25 =	rddreg [dreg:$0x3];
	[sflag:s22] =	ssyncset.done $0x0  }
.LBB2_10:
0x3a3: {  	[sflag:s22] =	ssyncadd.s32 $0xFFFFC000;
	s25 =	sadd.s32 s23, s25  }
0x3a4: {  	[tilespmem:s3], [sflag:$0x2] =	stream.linear.gather [hbm4b:s25+s3], $0x1000, $0x38;
	[tilespmem:$0x188C0] =	vst v63  }
0x3a5: {  	_ =	swait.ge [sflag:s16], $0x1000  }
0x3a6: {  	[sflag:s16] =	ssyncset.done $0x0  }
0x3a7: {  	[sflag:s16] =	ssyncadd.s32 $0xFFFFF000  }
0x3a8: {  	[spmem:s2] =	stream.indirect.scatter.add.f32 [tilespmem:s15], [sflag:$0x1], $0x80, s3, s17, $0xb8;
	[tilespmem:$0x188C0] =	vst v63  }
0x3a9: {  	s26 =	smov.u32 s24  }
0x3aa: {  	[spmem:s2] =	stream.indirect.scatter.add.f32 [tilespmem:s15], [sflag:$0x1], $0x80, s17, s17, $0xb8;
	[tilespmem:$0x188C0] =	vst v63  }
0x3ab: {  	s23 =	smov.u32 s26;
	s26 =	simm.s32 $0x100  }
0x3ac: {  	[spmem:s2] =	stream.indirect.scatter.add.f32 [tilespmem:s15], [sflag:$0x1], $0x80, s26, s17, $0xb8;
	[tilespmem:$0x188C0] =	vst v63  }
0x3ad: {  	_ = 	snop  }
0x3ae: {  	[spmem:s2] =	stream.indirect.scatter.add.f32 [tilespmem:s15], [sflag:$0x1], $0x80, s31, s17, $0xb8;
	[tilespmem:$0x188C0] =	vst v63  }
0x3af: {  	_ = 	snop  }
0x3b0: {  	[spmem:s2] =	stream.indirect.scatter.add.f32 [tilespmem:s15], [sflag:$0x1], $0x80, s19, s17, $0xb8;
	[tilespmem:$0x188C0] =	vst v63  }
0x3b1: {  	_ = 	snop  }
0x3b2: {  	[spmem:s2] =	stream.indirect.scatter.add.f32 [tilespmem:s15], [sflag:$0x1], $0x80, s18, s17, $0xb8;
	[tilespmem:$0x188C0] =	vst v63  }
0x3b3: {  	_ = 	snop  }
0x3b4: {  	[spmem:s2] =	stream.indirect.scatter.add.f32 [tilespmem:s15], [sflag:$0x1], $0x80, s21, s17, $0xb8;
	[tilespmem:$0x188C0] =	vst v63  }
0x3b5: {  	_ = 	snop  }
0x3b6: {  	[spmem:s2] =	stream.indirect.scatter.add.f32 [tilespmem:s15], [sflag:$0x1], $0x80, s10, s17, $0xb8;
	[tilespmem:$0x188C0] =	vst v63  }
0x3b7: {  	_ = 	snop  }
0x3b8: {  	[spmem:s2] =	stream.indirect.scatter.add.f32 [tilespmem:s15], [sflag:$0x1], $0x80, s12, s17, $0xb8;
	[tilespmem:$0x188C0] =	vst v63  }
0x3b9: {  	_ = 	snop  }
0x3ba: {  	[spmem:s2] =	stream.indirect.scatter.add.f32 [tilespmem:s15], [sflag:$0x1], $0x80, s14, s17, $0xb8;
	[tilespmem:$0x188C0] =	vst v63  }
0x3bb: {  	_ = 	snop  }
0x3bc: {  	[spmem:s2] =	stream.indirect.scatter.add.f32 [tilespmem:s15], [sflag:$0x1], $0x80, s29, s17, $0xb8;
	[tilespmem:$0x188C0] =	vst v63  }
0x3bd: {  	_ = 	snop  }
0x3be: {  	[spmem:s2] =	stream.indirect.scatter.add.f32 [tilespmem:s15], [sflag:$0x1], $0x80, s30, s17, $0xb8;
	[tilespmem:$0x188C0] =	vst v63  }
0x3bf: {  	_ = 	snop  }
0x3c0: {  	[spmem:s2] =	stream.indirect.scatter.add.f32 [tilespmem:s15], [sflag:$0x1], $0x80, s11, s17, $0xb8;
	[tilespmem:$0x188C0] =	vst v63  }
0x3c1: {  	_ = 	snop  }
0x3c2: {  	[spmem:s2] =	stream.indirect.scatter.add.f32 [tilespmem:s15], [sflag:$0x1], $0x80, s28, s17, $0xb8;
	[tilespmem:$0x188C0] =	vst v63  }
0x3c3: {  	_ = 	snop  }
0x3c4: {  	[spmem:s2] =	stream.indirect.scatter.add.f32 [tilespmem:s15], [sflag:$0x1], $0x80, s20, s17, $0xb8;
	[tilespmem:$0x188C0] =	vst v63  }
0x3c5: {  	_ = 	snop  }
0x3c6: {  	[spmem:s2] =	stream.indirect.scatter.add.f32 [tilespmem:s15], [sflag:$0x1], $0x80, s1, s17, $0xb8;
	[tilespmem:$0x188C0] =	vst v63  }
0x3c7: {  	_ = 	snop  }
0x3c8: {  	[spmem:s2] =	stream.indirect.scatter.add.f32 [tilespmem:s15], [sflag:$0x1], $0x80, s0, s17, $0xb8;
	[tilespmem:$0x188C0] =	vst v63  }
0x3c9: {  	_ = 	snop  }
0x3ca: {  	[spmem:s2] =	stream.indirect.scatter.add.f32 [tilespmem:s15], [sflag:$0x1], $0x80, s5, s17, $0xb8;
	[tilespmem:$0x188C0] =	vst v63  }
0x3cb: {  	_ = 	snop  }
0x3cc: {  	[spmem:s2] =	stream.indirect.scatter.add.f32 [tilespmem:s15], [sflag:$0x1], $0x80, s4, s17, $0xb8;
	[tilespmem:$0x188C0] =	vst v63  }
0x3cd: {  	_ = 	snop  }
0x3ce: {  	[spmem:s2] =	stream.indirect.scatter.add.f32 [tilespmem:s15], [sflag:$0x1], $0x80, s13, s17, $0xb8;
	[tilespmem:$0x188C0] =	vst v63  }
0x3cf: {  	_ = 	snop  }
0x3d0: {  	[spmem:s2] =	stream.indirect.scatter.add.f32 [tilespmem:s15], [sflag:$0x1], $0x80, s7, s17, $0xb8;
	[tilespmem:$0x188C0] =	vst v63  }
0x3d1: {  	_ = 	snop  }
0x3d2: {  	[spmem:s2] =	stream.indirect.scatter.add.f32 [tilespmem:s15], [sflag:$0x1], $0x80, s6, s17, $0xb8;
	[tilespmem:$0x188C0] =	vst v63  }
0x3d3: {  	_ = 	snop  }
0x3d4: {  	[spmem:s2] =	stream.indirect.scatter.add.f32 [tilespmem:s15], [sflag:$0x1], $0x80, s9, s17, $0xb8;
	[tilespmem:$0x188C0] =	vst v63  }
0x3d5: {  	_ = 	snop  }
0x3d6: {  	[spmem:s2] =	stream.indirect.scatter.add.f32 [tilespmem:s15], [sflag:$0x1], $0x80, s8, s17, $0xb8;
	[tilespmem:$0x188C0] =	vst v63  }
0x3d7: {  	s25 =	simm.s32 $0xC00  }
0x3d8: {  	[spmem:s2] =	stream.indirect.scatter.add.f32 [tilespmem:s15], [sflag:$0x1], $0x80, s25, s17, $0xb8;
	[tilespmem:$0x188C0] =	vst v63  }
0x3d9: {  	s25 =	simm.s32 $0xC80  }
0x3da: {  	[spmem:s2] =	stream.indirect.scatter.add.f32 [tilespmem:s15], [sflag:$0x1], $0x80, s25, s17, $0xb8;
	[tilespmem:$0x188C0] =	vst v63  }
0x3db: {  	s25 =	simm.s32 $0xD00  }
0x3dc: {  	[spmem:s2] =	stream.indirect.scatter.add.f32 [tilespmem:s15], [sflag:$0x1], $0x80, s25, s17, $0xb8;
	[tilespmem:$0x188C0] =	vst v63  }
0x3dd: {  	s25 =	simm.s32 $0xD80  }
0x3de: {  	[spmem:s2] =	stream.indirect.scatter.add.f32 [tilespmem:s15], [sflag:$0x1], $0x80, s25, s17, $0xb8;
	[tilespmem:$0x188C0] =	vst v63  }
0x3df: {  	s25 =	simm.s32 $0xE00  }
0x3e0: {  	[spmem:s2] =	stream.indirect.scatter.add.f32 [tilespmem:s15], [sflag:$0x1], $0x80, s25, s17, $0xb8;
	[tilespmem:$0x188C0] =	vst v63  }
0x3e1: {  	s25 =	simm.s32 $0xE80  }
0x3e2: {  	[spmem:s2] =	stream.indirect.scatter.add.f32 [tilespmem:s15], [sflag:$0x1], $0x80, s25, s17, $0xb8;
	[tilespmem:$0x188C0] =	vst v63  }
0x3e3: {  	s25 =	simm.s32 $0xF00  }
0x3e4: {  	[spmem:s2] =	stream.indirect.scatter.add.f32 [tilespmem:s15], [sflag:$0x1], $0x80, s25, s17, $0xb8;
	[tilespmem:$0x188C0] =	vst v63  }
0x3e5: {  	s25 =	simm.s32 $0xF80  }
0x3e6: {  	[spmem:s2] =	stream.indirect.scatter.add.f32 [tilespmem:s15], [sflag:$0x1], $0x80, s25, s17, $0xb8;
	[tilespmem:$0x188C0] =	vst v63  }
0x3e7: {  	_ =	swait.ge [sflag:s22], $0x4000  }
0x3e8: {  	[sflag:s22] =	ssyncset.done $0x0  }
0x3e9: {  	[sflag:s22] =	ssyncadd.s32 $0xFFFFC000  }
0x3ea: {  	_ =	swait.ge [sflag:s22], $0x4000  }
0x3eb: {  	[sflag:s22] =	ssyncset.done $0x0  }
0x3ec: {  	[sflag:s22] =	ssyncadd.s32 $0xFFFFC000  }
0x3ed: {  	_ =	swait.ge [sflag:s22], $0x4000  }
0x3ee: {  	[sflag:s22] =	ssyncset.done $0x0  }
0x3ef: {  	[sflag:s22] =	ssyncadd.s32 $0xFFFFC000  }
0x3f0: {  	_ =	swait.ge [sflag:s22], $0x4000  }
0x3f1: {  	[sflag:s22] =	ssyncset.done $0x0  }
0x3f2: {  	[sflag:s22] =	ssyncadd.s32 $0xFFFFC000  }
0x3f3: {  	_ =	swait.ge [sflag:s22], $0x4000  }
0x3f4: {  	[sflag:s22] =	ssyncset.done $0x0  }
0x3f5: {  	[sflag:s22] =	ssyncadd.s32 $0xFFFFC000  }
0x3f6: {  	_ =	swait.ge [sflag:s22], $0x4000  }
0x3f7: {  	[sflag:s22] =	ssyncset.done $0x0  }
0x3f8: {  	[sflag:s22] =	ssyncadd.s32 $0xFFFFC000  }
0x3f9: {  	_ =	swait.ge [sflag:s22], $0x4000  }
0x3fa: {  	[sflag:s22] =	ssyncset.done $0x0  }
0x3fb: {  	[sflag:s22] =	ssyncadd.s32 $0xFFFFC000  }
0x3fc: {  	_ =	swait.ge [sflag:s22], $0x4000  }
0x3fd: {  	[sflag:s22] =	ssyncset.done $0x0  }
0x3fe: {  	[sflag:s22] =	ssyncadd.s32 $0xFFFFC000  }
0x3ff: {  	_ =	swait.ge [sflag:s22], $0x4000  }
0x400: {  	[sflag:s22] =	ssyncset.done $0x0  }
0x401: {  	[sflag:s22] =	ssyncadd.s32 $0xFFFFC000  }
0x402: {  	_ =	swait.ge [sflag:s22], $0x4000  }
0x403: {  	[sflag:s22] =	ssyncset.done $0x0  }
0x404: {  	[sflag:s22] =	ssyncadd.s32 $0xFFFFC000  }
0x405: {  	_ =	swait.ge [sflag:s22], $0x4000  }
0x406: {  	[sflag:s22] =	ssyncset.done $0x0  }
0x407: {  	[sflag:s22] =	ssyncadd.s32 $0xFFFFC000  }
0x408: {  	_ =	swait.ge [sflag:s22], $0x4000  }
0x409: {  	[sflag:s22] =	ssyncset.done $0x0  }
0x40a: {  	[sflag:s22] =	ssyncadd.s32 $0xFFFFC000  }
0x40b: {  	_ =	swait.ge [sflag:s22], $0x4000  }
0x40c: {  	[sflag:s22] =	ssyncset.done $0x0  }
0x40d: {  	[sflag:s22] =	ssyncadd.s32 $0xFFFFC000  }
0x40e: {  	_ =	swait.ge [sflag:s22], $0x4000  }
0x40f: {  	[sflag:s22] =	ssyncset.done $0x0  }
0x410: {  	[sflag:s22] =	ssyncadd.s32 $0xFFFFC000  }
0x411: {  	_ =	swait.ge [sflag:s22], $0x4000  }
0x412: {  	[sflag:s22] =	ssyncset.done $0x0  }
0x413: {  	[sflag:s22] =	ssyncadd.s32 $0xFFFFC000  }
0x414: {  	_ =	swait.ge [sflag:s22], $0x4000  }
0x415: {  	[sflag:s22] =	ssyncset.done $0x0  }
0x416: {  	[sflag:s22] =	ssyncadd.s32 $0xFFFFC000  }
0x417: {  	_ =	swait.ge [sflag:s22], $0x4000  }
0x418: {  	[sflag:s22] =	ssyncset.done $0x0  }
0x419: {  	[sflag:s22] =	ssyncadd.s32 $0xFFFFC000  }
0x41a: {  	_ =	swait.ge [sflag:s22], $0x4000  }
0x41b: {  	[sflag:s22] =	ssyncset.done $0x0  }
0x41c: {  	[sflag:s22] =	ssyncadd.s32 $0xFFFFC000  }
0x41d: {  	_ =	swait.ge [sflag:s22], $0x4000  }
0x41e: {  	[sflag:s22] =	ssyncset.done $0x0  }
0x41f: {  	[sflag:s22] =	ssyncadd.s32 $0xFFFFC000  }
0x420: {  	_ =	swait.ge [sflag:s22], $0x4000  }
0x421: {  	[sflag:s22] =	ssyncset.done $0x0  }
0x422: {  	[sflag:s22] =	ssyncadd.s32 $0xFFFFC000  }
0x423: {  	_ =	swait.ge [sflag:s22], $0x4000  }
0x424: {  	[sflag:s22] =	ssyncset.done $0x0  }
0x425: {  	[sflag:s22] =	ssyncadd.s32 $0xFFFFC000  }
0x426: {  	_ =	swait.ge [sflag:s22], $0x4000  }
0x427: {  	[sflag:s22] =	ssyncset.done $0x0  }
0x428: {  	[sflag:s22] =	ssyncadd.s32 $0xFFFFC000  }
0x429: {  	_ =	swait.ge [sflag:s22], $0x4000  }
0x42a: {  	[sflag:s22] =	ssyncset.done $0x0  }
0x42b: {  	[sflag:s22] =	ssyncadd.s32 $0xFFFFC000  }
0x42c: {  	_ =	swait.ge [sflag:s22], $0x4000  }
0x42d: {  	[sflag:s22] =	ssyncset.done $0x0  }
0x42e: {  	[sflag:s22] =	ssyncadd.s32 $0xFFFFC000  }
0x42f: {  	_ =	swait.ge [sflag:s22], $0x4000  }
0x430: {  	[sflag:s22] =	ssyncset.done $0x0  }
0x431: {  	[sflag:s22] =	ssyncadd.s32 $0xFFFFC000  }
0x432: {  	_ =	swait.ge [sflag:s22], $0x4000  }
0x433: {  	[sflag:s22] =	ssyncset.done $0x0  }
0x434: {  	[sflag:s22] =	ssyncadd.s32 $0xFFFFC000  }
0x435: {  	_ =	swait.ge [sflag:s22], $0x4000  }
0x436: {  	[sflag:s22] =	ssyncset.done $0x0  }
0x437: {  	[sflag:s22] =	ssyncadd.s32 $0xFFFFC000  }
0x438: {  	_ =	swait.ge [sflag:s22], $0x4000  }
0x439: {  	[sflag:s22] =	ssyncset.done $0x0  }
0x43a: {  	[sflag:s22] =	ssyncadd.s32 $0xFFFFC000  }
0x43b: {  	_ =	swait.ge [sflag:s22], $0x4000  }
0x43c: {  	[sflag:s22] =	ssyncset.done $0x0  }
0x43d: {  	[sflag:s22] =	ssyncadd.s32 $0xFFFFC000  }
0x43e: {  	_ =	swait.ge [sflag:s22], $0x4000  }
0x43f: {  	[sflag:s22] =	ssyncset.done $0x0  }
0x440: {  	p2 =	sne.s32 s24, $0x800;
	[sflag:s22] =	ssyncadd.s32 $0xFFFFC000  }
.Ltmp7:
0x441: {  	_ =	swait.ge [sflag:s22], $0x4000;
	(pc) =	sbr.rel @p2 .LBB2_10-.Ltmp7, $4  }
0x442: {  	[sflag:s22] =	ssyncset.done $0x0  }
0x443: {  	[sflag:s22] =	ssyncadd.s32 $0xFFFFC000  }
0x444: {  	_ =	swait.ge [sflag:s22], $0x4000  }
0x445: {  	s24 =	sadd.s32 $0x200, s24;
	s25 =	rddreg [dreg:$0x3];
	[sflag:s22] =	ssyncset.done $0x0  }
.Ltmp8:
0x446: {  	_ = 	snop;
	(pc) =	sbr.rel .LBB2_11-.Ltmp8, $1  }
0x447: {  	_ =	sdelay $0x3  }
.LBB2_13:
0x448: {  	_ =	sfence.sel $0x180000  }
0x449: {  	[bflag:$0x0] =	sbarrier.arrive $0xFFFF  }
0x44a: {  	_ =	strace $0x9000004A  }
0x44b: {  	s0 =	stileid.u32;
	[bflag:$0x2] =	sbarrier.arrive $0xFFFF  }
0x44c: {  	p0 =	sne.s32 s0, $0x0;
	s0 =	rddreg [dreg:$0x2]  }
0x44d: {  	s0 =	sadd.s32 @!p0 $0x100000, s0  }
0x44e: {  	[sflag:s0] =	ssyncadd.tile.s32 @!p0 $0x1;
	_ =	shalt  }
.Lfunc_end2:
_tile_overlayer_lowered:
.L_overlay_start_2:
0x44f: {  	(tag) =	ssettag $0x2  }
0x450: {  	s0 =	rddreg [dreg:$0x0];
	s2 =	stileid.u32  }
0x451: {  	s1 =	rddreg [dreg:$0x1];
	p0 =	sne.s32 s2, $0x0  }
0x452: {  	s3 =	rddreg [dreg:$0x2];
	[bflag:$0x3] =	sbarrier.arrive $0xFFFF;
	s2 =	simm.s32 @!p0 $0x1C02  }
0x453: {  	[timem:s3], [sflag:s2] =	dma.local @!p0 [hbm:s0], s1  }
0x454: {  	s0 =	simm.s32 @!p0 $0x2  }
0x455: {  	_ =	swait.ge @!p0 [sflag:s0], s1  }
0x456: {  	s1 =	ssub.s32 @!p0 $0x0, s1;
	[sflag:s0] =	ssyncset.done @!p0 $0x0  }
0x457: {  	[sflag:s0] =	ssyncadd.s32 @!p0 s1  }
0x458: {  	[bflag:$0x3] =	sbarrier.arrive $0xFFFF  }
0x459: {  	_ =	shalt  }

</sc_bundles>
